<compile_context>
chip_gen: v7x
topology: tpu7x:2x2x1
jax: 0.10.2.dev20260603
libtpu: 0.0.44.dev20260713+nightly
codegen_flags: <defaults>
</compile_context>

<pallas_src>
import functools

import jax
import jax.numpy as jnp
from jax import lax
from jax.experimental import pallas as pl
from jax.experimental.pallas import tpu as pltpu
from jax.experimental.pallas import tpu_sc as plsc

_NC = 2
_NS = 16
_NW = _NC * _NS
_LANES = 16


def _sc_sum_pool(x, tpair, inv):
    nrows, hist = x.shape
    _, d2 = tpair.shape
    d = d2 // 2
    rows_per_w = nrows // _NW
    nvec = d // _LANES

    mesh = plsc.VectorSubcoreMesh(core_axis_name="c", subcore_axis_name="s")
    nbuf = 4
    assert rows_per_w % nbuf == 0
    ngrp = hist // _LANES
    tail = hist - _LANES * ngrp
    chunk_starts = list(range(0, hist - _LANES + 1, _LANES))
    if chunk_starts[-1] != hist - _LANES:
        chunk_starts.append(hist - _LANES)

    @functools.partial(
        pl.kernel,
        mesh=mesh,
        out_type=jax.ShapeDtypeStruct((nrows, d), jnp.float32),
        scratch_types=[
            pltpu.VMEM((rows_per_w, hist), jnp.int32),
            [pltpu.VMEM((hist,), jnp.int32)] * nbuf,
            [pltpu.VMEM((hist, d2), jnp.float32)] * nbuf,
            pltpu.VMEM((rows_per_w, d), jnp.float32),
            [pltpu.SemaphoreType.DMA] * nbuf,
        ],
    )
    def pool(x_hbm, tpair_hbm, out_hbm, idx, idxrows, bufs, pooled_v, sems):
        cid = lax.axis_index("c")
        sid = lax.axis_index("s")
        wid = sid * _NC + cid
        base = wid * rows_per_w
        pltpu.sync_copy(x_hbm.at[pl.ds(base, rows_per_w)], idx)

        def gather_row(r, u):
            for c in chunk_starts:
                sl = pl.ds(c, _LANES)
                idxrows[u][sl] = lax.shift_right_logical(idx[r, sl], 1)
            pltpu.async_copy(tpair_hbm.at[idxrows[u]], bufs[u], sems[u])

        for k in range(nbuf):
            gather_row(k, k)

        def group_sum(buf, j0, offv, lo, acc):
            for u in range(lo, _LANES):
                h = offv[u]
                acc = tuple(
                    acc[k] + buf[j0 + u, pl.ds(h + _LANES * k, _LANES)]
                    for k in range(nvec))
            return acc

        def chunk_sum(r, buf, acc):
            def body(g, acc):
                j0 = _LANES * g
                offv = lax.shift_left(idx[r, pl.ds(j0, _LANES)] & 1, 6)
                return group_sum(buf, j0, offv, 0, acc)
            acc = lax.fori_loop(0, ngrp, body, acc)
            if tail:
                j0 = hist - _LANES
                offv = lax.shift_left(idx[r, pl.ds(j0, _LANES)] & 1, 6)
                acc = group_sum(buf, j0, offv, _LANES - tail, acc)
            return acc

        zero = jnp.zeros((_LANES,), jnp.float32)

        def outer(g, carry):
            for u in range(nbuf):
                r = nbuf * g + u
                buf = bufs[u]
                pltpu.make_async_copy(
                    tpair_hbm.at[idxrows[u]], buf, sems[u]).wait()
                acc = chunk_sum(r, buf, (zero,) * nvec)

                @pl.when(r + nbuf < rows_per_w)
                def _():
                    gather_row(r + nbuf, u)

                for k in range(nvec):
                    pooled_v[r, pl.ds(_LANES * k, _LANES)] = acc[k] * inv
            return carry

        lax.fori_loop(0, rows_per_w // nbuf, outer, 0)
        pltpu.sync_copy(pooled_v, out_hbm.at[pl.ds(base, rows_per_w)])

    return pool(x, tpair)


def _tc_head(halves, w, b, split):
    bn2, d = halves.shape
    bn = bn2 // split
    n = w.shape[1]

    def body(p_ref, w_ref, b_ref, o_ref):
        p = p_ref[...].reshape(bn, split, d).sum(axis=1)
        z = jnp.dot(p, w_ref[...],
                    preferred_element_type=jnp.float32) + b_ref[...]
        m = jnp.max(z, axis=1, keepdims=True)
        e = jnp.exp(z - m)
        o_ref[...] = e / jnp.sum(e, axis=1, keepdims=True)

    return pl.pallas_call(
        body,
        grid=(1,),
        in_specs=[
            pl.BlockSpec((bn2, d), lambda i: (0, 0)),
            pl.BlockSpec((d, n), lambda i: (0, 0)),
            pl.BlockSpec((1, n), lambda i: (0, 0)),
        ],
        out_specs=pl.BlockSpec((bn, n), lambda i: (0, 0)),
        out_shape=jax.ShapeDtypeStruct((bn, n), jnp.float32),
    )(halves, w, b.reshape(1, n))


def kernel(x, table, W, b):
    bn, hist = x.shape
    v, d = table.shape
    split = 2
    tpair = table.reshape(v // 2, 2 * d)
    xh = x.reshape(bn * split, hist // split)
    halves = _sc_sum_pool(xh, tpair, 1.0 / float(hist))
    return _tc_head(halves, W, b, split)

# --- scband reference (transcript-rebuilt; emitter-appended) ---
"""Pipeline reference for scband-mean-embedding-82154134438025 (READ-ONLY COPY).

The authoritative reference and input builder live on the scoring server;
editing this copy changes nothing except your own understanding.
"""

import jax, jax.numpy as jnp
import numpy as np

VOCAB = 1000000
DIM = 64
N_CLASS = 100
BATCH = 4096
HIST = 200


def setup_inputs(seed: int = 0) -> dict:
    key = jax.random.key(seed)
    k1, k2, k3, k4 = jax.random.split(key, 4)
    x = jax.random.randint(k1, (BATCH, HIST), 0, VOCAB, dtype=jnp.int64 if jax.config.jax_enable_x64 else jnp.int32)
    table = jax.random.normal(k2, (VOCAB, DIM), dtype=jnp.float32) * 0.02
    W = jax.random.normal(k3, (DIM, N_CLASS), dtype=jnp.float32) * (1.0 / np.sqrt(DIM))
    b = jax.random.normal(k4, (N_CLASS,), dtype=jnp.float32) * 0.01
    return {"x": x, "table": table, "W": W, "b": b}


def reference(x, table, W, b):
    # embedding lookup: gather rows of table
    emb = jnp.take(table, x, axis=0)          # [B, L, D]
    pooled = jnp.mean(emb, axis=1)             # [B, D]
    logits = pooled @ W + b                    # [B, n_class]
    out = jax.nn.softmax(logits, axis=1)       # Softmax(dim=1)
    return out

if __name__ == "__main__":
    import jax
    _d = setup_inputs()
    print(jax.jit(kernel)(*tuple(_d.values())))

</pallas_src>

<mosaic_0001>
#map = affine_map<(d0, d1) -> (0, 0)>
module attributes {stable_mosaic.version = 14 : i64} {
  func.func @pool(%arg0: i32, %arg1: i32, %arg2: memref<8192x100xi32, #tpu.memory_space<hbm>>, %arg3: memref<500000x128xf32, #tpu.memory_space<hbm>>, %arg4: memref<8192x64xf32, #tpu.memory_space<hbm>>, %arg5: memref<256x100xi32, #tpu.memory_space<vmem>>, %arg6: memref<100xi32, #tpu.memory_space<vmem>>, %arg7: memref<100xi32, #tpu.memory_space<vmem>>, %arg8: memref<100xi32, #tpu.memory_space<vmem>>, %arg9: memref<100xi32, #tpu.memory_space<vmem>>, %arg10: memref<100x128xf32, #tpu.memory_space<vmem>>, %arg11: memref<100x128xf32, #tpu.memory_space<vmem>>, %arg12: memref<100x128xf32, #tpu.memory_space<vmem>>, %arg13: memref<100x128xf32, #tpu.memory_space<vmem>>, %arg14: memref<256x64xf32, #tpu.memory_space<vmem>>, %arg15: memref<!tpu.dma_semaphore, #tpu.memory_space<semaphore_mem>>, %arg16: memref<!tpu.dma_semaphore, #tpu.memory_space<semaphore_mem>>, %arg17: memref<!tpu.dma_semaphore, #tpu.memory_space<semaphore_mem>>, %arg18: memref<!tpu.dma_semaphore, #tpu.memory_space<semaphore_mem>>) attributes {dimension_semantics = [#tpu.dimension_semantics<core_parallel>, #tpu.dimension_semantics<subcore_parallel>], iteration_bounds = array<i64: 2, 16>, scalar_prefetch = 0 : i64, scratch_operands = 14 : i64, tpu.core_type = #tpu.core_type<sc_vector_subcore>, window_params = [{transform_indices = #map}, {transform_indices = #map}, {transform_indices = #map}]} {
    %mul3A = arith.constant 2 : i32
    %mul3A_0 = arith.muli %arg1, %mul3A : i32
    %add3A = arith.addi %mul3A_0, %arg0 : i32
    %mul3A_1 = arith.constant 256 : i32
    %mul3A_2 = arith.muli %add3A, %mul3A_1 : i32
    "tpu.region"() ({
      %run_scoped3A = tpu.sem_alloc : memref<!tpu.dma_semaphore, #tpu.memory_space<semaphore_mem>>
      %dma_start3A_353 = arith.constant 0 : i32
      %dma_start3A_354 = tpu.memref_slice %arg2[%mul3A_2, %dma_start3A_353] : memref<8192x100xi32, #tpu.memory_space<hbm>> -> memref<256x100xi32, #tpu.memory_space<hbm>>
      %dma_start3A_355 = arith.constant 0 : i32
      %dma_start3A_356 = tpu.memref_slice %arg2[%mul3A_2, %dma_start3A_355] : memref<8192x100xi32, #tpu.memory_space<hbm>> -> memref<256x100xi32, #tpu.memory_space<hbm>>
      tpu.enqueue_dma source(%dma_start3A_356 : memref<256x100xi32, #tpu.memory_space<hbm>>) target(%arg5 : memref<256x100xi32, #tpu.memory_space<vmem>>) target_semaphore(%run_scoped3A : memref<!tpu.dma_semaphore, #tpu.memory_space<semaphore_mem>>)
      %dma_wait3A = arith.constant 0 : i32
      %dma_wait3A_357 = tpu.memref_slice %arg2[%mul3A_2, %dma_wait3A] : memref<8192x100xi32, #tpu.memory_space<hbm>> -> memref<256x100xi32, #tpu.memory_space<hbm>>
      %dma_wait3A_358 = arith.constant 0 : i32
      %dma_wait3A_359 = tpu.memref_slice %arg2[%mul3A_2, %dma_wait3A_358] : memref<8192x100xi32, #tpu.memory_space<hbm>> -> memref<256x100xi32, #tpu.memory_space<hbm>>
      tpu.wait_dma2 semaphore(%run_scoped3A : memref<!tpu.dma_semaphore, #tpu.memory_space<semaphore_mem>>) src(%dma_wait3A_359 : memref<256x100xi32, #tpu.memory_space<hbm>>) dst(%arg5 : memref<256x100xi32, #tpu.memory_space<vmem>>)
      tpu.yield
    }) : () -> ()
    %get3A = arith.constant 0 : i32
    %get3A_3 = arith.index_cast %get3A : i32 to index
    %get3A_4 = arith.constant 0 : index
    %get3A_5 = tpu.vector_load %arg5[%get3A_3, %get3A_4] {strides = array<i32>} : memref<256x100xi32, #tpu.memory_space<vmem>>, vector<1x16xi32>,
    %get3A_6 = vector.shape_cast %get3A_5 : vector<1x16xi32> to vector<16xi32>
    %shift_right_logical3A = arith.constant 1 : i32
    %shift_right_logical3A_7 = vector.broadcast %shift_right_logical3A : i32 to vector<16xi32>
    %shift_right_logical3A_8 = arith.shrui %get3A_6, %shift_right_logical3A_7 : vector<16xi32>
    %swap3A = arith.constant 0 : index
    %swap3A_9 = tpu.vector_load %arg6[%swap3A] {strides = array<i32>} : memref<100xi32, #tpu.memory_space<vmem>>, vector<16xi32>,
    %swap3A_10 = vector.shape_cast %swap3A_9 : vector<16xi32> to vector<16xi32>
    %swap3A_11 = vector.shape_cast %shift_right_logical3A_8 : vector<16xi32> to vector<16xi32>
    tpu.vector_store %arg6[%swap3A], %swap3A_11 {strides = array<i32>} : memref<100xi32, #tpu.memory_space<vmem>>, vector<16xi32>,
    %get3A_12 = arith.constant 0 : i32
    %get3A_13 = arith.index_cast %get3A_12 : i32 to index
    %get3A_14 = arith.constant 16 : index
    %get3A_15 = tpu.vector_load %arg5[%get3A_13, %get3A_14] {strides = array<i32>} : memref<256x100xi32, #tpu.memory_space<vmem>>, vector<1x16xi32>,
    %get3A_16 = vector.shape_cast %get3A_15 : vector<1x16xi32> to vector<16xi32>
    %shift_right_logical3A_17 = arith.constant 1 : i32
    %shift_right_logical3A_18 = vector.broadcast %shift_right_logical3A_17 : i32 to vector<16xi32>
    %shift_right_logical3A_19 = arith.shrui %get3A_16, %shift_right_logical3A_18 : vector<16xi32>
    %swap3A_20 = arith.constant 16 : index
    %swap3A_21 = tpu.vector_load %arg6[%swap3A_20] {strides = array<i32>} : memref<100xi32, #tpu.memory_space<vmem>>, vector<16xi32>,
    %swap3A_22 = vector.shape_cast %swap3A_21 : vector<16xi32> to vector<16xi32>
    %swap3A_23 = vector.shape_cast %shift_right_logical3A_19 : vector<16xi32> to vector<16xi32>
    tpu.vector_store %arg6[%swap3A_20], %swap3A_23 {strides = array<i32>} : memref<100xi32, #tpu.memory_space<vmem>>, vector<16xi32>,
    %get3A_24 = arith.constant 0 : i32
    %get3A_25 = arith.index_cast %get3A_24 : i32 to index
    %get3A_26 = arith.constant 32 : index
    %get3A_27 = tpu.vector_load %arg5[%get3A_25, %get3A_26] {strides = array<i32>} : memref<256x100xi32, #tpu.memory_space<vmem>>, vector<1x16xi32>,
    %get3A_28 = vector.shape_cast %get3A_27 : vector<1x16xi32> to vector<16xi32>
    %shift_right_logical3A_29 = arith.constant 1 : i32
    %shift_right_logical3A_30 = vector.broadcast %shift_right_logical3A_29 : i32 to vector<16xi32>
    %shift_right_logical3A_31 = arith.shrui %get3A_28, %shift_right_logical3A_30 : vector<16xi32>
    %swap3A_32 = arith.constant 32 : index
    %swap3A_33 = tpu.vector_load %arg6[%swap3A_32] {strides = array<i32>} : memref<100xi32, #tpu.memory_space<vmem>>, vector<16xi32>,
    %swap3A_34 = vector.shape_cast %swap3A_33 : vector<16xi32> to vector<16xi32>
    %swap3A_35 = vector.shape_cast %shift_right_logical3A_31 : vector<16xi32> to vector<16xi32>
    tpu.vector_store %arg6[%swap3A_32], %swap3A_35 {strides = array<i32>} : memref<100xi32, #tpu.memory_space<vmem>>, vector<16xi32>,
    %get3A_36 = arith.constant 0 : i32
    %get3A_37 = arith.index_cast %get3A_36 : i32 to index
    %get3A_38 = arith.constant 48 : index
    %get3A_39 = tpu.vector_load %arg5[%get3A_37, %get3A_38] {strides = array<i32>} : memref<256x100xi32, #tpu.memory_space<vmem>>, vector<1x16xi32>,
    %get3A_40 = vector.shape_cast %get3A_39 : vector<1x16xi32> to vector<16xi32>
    %shift_right_logical3A_41 = arith.constant 1 : i32
    %shift_right_logical3A_42 = vector.broadcast %shift_right_logical3A_41 : i32 to vector<16xi32>
    %shift_right_logical3A_43 = arith.shrui %get3A_40, %shift_right_logical3A_42 : vector<16xi32>
    %swap3A_44 = arith.constant 48 : index
    %swap3A_45 = tpu.vector_load %arg6[%swap3A_44] {strides = array<i32>} : memref<100xi32, #tpu.memory_space<vmem>>, vector<16xi32>,
    %swap3A_46 = vector.shape_cast %swap3A_45 : vector<16xi32> to vector<16xi32>
    %swap3A_47 = vector.shape_cast %shift_right_logical3A_43 : vector<16xi32> to vector<16xi32>
    tpu.vector_store %arg6[%swap3A_44], %swap3A_47 {strides = array<i32>} : memref<100xi32, #tpu.memory_space<vmem>>, vector<16xi32>,
    %get3A_48 = arith.constant 0 : i32
    %get3A_49 = arith.index_cast %get3A_48 : i32 to index
    %get3A_50 = arith.constant 64 : index
    %get3A_51 = tpu.vector_load %arg5[%get3A_49, %get3A_50] {strides = array<i32>} : memref<256x100xi32, #tpu.memory_space<vmem>>, vector<1x16xi32>,
    %get3A_52 = vector.shape_cast %get3A_51 : vector<1x16xi32> to vector<16xi32>
    %shift_right_logical3A_53 = arith.constant 1 : i32
    %shift_right_logical3A_54 = vector.broadcast %shift_right_logical3A_53 : i32 to vector<16xi32>
    %shift_right_logical3A_55 = arith.shrui %get3A_52, %shift_right_logical3A_54 : vector<16xi32>
    %swap3A_56 = arith.constant 64 : index
    %swap3A_57 = tpu.vector_load %arg6[%swap3A_56] {strides = array<i32>} : memref<100xi32, #tpu.memory_space<vmem>>, vector<16xi32>,
    %swap3A_58 = vector.shape_cast %swap3A_57 : vector<16xi32> to vector<16xi32>
    %swap3A_59 = vector.shape_cast %shift_right_logical3A_55 : vector<16xi32> to vector<16xi32>
    tpu.vector_store %arg6[%swap3A_56], %swap3A_59 {strides = array<i32>} : memref<100xi32, #tpu.memory_space<vmem>>, vector<16xi32>,
    %get3A_60 = arith.constant 0 : i32
    %get3A_61 = arith.index_cast %get3A_60 : i32 to index
    %get3A_62 = arith.constant 80 : index
    %get3A_63 = tpu.vector_load %arg5[%get3A_61, %get3A_62] {strides = array<i32>} : memref<256x100xi32, #tpu.memory_space<vmem>>, vector<1x16xi32>,
    %get3A_64 = vector.shape_cast %get3A_63 : vector<1x16xi32> to vector<16xi32>
    %shift_right_logical3A_65 = arith.constant 1 : i32
    %shift_right_logical3A_66 = vector.broadcast %shift_right_logical3A_65 : i32 to vector<16xi32>
    %shift_right_logical3A_67 = arith.shrui %get3A_64, %shift_right_logical3A_66 : vector<16xi32>
    %swap3A_68 = arith.constant 80 : index
    %swap3A_69 = tpu.vector_load %arg6[%swap3A_68] {strides = array<i32>} : memref<100xi32, #tpu.memory_space<vmem>>, vector<16xi32>,
    %swap3A_70 = vector.shape_cast %swap3A_69 : vector<16xi32> to vector<16xi32>
    %swap3A_71 = vector.shape_cast %shift_right_logical3A_67 : vector<16xi32> to vector<16xi32>
    tpu.vector_store %arg6[%swap3A_68], %swap3A_71 {strides = array<i32>} : memref<100xi32, #tpu.memory_space<vmem>>, vector<16xi32>,
    %get3A_72 = arith.constant 0 : i32
    %get3A_73 = arith.index_cast %get3A_72 : i32 to index
    %get3A_74 = arith.constant 84 : index
    %get3A_75 = tpu.vector_load %arg5[%get3A_73, %get3A_74] {strides = array<i32>} : memref<256x100xi32, #tpu.memory_space<vmem>>, vector<1x16xi32>,
    %get3A_76 = vector.shape_cast %get3A_75 : vector<1x16xi32> to vector<16xi32>
    %shift_right_logical3A_77 = arith.constant 1 : i32
    %shift_right_logical3A_78 = vector.broadcast %shift_right_logical3A_77 : i32 to vector<16xi32>
    %shift_right_logical3A_79 = arith.shrui %get3A_76, %shift_right_logical3A_78 : vector<16xi32>
    %swap3A_80 = arith.constant 84 : index
    %swap3A_81 = tpu.vector_load %arg6[%swap3A_80] {strides = array<i32>} : memref<100xi32, #tpu.memory_space<vmem>>, vector<16xi32>,
    %swap3A_82 = vector.shape_cast %swap3A_81 : vector<16xi32> to vector<16xi32>
    %swap3A_83 = vector.shape_cast %shift_right_logical3A_79 : vector<16xi32> to vector<16xi32>
    tpu.vector_store %arg6[%swap3A_80], %swap3A_83 {strides = array<i32>} : memref<100xi32, #tpu.memory_space<vmem>>, vector<16xi32>,
    %dma_start3A = arith.constant 0 : i32
    %dma_start3A_84 = arith.constant 0 : i32
    %dma_start3A_85 = tpu.memref_slice %arg3[%dma_start3A, %dma_start3A_84] : memref<500000x128xf32, #tpu.memory_space<hbm>> -> memref<500000x128xf32, #tpu.memory_space<hbm>>
    tpu.enqueue_indirect_dma source(%dma_start3A_85 : memref<500000x128xf32, #tpu.memory_space<hbm>>) target(%arg10 : memref<100x128xf32, #tpu.memory_space<vmem>>) offsets(%arg6 : memref<100xi32, #tpu.memory_space<vmem>>) semaphore(%arg15 : memref<!tpu.dma_semaphore, #tpu.memory_space<semaphore_mem>>)
    %get3A_86 = arith.constant 1 : i32
    %get3A_87 = arith.index_cast %get3A_86 : i32 to index
    %get3A_88 = arith.constant 0 : index
    %get3A_89 = tpu.vector_load %arg5[%get3A_87, %get3A_88] {strides = array<i32>} : memref<256x100xi32, #tpu.memory_space<vmem>>, vector<1x16xi32>,
    %get3A_90 = vector.shape_cast %get3A_89 : vector<1x16xi32> to vector<16xi32>
    %shift_right_logical3A_91 = arith.constant 1 : i32
    %shift_right_logical3A_92 = vector.broadcast %shift_right_logical3A_91 : i32 to vector<16xi32>
    %shift_right_logical3A_93 = arith.shrui %get3A_90, %shift_right_logical3A_92 : vector<16xi32>
    %swap3A_94 = arith.constant 0 : index
    %swap3A_95 = tpu.vector_load %arg7[%swap3A_94] {strides = array<i32>} : memref<100xi32, #tpu.memory_space<vmem>>, vector<16xi32>,
    %swap3A_96 = vector.shape_cast %swap3A_95 : vector<16xi32> to vector<16xi32>
    %swap3A_97 = vector.shape_cast %shift_right_logical3A_93 : vector<16xi32> to vector<16xi32>
    tpu.vector_store %arg7[%swap3A_94], %swap3A_97 {strides = array<i32>} : memref<100xi32, #tpu.memory_space<vmem>>, vector<16xi32>,
    %get3A_98 = arith.constant 1 : i32
    %get3A_99 = arith.index_cast %get3A_98 : i32 to index
    %get3A_100 = arith.constant 16 : index
    %get3A_101 = tpu.vector_load %arg5[%get3A_99, %get3A_100] {strides = array<i32>} : memref<256x100xi32, #tpu.memory_space<vmem>>, vector<1x16xi32>,
    %get3A_102 = vector.shape_cast %get3A_101 : vector<1x16xi32> to vector<16xi32>
    %shift_right_logical3A_103 = arith.constant 1 : i32
    %shift_right_logical3A_104 = vector.broadcast %shift_right_logical3A_103 : i32 to vector<16xi32>
    %shift_right_logical3A_105 = arith.shrui %get3A_102, %shift_right_logical3A_104 : vector<16xi32>
    %swap3A_106 = arith.constant 16 : index
    %swap3A_107 = tpu.vector_load %arg7[%swap3A_106] {strides = array<i32>} : memref<100xi32, #tpu.memory_space<vmem>>, vector<16xi32>,
    %swap3A_108 = vector.shape_cast %swap3A_107 : vector<16xi32> to vector<16xi32>
    %swap3A_109 = vector.shape_cast %shift_right_logical3A_105 : vector<16xi32> to vector<16xi32>
    tpu.vector_store %arg7[%swap3A_106], %swap3A_109 {strides = array<i32>} : memref<100xi32, #tpu.memory_space<vmem>>, vector<16xi32>,
    %get3A_110 = arith.constant 1 : i32
    %get3A_111 = arith.index_cast %get3A_110 : i32 to index
    %get3A_112 = arith.constant 32 : index
    %get3A_113 = tpu.vector_load %arg5[%get3A_111, %get3A_112] {strides = array<i32>} : memref<256x100xi32, #tpu.memory_space<vmem>>, vector<1x16xi32>,
    %get3A_114 = vector.shape_cast %get3A_113 : vector<1x16xi32> to vector<16xi32>
    %shift_right_logical3A_115 = arith.constant 1 : i32
    %shift_right_logical3A_116 = vector.broadcast %shift_right_logical3A_115 : i32 to vector<16xi32>
    %shift_right_logical3A_117 = arith.shrui %get3A_114, %shift_right_logical3A_116 : vector<16xi32>
    %swap3A_118 = arith.constant 32 : index
    %swap3A_119 = tpu.vector_load %arg7[%swap3A_118] {strides = array<i32>} : memref<100xi32, #tpu.memory_space<vmem>>, vector<16xi32>,
    %swap3A_120 = vector.shape_cast %swap3A_119 : vector<16xi32> to vector<16xi32>
    %swap3A_121 = vector.shape_cast %shift_right_logical3A_117 : vector<16xi32> to vector<16xi32>
    tpu.vector_store %arg7[%swap3A_118], %swap3A_121 {strides = array<i32>} : memref<100xi32, #tpu.memory_space<vmem>>, vector<16xi32>,
    %get3A_122 = arith.constant 1 : i32
    %get3A_123 = arith.index_cast %get3A_122 : i32 to index
    %get3A_124 = arith.constant 48 : index
    %get3A_125 = tpu.vector_load %arg5[%get3A_123, %get3A_124] {strides = array<i32>} : memref<256x100xi32, #tpu.memory_space<vmem>>, vector<1x16xi32>,
    %get3A_126 = vector.shape_cast %get3A_125 : vector<1x16xi32> to vector<16xi32>
    %shift_right_logical3A_127 = arith.constant 1 : i32
    %shift_right_logical3A_128 = vector.broadcast %shift_right_logical3A_127 : i32 to vector<16xi32>
    %shift_right_logical3A_129 = arith.shrui %get3A_126, %shift_right_logical3A_128 : vector<16xi32>
    %swap3A_130 = arith.constant 48 : index
    %swap3A_131 = tpu.vector_load %arg7[%swap3A_130] {strides = array<i32>} : memref<100xi32, #tpu.memory_space<vmem>>, vector<16xi32>,
    %swap3A_132 = vector.shape_cast %swap3A_131 : vector<16xi32> to vector<16xi32>
    %swap3A_133 = vector.shape_cast %shift_right_logical3A_129 : vector<16xi32> to vector<16xi32>
    tpu.vector_store %arg7[%swap3A_130], %swap3A_133 {strides = array<i32>} : memref<100xi32, #tpu.memory_space<vmem>>, vector<16xi32>,
    %get3A_134 = arith.constant 1 : i32
    %get3A_135 = arith.index_cast %get3A_134 : i32 to index
    %get3A_136 = arith.constant 64 : index
    %get3A_137 = tpu.vector_load %arg5[%get3A_135, %get3A_136] {strides = array<i32>} : memref<256x100xi32, #tpu.memory_space<vmem>>, vector<1x16xi32>,
    %get3A_138 = vector.shape_cast %get3A_137 : vector<1x16xi32> to vector<16xi32>
    %shift_right_logical3A_139 = arith.constant 1 : i32
    %shift_right_logical3A_140 = vector.broadcast %shift_right_logical3A_139 : i32 to vector<16xi32>
    %shift_right_logical3A_141 = arith.shrui %get3A_138, %shift_right_logical3A_140 : vector<16xi32>
    %swap3A_142 = arith.constant 64 : index
    %swap3A_143 = tpu.vector_load %arg7[%swap3A_142] {strides = array<i32>} : memref<100xi32, #tpu.memory_space<vmem>>, vector<16xi32>,
    %swap3A_144 = vector.shape_cast %swap3A_143 : vector<16xi32> to vector<16xi32>
    %swap3A_145 = vector.shape_cast %shift_right_logical3A_141 : vector<16xi32> to vector<16xi32>
    tpu.vector_store %arg7[%swap3A_142], %swap3A_145 {strides = array<i32>} : memref<100xi32, #tpu.memory_space<vmem>>, vector<16xi32>,
    %get3A_146 = arith.constant 1 : i32
    %get3A_147 = arith.index_cast %get3A_146 : i32 to index
    %get3A_148 = arith.constant 80 : index
    %get3A_149 = tpu.vector_load %arg5[%get3A_147, %get3A_148] {strides = array<i32>} : memref<256x100xi32, #tpu.memory_space<vmem>>, vector<1x16xi32>,
    %get3A_150 = vector.shape_cast %get3A_149 : vector<1x16xi32> to vector<16xi32>
    %shift_right_logical3A_151 = arith.constant 1 : i32
    %shift_right_logical3A_152 = vector.broadcast %shift_right_logical3A_151 : i32 to vector<16xi32>
    %shift_right_logical3A_153 = arith.shrui %get3A_150, %shift_right_logical3A_152 : vector<16xi32>
    %swap3A_154 = arith.constant 80 : index
    %swap3A_155 = tpu.vector_load %arg7[%swap3A_154] {strides = array<i32>} : memref<100xi32, #tpu.memory_space<vmem>>, vector<16xi32>,
    %swap3A_156 = vector.shape_cast %swap3A_155 : vector<16xi32> to vector<16xi32>
    %swap3A_157 = vector.shape_cast %shift_right_logical3A_153 : vector<16xi32> to vector<16xi32>
    tpu.vector_store %arg7[%swap3A_154], %swap3A_157 {strides = array<i32>} : memref<100xi32, #tpu.memory_space<vmem>>, vector<16xi32>,
    %get3A_158 = arith.constant 1 : i32
    %get3A_159 = arith.index_cast %get3A_158 : i32 to index
    %get3A_160 = arith.constant 84 : index
    %get3A_161 = tpu.vector_load %arg5[%get3A_159, %get3A_160] {strides = array<i32>} : memref<256x100xi32, #tpu.memory_space<vmem>>, vector<1x16xi32>,
    %get3A_162 = vector.shape_cast %get3A_161 : vector<1x16xi32> to vector<16xi32>
    %shift_right_logical3A_163 = arith.constant 1 : i32
    %shift_right_logical3A_164 = vector.broadcast %shift_right_logical3A_163 : i32 to vector<16xi32>
    %shift_right_logical3A_165 = arith.shrui %get3A_162, %shift_right_logical3A_164 : vector<16xi32>
    %swap3A_166 = arith.constant 84 : index
    %swap3A_167 = tpu.vector_load %arg7[%swap3A_166] {strides = array<i32>} : memref<100xi32, #tpu.memory_space<vmem>>, vector<16xi32>,
    %swap3A_168 = vector.shape_cast %swap3A_167 : vector<16xi32> to vector<16xi32>
    %swap3A_169 = vector.shape_cast %shift_right_logical3A_165 : vector<16xi32> to vector<16xi32>
    tpu.vector_store %arg7[%swap3A_166], %swap3A_169 {strides = array<i32>} : memref<100xi32, #tpu.memory_space<vmem>>, vector<16xi32>,
    %dma_start3A_170 = arith.constant 0 : i32
    %dma_start3A_171 = arith.constant 0 : i32
    %dma_start3A_172 = tpu.memref_slice %arg3[%dma_start3A_170, %dma_start3A_171] : memref<500000x128xf32, #tpu.memory_space<hbm>> -> memref<500000x128xf32, #tpu.memory_space<hbm>>
    tpu.enqueue_indirect_dma source(%dma_start3A_172 : memref<500000x128xf32, #tpu.memory_space<hbm>>) target(%arg11 : memref<100x128xf32, #tpu.memory_space<vmem>>) offsets(%arg7 : memref<100xi32, #tpu.memory_space<vmem>>) semaphore(%arg16 : memref<!tpu.dma_semaphore, #tpu.memory_space<semaphore_mem>>)
    %get3A_173 = arith.constant 2 : i32
    %get3A_174 = arith.index_cast %get3A_173 : i32 to index
    %get3A_175 = arith.constant 0 : index
    %get3A_176 = tpu.vector_load %arg5[%get3A_174, %get3A_175] {strides = array<i32>} : memref<256x100xi32, #tpu.memory_space<vmem>>, vector<1x16xi32>,
    %get3A_177 = vector.shape_cast %get3A_176 : vector<1x16xi32> to vector<16xi32>
    %shift_right_logical3A_178 = arith.constant 1 : i32
    %shift_right_logical3A_179 = vector.broadcast %shift_right_logical3A_178 : i32 to vector<16xi32>
    %shift_right_logical3A_180 = arith.shrui %get3A_177, %shift_right_logical3A_179 : vector<16xi32>
    %swap3A_181 = arith.constant 0 : index
    %swap3A_182 = tpu.vector_load %arg8[%swap3A_181] {strides = array<i32>} : memref<100xi32, #tpu.memory_space<vmem>>, vector<16xi32>,
    %swap3A_183 = vector.shape_cast %swap3A_182 : vector<16xi32> to vector<16xi32>
    %swap3A_184 = vector.shape_cast %shift_right_logical3A_180 : vector<16xi32> to vector<16xi32>
    tpu.vector_store %arg8[%swap3A_181], %swap3A_184 {strides = array<i32>} : memref<100xi32, #tpu.memory_space<vmem>>, vector<16xi32>,
    %get3A_185 = arith.constant 2 : i32
    %get3A_186 = arith.index_cast %get3A_185 : i32 to index
    %get3A_187 = arith.constant 16 : index
    %get3A_188 = tpu.vector_load %arg5[%get3A_186, %get3A_187] {strides = array<i32>} : memref<256x100xi32, #tpu.memory_space<vmem>>, vector<1x16xi32>,
    %get3A_189 = vector.shape_cast %get3A_188 : vector<1x16xi32> to vector<16xi32>
    %shift_right_logical3A_190 = arith.constant 1 : i32
    %shift_right_logical3A_191 = vector.broadcast %shift_right_logical3A_190 : i32 to vector<16xi32>
    %shift_right_logical3A_192 = arith.shrui %get3A_189, %shift_right_logical3A_191 : vector<16xi32>
    %swap3A_193 = arith.constant 16 : index
    %swap3A_194 = tpu.vector_load %arg8[%swap3A_193] {strides = array<i32>} : memref<100xi32, #tpu.memory_space<vmem>>, vector<16xi32>,
    %swap3A_195 = vector.shape_cast %swap3A_194 : vector<16xi32> to vector<16xi32>
    %swap3A_196 = vector.shape_cast %shift_right_logical3A_192 : vector<16xi32> to vector<16xi32>
    tpu.vector_store %arg8[%swap3A_193], %swap3A_196 {strides = array<i32>} : memref<100xi32, #tpu.memory_space<vmem>>, vector<16xi32>,
    %get3A_197 = arith.constant 2 : i32
    %get3A_198 = arith.index_cast %get3A_197 : i32 to index
    %get3A_199 = arith.constant 32 : index
    %get3A_200 = tpu.vector_load %arg5[%get3A_198, %get3A_199] {strides = array<i32>} : memref<256x100xi32, #tpu.memory_space<vmem>>, vector<1x16xi32>,
    %get3A_201 = vector.shape_cast %get3A_200 : vector<1x16xi32> to vector<16xi32>
    %shift_right_logical3A_202 = arith.constant 1 : i32
    %shift_right_logical3A_203 = vector.broadcast %shift_right_logical3A_202 : i32 to vector<16xi32>
    %shift_right_logical3A_204 = arith.shrui %get3A_201, %shift_right_logical3A_203 : vector<16xi32>
    %swap3A_205 = arith.constant 32 : index
    %swap3A_206 = tpu.vector_load %arg8[%swap3A_205] {strides = array<i32>} : memref<100xi32, #tpu.memory_space<vmem>>, vector<16xi32>,
    %swap3A_207 = vector.shape_cast %swap3A_206 : vector<16xi32> to vector<16xi32>
    %swap3A_208 = vector.shape_cast %shift_right_logical3A_204 : vector<16xi32> to vector<16xi32>
    tpu.vector_store %arg8[%swap3A_205], %swap3A_208 {strides = array<i32>} : memref<100xi32, #tpu.memory_space<vmem>>, vector<16xi32>,
    %get3A_209 = arith.constant 2 : i32
    %get3A_210 = arith.index_cast %get3A_209 : i32 to index
    %get3A_211 = arith.constant 48 : index
    %get3A_212 = tpu.vector_load %arg5[%get3A_210, %get3A_211] {strides = array<i32>} : memref<256x100xi32, #tpu.memory_space<vmem>>, vector<1x16xi32>,
    %get3A_213 = vector.shape_cast %get3A_212 : vector<1x16xi32> to vector<16xi32>
    %shift_right_logical3A_214 = arith.constant 1 : i32
    %shift_right_logical3A_215 = vector.broadcast %shift_right_logical3A_214 : i32 to vector<16xi32>
    %shift_right_logical3A_216 = arith.shrui %get3A_213, %shift_right_logical3A_215 : vector<16xi32>
    %swap3A_217 = arith.constant 48 : index
    %swap3A_218 = tpu.vector_load %arg8[%swap3A_217] {strides = array<i32>} : memref<100xi32, #tpu.memory_space<vmem>>, vector<16xi32>,
    %swap3A_219 = vector.shape_cast %swap3A_218 : vector<16xi32> to vector<16xi32>
    %swap3A_220 = vector.shape_cast %shift_right_logical3A_216 : vector<16xi32> to vector<16xi32>
    tpu.vector_store %arg8[%swap3A_217], %swap3A_220 {strides = array<i32>} : memref<100xi32, #tpu.memory_space<vmem>>, vector<16xi32>,
    %get3A_221 = arith.constant 2 : i32
    %get3A_222 = arith.index_cast %get3A_221 : i32 to index
    %get3A_223 = arith.constant 64 : index
    %get3A_224 = tpu.vector_load %arg5[%get3A_222, %get3A_223] {strides = array<i32>} : memref<256x100xi32, #tpu.memory_space<vmem>>, vector<1x16xi32>,
    %get3A_225 = vector.shape_cast %get3A_224 : vector<1x16xi32> to vector<16xi32>
    %shift_right_logical3A_226 = arith.constant 1 : i32
    %shift_right_logical3A_227 = vector.broadcast %shift_right_logical3A_226 : i32 to vector<16xi32>
    %shift_right_logical3A_228 = arith.shrui %get3A_225, %shift_right_logical3A_227 : vector<16xi32>
    %swap3A_229 = arith.constant 64 : index
    %swap3A_230 = tpu.vector_load %arg8[%swap3A_229] {strides = array<i32>} : memref<100xi32, #tpu.memory_space<vmem>>, vector<16xi32>,
    %swap3A_231 = vector.shape_cast %swap3A_230 : vector<16xi32> to vector<16xi32>
    %swap3A_232 = vector.shape_cast %shift_right_logical3A_228 : vector<16xi32> to vector<16xi32>
    tpu.vector_store %arg8[%swap3A_229], %swap3A_232 {strides = array<i32>} : memref<100xi32, #tpu.memory_space<vmem>>, vector<16xi32>,
    %get3A_233 = arith.constant 2 : i32
    %get3A_234 = arith.index_cast %get3A_233 : i32 to index
    %get3A_235 = arith.constant 80 : index
    %get3A_236 = tpu.vector_load %arg5[%get3A_234, %get3A_235] {strides = array<i32>} : memref<256x100xi32, #tpu.memory_space<vmem>>, vector<1x16xi32>,
    %get3A_237 = vector.shape_cast %get3A_236 : vector<1x16xi32> to vector<16xi32>
    %shift_right_logical3A_238 = arith.constant 1 : i32
    %shift_right_logical3A_239 = vector.broadcast %shift_right_logical3A_238 : i32 to vector<16xi32>
    %shift_right_logical3A_240 = arith.shrui %get3A_237, %shift_right_logical3A_239 : vector<16xi32>
    %swap3A_241 = arith.constant 80 : index
    %swap3A_242 = tpu.vector_load %arg8[%swap3A_241] {strides = array<i32>} : memref<100xi32, #tpu.memory_space<vmem>>, vector<16xi32>,
    %swap3A_243 = vector.shape_cast %swap3A_242 : vector<16xi32> to vector<16xi32>
    %swap3A_244 = vector.shape_cast %shift_right_logical3A_240 : vector<16xi32> to vector<16xi32>
    tpu.vector_store %arg8[%swap3A_241], %swap3A_244 {strides = array<i32>} : memref<100xi32, #tpu.memory_space<vmem>>, vector<16xi32>,
    %get3A_245 = arith.constant 2 : i32
    %get3A_246 = arith.index_cast %get3A_245 : i32 to index
    %get3A_247 = arith.constant 84 : index
    %get3A_248 = tpu.vector_load %arg5[%get3A_246, %get3A_247] {strides = array<i32>} : memref<256x100xi32, #tpu.memory_space<vmem>>, vector<1x16xi32>,
    %get3A_249 = vector.shape_cast %get3A_248 : vector<1x16xi32> to vector<16xi32>
    %shift_right_logical3A_250 = arith.constant 1 : i32
    %shift_right_logical3A_251 = vector.broadcast %shift_right_logical3A_250 : i32 to vector<16xi32>
    %shift_right_logical3A_252 = arith.shrui %get3A_249, %shift_right_logical3A_251 : vector<16xi32>
    %swap3A_253 = arith.constant 84 : index
    %swap3A_254 = tpu.vector_load %arg8[%swap3A_253] {strides = array<i32>} : memref<100xi32, #tpu.memory_space<vmem>>, vector<16xi32>,
    %swap3A_255 = vector.shape_cast %swap3A_254 : vector<16xi32> to vector<16xi32>
    %swap3A_256 = vector.shape_cast %shift_right_logical3A_252 : vector<16xi32> to vector<16xi32>
    tpu.vector_store %arg8[%swap3A_253], %swap3A_256 {strides = array<i32>} : memref<100xi32, #tpu.memory_space<vmem>>, vector<16xi32>,
    %dma_start3A_257 = arith.constant 0 : i32
    %dma_start3A_258 = arith.constant 0 : i32
    %dma_start3A_259 = tpu.memref_slice %arg3[%dma_start3A_257, %dma_start3A_258] : memref<500000x128xf32, #tpu.memory_space<hbm>> -> memref<500000x128xf32, #tpu.memory_space<hbm>>
    tpu.enqueue_indirect_dma source(%dma_start3A_259 : memref<500000x128xf32, #tpu.memory_space<hbm>>) target(%arg12 : memref<100x128xf32, #tpu.memory_space<vmem>>) offsets(%arg8 : memref<100xi32, #tpu.memory_space<vmem>>) semaphore(%arg17 : memref<!tpu.dma_semaphore, #tpu.memory_space<semaphore_mem>>)
    %get3A_260 = arith.constant 3 : i32
    %get3A_261 = arith.index_cast %get3A_260 : i32 to index
    %get3A_262 = arith.constant 0 : index
    %get3A_263 = tpu.vector_load %arg5[%get3A_261, %get3A_262] {strides = array<i32>} : memref<256x100xi32, #tpu.memory_space<vmem>>, vector<1x16xi32>,
    %get3A_264 = vector.shape_cast %get3A_263 : vector<1x16xi32> to vector<16xi32>
    %shift_right_logical3A_265 = arith.constant 1 : i32
    %shift_right_logical3A_266 = vector.broadcast %shift_right_logical3A_265 : i32 to vector<16xi32>
    %shift_right_logical3A_267 = arith.shrui %get3A_264, %shift_right_logical3A_266 : vector<16xi32>
    %swap3A_268 = arith.constant 0 : index
    %swap3A_269 = tpu.vector_load %arg9[%swap3A_268] {strides = array<i32>} : memref<100xi32, #tpu.memory_space<vmem>>, vector<16xi32>,
    %swap3A_270 = vector.shape_cast %swap3A_269 : vector<16xi32> to vector<16xi32>
    %swap3A_271 = vector.shape_cast %shift_right_logical3A_267 : vector<16xi32> to vector<16xi32>
    tpu.vector_store %arg9[%swap3A_268], %swap3A_271 {strides = array<i32>} : memref<100xi32, #tpu.memory_space<vmem>>, vector<16xi32>,
    %get3A_272 = arith.constant 3 : i32
    %get3A_273 = arith.index_cast %get3A_272 : i32 to index
    %get3A_274 = arith.constant 16 : index
    %get3A_275 = tpu.vector_load %arg5[%get3A_273, %get3A_274] {strides = array<i32>} : memref<256x100xi32, #tpu.memory_space<vmem>>, vector<1x16xi32>,
    %get3A_276 = vector.shape_cast %get3A_275 : vector<1x16xi32> to vector<16xi32>
    %shift_right_logical3A_277 = arith.constant 1 : i32
    %shift_right_logical3A_278 = vector.broadcast %shift_right_logical3A_277 : i32 to vector<16xi32>
    %shift_right_logical3A_279 = arith.shrui %get3A_276, %shift_right_logical3A_278 : vector<16xi32>
    %swap3A_280 = arith.constant 16 : index
    %swap3A_281 = tpu.vector_load %arg9[%swap3A_280] {strides = array<i32>} : memref<100xi32, #tpu.memory_space<vmem>>, vector<16xi32>,
    %swap3A_282 = vector.shape_cast %swap3A_281 : vector<16xi32> to vector<16xi32>
    %swap3A_283 = vector.shape_cast %shift_right_logical3A_279 : vector<16xi32> to vector<16xi32>
    tpu.vector_store %arg9[%swap3A_280], %swap3A_283 {strides = array<i32>} : memref<100xi32, #tpu.memory_space<vmem>>, vector<16xi32>,
    %get3A_284 = arith.constant 3 : i32
    %get3A_285 = arith.index_cast %get3A_284 : i32 to index
    %get3A_286 = arith.constant 32 : index
    %get3A_287 = tpu.vector_load %arg5[%get3A_285, %get3A_286] {strides = array<i32>} : memref<256x100xi32, #tpu.memory_space<vmem>>, vector<1x16xi32>,
    %get3A_288 = vector.shape_cast %get3A_287 : vector<1x16xi32> to vector<16xi32>
    %shift_right_logical3A_289 = arith.constant 1 : i32
    %shift_right_logical3A_290 = vector.broadcast %shift_right_logical3A_289 : i32 to vector<16xi32>
    %shift_right_logical3A_291 = arith.shrui %get3A_288, %shift_right_logical3A_290 : vector<16xi32>
    %swap3A_292 = arith.constant 32 : index
    %swap3A_293 = tpu.vector_load %arg9[%swap3A_292] {strides = array<i32>} : memref<100xi32, #tpu.memory_space<vmem>>, vector<16xi32>,
    %swap3A_294 = vector.shape_cast %swap3A_293 : vector<16xi32> to vector<16xi32>
    %swap3A_295 = vector.shape_cast %shift_right_logical3A_291 : vector<16xi32> to vector<16xi32>
    tpu.vector_store %arg9[%swap3A_292], %swap3A_295 {strides = array<i32>} : memref<100xi32, #tpu.memory_space<vmem>>, vector<16xi32>,
    %get3A_296 = arith.constant 3 : i32
    %get3A_297 = arith.index_cast %get3A_296 : i32 to index
    %get3A_298 = arith.constant 48 : index
    %get3A_299 = tpu.vector_load %arg5[%get3A_297, %get3A_298] {strides = array<i32>} : memref<256x100xi32, #tpu.memory_space<vmem>>, vector<1x16xi32>,
    %get3A_300 = vector.shape_cast %get3A_299 : vector<1x16xi32> to vector<16xi32>
    %shift_right_logical3A_301 = arith.constant 1 : i32
    %shift_right_logical3A_302 = vector.broadcast %shift_right_logical3A_301 : i32 to vector<16xi32>
    %shift_right_logical3A_303 = arith.shrui %get3A_300, %shift_right_logical3A_302 : vector<16xi32>
    %swap3A_304 = arith.constant 48 : index
    %swap3A_305 = tpu.vector_load %arg9[%swap3A_304] {strides = array<i32>} : memref<100xi32, #tpu.memory_space<vmem>>, vector<16xi32>,
    %swap3A_306 = vector.shape_cast %swap3A_305 : vector<16xi32> to vector<16xi32>
    %swap3A_307 = vector.shape_cast %shift_right_logical3A_303 : vector<16xi32> to vector<16xi32>
    tpu.vector_store %arg9[%swap3A_304], %swap3A_307 {strides = array<i32>} : memref<100xi32, #tpu.memory_space<vmem>>, vector<16xi32>,
    %get3A_308 = arith.constant 3 : i32
    %get3A_309 = arith.index_cast %get3A_308 : i32 to index
    %get3A_310 = arith.constant 64 : index
    %get3A_311 = tpu.vector_load %arg5[%get3A_309, %get3A_310] {strides = array<i32>} : memref<256x100xi32, #tpu.memory_space<vmem>>, vector<1x16xi32>,
    %get3A_312 = vector.shape_cast %get3A_311 : vector<1x16xi32> to vector<16xi32>
    %shift_right_logical3A_313 = arith.constant 1 : i32
    %shift_right_logical3A_314 = vector.broadcast %shift_right_logical3A_313 : i32 to vector<16xi32>
    %shift_right_logical3A_315 = arith.shrui %get3A_312, %shift_right_logical3A_314 : vector<16xi32>
    %swap3A_316 = arith.constant 64 : index
    %swap3A_317 = tpu.vector_load %arg9[%swap3A_316] {strides = array<i32>} : memref<100xi32, #tpu.memory_space<vmem>>, vector<16xi32>,
    %swap3A_318 = vector.shape_cast %swap3A_317 : vector<16xi32> to vector<16xi32>
    %swap3A_319 = vector.shape_cast %shift_right_logical3A_315 : vector<16xi32> to vector<16xi32>
    tpu.vector_store %arg9[%swap3A_316], %swap3A_319 {strides = array<i32>} : memref<100xi32, #tpu.memory_space<vmem>>, vector<16xi32>,
    %get3A_320 = arith.constant 3 : i32
    %get3A_321 = arith.index_cast %get3A_320 : i32 to index
    %get3A_322 = arith.constant 80 : index
    %get3A_323 = tpu.vector_load %arg5[%get3A_321, %get3A_322] {strides = array<i32>} : memref<256x100xi32, #tpu.memory_space<vmem>>, vector<1x16xi32>,
    %get3A_324 = vector.shape_cast %get3A_323 : vector<1x16xi32> to vector<16xi32>
    %shift_right_logical3A_325 = arith.constant 1 : i32
    %shift_right_logical3A_326 = vector.broadcast %shift_right_logical3A_325 : i32 to vector<16xi32>
    %shift_right_logical3A_327 = arith.shrui %get3A_324, %shift_right_logical3A_326 : vector<16xi32>
    %swap3A_328 = arith.constant 80 : index
    %swap3A_329 = tpu.vector_load %arg9[%swap3A_328] {strides = array<i32>} : memref<100xi32, #tpu.memory_space<vmem>>, vector<16xi32>,
    %swap3A_330 = vector.shape_cast %swap3A_329 : vector<16xi32> to vector<16xi32>
    %swap3A_331 = vector.shape_cast %shift_right_logical3A_327 : vector<16xi32> to vector<16xi32>
    tpu.vector_store %arg9[%swap3A_328], %swap3A_331 {strides = array<i32>} : memref<100xi32, #tpu.memory_space<vmem>>, vector<16xi32>,
    %get3A_332 = arith.constant 3 : i32
    %get3A_333 = arith.index_cast %get3A_332 : i32 to index
    %get3A_334 = arith.constant 84 : index
    %get3A_335 = tpu.vector_load %arg5[%get3A_333, %get3A_334] {strides = array<i32>} : memref<256x100xi32, #tpu.memory_space<vmem>>, vector<1x16xi32>,
    %get3A_336 = vector.shape_cast %get3A_335 : vector<1x16xi32> to vector<16xi32>
    %shift_right_logical3A_337 = arith.constant 1 : i32
    %shift_right_logical3A_338 = vector.broadcast %shift_right_logical3A_337 : i32 to vector<16xi32>
    %shift_right_logical3A_339 = arith.shrui %get3A_336, %shift_right_logical3A_338 : vector<16xi32>
    %swap3A_340 = arith.constant 84 : index
    %swap3A_341 = tpu.vector_load %arg9[%swap3A_340] {strides = array<i32>} : memref<100xi32, #tpu.memory_space<vmem>>, vector<16xi32>,
    %swap3A_342 = vector.shape_cast %swap3A_341 : vector<16xi32> to vector<16xi32>
    %swap3A_343 = vector.shape_cast %shift_right_logical3A_339 : vector<16xi32> to vector<16xi32>
    tpu.vector_store %arg9[%swap3A_340], %swap3A_343 {strides = array<i32>} : memref<100xi32, #tpu.memory_space<vmem>>, vector<16xi32>,
    %dma_start3A_344 = arith.constant 0 : i32
    %dma_start3A_345 = arith.constant 0 : i32
    %dma_start3A_346 = tpu.memref_slice %arg3[%dma_start3A_344, %dma_start3A_345] : memref<500000x128xf32, #tpu.memory_space<hbm>> -> memref<500000x128xf32, #tpu.memory_space<hbm>>
    tpu.enqueue_indirect_dma source(%dma_start3A_346 : memref<500000x128xf32, #tpu.memory_space<hbm>>) target(%arg13 : memref<100x128xf32, #tpu.memory_space<vmem>>) offsets(%arg9 : memref<100xi32, #tpu.memory_space<vmem>>) semaphore(%arg18 : memref<!tpu.dma_semaphore, #tpu.memory_space<semaphore_mem>>)
    %broadcast_in_dim3A = arith.constant 0.000000e+00 : f32
    %broadcast_in_dim3A_347 = vector.broadcast %broadcast_in_dim3A : f32 to vector<16xf32>
    %scan3A = arith.constant 0 : i32
    %scan3A_348 = arith.constant 0 : i32
    %scan3A_349 = arith.constant 64 : i32
    %scan3A_350 = arith.addi %scan3A_348, %scan3A_349 : i32
    %scan3A_351 = arith.constant 1 : i32
    scf.for %scan3A_353 = %scan3A_348 to %scan3A_350 step %scan3A_351  : i32 {
      %mul3A_354 = arith.constant 4 : i32
      %mul3A_355 = arith.muli %mul3A_354, %scan3A_353 : i32
      %add3A_356 = arith.constant 0 : i32
      %add3A_357 = arith.addi %mul3A_355, %add3A_356 : i32
      %dma_wait3A = arith.constant 0 : i32
      %dma_wait3A_358 = arith.constant 0 : i32
      %dma_wait3A_359 = tpu.memref_slice %arg3[%dma_wait3A, %dma_wait3A_358] : memref<500000x128xf32, #tpu.memory_space<hbm>> -> memref<500000x128xf32, #tpu.memory_space<hbm>>
      tpu.wait_indirect_dma semaphore(%arg15 : memref<!tpu.dma_semaphore, #tpu.memory_space<semaphore_mem>>) src(%dma_wait3A_359 : memref<500000x128xf32, #tpu.memory_space<hbm>>) dst(%arg10 : memref<100x128xf32, #tpu.memory_space<vmem>>)
      %scan3A_360 = arith.constant 0 : i32
      %scan3A_361 = arith.constant 6 : i32
      %scan3A_362 = arith.addi %scan3A_360, %scan3A_361 : i32
      %scan3A_363 = arith.constant 1 : i32
      %scan3A_364:4 = scf.for %scan3A_1138 = %scan3A_360 to %scan3A_362 step %scan3A_363 iter_args(%scan3A_1139 = %broadcast_in_dim3A_347, %scan3A_1140 = %broadcast_in_dim3A_347, %scan3A_1141 = %broadcast_in_dim3A_347, %scan3A_1142 = %broadcast_in_dim3A_347) -> (vector<16xf32>, vector<16xf32>, vector<16xf32>, vector<16xf32>)  : i32 {
        %mul3A_1143 = arith.constant 16 : i32
        %mul3A_1144 = arith.muli %mul3A_1143, %scan3A_1138 : i32
        %get3A_1145 = arith.index_cast %add3A_357 : i32 to index
        %get3A_1146 = arith.index_cast %mul3A_1144 : i32 to index
        %get3A_1147 = tpu.vector_load %arg5[%get3A_1145, %get3A_1146] {strides = array<i32>} : memref<256x100xi32, #tpu.memory_space<vmem>>, vector<1x16xi32>,
        %get3A_1148 = vector.shape_cast %get3A_1147 : vector<1x16xi32> to vector<16xi32>
        %and3A_1149 = arith.constant 1 : i32
        %and3A_1150 = vector.broadcast %and3A_1149 : i32 to vector<16xi32>
        %and3A_1151 = arith.andi %get3A_1148, %and3A_1150 : vector<16xi32>
        %shift_left3A_1152 = arith.constant 6 : i32
        %shift_left3A_1153 = vector.broadcast %shift_left3A_1152 : i32 to vector<16xi32>
        %shift_left3A_1154 = arith.shli %and3A_1151, %shift_left3A_1153 : vector<16xi32>
        %slice3A_1155 = vector.extract_strided_slice %shift_left3A_1154 {offsets = [0], sizes = [1], strides = [1]} : vector<16xi32> to vector<1xi32>
        %squeeze3A_1156 = vector.extract %slice3A_1155[0] : i32 from vector<1xi32>
        %add3A_1157 = arith.constant 0 : i32
        %add3A_1158 = arith.addi %mul3A_1144, %add3A_1157 : i32
        %add3A_1159 = arith.constant 0 : i32
        %add3A_1160 = arith.addi %squeeze3A_1156, %add3A_1159 : i32
        %get3A_1161 = arith.index_cast %add3A_1158 : i32 to index
        %get3A_1162 = arith.index_cast %add3A_1160 : i32 to index
        %get3A_1163 = tpu.vector_load %arg10[%get3A_1161, %get3A_1162] {strides = array<i32>} : memref<100x128xf32, #tpu.memory_space<vmem>>, vector<1x16xf32>,
        %get3A_1164 = vector.shape_cast %get3A_1163 : vector<1x16xf32> to vector<16xf32>
        %add3A_1165 = arith.addf %scan3A_1139, %get3A_1164 : vector<16xf32>
        %add3A_1166 = arith.constant 0 : i32
        %add3A_1167 = arith.addi %mul3A_1144, %add3A_1166 : i32
        %add3A_1168 = arith.constant 16 : i32
        %add3A_1169 = arith.addi %squeeze3A_1156, %add3A_1168 : i32
        %get3A_1170 = arith.index_cast %add3A_1167 : i32 to index
        %get3A_1171 = arith.index_cast %add3A_1169 : i32 to index
        %get3A_1172 = tpu.vector_load %arg10[%get3A_1170, %get3A_1171] {strides = array<i32>} : memref<100x128xf32, #tpu.memory_space<vmem>>, vector<1x16xf32>,
        %get3A_1173 = vector.shape_cast %get3A_1172 : vector<1x16xf32> to vector<16xf32>
        %add3A_1174 = arith.addf %scan3A_1140, %get3A_1173 : vector<16xf32>
        %add3A_1175 = arith.constant 0 : i32
        %add3A_1176 = arith.addi %mul3A_1144, %add3A_1175 : i32
        %add3A_1177 = arith.constant 32 : i32
        %add3A_1178 = arith.addi %squeeze3A_1156, %add3A_1177 : i32
        %get3A_1179 = arith.index_cast %add3A_1176 : i32 to index
        %get3A_1180 = arith.index_cast %add3A_1178 : i32 to index
        %get3A_1181 = tpu.vector_load %arg10[%get3A_1179, %get3A_1180] {strides = array<i32>} : memref<100x128xf32, #tpu.memory_space<vmem>>, vector<1x16xf32>,
        %get3A_1182 = vector.shape_cast %get3A_1181 : vector<1x16xf32> to vector<16xf32>
        %add3A_1183 = arith.addf %scan3A_1141, %get3A_1182 : vector<16xf32>
        %add3A_1184 = arith.constant 0 : i32
        %add3A_1185 = arith.addi %mul3A_1144, %add3A_1184 : i32
        %add3A_1186 = arith.constant 48 : i32
        %add3A_1187 = arith.addi %squeeze3A_1156, %add3A_1186 : i32
        %get3A_1188 = arith.index_cast %add3A_1185 : i32 to index
        %get3A_1189 = arith.index_cast %add3A_1187 : i32 to index
        %get3A_1190 = tpu.vector_load %arg10[%get3A_1188, %get3A_1189] {strides = array<i32>} : memref<100x128xf32, #tpu.memory_space<vmem>>, vector<1x16xf32>,
        %get3A_1191 = vector.shape_cast %get3A_1190 : vector<1x16xf32> to vector<16xf32>
        %add3A_1192 = arith.addf %scan3A_1142, %get3A_1191 : vector<16xf32>
        %slice3A_1193 = vector.extract_strided_slice %shift_left3A_1154 {offsets = [1], sizes = [1], strides = [1]} : vector<16xi32> to vector<1xi32>
        %squeeze3A_1194 = vector.extract %slice3A_1193[0] : i32 from vector<1xi32>
        %add3A_1195 = arith.constant 1 : i32
        %add3A_1196 = arith.addi %mul3A_1144, %add3A_1195 : i32
        %add3A_1197 = arith.constant 0 : i32
        %add3A_1198 = arith.addi %squeeze3A_1194, %add3A_1197 : i32
        %get3A_1199 = arith.index_cast %add3A_1196 : i32 to index
        %get3A_1200 = arith.index_cast %add3A_1198 : i32 to index
        %get3A_1201 = tpu.vector_load %arg10[%get3A_1199, %get3A_1200] {strides = array<i32>} : memref<100x128xf32, #tpu.memory_space<vmem>>, vector<1x16xf32>,
        %get3A_1202 = vector.shape_cast %get3A_1201 : vector<1x16xf32> to vector<16xf32>
        %add3A_1203 = arith.addf %add3A_1165, %get3A_1202 : vector<16xf32>
        %add3A_1204 = arith.constant 1 : i32
        %add3A_1205 = arith.addi %mul3A_1144, %add3A_1204 : i32
        %add3A_1206 = arith.constant 16 : i32
        %add3A_1207 = arith.addi %squeeze3A_1194, %add3A_1206 : i32
        %get3A_1208 = arith.index_cast %add3A_1205 : i32 to index
        %get3A_1209 = arith.index_cast %add3A_1207 : i32 to index
        %get3A_1210 = tpu.vector_load %arg10[%get3A_1208, %get3A_1209] {strides = array<i32>} : memref<100x128xf32, #tpu.memory_space<vmem>>, vector<1x16xf32>,
        %get3A_1211 = vector.shape_cast %get3A_1210 : vector<1x16xf32> to vector<16xf32>
        %add3A_1212 = arith.addf %add3A_1174, %get3A_1211 : vector<16xf32>
        %add3A_1213 = arith.constant 1 : i32
        %add3A_1214 = arith.addi %mul3A_1144, %add3A_1213 : i32
        %add3A_1215 = arith.constant 32 : i32
        %add3A_1216 = arith.addi %squeeze3A_1194, %add3A_1215 : i32
        %get3A_1217 = arith.index_cast %add3A_1214 : i32 to index
        %get3A_1218 = arith.index_cast %add3A_1216 : i32 to index
        %get3A_1219 = tpu.vector_load %arg10[%get3A_1217, %get3A_1218] {strides = array<i32>} : memref<100x128xf32, #tpu.memory_space<vmem>>, vector<1x16xf32>,
        %get3A_1220 = vector.shape_cast %get3A_1219 : vector<1x16xf32> to vector<16xf32>
        %add3A_1221 = arith.addf %add3A_1183, %get3A_1220 : vector<16xf32>
        %add3A_1222 = arith.constant 1 : i32
        %add3A_1223 = arith.addi %mul3A_1144, %add3A_1222 : i32
        %add3A_1224 = arith.constant 48 : i32
        %add3A_1225 = arith.addi %squeeze3A_1194, %add3A_1224 : i32
        %get3A_1226 = arith.index_cast %add3A_1223 : i32 to index
        %get3A_1227 = arith.index_cast %add3A_1225 : i32 to index
        %get3A_1228 = tpu.vector_load %arg10[%get3A_1226, %get3A_1227] {strides = array<i32>} : memref<100x128xf32, #tpu.memory_space<vmem>>, vector<1x16xf32>,
        %get3A_1229 = vector.shape_cast %get3A_1228 : vector<1x16xf32> to vector<16xf32>
        %add3A_1230 = arith.addf %add3A_1192, %get3A_1229 : vector<16xf32>
        %slice3A_1231 = vector.extract_strided_slice %shift_left3A_1154 {offsets = [2], sizes = [1], strides = [1]} : vector<16xi32> to vector<1xi32>
        %squeeze3A_1232 = vector.extract %slice3A_1231[0] : i32 from vector<1xi32>
        %add3A_1233 = arith.constant 2 : i32
        %add3A_1234 = arith.addi %mul3A_1144, %add3A_1233 : i32
        %add3A_1235 = arith.constant 0 : i32
        %add3A_1236 = arith.addi %squeeze3A_1232, %add3A_1235 : i32
        %get3A_1237 = arith.index_cast %add3A_1234 : i32 to index
        %get3A_1238 = arith.index_cast %add3A_1236 : i32 to index
        %get3A_1239 = tpu.vector_load %arg10[%get3A_1237, %get3A_1238] {strides = array<i32>} : memref<100x128xf32, #tpu.memory_space<vmem>>, vector<1x16xf32>,
        %get3A_1240 = vector.shape_cast %get3A_1239 : vector<1x16xf32> to vector<16xf32>
        %add3A_1241 = arith.addf %add3A_1203, %get3A_1240 : vector<16xf32>
        %add3A_1242 = arith.constant 2 : i32
        %add3A_1243 = arith.addi %mul3A_1144, %add3A_1242 : i32
        %add3A_1244 = arith.constant 16 : i32
        %add3A_1245 = arith.addi %squeeze3A_1232, %add3A_1244 : i32
        %get3A_1246 = arith.index_cast %add3A_1243 : i32 to index
        %get3A_1247 = arith.index_cast %add3A_1245 : i32 to index
        %get3A_1248 = tpu.vector_load %arg10[%get3A_1246, %get3A_1247] {strides = array<i32>} : memref<100x128xf32, #tpu.memory_space<vmem>>, vector<1x16xf32>,
        %get3A_1249 = vector.shape_cast %get3A_1248 : vector<1x16xf32> to vector<16xf32>
        %add3A_1250 = arith.addf %add3A_1212, %get3A_1249 : vector<16xf32>
        %add3A_1251 = arith.constant 2 : i32
        %add3A_1252 = arith.addi %mul3A_1144, %add3A_1251 : i32
        %add3A_1253 = arith.constant 32 : i32
        %add3A_1254 = arith.addi %squeeze3A_1232, %add3A_1253 : i32
        %get3A_1255 = arith.index_cast %add3A_1252 : i32 to index
        %get3A_1256 = arith.index_cast %add3A_1254 : i32 to index
        %get3A_1257 = tpu.vector_load %arg10[%get3A_1255, %get3A_1256] {strides = array<i32>} : memref<100x128xf32, #tpu.memory_space<vmem>>, vector<1x16xf32>,
        %get3A_1258 = vector.shape_cast %get3A_1257 : vector<1x16xf32> to vector<16xf32>
        %add3A_1259 = arith.addf %add3A_1221, %get3A_1258 : vector<16xf32>
        %add3A_1260 = arith.constant 2 : i32
        %add3A_1261 = arith.addi %mul3A_1144, %add3A_1260 : i32
        %add3A_1262 = arith.constant 48 : i32
        %add3A_1263 = arith.addi %squeeze3A_1232, %add3A_1262 : i32
        %get3A_1264 = arith.index_cast %add3A_1261 : i32 to index
        %get3A_1265 = arith.index_cast %add3A_1263 : i32 to index
        %get3A_1266 = tpu.vector_load %arg10[%get3A_1264, %get3A_1265] {strides = array<i32>} : memref<100x128xf32, #tpu.memory_space<vmem>>, vector<1x16xf32>,
        %get3A_1267 = vector.shape_cast %get3A_1266 : vector<1x16xf32> to vector<16xf32>
        %add3A_1268 = arith.addf %add3A_1230, %get3A_1267 : vector<16xf32>
        %slice3A_1269 = vector.extract_strided_slice %shift_left3A_1154 {offsets = [3], sizes = [1], strides = [1]} : vector<16xi32> to vector<1xi32>
        %squeeze3A_1270 = vector.extract %slice3A_1269[0] : i32 from vector<1xi32>
        %add3A_1271 = arith.constant 3 : i32
        %add3A_1272 = arith.addi %mul3A_1144, %add3A_1271 : i32
        %add3A_1273 = arith.constant 0 : i32
        %add3A_1274 = arith.addi %squeeze3A_1270, %add3A_1273 : i32
        %get3A_1275 = arith.index_cast %add3A_1272 : i32 to index
        %get3A_1276 = arith.index_cast %add3A_1274 : i32 to index
        %get3A_1277 = tpu.vector_load %arg10[%get3A_1275, %get3A_1276] {strides = array<i32>} : memref<100x128xf32, #tpu.memory_space<vmem>>, vector<1x16xf32>,
        %get3A_1278 = vector.shape_cast %get3A_1277 : vector<1x16xf32> to vector<16xf32>
        %add3A_1279 = arith.addf %add3A_1241, %get3A_1278 : vector<16xf32>
        %add3A_1280 = arith.constant 3 : i32
        %add3A_1281 = arith.addi %mul3A_1144, %add3A_1280 : i32
        %add3A_1282 = arith.constant 16 : i32
        %add3A_1283 = arith.addi %squeeze3A_1270, %add3A_1282 : i32
        %get3A_1284 = arith.index_cast %add3A_1281 : i32 to index
        %get3A_1285 = arith.index_cast %add3A_1283 : i32 to index
        %get3A_1286 = tpu.vector_load %arg10[%get3A_1284, %get3A_1285] {strides = array<i32>} : memref<100x128xf32, #tpu.memory_space<vmem>>, vector<1x16xf32>,
        %get3A_1287 = vector.shape_cast %get3A_1286 : vector<1x16xf32> to vector<16xf32>
        %add3A_1288 = arith.addf %add3A_1250, %get3A_1287 : vector<16xf32>
        %add3A_1289 = arith.constant 3 : i32
        %add3A_1290 = arith.addi %mul3A_1144, %add3A_1289 : i32
        %add3A_1291 = arith.constant 32 : i32
        %add3A_1292 = arith.addi %squeeze3A_1270, %add3A_1291 : i32
        %get3A_1293 = arith.index_cast %add3A_1290 : i32 to index
        %get3A_1294 = arith.index_cast %add3A_1292 : i32 to index
        %get3A_1295 = tpu.vector_load %arg10[%get3A_1293, %get3A_1294] {strides = array<i32>} : memref<100x128xf32, #tpu.memory_space<vmem>>, vector<1x16xf32>,
        %get3A_1296 = vector.shape_cast %get3A_1295 : vector<1x16xf32> to vector<16xf32>
        %add3A_1297 = arith.addf %add3A_1259, %get3A_1296 : vector<16xf32>
        %add3A_1298 = arith.constant 3 : i32
        %add3A_1299 = arith.addi %mul3A_1144, %add3A_1298 : i32
        %add3A_1300 = arith.constant 48 : i32
        %add3A_1301 = arith.addi %squeeze3A_1270, %add3A_1300 : i32
        %get3A_1302 = arith.index_cast %add3A_1299 : i32 to index
        %get3A_1303 = arith.index_cast %add3A_1301 : i32 to index
        %get3A_1304 = tpu.vector_load %arg10[%get3A_1302, %get3A_1303] {strides = array<i32>} : memref<100x128xf32, #tpu.memory_space<vmem>>, vector<1x16xf32>,
        %get3A_1305 = vector.shape_cast %get3A_1304 : vector<1x16xf32> to vector<16xf32>
        %add3A_1306 = arith.addf %add3A_1268, %get3A_1305 : vector<16xf32>
        %slice3A_1307 = vector.extract_strided_slice %shift_left3A_1154 {offsets = [4], sizes = [1], strides = [1]} : vector<16xi32> to vector<1xi32>
        %squeeze3A_1308 = vector.extract %slice3A_1307[0] : i32 from vector<1xi32>
        %add3A_1309 = arith.constant 4 : i32
        %add3A_1310 = arith.addi %mul3A_1144, %add3A_1309 : i32
        %add3A_1311 = arith.constant 0 : i32
        %add3A_1312 = arith.addi %squeeze3A_1308, %add3A_1311 : i32
        %get3A_1313 = arith.index_cast %add3A_1310 : i32 to index
        %get3A_1314 = arith.index_cast %add3A_1312 : i32 to index
        %get3A_1315 = tpu.vector_load %arg10[%get3A_1313, %get3A_1314] {strides = array<i32>} : memref<100x128xf32, #tpu.memory_space<vmem>>, vector<1x16xf32>,
        %get3A_1316 = vector.shape_cast %get3A_1315 : vector<1x16xf32> to vector<16xf32>
        %add3A_1317 = arith.addf %add3A_1279, %get3A_1316 : vector<16xf32>
        %add3A_1318 = arith.constant 4 : i32
        %add3A_1319 = arith.addi %mul3A_1144, %add3A_1318 : i32
        %add3A_1320 = arith.constant 16 : i32
        %add3A_1321 = arith.addi %squeeze3A_1308, %add3A_1320 : i32
        %get3A_1322 = arith.index_cast %add3A_1319 : i32 to index
        %get3A_1323 = arith.index_cast %add3A_1321 : i32 to index
        %get3A_1324 = tpu.vector_load %arg10[%get3A_1322, %get3A_1323] {strides = array<i32>} : memref<100x128xf32, #tpu.memory_space<vmem>>, vector<1x16xf32>,
        %get3A_1325 = vector.shape_cast %get3A_1324 : vector<1x16xf32> to vector<16xf32>
        %add3A_1326 = arith.addf %add3A_1288, %get3A_1325 : vector<16xf32>
        %add3A_1327 = arith.constant 4 : i32
        %add3A_1328 = arith.addi %mul3A_1144, %add3A_1327 : i32
        %add3A_1329 = arith.constant 32 : i32
        %add3A_1330 = arith.addi %squeeze3A_1308, %add3A_1329 : i32
        %get3A_1331 = arith.index_cast %add3A_1328 : i32 to index
        %get3A_1332 = arith.index_cast %add3A_1330 : i32 to index
        %get3A_1333 = tpu.vector_load %arg10[%get3A_1331, %get3A_1332] {strides = array<i32>} : memref<100x128xf32, #tpu.memory_space<vmem>>, vector<1x16xf32>,
        %get3A_1334 = vector.shape_cast %get3A_1333 : vector<1x16xf32> to vector<16xf32>
        %add3A_1335 = arith.addf %add3A_1297, %get3A_1334 : vector<16xf32>
        %add3A_1336 = arith.constant 4 : i32
        %add3A_1337 = arith.addi %mul3A_1144, %add3A_1336 : i32
        %add3A_1338 = arith.constant 48 : i32
        %add3A_1339 = arith.addi %squeeze3A_1308, %add3A_1338 : i32
        %get3A_1340 = arith.index_cast %add3A_1337 : i32 to index
        %get3A_1341 = arith.index_cast %add3A_1339 : i32 to index
        %get3A_1342 = tpu.vector_load %arg10[%get3A_1340, %get3A_1341] {strides = array<i32>} : memref<100x128xf32, #tpu.memory_space<vmem>>, vector<1x16xf32>,
        %get3A_1343 = vector.shape_cast %get3A_1342 : vector<1x16xf32> to vector<16xf32>
        %add3A_1344 = arith.addf %add3A_1306, %get3A_1343 : vector<16xf32>
        %slice3A_1345 = vector.extract_strided_slice %shift_left3A_1154 {offsets = [5], sizes = [1], strides = [1]} : vector<16xi32> to vector<1xi32>
        %squeeze3A_1346 = vector.extract %slice3A_1345[0] : i32 from vector<1xi32>
        %add3A_1347 = arith.constant 5 : i32
        %add3A_1348 = arith.addi %mul3A_1144, %add3A_1347 : i32
        %add3A_1349 = arith.constant 0 : i32
        %add3A_1350 = arith.addi %squeeze3A_1346, %add3A_1349 : i32
        %get3A_1351 = arith.index_cast %add3A_1348 : i32 to index
        %get3A_1352 = arith.index_cast %add3A_1350 : i32 to index
        %get3A_1353 = tpu.vector_load %arg10[%get3A_1351, %get3A_1352] {strides = array<i32>} : memref<100x128xf32, #tpu.memory_space<vmem>>, vector<1x16xf32>,
        %get3A_1354 = vector.shape_cast %get3A_1353 : vector<1x16xf32> to vector<16xf32>
        %add3A_1355 = arith.addf %add3A_1317, %get3A_1354 : vector<16xf32>
        %add3A_1356 = arith.constant 5 : i32
        %add3A_1357 = arith.addi %mul3A_1144, %add3A_1356 : i32
        %add3A_1358 = arith.constant 16 : i32
        %add3A_1359 = arith.addi %squeeze3A_1346, %add3A_1358 : i32
        %get3A_1360 = arith.index_cast %add3A_1357 : i32 to index
        %get3A_1361 = arith.index_cast %add3A_1359 : i32 to index
        %get3A_1362 = tpu.vector_load %arg10[%get3A_1360, %get3A_1361] {strides = array<i32>} : memref<100x128xf32, #tpu.memory_space<vmem>>, vector<1x16xf32>,
        %get3A_1363 = vector.shape_cast %get3A_1362 : vector<1x16xf32> to vector<16xf32>
        %add3A_1364 = arith.addf %add3A_1326, %get3A_1363 : vector<16xf32>
        %add3A_1365 = arith.constant 5 : i32
        %add3A_1366 = arith.addi %mul3A_1144, %add3A_1365 : i32
        %add3A_1367 = arith.constant 32 : i32
        %add3A_1368 = arith.addi %squeeze3A_1346, %add3A_1367 : i32
        %get3A_1369 = arith.index_cast %add3A_1366 : i32 to index
        %get3A_1370 = arith.index_cast %add3A_1368 : i32 to index
        %get3A_1371 = tpu.vector_load %arg10[%get3A_1369, %get3A_1370] {strides = array<i32>} : memref<100x128xf32, #tpu.memory_space<vmem>>, vector<1x16xf32>,
        %get3A_1372 = vector.shape_cast %get3A_1371 : vector<1x16xf32> to vector<16xf32>
        %add3A_1373 = arith.addf %add3A_1335, %get3A_1372 : vector<16xf32>
        %add3A_1374 = arith.constant 5 : i32
        %add3A_1375 = arith.addi %mul3A_1144, %add3A_1374 : i32
        %add3A_1376 = arith.constant 48 : i32
        %add3A_1377 = arith.addi %squeeze3A_1346, %add3A_1376 : i32
        %get3A_1378 = arith.index_cast %add3A_1375 : i32 to index
        %get3A_1379 = arith.index_cast %add3A_1377 : i32 to index
        %get3A_1380 = tpu.vector_load %arg10[%get3A_1378, %get3A_1379] {strides = array<i32>} : memref<100x128xf32, #tpu.memory_space<vmem>>, vector<1x16xf32>,
        %get3A_1381 = vector.shape_cast %get3A_1380 : vector<1x16xf32> to vector<16xf32>
        %add3A_1382 = arith.addf %add3A_1344, %get3A_1381 : vector<16xf32>
        %slice3A_1383 = vector.extract_strided_slice %shift_left3A_1154 {offsets = [6], sizes = [1], strides = [1]} : vector<16xi32> to vector<1xi32>
        %squeeze3A_1384 = vector.extract %slice3A_1383[0] : i32 from vector<1xi32>
        %add3A_1385 = arith.constant 6 : i32
        %add3A_1386 = arith.addi %mul3A_1144, %add3A_1385 : i32
        %add3A_1387 = arith.constant 0 : i32
        %add3A_1388 = arith.addi %squeeze3A_1384, %add3A_1387 : i32
        %get3A_1389 = arith.index_cast %add3A_1386 : i32 to index
        %get3A_1390 = arith.index_cast %add3A_1388 : i32 to index
        %get3A_1391 = tpu.vector_load %arg10[%get3A_1389, %get3A_1390] {strides = array<i32>} : memref<100x128xf32, #tpu.memory_space<vmem>>, vector<1x16xf32>,
        %get3A_1392 = vector.shape_cast %get3A_1391 : vector<1x16xf32> to vector<16xf32>
        %add3A_1393 = arith.addf %add3A_1355, %get3A_1392 : vector<16xf32>
        %add3A_1394 = arith.constant 6 : i32
        %add3A_1395 = arith.addi %mul3A_1144, %add3A_1394 : i32
        %add3A_1396 = arith.constant 16 : i32
        %add3A_1397 = arith.addi %squeeze3A_1384, %add3A_1396 : i32
        %get3A_1398 = arith.index_cast %add3A_1395 : i32 to index
        %get3A_1399 = arith.index_cast %add3A_1397 : i32 to index
        %get3A_1400 = tpu.vector_load %arg10[%get3A_1398, %get3A_1399] {strides = array<i32>} : memref<100x128xf32, #tpu.memory_space<vmem>>, vector<1x16xf32>,
        %get3A_1401 = vector.shape_cast %get3A_1400 : vector<1x16xf32> to vector<16xf32>
        %add3A_1402 = arith.addf %add3A_1364, %get3A_1401 : vector<16xf32>
        %add3A_1403 = arith.constant 6 : i32
        %add3A_1404 = arith.addi %mul3A_1144, %add3A_1403 : i32
        %add3A_1405 = arith.constant 32 : i32
        %add3A_1406 = arith.addi %squeeze3A_1384, %add3A_1405 : i32
        %get3A_1407 = arith.index_cast %add3A_1404 : i32 to index
        %get3A_1408 = arith.index_cast %add3A_1406 : i32 to index
        %get3A_1409 = tpu.vector_load %arg10[%get3A_1407, %get3A_1408] {strides = array<i32>} : memref<100x128xf32, #tpu.memory_space<vmem>>, vector<1x16xf32>,
        %get3A_1410 = vector.shape_cast %get3A_1409 : vector<1x16xf32> to vector<16xf32>
        %add3A_1411 = arith.addf %add3A_1373, %get3A_1410 : vector<16xf32>
        %add3A_1412 = arith.constant 6 : i32
        %add3A_1413 = arith.addi %mul3A_1144, %add3A_1412 : i32
        %add3A_1414 = arith.constant 48 : i32
        %add3A_1415 = arith.addi %squeeze3A_1384, %add3A_1414 : i32
        %get3A_1416 = arith.index_cast %add3A_1413 : i32 to index
        %get3A_1417 = arith.index_cast %add3A_1415 : i32 to index
        %get3A_1418 = tpu.vector_load %arg10[%get3A_1416, %get3A_1417] {strides = array<i32>} : memref<100x128xf32, #tpu.memory_space<vmem>>, vector<1x16xf32>,
        %get3A_1419 = vector.shape_cast %get3A_1418 : vector<1x16xf32> to vector<16xf32>
        %add3A_1420 = arith.addf %add3A_1382, %get3A_1419 : vector<16xf32>
        %slice3A_1421 = vector.extract_strided_slice %shift_left3A_1154 {offsets = [7], sizes = [1], strides = [1]} : vector<16xi32> to vector<1xi32>
        %squeeze3A_1422 = vector.extract %slice3A_1421[0] : i32 from vector<1xi32>
        %add3A_1423 = arith.constant 7 : i32
        %add3A_1424 = arith.addi %mul3A_1144, %add3A_1423 : i32
        %add3A_1425 = arith.constant 0 : i32
        %add3A_1426 = arith.addi %squeeze3A_1422, %add3A_1425 : i32
        %get3A_1427 = arith.index_cast %add3A_1424 : i32 to index
        %get3A_1428 = arith.index_cast %add3A_1426 : i32 to index
        %get3A_1429 = tpu.vector_load %arg10[%get3A_1427, %get3A_1428] {strides = array<i32>} : memref<100x128xf32, #tpu.memory_space<vmem>>, vector<1x16xf32>,
        %get3A_1430 = vector.shape_cast %get3A_1429 : vector<1x16xf32> to vector<16xf32>
        %add3A_1431 = arith.addf %add3A_1393, %get3A_1430 : vector<16xf32>
        %add3A_1432 = arith.constant 7 : i32
        %add3A_1433 = arith.addi %mul3A_1144, %add3A_1432 : i32
        %add3A_1434 = arith.constant 16 : i32
        %add3A_1435 = arith.addi %squeeze3A_1422, %add3A_1434 : i32
        %get3A_1436 = arith.index_cast %add3A_1433 : i32 to index
        %get3A_1437 = arith.index_cast %add3A_1435 : i32 to index
        %get3A_1438 = tpu.vector_load %arg10[%get3A_1436, %get3A_1437] {strides = array<i32>} : memref<100x128xf32, #tpu.memory_space<vmem>>, vector<1x16xf32>,
        %get3A_1439 = vector.shape_cast %get3A_1438 : vector<1x16xf32> to vector<16xf32>
        %add3A_1440 = arith.addf %add3A_1402, %get3A_1439 : vector<16xf32>
        %add3A_1441 = arith.constant 7 : i32
        %add3A_1442 = arith.addi %mul3A_1144, %add3A_1441 : i32
        %add3A_1443 = arith.constant 32 : i32
        %add3A_1444 = arith.addi %squeeze3A_1422, %add3A_1443 : i32
        %get3A_1445 = arith.index_cast %add3A_1442 : i32 to index
        %get3A_1446 = arith.index_cast %add3A_1444 : i32 to index
        %get3A_1447 = tpu.vector_load %arg10[%get3A_1445, %get3A_1446] {strides = array<i32>} : memref<100x128xf32, #tpu.memory_space<vmem>>, vector<1x16xf32>,
        %get3A_1448 = vector.shape_cast %get3A_1447 : vector<1x16xf32> to vector<16xf32>
        %add3A_1449 = arith.addf %add3A_1411, %get3A_1448 : vector<16xf32>
        %add3A_1450 = arith.constant 7 : i32
        %add3A_1451 = arith.addi %mul3A_1144, %add3A_1450 : i32
        %add3A_1452 = arith.constant 48 : i32
        %add3A_1453 = arith.addi %squeeze3A_1422, %add3A_1452 : i32
        %get3A_1454 = arith.index_cast %add3A_1451 : i32 to index
        %get3A_1455 = arith.index_cast %add3A_1453 : i32 to index
        %get3A_1456 = tpu.vector_load %arg10[%get3A_1454, %get3A_1455] {strides = array<i32>} : memref<100x128xf32, #tpu.memory_space<vmem>>, vector<1x16xf32>,
        %get3A_1457 = vector.shape_cast %get3A_1456 : vector<1x16xf32> to vector<16xf32>
        %add3A_1458 = arith.addf %add3A_1420, %get3A_1457 : vector<16xf32>
        %slice3A_1459 = vector.extract_strided_slice %shift_left3A_1154 {offsets = [8], sizes = [1], strides = [1]} : vector<16xi32> to vector<1xi32>
        %squeeze3A_1460 = vector.extract %slice3A_1459[0] : i32 from vector<1xi32>
        %add3A_1461 = arith.constant 8 : i32
        %add3A_1462 = arith.addi %mul3A_1144, %add3A_1461 : i32
        %add3A_1463 = arith.constant 0 : i32
        %add3A_1464 = arith.addi %squeeze3A_1460, %add3A_1463 : i32
        %get3A_1465 = arith.index_cast %add3A_1462 : i32 to index
        %get3A_1466 = arith.index_cast %add3A_1464 : i32 to index
        %get3A_1467 = tpu.vector_load %arg10[%get3A_1465, %get3A_1466] {strides = array<i32>} : memref<100x128xf32, #tpu.memory_space<vmem>>, vector<1x16xf32>,
        %get3A_1468 = vector.shape_cast %get3A_1467 : vector<1x16xf32> to vector<16xf32>
        %add3A_1469 = arith.addf %add3A_1431, %get3A_1468 : vector<16xf32>
        %add3A_1470 = arith.constant 8 : i32
        %add3A_1471 = arith.addi %mul3A_1144, %add3A_1470 : i32
        %add3A_1472 = arith.constant 16 : i32
        %add3A_1473 = arith.addi %squeeze3A_1460, %add3A_1472 : i32
        %get3A_1474 = arith.index_cast %add3A_1471 : i32 to index
        %get3A_1475 = arith.index_cast %add3A_1473 : i32 to index
        %get3A_1476 = tpu.vector_load %arg10[%get3A_1474, %get3A_1475] {strides = array<i32>} : memref<100x128xf32, #tpu.memory_space<vmem>>, vector<1x16xf32>,
        %get3A_1477 = vector.shape_cast %get3A_1476 : vector<1x16xf32> to vector<16xf32>
        %add3A_1478 = arith.addf %add3A_1440, %get3A_1477 : vector<16xf32>
        %add3A_1479 = arith.constant 8 : i32
        %add3A_1480 = arith.addi %mul3A_1144, %add3A_1479 : i32
        %add3A_1481 = arith.constant 32 : i32
        %add3A_1482 = arith.addi %squeeze3A_1460, %add3A_1481 : i32
        %get3A_1483 = arith.index_cast %add3A_1480 : i32 to index
        %get3A_1484 = arith.index_cast %add3A_1482 : i32 to index
        %get3A_1485 = tpu.vector_load %arg10[%get3A_1483, %get3A_1484] {strides = array<i32>} : memref<100x128xf32, #tpu.memory_space<vmem>>, vector<1x16xf32>,
        %get3A_1486 = vector.shape_cast %get3A_1485 : vector<1x16xf32> to vector<16xf32>
        %add3A_1487 = arith.addf %add3A_1449, %get3A_1486 : vector<16xf32>
        %add3A_1488 = arith.constant 8 : i32
        %add3A_1489 = arith.addi %mul3A_1144, %add3A_1488 : i32
        %add3A_1490 = arith.constant 48 : i32
        %add3A_1491 = arith.addi %squeeze3A_1460, %add3A_1490 : i32
        %get3A_1492 = arith.index_cast %add3A_1489 : i32 to index
        %get3A_1493 = arith.index_cast %add3A_1491 : i32 to index
        %get3A_1494 = tpu.vector_load %arg10[%get3A_1492, %get3A_1493] {strides = array<i32>} : memref<100x128xf32, #tpu.memory_space<vmem>>, vector<1x16xf32>,
        %get3A_1495 = vector.shape_cast %get3A_1494 : vector<1x16xf32> to vector<16xf32>
        %add3A_1496 = arith.addf %add3A_1458, %get3A_1495 : vector<16xf32>
        %slice3A_1497 = vector.extract_strided_slice %shift_left3A_1154 {offsets = [9], sizes = [1], strides = [1]} : vector<16xi32> to vector<1xi32>
        %squeeze3A_1498 = vector.extract %slice3A_1497[0] : i32 from vector<1xi32>
        %add3A_1499 = arith.constant 9 : i32
        %add3A_1500 = arith.addi %mul3A_1144, %add3A_1499 : i32
        %add3A_1501 = arith.constant 0 : i32
        %add3A_1502 = arith.addi %squeeze3A_1498, %add3A_1501 : i32
        %get3A_1503 = arith.index_cast %add3A_1500 : i32 to index
        %get3A_1504 = arith.index_cast %add3A_1502 : i32 to index
        %get3A_1505 = tpu.vector_load %arg10[%get3A_1503, %get3A_1504] {strides = array<i32>} : memref<100x128xf32, #tpu.memory_space<vmem>>, vector<1x16xf32>,
        %get3A_1506 = vector.shape_cast %get3A_1505 : vector<1x16xf32> to vector<16xf32>
        %add3A_1507 = arith.addf %add3A_1469, %get3A_1506 : vector<16xf32>
        %add3A_1508 = arith.constant 9 : i32
        %add3A_1509 = arith.addi %mul3A_1144, %add3A_1508 : i32
        %add3A_1510 = arith.constant 16 : i32
        %add3A_1511 = arith.addi %squeeze3A_1498, %add3A_1510 : i32
        %get3A_1512 = arith.index_cast %add3A_1509 : i32 to index
        %get3A_1513 = arith.index_cast %add3A_1511 : i32 to index
        %get3A_1514 = tpu.vector_load %arg10[%get3A_1512, %get3A_1513] {strides = array<i32>} : memref<100x128xf32, #tpu.memory_space<vmem>>, vector<1x16xf32>,
        %get3A_1515 = vector.shape_cast %get3A_1514 : vector<1x16xf32> to vector<16xf32>
        %add3A_1516 = arith.addf %add3A_1478, %get3A_1515 : vector<16xf32>
        %add3A_1517 = arith.constant 9 : i32
        %add3A_1518 = arith.addi %mul3A_1144, %add3A_1517 : i32
        %add3A_1519 = arith.constant 32 : i32
        %add3A_1520 = arith.addi %squeeze3A_1498, %add3A_1519 : i32
        %get3A_1521 = arith.index_cast %add3A_1518 : i32 to index
        %get3A_1522 = arith.index_cast %add3A_1520 : i32 to index
        %get3A_1523 = tpu.vector_load %arg10[%get3A_1521, %get3A_1522] {strides = array<i32>} : memref<100x128xf32, #tpu.memory_space<vmem>>, vector<1x16xf32>,
        %get3A_1524 = vector.shape_cast %get3A_1523 : vector<1x16xf32> to vector<16xf32>
        %add3A_1525 = arith.addf %add3A_1487, %get3A_1524 : vector<16xf32>
        %add3A_1526 = arith.constant 9 : i32
        %add3A_1527 = arith.addi %mul3A_1144, %add3A_1526 : i32
        %add3A_1528 = arith.constant 48 : i32
        %add3A_1529 = arith.addi %squeeze3A_1498, %add3A_1528 : i32
        %get3A_1530 = arith.index_cast %add3A_1527 : i32 to index
        %get3A_1531 = arith.index_cast %add3A_1529 : i32 to index
        %get3A_1532 = tpu.vector_load %arg10[%get3A_1530, %get3A_1531] {strides = array<i32>} : memref<100x128xf32, #tpu.memory_space<vmem>>, vector<1x16xf32>,
        %get3A_1533 = vector.shape_cast %get3A_1532 : vector<1x16xf32> to vector<16xf32>
        %add3A_1534 = arith.addf %add3A_1496, %get3A_1533 : vector<16xf32>
        %slice3A_1535 = vector.extract_strided_slice %shift_left3A_1154 {offsets = [10], sizes = [1], strides = [1]} : vector<16xi32> to vector<1xi32>
        %squeeze3A_1536 = vector.extract %slice3A_1535[0] : i32 from vector<1xi32>
        %add3A_1537 = arith.constant 10 : i32
        %add3A_1538 = arith.addi %mul3A_1144, %add3A_1537 : i32
        %add3A_1539 = arith.constant 0 : i32
        %add3A_1540 = arith.addi %squeeze3A_1536, %add3A_1539 : i32
        %get3A_1541 = arith.index_cast %add3A_1538 : i32 to index
        %get3A_1542 = arith.index_cast %add3A_1540 : i32 to index
        %get3A_1543 = tpu.vector_load %arg10[%get3A_1541, %get3A_1542] {strides = array<i32>} : memref<100x128xf32, #tpu.memory_space<vmem>>, vector<1x16xf32>,
        %get3A_1544 = vector.shape_cast %get3A_1543 : vector<1x16xf32> to vector<16xf32>
        %add3A_1545 = arith.addf %add3A_1507, %get3A_1544 : vector<16xf32>
        %add3A_1546 = arith.constant 10 : i32
        %add3A_1547 = arith.addi %mul3A_1144, %add3A_1546 : i32
        %add3A_1548 = arith.constant 16 : i32
        %add3A_1549 = arith.addi %squeeze3A_1536, %add3A_1548 : i32
        %get3A_1550 = arith.index_cast %add3A_1547 : i32 to index
        %get3A_1551 = arith.index_cast %add3A_1549 : i32 to index
        %get3A_1552 = tpu.vector_load %arg10[%get3A_1550, %get3A_1551] {strides = array<i32>} : memref<100x128xf32, #tpu.memory_space<vmem>>, vector<1x16xf32>,
        %get3A_1553 = vector.shape_cast %get3A_1552 : vector<1x16xf32> to vector<16xf32>
        %add3A_1554 = arith.addf %add3A_1516, %get3A_1553 : vector<16xf32>
        %add3A_1555 = arith.constant 10 : i32
        %add3A_1556 = arith.addi %mul3A_1144, %add3A_1555 : i32
        %add3A_1557 = arith.constant 32 : i32
        %add3A_1558 = arith.addi %squeeze3A_1536, %add3A_1557 : i32
        %get3A_1559 = arith.index_cast %add3A_1556 : i32 to index
        %get3A_1560 = arith.index_cast %add3A_1558 : i32 to index
        %get3A_1561 = tpu.vector_load %arg10[%get3A_1559, %get3A_1560] {strides = array<i32>} : memref<100x128xf32, #tpu.memory_space<vmem>>, vector<1x16xf32>,
        %get3A_1562 = vector.shape_cast %get3A_1561 : vector<1x16xf32> to vector<16xf32>
        %add3A_1563 = arith.addf %add3A_1525, %get3A_1562 : vector<16xf32>
        %add3A_1564 = arith.constant 10 : i32
        %add3A_1565 = arith.addi %mul3A_1144, %add3A_1564 : i32
        %add3A_1566 = arith.constant 48 : i32
        %add3A_1567 = arith.addi %squeeze3A_1536, %add3A_1566 : i32
        %get3A_1568 = arith.index_cast %add3A_1565 : i32 to index
        %get3A_1569 = arith.index_cast %add3A_1567 : i32 to index
        %get3A_1570 = tpu.vector_load %arg10[%get3A_1568, %get3A_1569] {strides = array<i32>} : memref<100x128xf32, #tpu.memory_space<vmem>>, vector<1x16xf32>,
        %get3A_1571 = vector.shape_cast %get3A_1570 : vector<1x16xf32> to vector<16xf32>
        %add3A_1572 = arith.addf %add3A_1534, %get3A_1571 : vector<16xf32>
        %slice3A_1573 = vector.extract_strided_slice %shift_left3A_1154 {offsets = [11], sizes = [1], strides = [1]} : vector<16xi32> to vector<1xi32>
        %squeeze3A_1574 = vector.extract %slice3A_1573[0] : i32 from vector<1xi32>
        %add3A_1575 = arith.constant 11 : i32
        %add3A_1576 = arith.addi %mul3A_1144, %add3A_1575 : i32
        %add3A_1577 = arith.constant 0 : i32
        %add3A_1578 = arith.addi %squeeze3A_1574, %add3A_1577 : i32
        %get3A_1579 = arith.index_cast %add3A_1576 : i32 to index
        %get3A_1580 = arith.index_cast %add3A_1578 : i32 to index
        %get3A_1581 = tpu.vector_load %arg10[%get3A_1579, %get3A_1580] {strides = array<i32>} : memref<100x128xf32, #tpu.memory_space<vmem>>, vector<1x16xf32>,
        %get3A_1582 = vector.shape_cast %get3A_1581 : vector<1x16xf32> to vector<16xf32>
        %add3A_1583 = arith.addf %add3A_1545, %get3A_1582 : vector<16xf32>
        %add3A_1584 = arith.constant 11 : i32
        %add3A_1585 = arith.addi %mul3A_1144, %add3A_1584 : i32
        %add3A_1586 = arith.constant 16 : i32
        %add3A_1587 = arith.addi %squeeze3A_1574, %add3A_1586 : i32
        %get3A_1588 = arith.index_cast %add3A_1585 : i32 to index
        %get3A_1589 = arith.index_cast %add3A_1587 : i32 to index
        %get3A_1590 = tpu.vector_load %arg10[%get3A_1588, %get3A_1589] {strides = array<i32>} : memref<100x128xf32, #tpu.memory_space<vmem>>, vector<1x16xf32>,
        %get3A_1591 = vector.shape_cast %get3A_1590 : vector<1x16xf32> to vector<16xf32>
        %add3A_1592 = arith.addf %add3A_1554, %get3A_1591 : vector<16xf32>
        %add3A_1593 = arith.constant 11 : i32
        %add3A_1594 = arith.addi %mul3A_1144, %add3A_1593 : i32
        %add3A_1595 = arith.constant 32 : i32
        %add3A_1596 = arith.addi %squeeze3A_1574, %add3A_1595 : i32
        %get3A_1597 = arith.index_cast %add3A_1594 : i32 to index
        %get3A_1598 = arith.index_cast %add3A_1596 : i32 to index
        %get3A_1599 = tpu.vector_load %arg10[%get3A_1597, %get3A_1598] {strides = array<i32>} : memref<100x128xf32, #tpu.memory_space<vmem>>, vector<1x16xf32>,
        %get3A_1600 = vector.shape_cast %get3A_1599 : vector<1x16xf32> to vector<16xf32>
        %add3A_1601 = arith.addf %add3A_1563, %get3A_1600 : vector<16xf32>
        %add3A_1602 = arith.constant 11 : i32
        %add3A_1603 = arith.addi %mul3A_1144, %add3A_1602 : i32
        %add3A_1604 = arith.constant 48 : i32
        %add3A_1605 = arith.addi %squeeze3A_1574, %add3A_1604 : i32
        %get3A_1606 = arith.index_cast %add3A_1603 : i32 to index
        %get3A_1607 = arith.index_cast %add3A_1605 : i32 to index
        %get3A_1608 = tpu.vector_load %arg10[%get3A_1606, %get3A_1607] {strides = array<i32>} : memref<100x128xf32, #tpu.memory_space<vmem>>, vector<1x16xf32>,
        %get3A_1609 = vector.shape_cast %get3A_1608 : vector<1x16xf32> to vector<16xf32>
        %add3A_1610 = arith.addf %add3A_1572, %get3A_1609 : vector<16xf32>
        %slice3A_1611 = vector.extract_strided_slice %shift_left3A_1154 {offsets = [12], sizes = [1], strides = [1]} : vector<16xi32> to vector<1xi32>
        %squeeze3A_1612 = vector.extract %slice3A_1611[0] : i32 from vector<1xi32>
        %add3A_1613 = arith.constant 12 : i32
        %add3A_1614 = arith.addi %mul3A_1144, %add3A_1613 : i32
        %add3A_1615 = arith.constant 0 : i32
        %add3A_1616 = arith.addi %squeeze3A_1612, %add3A_1615 : i32
        %get3A_1617 = arith.index_cast %add3A_1614 : i32 to index
        %get3A_1618 = arith.index_cast %add3A_1616 : i32 to index
        %get3A_1619 = tpu.vector_load %arg10[%get3A_1617, %get3A_1618] {strides = array<i32>} : memref<100x128xf32, #tpu.memory_space<vmem>>, vector<1x16xf32>,
        %get3A_1620 = vector.shape_cast %get3A_1619 : vector<1x16xf32> to vector<16xf32>
        %add3A_1621 = arith.addf %add3A_1583, %get3A_1620 : vector<16xf32>
        %add3A_1622 = arith.constant 12 : i32
        %add3A_1623 = arith.addi %mul3A_1144, %add3A_1622 : i32
        %add3A_1624 = arith.constant 16 : i32
        %add3A_1625 = arith.addi %squeeze3A_1612, %add3A_1624 : i32
        %get3A_1626 = arith.index_cast %add3A_1623 : i32 to index
        %get3A_1627 = arith.index_cast %add3A_1625 : i32 to index
        %get3A_1628 = tpu.vector_load %arg10[%get3A_1626, %get3A_1627] {strides = array<i32>} : memref<100x128xf32, #tpu.memory_space<vmem>>, vector<1x16xf32>,
        %get3A_1629 = vector.shape_cast %get3A_1628 : vector<1x16xf32> to vector<16xf32>
        %add3A_1630 = arith.addf %add3A_1592, %get3A_1629 : vector<16xf32>
        %add3A_1631 = arith.constant 12 : i32
        %add3A_1632 = arith.addi %mul3A_1144, %add3A_1631 : i32
        %add3A_1633 = arith.constant 32 : i32
        %add3A_1634 = arith.addi %squeeze3A_1612, %add3A_1633 : i32
        %get3A_1635 = arith.index_cast %add3A_1632 : i32 to index
        %get3A_1636 = arith.index_cast %add3A_1634 : i32 to index
        %get3A_1637 = tpu.vector_load %arg10[%get3A_1635, %get3A_1636] {strides = array<i32>} : memref<100x128xf32, #tpu.memory_space<vmem>>, vector<1x16xf32>,
        %get3A_1638 = vector.shape_cast %get3A_1637 : vector<1x16xf32> to vector<16xf32>
        %add3A_1639 = arith.addf %add3A_1601, %get3A_1638 : vector<16xf32>
        %add3A_1640 = arith.constant 12 : i32
        %add3A_1641 = arith.addi %mul3A_1144, %add3A_1640 : i32
        %add3A_1642 = arith.constant 48 : i32
        %add3A_1643 = arith.addi %squeeze3A_1612, %add3A_1642 : i32
        %get3A_1644 = arith.index_cast %add3A_1641 : i32 to index
        %get3A_1645 = arith.index_cast %add3A_1643 : i32 to index
        %get3A_1646 = tpu.vector_load %arg10[%get3A_1644, %get3A_1645] {strides = array<i32>} : memref<100x128xf32, #tpu.memory_space<vmem>>, vector<1x16xf32>,
        %get3A_1647 = vector.shape_cast %get3A_1646 : vector<1x16xf32> to vector<16xf32>
        %add3A_1648 = arith.addf %add3A_1610, %get3A_1647 : vector<16xf32>
        %slice3A_1649 = vector.extract_strided_slice %shift_left3A_1154 {offsets = [13], sizes = [1], strides = [1]} : vector<16xi32> to vector<1xi32>
        %squeeze3A_1650 = vector.extract %slice3A_1649[0] : i32 from vector<1xi32>
        %add3A_1651 = arith.constant 13 : i32
        %add3A_1652 = arith.addi %mul3A_1144, %add3A_1651 : i32
        %add3A_1653 = arith.constant 0 : i32
        %add3A_1654 = arith.addi %squeeze3A_1650, %add3A_1653 : i32
        %get3A_1655 = arith.index_cast %add3A_1652 : i32 to index
        %get3A_1656 = arith.index_cast %add3A_1654 : i32 to index
        %get3A_1657 = tpu.vector_load %arg10[%get3A_1655, %get3A_1656] {strides = array<i32>} : memref<100x128xf32, #tpu.memory_space<vmem>>, vector<1x16xf32>,
        %get3A_1658 = vector.shape_cast %get3A_1657 : vector<1x16xf32> to vector<16xf32>
        %add3A_1659 = arith.addf %add3A_1621, %get3A_1658 : vector<16xf32>
        %add3A_1660 = arith.constant 13 : i32
        %add3A_1661 = arith.addi %mul3A_1144, %add3A_1660 : i32
        %add3A_1662 = arith.constant 16 : i32
        %add3A_1663 = arith.addi %squeeze3A_1650, %add3A_1662 : i32
        %get3A_1664 = arith.index_cast %add3A_1661 : i32 to index
        %get3A_1665 = arith.index_cast %add3A_1663 : i32 to index
        %get3A_1666 = tpu.vector_load %arg10[%get3A_1664, %get3A_1665] {strides = array<i32>} : memref<100x128xf32, #tpu.memory_space<vmem>>, vector<1x16xf32>,
        %get3A_1667 = vector.shape_cast %get3A_1666 : vector<1x16xf32> to vector<16xf32>
        %add3A_1668 = arith.addf %add3A_1630, %get3A_1667 : vector<16xf32>
        %add3A_1669 = arith.constant 13 : i32
        %add3A_1670 = arith.addi %mul3A_1144, %add3A_1669 : i32
        %add3A_1671 = arith.constant 32 : i32
        %add3A_1672 = arith.addi %squeeze3A_1650, %add3A_1671 : i32
        %get3A_1673 = arith.index_cast %add3A_1670 : i32 to index
        %get3A_1674 = arith.index_cast %add3A_1672 : i32 to index
        %get3A_1675 = tpu.vector_load %arg10[%get3A_1673, %get3A_1674] {strides = array<i32>} : memref<100x128xf32, #tpu.memory_space<vmem>>, vector<1x16xf32>,
        %get3A_1676 = vector.shape_cast %get3A_1675 : vector<1x16xf32> to vector<16xf32>
        %add3A_1677 = arith.addf %add3A_1639, %get3A_1676 : vector<16xf32>
        %add3A_1678 = arith.constant 13 : i32
        %add3A_1679 = arith.addi %mul3A_1144, %add3A_1678 : i32
        %add3A_1680 = arith.constant 48 : i32
        %add3A_1681 = arith.addi %squeeze3A_1650, %add3A_1680 : i32
        %get3A_1682 = arith.index_cast %add3A_1679 : i32 to index
        %get3A_1683 = arith.index_cast %add3A_1681 : i32 to index
        %get3A_1684 = tpu.vector_load %arg10[%get3A_1682, %get3A_1683] {strides = array<i32>} : memref<100x128xf32, #tpu.memory_space<vmem>>, vector<1x16xf32>,
        %get3A_1685 = vector.shape_cast %get3A_1684 : vector<1x16xf32> to vector<16xf32>
        %add3A_1686 = arith.addf %add3A_1648, %get3A_1685 : vector<16xf32>
        %slice3A_1687 = vector.extract_strided_slice %shift_left3A_1154 {offsets = [14], sizes = [1], strides = [1]} : vector<16xi32> to vector<1xi32>
        %squeeze3A_1688 = vector.extract %slice3A_1687[0] : i32 from vector<1xi32>
        %add3A_1689 = arith.constant 14 : i32
        %add3A_1690 = arith.addi %mul3A_1144, %add3A_1689 : i32
        %add3A_1691 = arith.constant 0 : i32
        %add3A_1692 = arith.addi %squeeze3A_1688, %add3A_1691 : i32
        %get3A_1693 = arith.index_cast %add3A_1690 : i32 to index
        %get3A_1694 = arith.index_cast %add3A_1692 : i32 to index
        %get3A_1695 = tpu.vector_load %arg10[%get3A_1693, %get3A_1694] {strides = array<i32>} : memref<100x128xf32, #tpu.memory_space<vmem>>, vector<1x16xf32>,
        %get3A_1696 = vector.shape_cast %get3A_1695 : vector<1x16xf32> to vector<16xf32>
        %add3A_1697 = arith.addf %add3A_1659, %get3A_1696 : vector<16xf32>
        %add3A_1698 = arith.constant 14 : i32
        %add3A_1699 = arith.addi %mul3A_1144, %add3A_1698 : i32
        %add3A_1700 = arith.constant 16 : i32
        %add3A_1701 = arith.addi %squeeze3A_1688, %add3A_1700 : i32
        %get3A_1702 = arith.index_cast %add3A_1699 : i32 to index
        %get3A_1703 = arith.index_cast %add3A_1701 : i32 to index
        %get3A_1704 = tpu.vector_load %arg10[%get3A_1702, %get3A_1703] {strides = array<i32>} : memref<100x128xf32, #tpu.memory_space<vmem>>, vector<1x16xf32>,
        %get3A_1705 = vector.shape_cast %get3A_1704 : vector<1x16xf32> to vector<16xf32>
        %add3A_1706 = arith.addf %add3A_1668, %get3A_1705 : vector<16xf32>
        %add3A_1707 = arith.constant 14 : i32
        %add3A_1708 = arith.addi %mul3A_1144, %add3A_1707 : i32
        %add3A_1709 = arith.constant 32 : i32
        %add3A_1710 = arith.addi %squeeze3A_1688, %add3A_1709 : i32
        %get3A_1711 = arith.index_cast %add3A_1708 : i32 to index
        %get3A_1712 = arith.index_cast %add3A_1710 : i32 to index
        %get3A_1713 = tpu.vector_load %arg10[%get3A_1711, %get3A_1712] {strides = array<i32>} : memref<100x128xf32, #tpu.memory_space<vmem>>, vector<1x16xf32>,
        %get3A_1714 = vector.shape_cast %get3A_1713 : vector<1x16xf32> to vector<16xf32>
        %add3A_1715 = arith.addf %add3A_1677, %get3A_1714 : vector<16xf32>
        %add3A_1716 = arith.constant 14 : i32
        %add3A_1717 = arith.addi %mul3A_1144, %add3A_1716 : i32
        %add3A_1718 = arith.constant 48 : i32
        %add3A_1719 = arith.addi %squeeze3A_1688, %add3A_1718 : i32
        %get3A_1720 = arith.index_cast %add3A_1717 : i32 to index
        %get3A_1721 = arith.index_cast %add3A_1719 : i32 to index
        %get3A_1722 = tpu.vector_load %arg10[%get3A_1720, %get3A_1721] {strides = array<i32>} : memref<100x128xf32, #tpu.memory_space<vmem>>, vector<1x16xf32>,
        %get3A_1723 = vector.shape_cast %get3A_1722 : vector<1x16xf32> to vector<16xf32>
        %add3A_1724 = arith.addf %add3A_1686, %get3A_1723 : vector<16xf32>
        %slice3A_1725 = vector.extract_strided_slice %shift_left3A_1154 {offsets = [15], sizes = [1], strides = [1]} : vector<16xi32> to vector<1xi32>
        %squeeze3A_1726 = vector.extract %slice3A_1725[0] : i32 from vector<1xi32>
        %add3A_1727 = arith.constant 15 : i32
        %add3A_1728 = arith.addi %mul3A_1144, %add3A_1727 : i32
        %add3A_1729 = arith.constant 0 : i32
        %add3A_1730 = arith.addi %squeeze3A_1726, %add3A_1729 : i32
        %get3A_1731 = arith.index_cast %add3A_1728 : i32 to index
        %get3A_1732 = arith.index_cast %add3A_1730 : i32 to index
        %get3A_1733 = tpu.vector_load %arg10[%get3A_1731, %get3A_1732] {strides = array<i32>} : memref<100x128xf32, #tpu.memory_space<vmem>>, vector<1x16xf32>,
        %get3A_1734 = vector.shape_cast %get3A_1733 : vector<1x16xf32> to vector<16xf32>
        %add3A_1735 = arith.addf %add3A_1697, %get3A_1734 : vector<16xf32>
        %add3A_1736 = arith.constant 15 : i32
        %add3A_1737 = arith.addi %mul3A_1144, %add3A_1736 : i32
        %add3A_1738 = arith.constant 16 : i32
        %add3A_1739 = arith.addi %squeeze3A_1726, %add3A_1738 : i32
        %get3A_1740 = arith.index_cast %add3A_1737 : i32 to index
        %get3A_1741 = arith.index_cast %add3A_1739 : i32 to index
        %get3A_1742 = tpu.vector_load %arg10[%get3A_1740, %get3A_1741] {strides = array<i32>} : memref<100x128xf32, #tpu.memory_space<vmem>>, vector<1x16xf32>,
        %get3A_1743 = vector.shape_cast %get3A_1742 : vector<1x16xf32> to vector<16xf32>
        %add3A_1744 = arith.addf %add3A_1706, %get3A_1743 : vector<16xf32>
        %add3A_1745 = arith.constant 15 : i32
        %add3A_1746 = arith.addi %mul3A_1144, %add3A_1745 : i32
        %add3A_1747 = arith.constant 32 : i32
        %add3A_1748 = arith.addi %squeeze3A_1726, %add3A_1747 : i32
        %get3A_1749 = arith.index_cast %add3A_1746 : i32 to index
        %get3A_1750 = arith.index_cast %add3A_1748 : i32 to index
        %get3A_1751 = tpu.vector_load %arg10[%get3A_1749, %get3A_1750] {strides = array<i32>} : memref<100x128xf32, #tpu.memory_space<vmem>>, vector<1x16xf32>,
        %get3A_1752 = vector.shape_cast %get3A_1751 : vector<1x16xf32> to vector<16xf32>
        %add3A_1753 = arith.addf %add3A_1715, %get3A_1752 : vector<16xf32>
        %add3A_1754 = arith.constant 15 : i32
        %add3A_1755 = arith.addi %mul3A_1144, %add3A_1754 : i32
        %add3A_1756 = arith.constant 48 : i32
        %add3A_1757 = arith.addi %squeeze3A_1726, %add3A_1756 : i32
        %get3A_1758 = arith.index_cast %add3A_1755 : i32 to index
        %get3A_1759 = arith.index_cast %add3A_1757 : i32 to index
        %get3A_1760 = tpu.vector_load %arg10[%get3A_1758, %get3A_1759] {strides = array<i32>} : memref<100x128xf32, #tpu.memory_space<vmem>>, vector<1x16xf32>,
        %get3A_1761 = vector.shape_cast %get3A_1760 : vector<1x16xf32> to vector<16xf32>
        %add3A_1762 = arith.addf %add3A_1724, %get3A_1761 : vector<16xf32>
        scf.yield %add3A_1735, %add3A_1744, %add3A_1753, %add3A_1762 : vector<16xf32>, vector<16xf32>, vector<16xf32>, vector<16xf32>
      }
      %scan3A_365 = arith.constant 6 : i32
      %get3A_366 = arith.index_cast %add3A_357 : i32 to index
      %get3A_367 = arith.constant 84 : index
      %get3A_368 = tpu.vector_load %arg5[%get3A_366, %get3A_367] {strides = array<i32>} : memref<256x100xi32, #tpu.memory_space<vmem>>, vector<1x16xi32>,
      %get3A_369 = vector.shape_cast %get3A_368 : vector<1x16xi32> to vector<16xi32>
      %and3A = arith.constant 1 : i32
      %and3A_370 = vector.broadcast %and3A : i32 to vector<16xi32>
      %and3A_371 = arith.andi %get3A_369, %and3A_370 : vector<16xi32>
      %shift_left3A = arith.constant 6 : i32
      %shift_left3A_372 = vector.broadcast %shift_left3A : i32 to vector<16xi32>
      %shift_left3A_373 = arith.shli %and3A_371, %shift_left3A_372 : vector<16xi32>
      %slice3A = vector.extract_strided_slice %shift_left3A_373 {offsets = [12], sizes = [1], strides = [1]} : vector<16xi32> to vector<1xi32>
      %squeeze3A = vector.extract %slice3A[0] : i32 from vector<1xi32>
      %add3A_374 = arith.constant 0 : i32
      %add3A_375 = arith.addi %squeeze3A, %add3A_374 : i32
      %get3A_376 = arith.constant 96 : i32
      %get3A_377 = arith.index_cast %get3A_376 : i32 to index
      %get3A_378 = arith.index_cast %add3A_375 : i32 to index
      %get3A_379 = tpu.vector_load %arg10[%get3A_377, %get3A_378] {strides = array<i32>} : memref<100x128xf32, #tpu.memory_space<vmem>>, vector<1x16xf32>,
      %get3A_380 = vector.shape_cast %get3A_379 : vector<1x16xf32> to vector<16xf32>
      %add3A_381 = arith.addf %scan3A_364#0, %get3A_380 : vector<16xf32>
      %add3A_382 = arith.constant 16 : i32
      %add3A_383 = arith.addi %squeeze3A, %add3A_382 : i32
      %get3A_384 = arith.constant 96 : i32
      %get3A_385 = arith.index_cast %get3A_384 : i32 to index
      %get3A_386 = arith.index_cast %add3A_383 : i32 to index
      %get3A_387 = tpu.vector_load %arg10[%get3A_385, %get3A_386] {strides = array<i32>} : memref<100x128xf32, #tpu.memory_space<vmem>>, vector<1x16xf32>,
      %get3A_388 = vector.shape_cast %get3A_387 : vector<1x16xf32> to vector<16xf32>
      %add3A_389 = arith.addf %scan3A_364#1, %get3A_388 : vector<16xf32>
      %add3A_390 = arith.constant 32 : i32
      %add3A_391 = arith.addi %squeeze3A, %add3A_390 : i32
      %get3A_392 = arith.constant 96 : i32
      %get3A_393 = arith.index_cast %get3A_392 : i32 to index
      %get3A_394 = arith.index_cast %add3A_391 : i32 to index
      %get3A_395 = tpu.vector_load %arg10[%get3A_393, %get3A_394] {strides = array<i32>} : memref<100x128xf32, #tpu.memory_space<vmem>>, vector<1x16xf32>,
      %get3A_396 = vector.shape_cast %get3A_395 : vector<1x16xf32> to vector<16xf32>
      %add3A_397 = arith.addf %scan3A_364#2, %get3A_396 : vector<16xf32>
      %add3A_398 = arith.constant 48 : i32
      %add3A_399 = arith.addi %squeeze3A, %add3A_398 : i32
      %get3A_400 = arith.constant 96 : i32
      %get3A_401 = arith.index_cast %get3A_400 : i32 to index
      %get3A_402 = arith.index_cast %add3A_399 : i32 to index
      %get3A_403 = tpu.vector_load %arg10[%get3A_401, %get3A_402] {strides = array<i32>} : memref<100x128xf32, #tpu.memory_space<vmem>>, vector<1x16xf32>,
      %get3A_404 = vector.shape_cast %get3A_403 : vector<1x16xf32> to vector<16xf32>
      %add3A_405 = arith.addf %scan3A_364#3, %get3A_404 : vector<16xf32>
      %slice3A_406 = vector.extract_strided_slice %shift_left3A_373 {offsets = [13], sizes = [1], strides = [1]} : vector<16xi32> to vector<1xi32>
      %squeeze3A_407 = vector.extract %slice3A_406[0] : i32 from vector<1xi32>
      %add3A_408 = arith.constant 0 : i32
      %add3A_409 = arith.addi %squeeze3A_407, %add3A_408 : i32
      %get3A_410 = arith.constant 97 : i32
      %get3A_411 = arith.index_cast %get3A_410 : i32 to index
      %get3A_412 = arith.index_cast %add3A_409 : i32 to index
      %get3A_413 = tpu.vector_load %arg10[%get3A_411, %get3A_412] {strides = array<i32>} : memref<100x128xf32, #tpu.memory_space<vmem>>, vector<1x16xf32>,
      %get3A_414 = vector.shape_cast %get3A_413 : vector<1x16xf32> to vector<16xf32>
      %add3A_415 = arith.addf %add3A_381, %get3A_414 : vector<16xf32>
      %add3A_416 = arith.constant 16 : i32
      %add3A_417 = arith.addi %squeeze3A_407, %add3A_416 : i32
      %get3A_418 = arith.constant 97 : i32
      %get3A_419 = arith.index_cast %get3A_418 : i32 to index
      %get3A_420 = arith.index_cast %add3A_417 : i32 to index
      %get3A_421 = tpu.vector_load %arg10[%get3A_419, %get3A_420] {strides = array<i32>} : memref<100x128xf32, #tpu.memory_space<vmem>>, vector<1x16xf32>,
      %get3A_422 = vector.shape_cast %get3A_421 : vector<1x16xf32> to vector<16xf32>
      %add3A_423 = arith.addf %add3A_389, %get3A_422 : vector<16xf32>
      %add3A_424 = arith.constant 32 : i32
      %add3A_425 = arith.addi %squeeze3A_407, %add3A_424 : i32
      %get3A_426 = arith.constant 97 : i32
      %get3A_427 = arith.index_cast %get3A_426 : i32 to index
      %get3A_428 = arith.index_cast %add3A_425 : i32 to index
      %get3A_429 = tpu.vector_load %arg10[%get3A_427, %get3A_428] {strides = array<i32>} : memref<100x128xf32, #tpu.memory_space<vmem>>, vector<1x16xf32>,
      %get3A_430 = vector.shape_cast %get3A_429 : vector<1x16xf32> to vector<16xf32>
      %add3A_431 = arith.addf %add3A_397, %get3A_430 : vector<16xf32>
      %add3A_432 = arith.constant 48 : i32
      %add3A_433 = arith.addi %squeeze3A_407, %add3A_432 : i32
      %get3A_434 = arith.constant 97 : i32
      %get3A_435 = arith.index_cast %get3A_434 : i32 to index
      %get3A_436 = arith.index_cast %add3A_433 : i32 to index
      %get3A_437 = tpu.vector_load %arg10[%get3A_435, %get3A_436] {strides = array<i32>} : memref<100x128xf32, #tpu.memory_space<vmem>>, vector<1x16xf32>,
      %get3A_438 = vector.shape_cast %get3A_437 : vector<1x16xf32> to vector<16xf32>
      %add3A_439 = arith.addf %add3A_405, %get3A_438 : vector<16xf32>
      %slice3A_440 = vector.extract_strided_slice %shift_left3A_373 {offsets = [14], sizes = [1], strides = [1]} : vector<16xi32> to vector<1xi32>
      %squeeze3A_441 = vector.extract %slice3A_440[0] : i32 from vector<1xi32>
      %add3A_442 = arith.constant 0 : i32
      %add3A_443 = arith.addi %squeeze3A_441, %add3A_442 : i32
      %get3A_444 = arith.constant 98 : i32
      %get3A_445 = arith.index_cast %get3A_444 : i32 to index
      %get3A_446 = arith.index_cast %add3A_443 : i32 to index
      %get3A_447 = tpu.vector_load %arg10[%get3A_445, %get3A_446] {strides = array<i32>} : memref<100x128xf32, #tpu.memory_space<vmem>>, vector<1x16xf32>,
      %get3A_448 = vector.shape_cast %get3A_447 : vector<1x16xf32> to vector<16xf32>
      %add3A_449 = arith.addf %add3A_415, %get3A_448 : vector<16xf32>
      %add3A_450 = arith.constant 16 : i32
      %add3A_451 = arith.addi %squeeze3A_441, %add3A_450 : i32
      %get3A_452 = arith.constant 98 : i32
      %get3A_453 = arith.index_cast %get3A_452 : i32 to index
      %get3A_454 = arith.index_cast %add3A_451 : i32 to index
      %get3A_455 = tpu.vector_load %arg10[%get3A_453, %get3A_454] {strides = array<i32>} : memref<100x128xf32, #tpu.memory_space<vmem>>, vector<1x16xf32>,
      %get3A_456 = vector.shape_cast %get3A_455 : vector<1x16xf32> to vector<16xf32>
      %add3A_457 = arith.addf %add3A_423, %get3A_456 : vector<16xf32>
      %add3A_458 = arith.constant 32 : i32
      %add3A_459 = arith.addi %squeeze3A_441, %add3A_458 : i32
      %get3A_460 = arith.constant 98 : i32
      %get3A_461 = arith.index_cast %get3A_460 : i32 to index
      %get3A_462 = arith.index_cast %add3A_459 : i32 to index
      %get3A_463 = tpu.vector_load %arg10[%get3A_461, %get3A_462] {strides = array<i32>} : memref<100x128xf32, #tpu.memory_space<vmem>>, vector<1x16xf32>,
      %get3A_464 = vector.shape_cast %get3A_463 : vector<1x16xf32> to vector<16xf32>
      %add3A_465 = arith.addf %add3A_431, %get3A_464 : vector<16xf32>
      %add3A_466 = arith.constant 48 : i32
      %add3A_467 = arith.addi %squeeze3A_441, %add3A_466 : i32
      %get3A_468 = arith.constant 98 : i32
      %get3A_469 = arith.index_cast %get3A_468 : i32 to index
      %get3A_470 = arith.index_cast %add3A_467 : i32 to index
      %get3A_471 = tpu.vector_load %arg10[%get3A_469, %get3A_470] {strides = array<i32>} : memref<100x128xf32, #tpu.memory_space<vmem>>, vector<1x16xf32>,
      %get3A_472 = vector.shape_cast %get3A_471 : vector<1x16xf32> to vector<16xf32>
      %add3A_473 = arith.addf %add3A_439, %get3A_472 : vector<16xf32>
      %slice3A_474 = vector.extract_strided_slice %shift_left3A_373 {offsets = [15], sizes = [1], strides = [1]} : vector<16xi32> to vector<1xi32>
      %squeeze3A_475 = vector.extract %slice3A_474[0] : i32 from vector<1xi32>
      %add3A_476 = arith.constant 0 : i32
      %add3A_477 = arith.addi %squeeze3A_475, %add3A_476 : i32
      %get3A_478 = arith.constant 99 : i32
      %get3A_479 = arith.index_cast %get3A_478 : i32 to index
      %get3A_480 = arith.index_cast %add3A_477 : i32 to index
      %get3A_481 = tpu.vector_load %arg10[%get3A_479, %get3A_480] {strides = array<i32>} : memref<100x128xf32, #tpu.memory_space<vmem>>, vector<1x16xf32>,
      %get3A_482 = vector.shape_cast %get3A_481 : vector<1x16xf32> to vector<16xf32>
      %add3A_483 = arith.addf %add3A_449, %get3A_482 : vector<16xf32>
      %add3A_484 = arith.constant 16 : i32
      %add3A_485 = arith.addi %squeeze3A_475, %add3A_484 : i32
      %get3A_486 = arith.constant 99 : i32
      %get3A_487 = arith.index_cast %get3A_486 : i32 to index
      %get3A_488 = arith.index_cast %add3A_485 : i32 to index
      %get3A_489 = tpu.vector_load %arg10[%get3A_487, %get3A_488] {strides = array<i32>} : memref<100x128xf32, #tpu.memory_space<vmem>>, vector<1x16xf32>,
      %get3A_490 = vector.shape_cast %get3A_489 : vector<1x16xf32> to vector<16xf32>
      %add3A_491 = arith.addf %add3A_457, %get3A_490 : vector<16xf32>
      %add3A_492 = arith.constant 32 : i32
      %add3A_493 = arith.addi %squeeze3A_475, %add3A_492 : i32
      %get3A_494 = arith.constant 99 : i32
      %get3A_495 = arith.index_cast %get3A_494 : i32 to index
      %get3A_496 = arith.index_cast %add3A_493 : i32 to index
      %get3A_497 = tpu.vector_load %arg10[%get3A_495, %get3A_496] {strides = array<i32>} : memref<100x128xf32, #tpu.memory_space<vmem>>, vector<1x16xf32>,
      %get3A_498 = vector.shape_cast %get3A_497 : vector<1x16xf32> to vector<16xf32>
      %add3A_499 = arith.addf %add3A_465, %get3A_498 : vector<16xf32>
      %add3A_500 = arith.constant 48 : i32
      %add3A_501 = arith.addi %squeeze3A_475, %add3A_500 : i32
      %get3A_502 = arith.constant 99 : i32
      %get3A_503 = arith.index_cast %get3A_502 : i32 to index
      %get3A_504 = arith.index_cast %add3A_501 : i32 to index
      %get3A_505 = tpu.vector_load %arg10[%get3A_503, %get3A_504] {strides = array<i32>} : memref<100x128xf32, #tpu.memory_space<vmem>>, vector<1x16xf32>,
      %get3A_506 = vector.shape_cast %get3A_505 : vector<1x16xf32> to vector<16xf32>
      %add3A_507 = arith.addf %add3A_473, %get3A_506 : vector<16xf32>
      %add3A_508 = arith.constant 4 : i32
      %add3A_509 = arith.addi %add3A_357, %add3A_508 : i32
      %lt3A = arith.constant 256 : i32
      %lt3A_510 = arith.cmpi slt, %add3A_509, %lt3A : i32
      %convert_element_type3A = arith.extui %lt3A_510 : i1 to i32
      %cond3A = arith.constant 0 : i32
      %cond3A_511 = arith.cmpi ne, %convert_element_type3A, %cond3A : i32
      scf.if %cond3A_511 {
        %add3A_1138 = arith.constant 4 : i32
        %add3A_1139 = arith.addi %add3A_357, %add3A_1138 : i32
        %get3A_1140 = arith.index_cast %add3A_1139 : i32 to index
        %get3A_1141 = arith.constant 0 : index
        %get3A_1142 = tpu.vector_load %arg5[%get3A_1140, %get3A_1141] {strides = array<i32>} : memref<256x100xi32, #tpu.memory_space<vmem>>, vector<1x16xi32>,
        %get3A_1143 = vector.shape_cast %get3A_1142 : vector<1x16xi32> to vector<16xi32>
        %shift_right_logical3A_1144 = arith.constant 1 : i32
        %shift_right_logical3A_1145 = vector.broadcast %shift_right_logical3A_1144 : i32 to vector<16xi32>
        %shift_right_logical3A_1146 = arith.shrui %get3A_1143, %shift_right_logical3A_1145 : vector<16xi32>
        %swap3A_1147 = arith.constant 0 : index
        %swap3A_1148 = tpu.vector_load %arg6[%swap3A_1147] {strides = array<i32>} : memref<100xi32, #tpu.memory_space<vmem>>, vector<16xi32>,
        %swap3A_1149 = vector.shape_cast %swap3A_1148 : vector<16xi32> to vector<16xi32>
        %swap3A_1150 = vector.shape_cast %shift_right_logical3A_1146 : vector<16xi32> to vector<16xi32>
        tpu.vector_store %arg6[%swap3A_1147], %swap3A_1150 {strides = array<i32>} : memref<100xi32, #tpu.memory_space<vmem>>, vector<16xi32>,
        %get3A_1151 = arith.index_cast %add3A_1139 : i32 to index
        %get3A_1152 = arith.constant 16 : index
        %get3A_1153 = tpu.vector_load %arg5[%get3A_1151, %get3A_1152] {strides = array<i32>} : memref<256x100xi32, #tpu.memory_space<vmem>>, vector<1x16xi32>,
        %get3A_1154 = vector.shape_cast %get3A_1153 : vector<1x16xi32> to vector<16xi32>
        %shift_right_logical3A_1155 = arith.constant 1 : i32
        %shift_right_logical3A_1156 = vector.broadcast %shift_right_logical3A_1155 : i32 to vector<16xi32>
        %shift_right_logical3A_1157 = arith.shrui %get3A_1154, %shift_right_logical3A_1156 : vector<16xi32>
        %swap3A_1158 = arith.constant 16 : index
        %swap3A_1159 = tpu.vector_load %arg6[%swap3A_1158] {strides = array<i32>} : memref<100xi32, #tpu.memory_space<vmem>>, vector<16xi32>,
        %swap3A_1160 = vector.shape_cast %swap3A_1159 : vector<16xi32> to vector<16xi32>
        %swap3A_1161 = vector.shape_cast %shift_right_logical3A_1157 : vector<16xi32> to vector<16xi32>
        tpu.vector_store %arg6[%swap3A_1158], %swap3A_1161 {strides = array<i32>} : memref<100xi32, #tpu.memory_space<vmem>>, vector<16xi32>,
        %get3A_1162 = arith.index_cast %add3A_1139 : i32 to index
        %get3A_1163 = arith.constant 32 : index
        %get3A_1164 = tpu.vector_load %arg5[%get3A_1162, %get3A_1163] {strides = array<i32>} : memref<256x100xi32, #tpu.memory_space<vmem>>, vector<1x16xi32>,
        %get3A_1165 = vector.shape_cast %get3A_1164 : vector<1x16xi32> to vector<16xi32>
        %shift_right_logical3A_1166 = arith.constant 1 : i32
        %shift_right_logical3A_1167 = vector.broadcast %shift_right_logical3A_1166 : i32 to vector<16xi32>
        %shift_right_logical3A_1168 = arith.shrui %get3A_1165, %shift_right_logical3A_1167 : vector<16xi32>
        %swap3A_1169 = arith.constant 32 : index
        %swap3A_1170 = tpu.vector_load %arg6[%swap3A_1169] {strides = array<i32>} : memref<100xi32, #tpu.memory_space<vmem>>, vector<16xi32>,
        %swap3A_1171 = vector.shape_cast %swap3A_1170 : vector<16xi32> to vector<16xi32>
        %swap3A_1172 = vector.shape_cast %shift_right_logical3A_1168 : vector<16xi32> to vector<16xi32>
        tpu.vector_store %arg6[%swap3A_1169], %swap3A_1172 {strides = array<i32>} : memref<100xi32, #tpu.memory_space<vmem>>, vector<16xi32>,
        %get3A_1173 = arith.index_cast %add3A_1139 : i32 to index
        %get3A_1174 = arith.constant 48 : index
        %get3A_1175 = tpu.vector_load %arg5[%get3A_1173, %get3A_1174] {strides = array<i32>} : memref<256x100xi32, #tpu.memory_space<vmem>>, vector<1x16xi32>,
        %get3A_1176 = vector.shape_cast %get3A_1175 : vector<1x16xi32> to vector<16xi32>
        %shift_right_logical3A_1177 = arith.constant 1 : i32
        %shift_right_logical3A_1178 = vector.broadcast %shift_right_logical3A_1177 : i32 to vector<16xi32>
        %shift_right_logical3A_1179 = arith.shrui %get3A_1176, %shift_right_logical3A_1178 : vector<16xi32>
        %swap3A_1180 = arith.constant 48 : index
        %swap3A_1181 = tpu.vector_load %arg6[%swap3A_1180] {strides = array<i32>} : memref<100xi32, #tpu.memory_space<vmem>>, vector<16xi32>,
        %swap3A_1182 = vector.shape_cast %swap3A_1181 : vector<16xi32> to vector<16xi32>
        %swap3A_1183 = vector.shape_cast %shift_right_logical3A_1179 : vector<16xi32> to vector<16xi32>
        tpu.vector_store %arg6[%swap3A_1180], %swap3A_1183 {strides = array<i32>} : memref<100xi32, #tpu.memory_space<vmem>>, vector<16xi32>,
        %get3A_1184 = arith.index_cast %add3A_1139 : i32 to index
        %get3A_1185 = arith.constant 64 : index
        %get3A_1186 = tpu.vector_load %arg5[%get3A_1184, %get3A_1185] {strides = array<i32>} : memref<256x100xi32, #tpu.memory_space<vmem>>, vector<1x16xi32>,
        %get3A_1187 = vector.shape_cast %get3A_1186 : vector<1x16xi32> to vector<16xi32>
        %shift_right_logical3A_1188 = arith.constant 1 : i32
        %shift_right_logical3A_1189 = vector.broadcast %shift_right_logical3A_1188 : i32 to vector<16xi32>
        %shift_right_logical3A_1190 = arith.shrui %get3A_1187, %shift_right_logical3A_1189 : vector<16xi32>
        %swap3A_1191 = arith.constant 64 : index
        %swap3A_1192 = tpu.vector_load %arg6[%swap3A_1191] {strides = array<i32>} : memref<100xi32, #tpu.memory_space<vmem>>, vector<16xi32>,
        %swap3A_1193 = vector.shape_cast %swap3A_1192 : vector<16xi32> to vector<16xi32>
        %swap3A_1194 = vector.shape_cast %shift_right_logical3A_1190 : vector<16xi32> to vector<16xi32>
        tpu.vector_store %arg6[%swap3A_1191], %swap3A_1194 {strides = array<i32>} : memref<100xi32, #tpu.memory_space<vmem>>, vector<16xi32>,
        %get3A_1195 = arith.index_cast %add3A_1139 : i32 to index
        %get3A_1196 = arith.constant 80 : index
        %get3A_1197 = tpu.vector_load %arg5[%get3A_1195, %get3A_1196] {strides = array<i32>} : memref<256x100xi32, #tpu.memory_space<vmem>>, vector<1x16xi32>,
        %get3A_1198 = vector.shape_cast %get3A_1197 : vector<1x16xi32> to vector<16xi32>
        %shift_right_logical3A_1199 = arith.constant 1 : i32
        %shift_right_logical3A_1200 = vector.broadcast %shift_right_logical3A_1199 : i32 to vector<16xi32>
        %shift_right_logical3A_1201 = arith.shrui %get3A_1198, %shift_right_logical3A_1200 : vector<16xi32>
        %swap3A_1202 = arith.constant 80 : index
        %swap3A_1203 = tpu.vector_load %arg6[%swap3A_1202] {strides = array<i32>} : memref<100xi32, #tpu.memory_space<vmem>>, vector<16xi32>,
        %swap3A_1204 = vector.shape_cast %swap3A_1203 : vector<16xi32> to vector<16xi32>
        %swap3A_1205 = vector.shape_cast %shift_right_logical3A_1201 : vector<16xi32> to vector<16xi32>
        tpu.vector_store %arg6[%swap3A_1202], %swap3A_1205 {strides = array<i32>} : memref<100xi32, #tpu.memory_space<vmem>>, vector<16xi32>,
        %get3A_1206 = arith.index_cast %add3A_1139 : i32 to index
        %get3A_1207 = arith.constant 84 : index
        %get3A_1208 = tpu.vector_load %arg5[%get3A_1206, %get3A_1207] {strides = array<i32>} : memref<256x100xi32, #tpu.memory_space<vmem>>, vector<1x16xi32>,
        %get3A_1209 = vector.shape_cast %get3A_1208 : vector<1x16xi32> to vector<16xi32>
        %shift_right_logical3A_1210 = arith.constant 1 : i32
        %shift_right_logical3A_1211 = vector.broadcast %shift_right_logical3A_1210 : i32 to vector<16xi32>
        %shift_right_logical3A_1212 = arith.shrui %get3A_1209, %shift_right_logical3A_1211 : vector<16xi32>
        %swap3A_1213 = arith.constant 84 : index
        %swap3A_1214 = tpu.vector_load %arg6[%swap3A_1213] {strides = array<i32>} : memref<100xi32, #tpu.memory_space<vmem>>, vector<16xi32>,
        %swap3A_1215 = vector.shape_cast %swap3A_1214 : vector<16xi32> to vector<16xi32>
        %swap3A_1216 = vector.shape_cast %shift_right_logical3A_1212 : vector<16xi32> to vector<16xi32>
        tpu.vector_store %arg6[%swap3A_1213], %swap3A_1216 {strides = array<i32>} : memref<100xi32, #tpu.memory_space<vmem>>, vector<16xi32>,
        %dma_start3A_1217 = arith.constant 0 : i32
        %dma_start3A_1218 = arith.constant 0 : i32
        %dma_start3A_1219 = tpu.memref_slice %arg3[%dma_start3A_1217, %dma_start3A_1218] : memref<500000x128xf32, #tpu.memory_space<hbm>> -> memref<500000x128xf32, #tpu.memory_space<hbm>>
        tpu.enqueue_indirect_dma source(%dma_start3A_1219 : memref<500000x128xf32, #tpu.memory_space<hbm>>) target(%arg10 : memref<100x128xf32, #tpu.memory_space<vmem>>) offsets(%arg6 : memref<100xi32, #tpu.memory_space<vmem>>) semaphore(%arg15 : memref<!tpu.dma_semaphore, #tpu.memory_space<semaphore_mem>>)
      } else {
      }
      %mul3A_512 = arith.constant 5.000000e-03 : f32
      %mul3A_513 = vector.broadcast %mul3A_512 : f32 to vector<16xf32>
      %mul3A_514 = arith.mulf %add3A_483, %mul3A_513 : vector<16xf32>
      %swap3A_515 = arith.index_cast %add3A_357 : i32 to index
      %swap3A_516 = arith.constant 0 : index
      %swap3A_517 = tpu.vector_load %arg14[%swap3A_515, %swap3A_516] {strides = array<i32>} : memref<256x64xf32, #tpu.memory_space<vmem>>, vector<1x16xf32>,
      %swap3A_518 = vector.shape_cast %swap3A_517 : vector<1x16xf32> to vector<16xf32>
      %swap3A_519 = vector.shape_cast %mul3A_514 : vector<16xf32> to vector<1x16xf32>
      tpu.vector_store %arg14[%swap3A_515, %swap3A_516], %swap3A_519 {strides = array<i32>} : memref<256x64xf32, #tpu.memory_space<vmem>>, vector<1x16xf32>,
      %mul3A_520 = arith.constant 5.000000e-03 : f32
      %mul3A_521 = vector.broadcast %mul3A_520 : f32 to vector<16xf32>
      %mul3A_522 = arith.mulf %add3A_491, %mul3A_521 : vector<16xf32>
      %swap3A_523 = arith.index_cast %add3A_357 : i32 to index
      %swap3A_524 = arith.constant 16 : index
      %swap3A_525 = tpu.vector_load %arg14[%swap3A_523, %swap3A_524] {strides = array<i32>} : memref<256x64xf32, #tpu.memory_space<vmem>>, vector<1x16xf32>,
      %swap3A_526 = vector.shape_cast %swap3A_525 : vector<1x16xf32> to vector<16xf32>
      %swap3A_527 = vector.shape_cast %mul3A_522 : vector<16xf32> to vector<1x16xf32>
      tpu.vector_store %arg14[%swap3A_523, %swap3A_524], %swap3A_527 {strides = array<i32>} : memref<256x64xf32, #tpu.memory_space<vmem>>, vector<1x16xf32>,
      %mul3A_528 = arith.constant 5.000000e-03 : f32
      %mul3A_529 = vector.broadcast %mul3A_528 : f32 to vector<16xf32>
      %mul3A_530 = arith.mulf %add3A_499, %mul3A_529 : vector<16xf32>
      %swap3A_531 = arith.index_cast %add3A_357 : i32 to index
      %swap3A_532 = arith.constant 32 : index
      %swap3A_533 = tpu.vector_load %arg14[%swap3A_531, %swap3A_532] {strides = array<i32>} : memref<256x64xf32, #tpu.memory_space<vmem>>, vector<1x16xf32>,
      %swap3A_534 = vector.shape_cast %swap3A_533 : vector<1x16xf32> to vector<16xf32>
      %swap3A_535 = vector.shape_cast %mul3A_530 : vector<16xf32> to vector<1x16xf32>
      tpu.vector_store %arg14[%swap3A_531, %swap3A_532], %swap3A_535 {strides = array<i32>} : memref<256x64xf32, #tpu.memory_space<vmem>>, vector<1x16xf32>,
      %mul3A_536 = arith.constant 5.000000e-03 : f32
      %mul3A_537 = vector.broadcast %mul3A_536 : f32 to vector<16xf32>
      %mul3A_538 = arith.mulf %add3A_507, %mul3A_537 : vector<16xf32>
      %swap3A_539 = arith.index_cast %add3A_357 : i32 to index
      %swap3A_540 = arith.constant 48 : index
      %swap3A_541 = tpu.vector_load %arg14[%swap3A_539, %swap3A_540] {strides = array<i32>} : memref<256x64xf32, #tpu.memory_space<vmem>>, vector<1x16xf32>,
      %swap3A_542 = vector.shape_cast %swap3A_541 : vector<1x16xf32> to vector<16xf32>
      %swap3A_543 = vector.shape_cast %mul3A_538 : vector<16xf32> to vector<1x16xf32>
      tpu.vector_store %arg14[%swap3A_539, %swap3A_540], %swap3A_543 {strides = array<i32>} : memref<256x64xf32, #tpu.memory_space<vmem>>, vector<1x16xf32>,
      %mul3A_544 = arith.constant 4 : i32
      %mul3A_545 = arith.muli %mul3A_544, %scan3A_353 : i32
      %add3A_546 = arith.constant 1 : i32
      %add3A_547 = arith.addi %mul3A_545, %add3A_546 : i32
      %dma_wait3A_548 = arith.constant 0 : i32
      %dma_wait3A_549 = arith.constant 0 : i32
      %dma_wait3A_550 = tpu.memref_slice %arg3[%dma_wait3A_548, %dma_wait3A_549] : memref<500000x128xf32, #tpu.memory_space<hbm>> -> memref<500000x128xf32, #tpu.memory_space<hbm>>
      tpu.wait_indirect_dma semaphore(%arg16 : memref<!tpu.dma_semaphore, #tpu.memory_space<semaphore_mem>>) src(%dma_wait3A_550 : memref<500000x128xf32, #tpu.memory_space<hbm>>) dst(%arg11 : memref<100x128xf32, #tpu.memory_space<vmem>>)
      %scan3A_551 = arith.constant 0 : i32
      %scan3A_552 = arith.constant 6 : i32
      %scan3A_553 = arith.addi %scan3A_551, %scan3A_552 : i32
      %scan3A_554 = arith.constant 1 : i32
      %scan3A_555:4 = scf.for %scan3A_1138 = %scan3A_551 to %scan3A_553 step %scan3A_554 iter_args(%scan3A_1139 = %broadcast_in_dim3A_347, %scan3A_1140 = %broadcast_in_dim3A_347, %scan3A_1141 = %broadcast_in_dim3A_347, %scan3A_1142 = %broadcast_in_dim3A_347) -> (vector<16xf32>, vector<16xf32>, vector<16xf32>, vector<16xf32>)  : i32 {
        %mul3A_1143 = arith.constant 16 : i32
        %mul3A_1144 = arith.muli %mul3A_1143, %scan3A_1138 : i32
        %get3A_1145 = arith.index_cast %add3A_547 : i32 to index
        %get3A_1146 = arith.index_cast %mul3A_1144 : i32 to index
        %get3A_1147 = tpu.vector_load %arg5[%get3A_1145, %get3A_1146] {strides = array<i32>} : memref<256x100xi32, #tpu.memory_space<vmem>>, vector<1x16xi32>,
        %get3A_1148 = vector.shape_cast %get3A_1147 : vector<1x16xi32> to vector<16xi32>
        %and3A_1149 = arith.constant 1 : i32
        %and3A_1150 = vector.broadcast %and3A_1149 : i32 to vector<16xi32>
        %and3A_1151 = arith.andi %get3A_1148, %and3A_1150 : vector<16xi32>
        %shift_left3A_1152 = arith.constant 6 : i32
        %shift_left3A_1153 = vector.broadcast %shift_left3A_1152 : i32 to vector<16xi32>
        %shift_left3A_1154 = arith.shli %and3A_1151, %shift_left3A_1153 : vector<16xi32>
        %slice3A_1155 = vector.extract_strided_slice %shift_left3A_1154 {offsets = [0], sizes = [1], strides = [1]} : vector<16xi32> to vector<1xi32>
        %squeeze3A_1156 = vector.extract %slice3A_1155[0] : i32 from vector<1xi32>
        %add3A_1157 = arith.constant 0 : i32
        %add3A_1158 = arith.addi %mul3A_1144, %add3A_1157 : i32
        %add3A_1159 = arith.constant 0 : i32
        %add3A_1160 = arith.addi %squeeze3A_1156, %add3A_1159 : i32
        %get3A_1161 = arith.index_cast %add3A_1158 : i32 to index
        %get3A_1162 = arith.index_cast %add3A_1160 : i32 to index
        %get3A_1163 = tpu.vector_load %arg11[%get3A_1161, %get3A_1162] {strides = array<i32>} : memref<100x128xf32, #tpu.memory_space<vmem>>, vector<1x16xf32>,
        %get3A_1164 = vector.shape_cast %get3A_1163 : vector<1x16xf32> to vector<16xf32>
        %add3A_1165 = arith.addf %scan3A_1139, %get3A_1164 : vector<16xf32>
        %add3A_1166 = arith.constant 0 : i32
        %add3A_1167 = arith.addi %mul3A_1144, %add3A_1166 : i32
        %add3A_1168 = arith.constant 16 : i32
        %add3A_1169 = arith.addi %squeeze3A_1156, %add3A_1168 : i32
        %get3A_1170 = arith.index_cast %add3A_1167 : i32 to index
        %get3A_1171 = arith.index_cast %add3A_1169 : i32 to index
        %get3A_1172 = tpu.vector_load %arg11[%get3A_1170, %get3A_1171] {strides = array<i32>} : memref<100x128xf32, #tpu.memory_space<vmem>>, vector<1x16xf32>,
        %get3A_1173 = vector.shape_cast %get3A_1172 : vector<1x16xf32> to vector<16xf32>
        %add3A_1174 = arith.addf %scan3A_1140, %get3A_1173 : vector<16xf32>
        %add3A_1175 = arith.constant 0 : i32
        %add3A_1176 = arith.addi %mul3A_1144, %add3A_1175 : i32
        %add3A_1177 = arith.constant 32 : i32
        %add3A_1178 = arith.addi %squeeze3A_1156, %add3A_1177 : i32
        %get3A_1179 = arith.index_cast %add3A_1176 : i32 to index
        %get3A_1180 = arith.index_cast %add3A_1178 : i32 to index
        %get3A_1181 = tpu.vector_load %arg11[%get3A_1179, %get3A_1180] {strides = array<i32>} : memref<100x128xf32, #tpu.memory_space<vmem>>, vector<1x16xf32>,
        %get3A_1182 = vector.shape_cast %get3A_1181 : vector<1x16xf32> to vector<16xf32>
        %add3A_1183 = arith.addf %scan3A_1141, %get3A_1182 : vector<16xf32>
        %add3A_1184 = arith.constant 0 : i32
        %add3A_1185 = arith.addi %mul3A_1144, %add3A_1184 : i32
        %add3A_1186 = arith.constant 48 : i32
        %add3A_1187 = arith.addi %squeeze3A_1156, %add3A_1186 : i32
        %get3A_1188 = arith.index_cast %add3A_1185 : i32 to index
        %get3A_1189 = arith.index_cast %add3A_1187 : i32 to index
        %get3A_1190 = tpu.vector_load %arg11[%get3A_1188, %get3A_1189] {strides = array<i32>} : memref<100x128xf32, #tpu.memory_space<vmem>>, vector<1x16xf32>,
        %get3A_1191 = vector.shape_cast %get3A_1190 : vector<1x16xf32> to vector<16xf32>
        %add3A_1192 = arith.addf %scan3A_1142, %get3A_1191 : vector<16xf32>
        %slice3A_1193 = vector.extract_strided_slice %shift_left3A_1154 {offsets = [1], sizes = [1], strides = [1]} : vector<16xi32> to vector<1xi32>
        %squeeze3A_1194 = vector.extract %slice3A_1193[0] : i32 from vector<1xi32>
        %add3A_1195 = arith.constant 1 : i32
        %add3A_1196 = arith.addi %mul3A_1144, %add3A_1195 : i32
        %add3A_1197 = arith.constant 0 : i32
        %add3A_1198 = arith.addi %squeeze3A_1194, %add3A_1197 : i32
        %get3A_1199 = arith.index_cast %add3A_1196 : i32 to index
        %get3A_1200 = arith.index_cast %add3A_1198 : i32 to index
        %get3A_1201 = tpu.vector_load %arg11[%get3A_1199, %get3A_1200] {strides = array<i32>} : memref<100x128xf32, #tpu.memory_space<vmem>>, vector<1x16xf32>,
        %get3A_1202 = vector.shape_cast %get3A_1201 : vector<1x16xf32> to vector<16xf32>
        %add3A_1203 = arith.addf %add3A_1165, %get3A_1202 : vector<16xf32>
        %add3A_1204 = arith.constant 1 : i32
        %add3A_1205 = arith.addi %mul3A_1144, %add3A_1204 : i32
        %add3A_1206 = arith.constant 16 : i32
        %add3A_1207 = arith.addi %squeeze3A_1194, %add3A_1206 : i32
        %get3A_1208 = arith.index_cast %add3A_1205 : i32 to index
        %get3A_1209 = arith.index_cast %add3A_1207 : i32 to index
        %get3A_1210 = tpu.vector_load %arg11[%get3A_1208, %get3A_1209] {strides = array<i32>} : memref<100x128xf32, #tpu.memory_space<vmem>>, vector<1x16xf32>,
        %get3A_1211 = vector.shape_cast %get3A_1210 : vector<1x16xf32> to vector<16xf32>
        %add3A_1212 = arith.addf %add3A_1174, %get3A_1211 : vector<16xf32>
        %add3A_1213 = arith.constant 1 : i32
        %add3A_1214 = arith.addi %mul3A_1144, %add3A_1213 : i32
        %add3A_1215 = arith.constant 32 : i32
        %add3A_1216 = arith.addi %squeeze3A_1194, %add3A_1215 : i32
        %get3A_1217 = arith.index_cast %add3A_1214 : i32 to index
        %get3A_1218 = arith.index_cast %add3A_1216 : i32 to index
        %get3A_1219 = tpu.vector_load %arg11[%get3A_1217, %get3A_1218] {strides = array<i32>} : memref<100x128xf32, #tpu.memory_space<vmem>>, vector<1x16xf32>,
        %get3A_1220 = vector.shape_cast %get3A_1219 : vector<1x16xf32> to vector<16xf32>
        %add3A_1221 = arith.addf %add3A_1183, %get3A_1220 : vector<16xf32>
        %add3A_1222 = arith.constant 1 : i32
        %add3A_1223 = arith.addi %mul3A_1144, %add3A_1222 : i32
        %add3A_1224 = arith.constant 48 : i32
        %add3A_1225 = arith.addi %squeeze3A_1194, %add3A_1224 : i32
        %get3A_1226 = arith.index_cast %add3A_1223 : i32 to index
        %get3A_1227 = arith.index_cast %add3A_1225 : i32 to index
        %get3A_1228 = tpu.vector_load %arg11[%get3A_1226, %get3A_1227] {strides = array<i32>} : memref<100x128xf32, #tpu.memory_space<vmem>>, vector<1x16xf32>,
        %get3A_1229 = vector.shape_cast %get3A_1228 : vector<1x16xf32> to vector<16xf32>
        %add3A_1230 = arith.addf %add3A_1192, %get3A_1229 : vector<16xf32>
        %slice3A_1231 = vector.extract_strided_slice %shift_left3A_1154 {offsets = [2], sizes = [1], strides = [1]} : vector<16xi32> to vector<1xi32>
        %squeeze3A_1232 = vector.extract %slice3A_1231[0] : i32 from vector<1xi32>
        %add3A_1233 = arith.constant 2 : i32
        %add3A_1234 = arith.addi %mul3A_1144, %add3A_1233 : i32
        %add3A_1235 = arith.constant 0 : i32
        %add3A_1236 = arith.addi %squeeze3A_1232, %add3A_1235 : i32
        %get3A_1237 = arith.index_cast %add3A_1234 : i32 to index
        %get3A_1238 = arith.index_cast %add3A_1236 : i32 to index
        %get3A_1239 = tpu.vector_load %arg11[%get3A_1237, %get3A_1238] {strides = array<i32>} : memref<100x128xf32, #tpu.memory_space<vmem>>, vector<1x16xf32>,
        %get3A_1240 = vector.shape_cast %get3A_1239 : vector<1x16xf32> to vector<16xf32>
        %add3A_1241 = arith.addf %add3A_1203, %get3A_1240 : vector<16xf32>
        %add3A_1242 = arith.constant 2 : i32
        %add3A_1243 = arith.addi %mul3A_1144, %add3A_1242 : i32
        %add3A_1244 = arith.constant 16 : i32
        %add3A_1245 = arith.addi %squeeze3A_1232, %add3A_1244 : i32
        %get3A_1246 = arith.index_cast %add3A_1243 : i32 to index
        %get3A_1247 = arith.index_cast %add3A_1245 : i32 to index
        %get3A_1248 = tpu.vector_load %arg11[%get3A_1246, %get3A_1247] {strides = array<i32>} : memref<100x128xf32, #tpu.memory_space<vmem>>, vector<1x16xf32>,
        %get3A_1249 = vector.shape_cast %get3A_1248 : vector<1x16xf32> to vector<16xf32>
        %add3A_1250 = arith.addf %add3A_1212, %get3A_1249 : vector<16xf32>
        %add3A_1251 = arith.constant 2 : i32
        %add3A_1252 = arith.addi %mul3A_1144, %add3A_1251 : i32
        %add3A_1253 = arith.constant 32 : i32
        %add3A_1254 = arith.addi %squeeze3A_1232, %add3A_1253 : i32
        %get3A_1255 = arith.index_cast %add3A_1252 : i32 to index
        %get3A_1256 = arith.index_cast %add3A_1254 : i32 to index
        %get3A_1257 = tpu.vector_load %arg11[%get3A_1255, %get3A_1256] {strides = array<i32>} : memref<100x128xf32, #tpu.memory_space<vmem>>, vector<1x16xf32>,
        %get3A_1258 = vector.shape_cast %get3A_1257 : vector<1x16xf32> to vector<16xf32>
        %add3A_1259 = arith.addf %add3A_1221, %get3A_1258 : vector<16xf32>
        %add3A_1260 = arith.constant 2 : i32
        %add3A_1261 = arith.addi %mul3A_1144, %add3A_1260 : i32
        %add3A_1262 = arith.constant 48 : i32
        %add3A_1263 = arith.addi %squeeze3A_1232, %add3A_1262 : i32
        %get3A_1264 = arith.index_cast %add3A_1261 : i32 to index
        %get3A_1265 = arith.index_cast %add3A_1263 : i32 to index
        %get3A_1266 = tpu.vector_load %arg11[%get3A_1264, %get3A_1265] {strides = array<i32>} : memref<100x128xf32, #tpu.memory_space<vmem>>, vector<1x16xf32>,
        %get3A_1267 = vector.shape_cast %get3A_1266 : vector<1x16xf32> to vector<16xf32>
        %add3A_1268 = arith.addf %add3A_1230, %get3A_1267 : vector<16xf32>
        %slice3A_1269 = vector.extract_strided_slice %shift_left3A_1154 {offsets = [3], sizes = [1], strides = [1]} : vector<16xi32> to vector<1xi32>
        %squeeze3A_1270 = vector.extract %slice3A_1269[0] : i32 from vector<1xi32>
        %add3A_1271 = arith.constant 3 : i32
        %add3A_1272 = arith.addi %mul3A_1144, %add3A_1271 : i32
        %add3A_1273 = arith.constant 0 : i32
        %add3A_1274 = arith.addi %squeeze3A_1270, %add3A_1273 : i32
        %get3A_1275 = arith.index_cast %add3A_1272 : i32 to index
        %get3A_1276 = arith.index_cast %add3A_1274 : i32 to index
        %get3A_1277 = tpu.vector_load %arg11[%get3A_1275, %get3A_1276] {strides = array<i32>} : memref<100x128xf32, #tpu.memory_space<vmem>>, vector<1x16xf32>,
        %get3A_1278 = vector.shape_cast %get3A_1277 : vector<1x16xf32> to vector<16xf32>
        %add3A_1279 = arith.addf %add3A_1241, %get3A_1278 : vector<16xf32>
        %add3A_1280 = arith.constant 3 : i32
        %add3A_1281 = arith.addi %mul3A_1144, %add3A_1280 : i32
        %add3A_1282 = arith.constant 16 : i32
        %add3A_1283 = arith.addi %squeeze3A_1270, %add3A_1282 : i32
        %get3A_1284 = arith.index_cast %add3A_1281 : i32 to index
        %get3A_1285 = arith.index_cast %add3A_1283 : i32 to index
        %get3A_1286 = tpu.vector_load %arg11[%get3A_1284, %get3A_1285] {strides = array<i32>} : memref<100x128xf32, #tpu.memory_space<vmem>>, vector<1x16xf32>,
        %get3A_1287 = vector.shape_cast %get3A_1286 : vector<1x16xf32> to vector<16xf32>
        %add3A_1288 = arith.addf %add3A_1250, %get3A_1287 : vector<16xf32>
        %add3A_1289 = arith.constant 3 : i32
        %add3A_1290 = arith.addi %mul3A_1144, %add3A_1289 : i32
        %add3A_1291 = arith.constant 32 : i32
        %add3A_1292 = arith.addi %squeeze3A_1270, %add3A_1291 : i32
        %get3A_1293 = arith.index_cast %add3A_1290 : i32 to index
        %get3A_1294 = arith.index_cast %add3A_1292 : i32 to index
        %get3A_1295 = tpu.vector_load %arg11[%get3A_1293, %get3A_1294] {strides = array<i32>} : memref<100x128xf32, #tpu.memory_space<vmem>>, vector<1x16xf32>,
        %get3A_1296 = vector.shape_cast %get3A_1295 : vector<1x16xf32> to vector<16xf32>
        %add3A_1297 = arith.addf %add3A_1259, %get3A_1296 : vector<16xf32>
        %add3A_1298 = arith.constant 3 : i32
        %add3A_1299 = arith.addi %mul3A_1144, %add3A_1298 : i32
        %add3A_1300 = arith.constant 48 : i32
        %add3A_1301 = arith.addi %squeeze3A_1270, %add3A_1300 : i32
        %get3A_1302 = arith.index_cast %add3A_1299 : i32 to index
        %get3A_1303 = arith.index_cast %add3A_1301 : i32 to index
        %get3A_1304 = tpu.vector_load %arg11[%get3A_1302, %get3A_1303] {strides = array<i32>} : memref<100x128xf32, #tpu.memory_space<vmem>>, vector<1x16xf32>,
        %get3A_1305 = vector.shape_cast %get3A_1304 : vector<1x16xf32> to vector<16xf32>
        %add3A_1306 = arith.addf %add3A_1268, %get3A_1305 : vector<16xf32>
        %slice3A_1307 = vector.extract_strided_slice %shift_left3A_1154 {offsets = [4], sizes = [1], strides = [1]} : vector<16xi32> to vector<1xi32>
        %squeeze3A_1308 = vector.extract %slice3A_1307[0] : i32 from vector<1xi32>
        %add3A_1309 = arith.constant 4 : i32
        %add3A_1310 = arith.addi %mul3A_1144, %add3A_1309 : i32
        %add3A_1311 = arith.constant 0 : i32
        %add3A_1312 = arith.addi %squeeze3A_1308, %add3A_1311 : i32
        %get3A_1313 = arith.index_cast %add3A_1310 : i32 to index
        %get3A_1314 = arith.index_cast %add3A_1312 : i32 to index
        %get3A_1315 = tpu.vector_load %arg11[%get3A_1313, %get3A_1314] {strides = array<i32>} : memref<100x128xf32, #tpu.memory_space<vmem>>, vector<1x16xf32>,
        %get3A_1316 = vector.shape_cast %get3A_1315 : vector<1x16xf32> to vector<16xf32>
        %add3A_1317 = arith.addf %add3A_1279, %get3A_1316 : vector<16xf32>
        %add3A_1318 = arith.constant 4 : i32
        %add3A_1319 = arith.addi %mul3A_1144, %add3A_1318 : i32
        %add3A_1320 = arith.constant 16 : i32
        %add3A_1321 = arith.addi %squeeze3A_1308, %add3A_1320 : i32
        %get3A_1322 = arith.index_cast %add3A_1319 : i32 to index
        %get3A_1323 = arith.index_cast %add3A_1321 : i32 to index
        %get3A_1324 = tpu.vector_load %arg11[%get3A_1322, %get3A_1323] {strides = array<i32>} : memref<100x128xf32, #tpu.memory_space<vmem>>, vector<1x16xf32>,
        %get3A_1325 = vector.shape_cast %get3A_1324 : vector<1x16xf32> to vector<16xf32>
        %add3A_1326 = arith.addf %add3A_1288, %get3A_1325 : vector<16xf32>
        %add3A_1327 = arith.constant 4 : i32
        %add3A_1328 = arith.addi %mul3A_1144, %add3A_1327 : i32
        %add3A_1329 = arith.constant 32 : i32
        %add3A_1330 = arith.addi %squeeze3A_1308, %add3A_1329 : i32
        %get3A_1331 = arith.index_cast %add3A_1328 : i32 to index
        %get3A_1332 = arith.index_cast %add3A_1330 : i32 to index
        %get3A_1333 = tpu.vector_load %arg11[%get3A_1331, %get3A_1332] {strides = array<i32>} : memref<100x128xf32, #tpu.memory_space<vmem>>, vector<1x16xf32>,
        %get3A_1334 = vector.shape_cast %get3A_1333 : vector<1x16xf32> to vector<16xf32>
        %add3A_1335 = arith.addf %add3A_1297, %get3A_1334 : vector<16xf32>
        %add3A_1336 = arith.constant 4 : i32
        %add3A_1337 = arith.addi %mul3A_1144, %add3A_1336 : i32
        %add3A_1338 = arith.constant 48 : i32
        %add3A_1339 = arith.addi %squeeze3A_1308, %add3A_1338 : i32
        %get3A_1340 = arith.index_cast %add3A_1337 : i32 to index
        %get3A_1341 = arith.index_cast %add3A_1339 : i32 to index
        %get3A_1342 = tpu.vector_load %arg11[%get3A_1340, %get3A_1341] {strides = array<i32>} : memref<100x128xf32, #tpu.memory_space<vmem>>, vector<1x16xf32>,
        %get3A_1343 = vector.shape_cast %get3A_1342 : vector<1x16xf32> to vector<16xf32>
        %add3A_1344 = arith.addf %add3A_1306, %get3A_1343 : vector<16xf32>
        %slice3A_1345 = vector.extract_strided_slice %shift_left3A_1154 {offsets = [5], sizes = [1], strides = [1]} : vector<16xi32> to vector<1xi32>
        %squeeze3A_1346 = vector.extract %slice3A_1345[0] : i32 from vector<1xi32>
        %add3A_1347 = arith.constant 5 : i32
        %add3A_1348 = arith.addi %mul3A_1144, %add3A_1347 : i32
        %add3A_1349 = arith.constant 0 : i32
        %add3A_1350 = arith.addi %squeeze3A_1346, %add3A_1349 : i32
        %get3A_1351 = arith.index_cast %add3A_1348 : i32 to index
        %get3A_1352 = arith.index_cast %add3A_1350 : i32 to index
        %get3A_1353 = tpu.vector_load %arg11[%get3A_1351, %get3A_1352] {strides = array<i32>} : memref<100x128xf32, #tpu.memory_space<vmem>>, vector<1x16xf32>,
        %get3A_1354 = vector.shape_cast %get3A_1353 : vector<1x16xf32> to vector<16xf32>
        %add3A_1355 = arith.addf %add3A_1317, %get3A_1354 : vector<16xf32>
        %add3A_1356 = arith.constant 5 : i32
        %add3A_1357 = arith.addi %mul3A_1144, %add3A_1356 : i32
        %add3A_1358 = arith.constant 16 : i32
        %add3A_1359 = arith.addi %squeeze3A_1346, %add3A_1358 : i32
        %get3A_1360 = arith.index_cast %add3A_1357 : i32 to index
        %get3A_1361 = arith.index_cast %add3A_1359 : i32 to index
        %get3A_1362 = tpu.vector_load %arg11[%get3A_1360, %get3A_1361] {strides = array<i32>} : memref<100x128xf32, #tpu.memory_space<vmem>>, vector<1x16xf32>,
        %get3A_1363 = vector.shape_cast %get3A_1362 : vector<1x16xf32> to vector<16xf32>
        %add3A_1364 = arith.addf %add3A_1326, %get3A_1363 : vector<16xf32>
        %add3A_1365 = arith.constant 5 : i32
        %add3A_1366 = arith.addi %mul3A_1144, %add3A_1365 : i32
        %add3A_1367 = arith.constant 32 : i32
        %add3A_1368 = arith.addi %squeeze3A_1346, %add3A_1367 : i32
        %get3A_1369 = arith.index_cast %add3A_1366 : i32 to index
        %get3A_1370 = arith.index_cast %add3A_1368 : i32 to index
        %get3A_1371 = tpu.vector_load %arg11[%get3A_1369, %get3A_1370] {strides = array<i32>} : memref<100x128xf32, #tpu.memory_space<vmem>>, vector<1x16xf32>,
        %get3A_1372 = vector.shape_cast %get3A_1371 : vector<1x16xf32> to vector<16xf32>
        %add3A_1373 = arith.addf %add3A_1335, %get3A_1372 : vector<16xf32>
        %add3A_1374 = arith.constant 5 : i32
        %add3A_1375 = arith.addi %mul3A_1144, %add3A_1374 : i32
        %add3A_1376 = arith.constant 48 : i32
        %add3A_1377 = arith.addi %squeeze3A_1346, %add3A_1376 : i32
        %get3A_1378 = arith.index_cast %add3A_1375 : i32 to index
        %get3A_1379 = arith.index_cast %add3A_1377 : i32 to index
        %get3A_1380 = tpu.vector_load %arg11[%get3A_1378, %get3A_1379] {strides = array<i32>} : memref<100x128xf32, #tpu.memory_space<vmem>>, vector<1x16xf32>,
        %get3A_1381 = vector.shape_cast %get3A_1380 : vector<1x16xf32> to vector<16xf32>
        %add3A_1382 = arith.addf %add3A_1344, %get3A_1381 : vector<16xf32>
        %slice3A_1383 = vector.extract_strided_slice %shift_left3A_1154 {offsets = [6], sizes = [1], strides = [1]} : vector<16xi32> to vector<1xi32>
        %squeeze3A_1384 = vector.extract %slice3A_1383[0] : i32 from vector<1xi32>
        %add3A_1385 = arith.constant 6 : i32
        %add3A_1386 = arith.addi %mul3A_1144, %add3A_1385 : i32
        %add3A_1387 = arith.constant 0 : i32
        %add3A_1388 = arith.addi %squeeze3A_1384, %add3A_1387 : i32
        %get3A_1389 = arith.index_cast %add3A_1386 : i32 to index
        %get3A_1390 = arith.index_cast %add3A_1388 : i32 to index
        %get3A_1391 = tpu.vector_load %arg11[%get3A_1389, %get3A_1390] {strides = array<i32>} : memref<100x128xf32, #tpu.memory_space<vmem>>, vector<1x16xf32>,
        %get3A_1392 = vector.shape_cast %get3A_1391 : vector<1x16xf32> to vector<16xf32>
        %add3A_1393 = arith.addf %add3A_1355, %get3A_1392 : vector<16xf32>
        %add3A_1394 = arith.constant 6 : i32
        %add3A_1395 = arith.addi %mul3A_1144, %add3A_1394 : i32
        %add3A_1396 = arith.constant 16 : i32
        %add3A_1397 = arith.addi %squeeze3A_1384, %add3A_1396 : i32
        %get3A_1398 = arith.index_cast %add3A_1395 : i32 to index
        %get3A_1399 = arith.index_cast %add3A_1397 : i32 to index
        %get3A_1400 = tpu.vector_load %arg11[%get3A_1398, %get3A_1399] {strides = array<i32>} : memref<100x128xf32, #tpu.memory_space<vmem>>, vector<1x16xf32>,
        %get3A_1401 = vector.shape_cast %get3A_1400 : vector<1x16xf32> to vector<16xf32>
        %add3A_1402 = arith.addf %add3A_1364, %get3A_1401 : vector<16xf32>
        %add3A_1403 = arith.constant 6 : i32
        %add3A_1404 = arith.addi %mul3A_1144, %add3A_1403 : i32
        %add3A_1405 = arith.constant 32 : i32
        %add3A_1406 = arith.addi %squeeze3A_1384, %add3A_1405 : i32
        %get3A_1407 = arith.index_cast %add3A_1404 : i32 to index
        %get3A_1408 = arith.index_cast %add3A_1406 : i32 to index
        %get3A_1409 = tpu.vector_load %arg11[%get3A_1407, %get3A_1408] {strides = array<i32>} : memref<100x128xf32, #tpu.memory_space<vmem>>, vector<1x16xf32>,
        %get3A_1410 = vector.shape_cast %get3A_1409 : vector<1x16xf32> to vector<16xf32>
        %add3A_1411 = arith.addf %add3A_1373, %get3A_1410 : vector<16xf32>
        %add3A_1412 = arith.constant 6 : i32
        %add3A_1413 = arith.addi %mul3A_1144, %add3A_1412 : i32
        %add3A_1414 = arith.constant 48 : i32
        %add3A_1415 = arith.addi %squeeze3A_1384, %add3A_1414 : i32
        %get3A_1416 = arith.index_cast %add3A_1413 : i32 to index
        %get3A_1417 = arith.index_cast %add3A_1415 : i32 to index
        %get3A_1418 = tpu.vector_load %arg11[%get3A_1416, %get3A_1417] {strides = array<i32>} : memref<100x128xf32, #tpu.memory_space<vmem>>, vector<1x16xf32>,
        %get3A_1419 = vector.shape_cast %get3A_1418 : vector<1x16xf32> to vector<16xf32>
        %add3A_1420 = arith.addf %add3A_1382, %get3A_1419 : vector<16xf32>
        %slice3A_1421 = vector.extract_strided_slice %shift_left3A_1154 {offsets = [7], sizes = [1], strides = [1]} : vector<16xi32> to vector<1xi32>
        %squeeze3A_1422 = vector.extract %slice3A_1421[0] : i32 from vector<1xi32>
        %add3A_1423 = arith.constant 7 : i32
        %add3A_1424 = arith.addi %mul3A_1144, %add3A_1423 : i32
        %add3A_1425 = arith.constant 0 : i32
        %add3A_1426 = arith.addi %squeeze3A_1422, %add3A_1425 : i32
        %get3A_1427 = arith.index_cast %add3A_1424 : i32 to index
        %get3A_1428 = arith.index_cast %add3A_1426 : i32 to index
        %get3A_1429 = tpu.vector_load %arg11[%get3A_1427, %get3A_1428] {strides = array<i32>} : memref<100x128xf32, #tpu.memory_space<vmem>>, vector<1x16xf32>,
        %get3A_1430 = vector.shape_cast %get3A_1429 : vector<1x16xf32> to vector<16xf32>
        %add3A_1431 = arith.addf %add3A_1393, %get3A_1430 : vector<16xf32>
        %add3A_1432 = arith.constant 7 : i32
        %add3A_1433 = arith.addi %mul3A_1144, %add3A_1432 : i32
        %add3A_1434 = arith.constant 16 : i32
        %add3A_1435 = arith.addi %squeeze3A_1422, %add3A_1434 : i32
        %get3A_1436 = arith.index_cast %add3A_1433 : i32 to index
        %get3A_1437 = arith.index_cast %add3A_1435 : i32 to index
        %get3A_1438 = tpu.vector_load %arg11[%get3A_1436, %get3A_1437] {strides = array<i32>} : memref<100x128xf32, #tpu.memory_space<vmem>>, vector<1x16xf32>,
        %get3A_1439 = vector.shape_cast %get3A_1438 : vector<1x16xf32> to vector<16xf32>
        %add3A_1440 = arith.addf %add3A_1402, %get3A_1439 : vector<16xf32>
        %add3A_1441 = arith.constant 7 : i32
        %add3A_1442 = arith.addi %mul3A_1144, %add3A_1441 : i32
        %add3A_1443 = arith.constant 32 : i32
        %add3A_1444 = arith.addi %squeeze3A_1422, %add3A_1443 : i32
        %get3A_1445 = arith.index_cast %add3A_1442 : i32 to index
        %get3A_1446 = arith.index_cast %add3A_1444 : i32 to index
        %get3A_1447 = tpu.vector_load %arg11[%get3A_1445, %get3A_1446] {strides = array<i32>} : memref<100x128xf32, #tpu.memory_space<vmem>>, vector<1x16xf32>,
        %get3A_1448 = vector.shape_cast %get3A_1447 : vector<1x16xf32> to vector<16xf32>
        %add3A_1449 = arith.addf %add3A_1411, %get3A_1448 : vector<16xf32>
        %add3A_1450 = arith.constant 7 : i32
        %add3A_1451 = arith.addi %mul3A_1144, %add3A_1450 : i32
        %add3A_1452 = arith.constant 48 : i32
        %add3A_1453 = arith.addi %squeeze3A_1422, %add3A_1452 : i32
        %get3A_1454 = arith.index_cast %add3A_1451 : i32 to index
        %get3A_1455 = arith.index_cast %add3A_1453 : i32 to index
        %get3A_1456 = tpu.vector_load %arg11[%get3A_1454, %get3A_1455] {strides = array<i32>} : memref<100x128xf32, #tpu.memory_space<vmem>>, vector<1x16xf32>,
        %get3A_1457 = vector.shape_cast %get3A_1456 : vector<1x16xf32> to vector<16xf32>
        %add3A_1458 = arith.addf %add3A_1420, %get3A_1457 : vector<16xf32>
        %slice3A_1459 = vector.extract_strided_slice %shift_left3A_1154 {offsets = [8], sizes = [1], strides = [1]} : vector<16xi32> to vector<1xi32>
        %squeeze3A_1460 = vector.extract %slice3A_1459[0] : i32 from vector<1xi32>
        %add3A_1461 = arith.constant 8 : i32
        %add3A_1462 = arith.addi %mul3A_1144, %add3A_1461 : i32
        %add3A_1463 = arith.constant 0 : i32
        %add3A_1464 = arith.addi %squeeze3A_1460, %add3A_1463 : i32
        %get3A_1465 = arith.index_cast %add3A_1462 : i32 to index
        %get3A_1466 = arith.index_cast %add3A_1464 : i32 to index
        %get3A_1467 = tpu.vector_load %arg11[%get3A_1465, %get3A_1466] {strides = array<i32>} : memref<100x128xf32, #tpu.memory_space<vmem>>, vector<1x16xf32>,
        %get3A_1468 = vector.shape_cast %get3A_1467 : vector<1x16xf32> to vector<16xf32>
        %add3A_1469 = arith.addf %add3A_1431, %get3A_1468 : vector<16xf32>
        %add3A_1470 = arith.constant 8 : i32
        %add3A_1471 = arith.addi %mul3A_1144, %add3A_1470 : i32
        %add3A_1472 = arith.constant 16 : i32
        %add3A_1473 = arith.addi %squeeze3A_1460, %add3A_1472 : i32
        %get3A_1474 = arith.index_cast %add3A_1471 : i32 to index
        %get3A_1475 = arith.index_cast %add3A_1473 : i32 to index
        %get3A_1476 = tpu.vector_load %arg11[%get3A_1474, %get3A_1475] {strides = array<i32>} : memref<100x128xf32, #tpu.memory_space<vmem>>, vector<1x16xf32>,
        %get3A_1477 = vector.shape_cast %get3A_1476 : vector<1x16xf32> to vector<16xf32>
        %add3A_1478 = arith.addf %add3A_1440, %get3A_1477 : vector<16xf32>
        %add3A_1479 = arith.constant 8 : i32
        %add3A_1480 = arith.addi %mul3A_1144, %add3A_1479 : i32
        %add3A_1481 = arith.constant 32 : i32
        %add3A_1482 = arith.addi %squeeze3A_1460, %add3A_1481 : i32
        %get3A_1483 = arith.index_cast %add3A_1480 : i32 to index
        %get3A_1484 = arith.index_cast %add3A_1482 : i32 to index
        %get3A_1485 = tpu.vector_load %arg11[%get3A_1483, %get3A_1484] {strides = array<i32>} : memref<100x128xf32, #tpu.memory_space<vmem>>, vector<1x16xf32>,
        %get3A_1486 = vector.shape_cast %get3A_1485 : vector<1x16xf32> to vector<16xf32>
        %add3A_1487 = arith.addf %add3A_1449, %get3A_1486 : vector<16xf32>
        %add3A_1488 = arith.constant 8 : i32
        %add3A_1489 = arith.addi %mul3A_1144, %add3A_1488 : i32
        %add3A_1490 = arith.constant 48 : i32
        %add3A_1491 = arith.addi %squeeze3A_1460, %add3A_1490 : i32
        %get3A_1492 = arith.index_cast %add3A_1489 : i32 to index
        %get3A_1493 = arith.index_cast %add3A_1491 : i32 to index
        %get3A_1494 = tpu.vector_load %arg11[%get3A_1492, %get3A_1493] {strides = array<i32>} : memref<100x128xf32, #tpu.memory_space<vmem>>, vector<1x16xf32>,
        %get3A_1495 = vector.shape_cast %get3A_1494 : vector<1x16xf32> to vector<16xf32>
        %add3A_1496 = arith.addf %add3A_1458, %get3A_1495 : vector<16xf32>
        %slice3A_1497 = vector.extract_strided_slice %shift_left3A_1154 {offsets = [9], sizes = [1], strides = [1]} : vector<16xi32> to vector<1xi32>
        %squeeze3A_1498 = vector.extract %slice3A_1497[0] : i32 from vector<1xi32>
        %add3A_1499 = arith.constant 9 : i32
        %add3A_1500 = arith.addi %mul3A_1144, %add3A_1499 : i32
        %add3A_1501 = arith.constant 0 : i32
        %add3A_1502 = arith.addi %squeeze3A_1498, %add3A_1501 : i32
        %get3A_1503 = arith.index_cast %add3A_1500 : i32 to index
        %get3A_1504 = arith.index_cast %add3A_1502 : i32 to index
        %get3A_1505 = tpu.vector_load %arg11[%get3A_1503, %get3A_1504] {strides = array<i32>} : memref<100x128xf32, #tpu.memory_space<vmem>>, vector<1x16xf32>,
        %get3A_1506 = vector.shape_cast %get3A_1505 : vector<1x16xf32> to vector<16xf32>
        %add3A_1507 = arith.addf %add3A_1469, %get3A_1506 : vector<16xf32>
        %add3A_1508 = arith.constant 9 : i32
        %add3A_1509 = arith.addi %mul3A_1144, %add3A_1508 : i32
        %add3A_1510 = arith.constant 16 : i32
        %add3A_1511 = arith.addi %squeeze3A_1498, %add3A_1510 : i32
        %get3A_1512 = arith.index_cast %add3A_1509 : i32 to index
        %get3A_1513 = arith.index_cast %add3A_1511 : i32 to index
        %get3A_1514 = tpu.vector_load %arg11[%get3A_1512, %get3A_1513] {strides = array<i32>} : memref<100x128xf32, #tpu.memory_space<vmem>>, vector<1x16xf32>,
        %get3A_1515 = vector.shape_cast %get3A_1514 : vector<1x16xf32> to vector<16xf32>
        %add3A_1516 = arith.addf %add3A_1478, %get3A_1515 : vector<16xf32>
        %add3A_1517 = arith.constant 9 : i32
        %add3A_1518 = arith.addi %mul3A_1144, %add3A_1517 : i32
        %add3A_1519 = arith.constant 32 : i32
        %add3A_1520 = arith.addi %squeeze3A_1498, %add3A_1519 : i32
        %get3A_1521 = arith.index_cast %add3A_1518 : i32 to index
        %get3A_1522 = arith.index_cast %add3A_1520 : i32 to index
        %get3A_1523 = tpu.vector_load %arg11[%get3A_1521, %get3A_1522] {strides = array<i32>} : memref<100x128xf32, #tpu.memory_space<vmem>>, vector<1x16xf32>,
        %get3A_1524 = vector.shape_cast %get3A_1523 : vector<1x16xf32> to vector<16xf32>
        %add3A_1525 = arith.addf %add3A_1487, %get3A_1524 : vector<16xf32>
        %add3A_1526 = arith.constant 9 : i32
        %add3A_1527 = arith.addi %mul3A_1144, %add3A_1526 : i32
        %add3A_1528 = arith.constant 48 : i32
        %add3A_1529 = arith.addi %squeeze3A_1498, %add3A_1528 : i32
        %get3A_1530 = arith.index_cast %add3A_1527 : i32 to index
        %get3A_1531 = arith.index_cast %add3A_1529 : i32 to index
        %get3A_1532 = tpu.vector_load %arg11[%get3A_1530, %get3A_1531] {strides = array<i32>} : memref<100x128xf32, #tpu.memory_space<vmem>>, vector<1x16xf32>,
        %get3A_1533 = vector.shape_cast %get3A_1532 : vector<1x16xf32> to vector<16xf32>
        %add3A_1534 = arith.addf %add3A_1496, %get3A_1533 : vector<16xf32>
        %slice3A_1535 = vector.extract_strided_slice %shift_left3A_1154 {offsets = [10], sizes = [1], strides = [1]} : vector<16xi32> to vector<1xi32>
        %squeeze3A_1536 = vector.extract %slice3A_1535[0] : i32 from vector<1xi32>
        %add3A_1537 = arith.constant 10 : i32
        %add3A_1538 = arith.addi %mul3A_1144, %add3A_1537 : i32
        %add3A_1539 = arith.constant 0 : i32
        %add3A_1540 = arith.addi %squeeze3A_1536, %add3A_1539 : i32
        %get3A_1541 = arith.index_cast %add3A_1538 : i32 to index
        %get3A_1542 = arith.index_cast %add3A_1540 : i32 to index
        %get3A_1543 = tpu.vector_load %arg11[%get3A_1541, %get3A_1542] {strides = array<i32>} : memref<100x128xf32, #tpu.memory_space<vmem>>, vector<1x16xf32>,
        %get3A_1544 = vector.shape_cast %get3A_1543 : vector<1x16xf32> to vector<16xf32>
        %add3A_1545 = arith.addf %add3A_1507, %get3A_1544 : vector<16xf32>
        %add3A_1546 = arith.constant 10 : i32
        %add3A_1547 = arith.addi %mul3A_1144, %add3A_1546 : i32
        %add3A_1548 = arith.constant 16 : i32
        %add3A_1549 = arith.addi %squeeze3A_1536, %add3A_1548 : i32
        %get3A_1550 = arith.index_cast %add3A_1547 : i32 to index
        %get3A_1551 = arith.index_cast %add3A_1549 : i32 to index
        %get3A_1552 = tpu.vector_load %arg11[%get3A_1550, %get3A_1551] {strides = array<i32>} : memref<100x128xf32, #tpu.memory_space<vmem>>, vector<1x16xf32>,
        %get3A_1553 = vector.shape_cast %get3A_1552 : vector<1x16xf32> to vector<16xf32>
        %add3A_1554 = arith.addf %add3A_1516, %get3A_1553 : vector<16xf32>
        %add3A_1555 = arith.constant 10 : i32
        %add3A_1556 = arith.addi %mul3A_1144, %add3A_1555 : i32
        %add3A_1557 = arith.constant 32 : i32
        %add3A_1558 = arith.addi %squeeze3A_1536, %add3A_1557 : i32
        %get3A_1559 = arith.index_cast %add3A_1556 : i32 to index
        %get3A_1560 = arith.index_cast %add3A_1558 : i32 to index
        %get3A_1561 = tpu.vector_load %arg11[%get3A_1559, %get3A_1560] {strides = array<i32>} : memref<100x128xf32, #tpu.memory_space<vmem>>, vector<1x16xf32>,
        %get3A_1562 = vector.shape_cast %get3A_1561 : vector<1x16xf32> to vector<16xf32>
        %add3A_1563 = arith.addf %add3A_1525, %get3A_1562 : vector<16xf32>
        %add3A_1564 = arith.constant 10 : i32
        %add3A_1565 = arith.addi %mul3A_1144, %add3A_1564 : i32
        %add3A_1566 = arith.constant 48 : i32
        %add3A_1567 = arith.addi %squeeze3A_1536, %add3A_1566 : i32
        %get3A_1568 = arith.index_cast %add3A_1565 : i32 to index
        %get3A_1569 = arith.index_cast %add3A_1567 : i32 to index
        %get3A_1570 = tpu.vector_load %arg11[%get3A_1568, %get3A_1569] {strides = array<i32>} : memref<100x128xf32, #tpu.memory_space<vmem>>, vector<1x16xf32>,
        %get3A_1571 = vector.shape_cast %get3A_1570 : vector<1x16xf32> to vector<16xf32>
        %add3A_1572 = arith.addf %add3A_1534, %get3A_1571 : vector<16xf32>
        %slice3A_1573 = vector.extract_strided_slice %shift_left3A_1154 {offsets = [11], sizes = [1], strides = [1]} : vector<16xi32> to vector<1xi32>
        %squeeze3A_1574 = vector.extract %slice3A_1573[0] : i32 from vector<1xi32>
        %add3A_1575 = arith.constant 11 : i32
        %add3A_1576 = arith.addi %mul3A_1144, %add3A_1575 : i32
        %add3A_1577 = arith.constant 0 : i32
        %add3A_1578 = arith.addi %squeeze3A_1574, %add3A_1577 : i32
        %get3A_1579 = arith.index_cast %add3A_1576 : i32 to index
        %get3A_1580 = arith.index_cast %add3A_1578 : i32 to index
        %get3A_1581 = tpu.vector_load %arg11[%get3A_1579, %get3A_1580] {strides = array<i32>} : memref<100x128xf32, #tpu.memory_space<vmem>>, vector<1x16xf32>,
        %get3A_1582 = vector.shape_cast %get3A_1581 : vector<1x16xf32> to vector<16xf32>
        %add3A_1583 = arith.addf %add3A_1545, %get3A_1582 : vector<16xf32>
        %add3A_1584 = arith.constant 11 : i32
        %add3A_1585 = arith.addi %mul3A_1144, %add3A_1584 : i32
        %add3A_1586 = arith.constant 16 : i32
        %add3A_1587 = arith.addi %squeeze3A_1574, %add3A_1586 : i32
        %get3A_1588 = arith.index_cast %add3A_1585 : i32 to index
        %get3A_1589 = arith.index_cast %add3A_1587 : i32 to index
        %get3A_1590 = tpu.vector_load %arg11[%get3A_1588, %get3A_1589] {strides = array<i32>} : memref<100x128xf32, #tpu.memory_space<vmem>>, vector<1x16xf32>,
        %get3A_1591 = vector.shape_cast %get3A_1590 : vector<1x16xf32> to vector<16xf32>
        %add3A_1592 = arith.addf %add3A_1554, %get3A_1591 : vector<16xf32>
        %add3A_1593 = arith.constant 11 : i32
        %add3A_1594 = arith.addi %mul3A_1144, %add3A_1593 : i32
        %add3A_1595 = arith.constant 32 : i32
        %add3A_1596 = arith.addi %squeeze3A_1574, %add3A_1595 : i32
        %get3A_1597 = arith.index_cast %add3A_1594 : i32 to index
        %get3A_1598 = arith.index_cast %add3A_1596 : i32 to index
        %get3A_1599 = tpu.vector_load %arg11[%get3A_1597, %get3A_1598] {strides = array<i32>} : memref<100x128xf32, #tpu.memory_space<vmem>>, vector<1x16xf32>,
        %get3A_1600 = vector.shape_cast %get3A_1599 : vector<1x16xf32> to vector<16xf32>
        %add3A_1601 = arith.addf %add3A_1563, %get3A_1600 : vector<16xf32>
        %add3A_1602 = arith.constant 11 : i32
        %add3A_1603 = arith.addi %mul3A_1144, %add3A_1602 : i32
        %add3A_1604 = arith.constant 48 : i32
        %add3A_1605 = arith.addi %squeeze3A_1574, %add3A_1604 : i32
        %get3A_1606 = arith.index_cast %add3A_1603 : i32 to index
        %get3A_1607 = arith.index_cast %add3A_1605 : i32 to index
        %get3A_1608 = tpu.vector_load %arg11[%get3A_1606, %get3A_1607] {strides = array<i32>} : memref<100x128xf32, #tpu.memory_space<vmem>>, vector<1x16xf32>,
        %get3A_1609 = vector.shape_cast %get3A_1608 : vector<1x16xf32> to vector<16xf32>
        %add3A_1610 = arith.addf %add3A_1572, %get3A_1609 : vector<16xf32>
        %slice3A_1611 = vector.extract_strided_slice %shift_left3A_1154 {offsets = [12], sizes = [1], strides = [1]} : vector<16xi32> to vector<1xi32>
        %squeeze3A_1612 = vector.extract %slice3A_1611[0] : i32 from vector<1xi32>
        %add3A_1613 = arith.constant 12 : i32
        %add3A_1614 = arith.addi %mul3A_1144, %add3A_1613 : i32
        %add3A_1615 = arith.constant 0 : i32
        %add3A_1616 = arith.addi %squeeze3A_1612, %add3A_1615 : i32
        %get3A_1617 = arith.index_cast %add3A_1614 : i32 to index
        %get3A_1618 = arith.index_cast %add3A_1616 : i32 to index
        %get3A_1619 = tpu.vector_load %arg11[%get3A_1617, %get3A_1618] {strides = array<i32>} : memref<100x128xf32, #tpu.memory_space<vmem>>, vector<1x16xf32>,
        %get3A_1620 = vector.shape_cast %get3A_1619 : vector<1x16xf32> to vector<16xf32>
        %add3A_1621 = arith.addf %add3A_1583, %get3A_1620 : vector<16xf32>
        %add3A_1622 = arith.constant 12 : i32
        %add3A_1623 = arith.addi %mul3A_1144, %add3A_1622 : i32
        %add3A_1624 = arith.constant 16 : i32
        %add3A_1625 = arith.addi %squeeze3A_1612, %add3A_1624 : i32
        %get3A_1626 = arith.index_cast %add3A_1623 : i32 to index
        %get3A_1627 = arith.index_cast %add3A_1625 : i32 to index
        %get3A_1628 = tpu.vector_load %arg11[%get3A_1626, %get3A_1627] {strides = array<i32>} : memref<100x128xf32, #tpu.memory_space<vmem>>, vector<1x16xf32>,
        %get3A_1629 = vector.shape_cast %get3A_1628 : vector<1x16xf32> to vector<16xf32>
        %add3A_1630 = arith.addf %add3A_1592, %get3A_1629 : vector<16xf32>
        %add3A_1631 = arith.constant 12 : i32
        %add3A_1632 = arith.addi %mul3A_1144, %add3A_1631 : i32
        %add3A_1633 = arith.constant 32 : i32
        %add3A_1634 = arith.addi %squeeze3A_1612, %add3A_1633 : i32
        %get3A_1635 = arith.index_cast %add3A_1632 : i32 to index
        %get3A_1636 = arith.index_cast %add3A_1634 : i32 to index
        %get3A_1637 = tpu.vector_load %arg11[%get3A_1635, %get3A_1636] {strides = array<i32>} : memref<100x128xf32, #tpu.memory_space<vmem>>, vector<1x16xf32>,
        %get3A_1638 = vector.shape_cast %get3A_1637 : vector<1x16xf32> to vector<16xf32>
        %add3A_1639 = arith.addf %add3A_1601, %get3A_1638 : vector<16xf32>
        %add3A_1640 = arith.constant 12 : i32
        %add3A_1641 = arith.addi %mul3A_1144, %add3A_1640 : i32
        %add3A_1642 = arith.constant 48 : i32
        %add3A_1643 = arith.addi %squeeze3A_1612, %add3A_1642 : i32
        %get3A_1644 = arith.index_cast %add3A_1641 : i32 to index
        %get3A_1645 = arith.index_cast %add3A_1643 : i32 to index
        %get3A_1646 = tpu.vector_load %arg11[%get3A_1644, %get3A_1645] {strides = array<i32>} : memref<100x128xf32, #tpu.memory_space<vmem>>, vector<1x16xf32>,
        %get3A_1647 = vector.shape_cast %get3A_1646 : vector<1x16xf32> to vector<16xf32>
        %add3A_1648 = arith.addf %add3A_1610, %get3A_1647 : vector<16xf32>
        %slice3A_1649 = vector.extract_strided_slice %shift_left3A_1154 {offsets = [13], sizes = [1], strides = [1]} : vector<16xi32> to vector<1xi32>
        %squeeze3A_1650 = vector.extract %slice3A_1649[0] : i32 from vector<1xi32>
        %add3A_1651 = arith.constant 13 : i32
        %add3A_1652 = arith.addi %mul3A_1144, %add3A_1651 : i32
        %add3A_1653 = arith.constant 0 : i32
        %add3A_1654 = arith.addi %squeeze3A_1650, %add3A_1653 : i32
        %get3A_1655 = arith.index_cast %add3A_1652 : i32 to index
        %get3A_1656 = arith.index_cast %add3A_1654 : i32 to index
        %get3A_1657 = tpu.vector_load %arg11[%get3A_1655, %get3A_1656] {strides = array<i32>} : memref<100x128xf32, #tpu.memory_space<vmem>>, vector<1x16xf32>,
        %get3A_1658 = vector.shape_cast %get3A_1657 : vector<1x16xf32> to vector<16xf32>
        %add3A_1659 = arith.addf %add3A_1621, %get3A_1658 : vector<16xf32>
        %add3A_1660 = arith.constant 13 : i32
        %add3A_1661 = arith.addi %mul3A_1144, %add3A_1660 : i32
        %add3A_1662 = arith.constant 16 : i32
        %add3A_1663 = arith.addi %squeeze3A_1650, %add3A_1662 : i32
        %get3A_1664 = arith.index_cast %add3A_1661 : i32 to index
        %get3A_1665 = arith.index_cast %add3A_1663 : i32 to index
        %get3A_1666 = tpu.vector_load %arg11[%get3A_1664, %get3A_1665] {strides = array<i32>} : memref<100x128xf32, #tpu.memory_space<vmem>>, vector<1x16xf32>,
        %get3A_1667 = vector.shape_cast %get3A_1666 : vector<1x16xf32> to vector<16xf32>
        %add3A_1668 = arith.addf %add3A_1630, %get3A_1667 : vector<16xf32>
        %add3A_1669 = arith.constant 13 : i32
        %add3A_1670 = arith.addi %mul3A_1144, %add3A_1669 : i32
        %add3A_1671 = arith.constant 32 : i32
        %add3A_1672 = arith.addi %squeeze3A_1650, %add3A_1671 : i32
        %get3A_1673 = arith.index_cast %add3A_1670 : i32 to index
        %get3A_1674 = arith.index_cast %add3A_1672 : i32 to index
        %get3A_1675 = tpu.vector_load %arg11[%get3A_1673, %get3A_1674] {strides = array<i32>} : memref<100x128xf32, #tpu.memory_space<vmem>>, vector<1x16xf32>,
        %get3A_1676 = vector.shape_cast %get3A_1675 : vector<1x16xf32> to vector<16xf32>
        %add3A_1677 = arith.addf %add3A_1639, %get3A_1676 : vector<16xf32>
        %add3A_1678 = arith.constant 13 : i32
        %add3A_1679 = arith.addi %mul3A_1144, %add3A_1678 : i32
        %add3A_1680 = arith.constant 48 : i32
        %add3A_1681 = arith.addi %squeeze3A_1650, %add3A_1680 : i32
        %get3A_1682 = arith.index_cast %add3A_1679 : i32 to index
        %get3A_1683 = arith.index_cast %add3A_1681 : i32 to index
        %get3A_1684 = tpu.vector_load %arg11[%get3A_1682, %get3A_1683] {strides = array<i32>} : memref<100x128xf32, #tpu.memory_space<vmem>>, vector<1x16xf32>,
        %get3A_1685 = vector.shape_cast %get3A_1684 : vector<1x16xf32> to vector<16xf32>
        %add3A_1686 = arith.addf %add3A_1648, %get3A_1685 : vector<16xf32>
        %slice3A_1687 = vector.extract_strided_slice %shift_left3A_1154 {offsets = [14], sizes = [1], strides = [1]} : vector<16xi32> to vector<1xi32>
        %squeeze3A_1688 = vector.extract %slice3A_1687[0] : i32 from vector<1xi32>
        %add3A_1689 = arith.constant 14 : i32
        %add3A_1690 = arith.addi %mul3A_1144, %add3A_1689 : i32
        %add3A_1691 = arith.constant 0 : i32
        %add3A_1692 = arith.addi %squeeze3A_1688, %add3A_1691 : i32
        %get3A_1693 = arith.index_cast %add3A_1690 : i32 to index
        %get3A_1694 = arith.index_cast %add3A_1692 : i32 to index
        %get3A_1695 = tpu.vector_load %arg11[%get3A_1693, %get3A_1694] {strides = array<i32>} : memref<100x128xf32, #tpu.memory_space<vmem>>, vector<1x16xf32>,
        %get3A_1696 = vector.shape_cast %get3A_1695 : vector<1x16xf32> to vector<16xf32>
        %add3A_1697 = arith.addf %add3A_1659, %get3A_1696 : vector<16xf32>
        %add3A_1698 = arith.constant 14 : i32
        %add3A_1699 = arith.addi %mul3A_1144, %add3A_1698 : i32
        %add3A_1700 = arith.constant 16 : i32
        %add3A_1701 = arith.addi %squeeze3A_1688, %add3A_1700 : i32
        %get3A_1702 = arith.index_cast %add3A_1699 : i32 to index
        %get3A_1703 = arith.index_cast %add3A_1701 : i32 to index
        %get3A_1704 = tpu.vector_load %arg11[%get3A_1702, %get3A_1703] {strides = array<i32>} : memref<100x128xf32, #tpu.memory_space<vmem>>, vector<1x16xf32>,
        %get3A_1705 = vector.shape_cast %get3A_1704 : vector<1x16xf32> to vector<16xf32>
        %add3A_1706 = arith.addf %add3A_1668, %get3A_1705 : vector<16xf32>
        %add3A_1707 = arith.constant 14 : i32
        %add3A_1708 = arith.addi %mul3A_1144, %add3A_1707 : i32
        %add3A_1709 = arith.constant 32 : i32
        %add3A_1710 = arith.addi %squeeze3A_1688, %add3A_1709 : i32
        %get3A_1711 = arith.index_cast %add3A_1708 : i32 to index
        %get3A_1712 = arith.index_cast %add3A_1710 : i32 to index
        %get3A_1713 = tpu.vector_load %arg11[%get3A_1711, %get3A_1712] {strides = array<i32>} : memref<100x128xf32, #tpu.memory_space<vmem>>, vector<1x16xf32>,
        %get3A_1714 = vector.shape_cast %get3A_1713 : vector<1x16xf32> to vector<16xf32>
        %add3A_1715 = arith.addf %add3A_1677, %get3A_1714 : vector<16xf32>
        %add3A_1716 = arith.constant 14 : i32
        %add3A_1717 = arith.addi %mul3A_1144, %add3A_1716 : i32
        %add3A_1718 = arith.constant 48 : i32
        %add3A_1719 = arith.addi %squeeze3A_1688, %add3A_1718 : i32
        %get3A_1720 = arith.index_cast %add3A_1717 : i32 to index
        %get3A_1721 = arith.index_cast %add3A_1719 : i32 to index
        %get3A_1722 = tpu.vector_load %arg11[%get3A_1720, %get3A_1721] {strides = array<i32>} : memref<100x128xf32, #tpu.memory_space<vmem>>, vector<1x16xf32>,
        %get3A_1723 = vector.shape_cast %get3A_1722 : vector<1x16xf32> to vector<16xf32>
        %add3A_1724 = arith.addf %add3A_1686, %get3A_1723 : vector<16xf32>
        %slice3A_1725 = vector.extract_strided_slice %shift_left3A_1154 {offsets = [15], sizes = [1], strides = [1]} : vector<16xi32> to vector<1xi32>
        %squeeze3A_1726 = vector.extract %slice3A_1725[0] : i32 from vector<1xi32>
        %add3A_1727 = arith.constant 15 : i32
        %add3A_1728 = arith.addi %mul3A_1144, %add3A_1727 : i32
        %add3A_1729 = arith.constant 0 : i32
        %add3A_1730 = arith.addi %squeeze3A_1726, %add3A_1729 : i32
        %get3A_1731 = arith.index_cast %add3A_1728 : i32 to index
        %get3A_1732 = arith.index_cast %add3A_1730 : i32 to index
        %get3A_1733 = tpu.vector_load %arg11[%get3A_1731, %get3A_1732] {strides = array<i32>} : memref<100x128xf32, #tpu.memory_space<vmem>>, vector<1x16xf32>,
        %get3A_1734 = vector.shape_cast %get3A_1733 : vector<1x16xf32> to vector<16xf32>
        %add3A_1735 = arith.addf %add3A_1697, %get3A_1734 : vector<16xf32>
        %add3A_1736 = arith.constant 15 : i32
        %add3A_1737 = arith.addi %mul3A_1144, %add3A_1736 : i32
        %add3A_1738 = arith.constant 16 : i32
        %add3A_1739 = arith.addi %squeeze3A_1726, %add3A_1738 : i32
        %get3A_1740 = arith.index_cast %add3A_1737 : i32 to index
        %get3A_1741 = arith.index_cast %add3A_1739 : i32 to index
        %get3A_1742 = tpu.vector_load %arg11[%get3A_1740, %get3A_1741] {strides = array<i32>} : memref<100x128xf32, #tpu.memory_space<vmem>>, vector<1x16xf32>,
        %get3A_1743 = vector.shape_cast %get3A_1742 : vector<1x16xf32> to vector<16xf32>
        %add3A_1744 = arith.addf %add3A_1706, %get3A_1743 : vector<16xf32>
        %add3A_1745 = arith.constant 15 : i32
        %add3A_1746 = arith.addi %mul3A_1144, %add3A_1745 : i32
        %add3A_1747 = arith.constant 32 : i32
        %add3A_1748 = arith.addi %squeeze3A_1726, %add3A_1747 : i32
        %get3A_1749 = arith.index_cast %add3A_1746 : i32 to index
        %get3A_1750 = arith.index_cast %add3A_1748 : i32 to index
        %get3A_1751 = tpu.vector_load %arg11[%get3A_1749, %get3A_1750] {strides = array<i32>} : memref<100x128xf32, #tpu.memory_space<vmem>>, vector<1x16xf32>,
        %get3A_1752 = vector.shape_cast %get3A_1751 : vector<1x16xf32> to vector<16xf32>
        %add3A_1753 = arith.addf %add3A_1715, %get3A_1752 : vector<16xf32>
        %add3A_1754 = arith.constant 15 : i32
        %add3A_1755 = arith.addi %mul3A_1144, %add3A_1754 : i32
        %add3A_1756 = arith.constant 48 : i32
        %add3A_1757 = arith.addi %squeeze3A_1726, %add3A_1756 : i32
        %get3A_1758 = arith.index_cast %add3A_1755 : i32 to index
        %get3A_1759 = arith.index_cast %add3A_1757 : i32 to index
        %get3A_1760 = tpu.vector_load %arg11[%get3A_1758, %get3A_1759] {strides = array<i32>} : memref<100x128xf32, #tpu.memory_space<vmem>>, vector<1x16xf32>,
        %get3A_1761 = vector.shape_cast %get3A_1760 : vector<1x16xf32> to vector<16xf32>
        %add3A_1762 = arith.addf %add3A_1724, %get3A_1761 : vector<16xf32>
        scf.yield %add3A_1735, %add3A_1744, %add3A_1753, %add3A_1762 : vector<16xf32>, vector<16xf32>, vector<16xf32>, vector<16xf32>
      }
      %scan3A_556 = arith.constant 6 : i32
      %get3A_557 = arith.index_cast %add3A_547 : i32 to index
      %get3A_558 = arith.constant 84 : index
      %get3A_559 = tpu.vector_load %arg5[%get3A_557, %get3A_558] {strides = array<i32>} : memref<256x100xi32, #tpu.memory_space<vmem>>, vector<1x16xi32>,
      %get3A_560 = vector.shape_cast %get3A_559 : vector<1x16xi32> to vector<16xi32>
      %and3A_561 = arith.constant 1 : i32
      %and3A_562 = vector.broadcast %and3A_561 : i32 to vector<16xi32>
      %and3A_563 = arith.andi %get3A_560, %and3A_562 : vector<16xi32>
      %shift_left3A_564 = arith.constant 6 : i32
      %shift_left3A_565 = vector.broadcast %shift_left3A_564 : i32 to vector<16xi32>
      %shift_left3A_566 = arith.shli %and3A_563, %shift_left3A_565 : vector<16xi32>
      %slice3A_567 = vector.extract_strided_slice %shift_left3A_566 {offsets = [12], sizes = [1], strides = [1]} : vector<16xi32> to vector<1xi32>
      %squeeze3A_568 = vector.extract %slice3A_567[0] : i32 from vector<1xi32>
      %add3A_569 = arith.constant 0 : i32
      %add3A_570 = arith.addi %squeeze3A_568, %add3A_569 : i32
      %get3A_571 = arith.constant 96 : i32
      %get3A_572 = arith.index_cast %get3A_571 : i32 to index
      %get3A_573 = arith.index_cast %add3A_570 : i32 to index
      %get3A_574 = tpu.vector_load %arg11[%get3A_572, %get3A_573] {strides = array<i32>} : memref<100x128xf32, #tpu.memory_space<vmem>>, vector<1x16xf32>,
      %get3A_575 = vector.shape_cast %get3A_574 : vector<1x16xf32> to vector<16xf32>
      %add3A_576 = arith.addf %scan3A_555#0, %get3A_575 : vector<16xf32>
      %add3A_577 = arith.constant 16 : i32
      %add3A_578 = arith.addi %squeeze3A_568, %add3A_577 : i32
      %get3A_579 = arith.constant 96 : i32
      %get3A_580 = arith.index_cast %get3A_579 : i32 to index
      %get3A_581 = arith.index_cast %add3A_578 : i32 to index
      %get3A_582 = tpu.vector_load %arg11[%get3A_580, %get3A_581] {strides = array<i32>} : memref<100x128xf32, #tpu.memory_space<vmem>>, vector<1x16xf32>,
      %get3A_583 = vector.shape_cast %get3A_582 : vector<1x16xf32> to vector<16xf32>
      %add3A_584 = arith.addf %scan3A_555#1, %get3A_583 : vector<16xf32>
      %add3A_585 = arith.constant 32 : i32
      %add3A_586 = arith.addi %squeeze3A_568, %add3A_585 : i32
      %get3A_587 = arith.constant 96 : i32
      %get3A_588 = arith.index_cast %get3A_587 : i32 to index
      %get3A_589 = arith.index_cast %add3A_586 : i32 to index
      %get3A_590 = tpu.vector_load %arg11[%get3A_588, %get3A_589] {strides = array<i32>} : memref<100x128xf32, #tpu.memory_space<vmem>>, vector<1x16xf32>,
      %get3A_591 = vector.shape_cast %get3A_590 : vector<1x16xf32> to vector<16xf32>
      %add3A_592 = arith.addf %scan3A_555#2, %get3A_591 : vector<16xf32>
      %add3A_593 = arith.constant 48 : i32
      %add3A_594 = arith.addi %squeeze3A_568, %add3A_593 : i32
      %get3A_595 = arith.constant 96 : i32
      %get3A_596 = arith.index_cast %get3A_595 : i32 to index
      %get3A_597 = arith.index_cast %add3A_594 : i32 to index
      %get3A_598 = tpu.vector_load %arg11[%get3A_596, %get3A_597] {strides = array<i32>} : memref<100x128xf32, #tpu.memory_space<vmem>>, vector<1x16xf32>,
      %get3A_599 = vector.shape_cast %get3A_598 : vector<1x16xf32> to vector<16xf32>
      %add3A_600 = arith.addf %scan3A_555#3, %get3A_599 : vector<16xf32>
      %slice3A_601 = vector.extract_strided_slice %shift_left3A_566 {offsets = [13], sizes = [1], strides = [1]} : vector<16xi32> to vector<1xi32>
      %squeeze3A_602 = vector.extract %slice3A_601[0] : i32 from vector<1xi32>
      %add3A_603 = arith.constant 0 : i32
      %add3A_604 = arith.addi %squeeze3A_602, %add3A_603 : i32
      %get3A_605 = arith.constant 97 : i32
      %get3A_606 = arith.index_cast %get3A_605 : i32 to index
      %get3A_607 = arith.index_cast %add3A_604 : i32 to index
      %get3A_608 = tpu.vector_load %arg11[%get3A_606, %get3A_607] {strides = array<i32>} : memref<100x128xf32, #tpu.memory_space<vmem>>, vector<1x16xf32>,
      %get3A_609 = vector.shape_cast %get3A_608 : vector<1x16xf32> to vector<16xf32>
      %add3A_610 = arith.addf %add3A_576, %get3A_609 : vector<16xf32>
      %add3A_611 = arith.constant 16 : i32
      %add3A_612 = arith.addi %squeeze3A_602, %add3A_611 : i32
      %get3A_613 = arith.constant 97 : i32
      %get3A_614 = arith.index_cast %get3A_613 : i32 to index
      %get3A_615 = arith.index_cast %add3A_612 : i32 to index
      %get3A_616 = tpu.vector_load %arg11[%get3A_614, %get3A_615] {strides = array<i32>} : memref<100x128xf32, #tpu.memory_space<vmem>>, vector<1x16xf32>,
      %get3A_617 = vector.shape_cast %get3A_616 : vector<1x16xf32> to vector<16xf32>
      %add3A_618 = arith.addf %add3A_584, %get3A_617 : vector<16xf32>
      %add3A_619 = arith.constant 32 : i32
      %add3A_620 = arith.addi %squeeze3A_602, %add3A_619 : i32
      %get3A_621 = arith.constant 97 : i32
      %get3A_622 = arith.index_cast %get3A_621 : i32 to index
      %get3A_623 = arith.index_cast %add3A_620 : i32 to index
      %get3A_624 = tpu.vector_load %arg11[%get3A_622, %get3A_623] {strides = array<i32>} : memref<100x128xf32, #tpu.memory_space<vmem>>, vector<1x16xf32>,
      %get3A_625 = vector.shape_cast %get3A_624 : vector<1x16xf32> to vector<16xf32>
      %add3A_626 = arith.addf %add3A_592, %get3A_625 : vector<16xf32>
      %add3A_627 = arith.constant 48 : i32
      %add3A_628 = arith.addi %squeeze3A_602, %add3A_627 : i32
      %get3A_629 = arith.constant 97 : i32
      %get3A_630 = arith.index_cast %get3A_629 : i32 to index
      %get3A_631 = arith.index_cast %add3A_628 : i32 to index
      %get3A_632 = tpu.vector_load %arg11[%get3A_630, %get3A_631] {strides = array<i32>} : memref<100x128xf32, #tpu.memory_space<vmem>>, vector<1x16xf32>,
      %get3A_633 = vector.shape_cast %get3A_632 : vector<1x16xf32> to vector<16xf32>
      %add3A_634 = arith.addf %add3A_600, %get3A_633 : vector<16xf32>
      %slice3A_635 = vector.extract_strided_slice %shift_left3A_566 {offsets = [14], sizes = [1], strides = [1]} : vector<16xi32> to vector<1xi32>
      %squeeze3A_636 = vector.extract %slice3A_635[0] : i32 from vector<1xi32>
      %add3A_637 = arith.constant 0 : i32
      %add3A_638 = arith.addi %squeeze3A_636, %add3A_637 : i32
      %get3A_639 = arith.constant 98 : i32
      %get3A_640 = arith.index_cast %get3A_639 : i32 to index
      %get3A_641 = arith.index_cast %add3A_638 : i32 to index
      %get3A_642 = tpu.vector_load %arg11[%get3A_640, %get3A_641] {strides = array<i32>} : memref<100x128xf32, #tpu.memory_space<vmem>>, vector<1x16xf32>,
      %get3A_643 = vector.shape_cast %get3A_642 : vector<1x16xf32> to vector<16xf32>
      %add3A_644 = arith.addf %add3A_610, %get3A_643 : vector<16xf32>
      %add3A_645 = arith.constant 16 : i32
      %add3A_646 = arith.addi %squeeze3A_636, %add3A_645 : i32
      %get3A_647 = arith.constant 98 : i32
      %get3A_648 = arith.index_cast %get3A_647 : i32 to index
      %get3A_649 = arith.index_cast %add3A_646 : i32 to index
      %get3A_650 = tpu.vector_load %arg11[%get3A_648, %get3A_649] {strides = array<i32>} : memref<100x128xf32, #tpu.memory_space<vmem>>, vector<1x16xf32>,
      %get3A_651 = vector.shape_cast %get3A_650 : vector<1x16xf32> to vector<16xf32>
      %add3A_652 = arith.addf %add3A_618, %get3A_651 : vector<16xf32>
      %add3A_653 = arith.constant 32 : i32
      %add3A_654 = arith.addi %squeeze3A_636, %add3A_653 : i32
      %get3A_655 = arith.constant 98 : i32
      %get3A_656 = arith.index_cast %get3A_655 : i32 to index
      %get3A_657 = arith.index_cast %add3A_654 : i32 to index
      %get3A_658 = tpu.vector_load %arg11[%get3A_656, %get3A_657] {strides = array<i32>} : memref<100x128xf32, #tpu.memory_space<vmem>>, vector<1x16xf32>,
      %get3A_659 = vector.shape_cast %get3A_658 : vector<1x16xf32> to vector<16xf32>
      %add3A_660 = arith.addf %add3A_626, %get3A_659 : vector<16xf32>
      %add3A_661 = arith.constant 48 : i32
      %add3A_662 = arith.addi %squeeze3A_636, %add3A_661 : i32
      %get3A_663 = arith.constant 98 : i32
      %get3A_664 = arith.index_cast %get3A_663 : i32 to index
      %get3A_665 = arith.index_cast %add3A_662 : i32 to index
      %get3A_666 = tpu.vector_load %arg11[%get3A_664, %get3A_665] {strides = array<i32>} : memref<100x128xf32, #tpu.memory_space<vmem>>, vector<1x16xf32>,
      %get3A_667 = vector.shape_cast %get3A_666 : vector<1x16xf32> to vector<16xf32>
      %add3A_668 = arith.addf %add3A_634, %get3A_667 : vector<16xf32>
      %slice3A_669 = vector.extract_strided_slice %shift_left3A_566 {offsets = [15], sizes = [1], strides = [1]} : vector<16xi32> to vector<1xi32>
      %squeeze3A_670 = vector.extract %slice3A_669[0] : i32 from vector<1xi32>
      %add3A_671 = arith.constant 0 : i32
      %add3A_672 = arith.addi %squeeze3A_670, %add3A_671 : i32
      %get3A_673 = arith.constant 99 : i32
      %get3A_674 = arith.index_cast %get3A_673 : i32 to index
      %get3A_675 = arith.index_cast %add3A_672 : i32 to index
      %get3A_676 = tpu.vector_load %arg11[%get3A_674, %get3A_675] {strides = array<i32>} : memref<100x128xf32, #tpu.memory_space<vmem>>, vector<1x16xf32>,
      %get3A_677 = vector.shape_cast %get3A_676 : vector<1x16xf32> to vector<16xf32>
      %add3A_678 = arith.addf %add3A_644, %get3A_677 : vector<16xf32>
      %add3A_679 = arith.constant 16 : i32
      %add3A_680 = arith.addi %squeeze3A_670, %add3A_679 : i32
      %get3A_681 = arith.constant 99 : i32
      %get3A_682 = arith.index_cast %get3A_681 : i32 to index
      %get3A_683 = arith.index_cast %add3A_680 : i32 to index
      %get3A_684 = tpu.vector_load %arg11[%get3A_682, %get3A_683] {strides = array<i32>} : memref<100x128xf32, #tpu.memory_space<vmem>>, vector<1x16xf32>,
      %get3A_685 = vector.shape_cast %get3A_684 : vector<1x16xf32> to vector<16xf32>
      %add3A_686 = arith.addf %add3A_652, %get3A_685 : vector<16xf32>
      %add3A_687 = arith.constant 32 : i32
      %add3A_688 = arith.addi %squeeze3A_670, %add3A_687 : i32
      %get3A_689 = arith.constant 99 : i32
      %get3A_690 = arith.index_cast %get3A_689 : i32 to index
      %get3A_691 = arith.index_cast %add3A_688 : i32 to index
      %get3A_692 = tpu.vector_load %arg11[%get3A_690, %get3A_691] {strides = array<i32>} : memref<100x128xf32, #tpu.memory_space<vmem>>, vector<1x16xf32>,
      %get3A_693 = vector.shape_cast %get3A_692 : vector<1x16xf32> to vector<16xf32>
      %add3A_694 = arith.addf %add3A_660, %get3A_693 : vector<16xf32>
      %add3A_695 = arith.constant 48 : i32
      %add3A_696 = arith.addi %squeeze3A_670, %add3A_695 : i32
      %get3A_697 = arith.constant 99 : i32
      %get3A_698 = arith.index_cast %get3A_697 : i32 to index
      %get3A_699 = arith.index_cast %add3A_696 : i32 to index
      %get3A_700 = tpu.vector_load %arg11[%get3A_698, %get3A_699] {strides = array<i32>} : memref<100x128xf32, #tpu.memory_space<vmem>>, vector<1x16xf32>,
      %get3A_701 = vector.shape_cast %get3A_700 : vector<1x16xf32> to vector<16xf32>
      %add3A_702 = arith.addf %add3A_668, %get3A_701 : vector<16xf32>
      %add3A_703 = arith.constant 4 : i32
      %add3A_704 = arith.addi %add3A_547, %add3A_703 : i32
      %lt3A_705 = arith.constant 256 : i32
      %lt3A_706 = arith.cmpi slt, %add3A_704, %lt3A_705 : i32
      %convert_element_type3A_707 = arith.extui %lt3A_706 : i1 to i32
      %cond3A_708 = arith.constant 0 : i32
      %cond3A_709 = arith.cmpi ne, %convert_element_type3A_707, %cond3A_708 : i32
      scf.if %cond3A_709 {
        %add3A_1138 = arith.constant 4 : i32
        %add3A_1139 = arith.addi %add3A_547, %add3A_1138 : i32
        %get3A_1140 = arith.index_cast %add3A_1139 : i32 to index
        %get3A_1141 = arith.constant 0 : index
        %get3A_1142 = tpu.vector_load %arg5[%get3A_1140, %get3A_1141] {strides = array<i32>} : memref<256x100xi32, #tpu.memory_space<vmem>>, vector<1x16xi32>,
        %get3A_1143 = vector.shape_cast %get3A_1142 : vector<1x16xi32> to vector<16xi32>
        %shift_right_logical3A_1144 = arith.constant 1 : i32
        %shift_right_logical3A_1145 = vector.broadcast %shift_right_logical3A_1144 : i32 to vector<16xi32>
        %shift_right_logical3A_1146 = arith.shrui %get3A_1143, %shift_right_logical3A_1145 : vector<16xi32>
        %swap3A_1147 = arith.constant 0 : index
        %swap3A_1148 = tpu.vector_load %arg7[%swap3A_1147] {strides = array<i32>} : memref<100xi32, #tpu.memory_space<vmem>>, vector<16xi32>,
        %swap3A_1149 = vector.shape_cast %swap3A_1148 : vector<16xi32> to vector<16xi32>
        %swap3A_1150 = vector.shape_cast %shift_right_logical3A_1146 : vector<16xi32> to vector<16xi32>
        tpu.vector_store %arg7[%swap3A_1147], %swap3A_1150 {strides = array<i32>} : memref<100xi32, #tpu.memory_space<vmem>>, vector<16xi32>,
        %get3A_1151 = arith.index_cast %add3A_1139 : i32 to index
        %get3A_1152 = arith.constant 16 : index
        %get3A_1153 = tpu.vector_load %arg5[%get3A_1151, %get3A_1152] {strides = array<i32>} : memref<256x100xi32, #tpu.memory_space<vmem>>, vector<1x16xi32>,
        %get3A_1154 = vector.shape_cast %get3A_1153 : vector<1x16xi32> to vector<16xi32>
        %shift_right_logical3A_1155 = arith.constant 1 : i32
        %shift_right_logical3A_1156 = vector.broadcast %shift_right_logical3A_1155 : i32 to vector<16xi32>
        %shift_right_logical3A_1157 = arith.shrui %get3A_1154, %shift_right_logical3A_1156 : vector<16xi32>
        %swap3A_1158 = arith.constant 16 : index
        %swap3A_1159 = tpu.vector_load %arg7[%swap3A_1158] {strides = array<i32>} : memref<100xi32, #tpu.memory_space<vmem>>, vector<16xi32>,
        %swap3A_1160 = vector.shape_cast %swap3A_1159 : vector<16xi32> to vector<16xi32>
        %swap3A_1161 = vector.shape_cast %shift_right_logical3A_1157 : vector<16xi32> to vector<16xi32>
        tpu.vector_store %arg7[%swap3A_1158], %swap3A_1161 {strides = array<i32>} : memref<100xi32, #tpu.memory_space<vmem>>, vector<16xi32>,
        %get3A_1162 = arith.index_cast %add3A_1139 : i32 to index
        %get3A_1163 = arith.constant 32 : index
        %get3A_1164 = tpu.vector_load %arg5[%get3A_1162, %get3A_1163] {strides = array<i32>} : memref<256x100xi32, #tpu.memory_space<vmem>>, vector<1x16xi32>,
        %get3A_1165 = vector.shape_cast %get3A_1164 : vector<1x16xi32> to vector<16xi32>
        %shift_right_logical3A_1166 = arith.constant 1 : i32
        %shift_right_logical3A_1167 = vector.broadcast %shift_right_logical3A_1166 : i32 to vector<16xi32>
        %shift_right_logical3A_1168 = arith.shrui %get3A_1165, %shift_right_logical3A_1167 : vector<16xi32>
        %swap3A_1169 = arith.constant 32 : index
        %swap3A_1170 = tpu.vector_load %arg7[%swap3A_1169] {strides = array<i32>} : memref<100xi32, #tpu.memory_space<vmem>>, vector<16xi32>,
        %swap3A_1171 = vector.shape_cast %swap3A_1170 : vector<16xi32> to vector<16xi32>
        %swap3A_1172 = vector.shape_cast %shift_right_logical3A_1168 : vector<16xi32> to vector<16xi32>
        tpu.vector_store %arg7[%swap3A_1169], %swap3A_1172 {strides = array<i32>} : memref<100xi32, #tpu.memory_space<vmem>>, vector<16xi32>,
        %get3A_1173 = arith.index_cast %add3A_1139 : i32 to index
        %get3A_1174 = arith.constant 48 : index
        %get3A_1175 = tpu.vector_load %arg5[%get3A_1173, %get3A_1174] {strides = array<i32>} : memref<256x100xi32, #tpu.memory_space<vmem>>, vector<1x16xi32>,
        %get3A_1176 = vector.shape_cast %get3A_1175 : vector<1x16xi32> to vector<16xi32>
        %shift_right_logical3A_1177 = arith.constant 1 : i32
        %shift_right_logical3A_1178 = vector.broadcast %shift_right_logical3A_1177 : i32 to vector<16xi32>
        %shift_right_logical3A_1179 = arith.shrui %get3A_1176, %shift_right_logical3A_1178 : vector<16xi32>
        %swap3A_1180 = arith.constant 48 : index
        %swap3A_1181 = tpu.vector_load %arg7[%swap3A_1180] {strides = array<i32>} : memref<100xi32, #tpu.memory_space<vmem>>, vector<16xi32>,
        %swap3A_1182 = vector.shape_cast %swap3A_1181 : vector<16xi32> to vector<16xi32>
        %swap3A_1183 = vector.shape_cast %shift_right_logical3A_1179 : vector<16xi32> to vector<16xi32>
        tpu.vector_store %arg7[%swap3A_1180], %swap3A_1183 {strides = array<i32>} : memref<100xi32, #tpu.memory_space<vmem>>, vector<16xi32>,
        %get3A_1184 = arith.index_cast %add3A_1139 : i32 to index
        %get3A_1185 = arith.constant 64 : index
        %get3A_1186 = tpu.vector_load %arg5[%get3A_1184, %get3A_1185] {strides = array<i32>} : memref<256x100xi32, #tpu.memory_space<vmem>>, vector<1x16xi32>,
        %get3A_1187 = vector.shape_cast %get3A_1186 : vector<1x16xi32> to vector<16xi32>
        %shift_right_logical3A_1188 = arith.constant 1 : i32
        %shift_right_logical3A_1189 = vector.broadcast %shift_right_logical3A_1188 : i32 to vector<16xi32>
        %shift_right_logical3A_1190 = arith.shrui %get3A_1187, %shift_right_logical3A_1189 : vector<16xi32>
        %swap3A_1191 = arith.constant 64 : index
        %swap3A_1192 = tpu.vector_load %arg7[%swap3A_1191] {strides = array<i32>} : memref<100xi32, #tpu.memory_space<vmem>>, vector<16xi32>,
        %swap3A_1193 = vector.shape_cast %swap3A_1192 : vector<16xi32> to vector<16xi32>
        %swap3A_1194 = vector.shape_cast %shift_right_logical3A_1190 : vector<16xi32> to vector<16xi32>
        tpu.vector_store %arg7[%swap3A_1191], %swap3A_1194 {strides = array<i32>} : memref<100xi32, #tpu.memory_space<vmem>>, vector<16xi32>,
        %get3A_1195 = arith.index_cast %add3A_1139 : i32 to index
        %get3A_1196 = arith.constant 80 : index
        %get3A_1197 = tpu.vector_load %arg5[%get3A_1195, %get3A_1196] {strides = array<i32>} : memref<256x100xi32, #tpu.memory_space<vmem>>, vector<1x16xi32>,
        %get3A_1198 = vector.shape_cast %get3A_1197 : vector<1x16xi32> to vector<16xi32>
        %shift_right_logical3A_1199 = arith.constant 1 : i32
        %shift_right_logical3A_1200 = vector.broadcast %shift_right_logical3A_1199 : i32 to vector<16xi32>
        %shift_right_logical3A_1201 = arith.shrui %get3A_1198, %shift_right_logical3A_1200 : vector<16xi32>
        %swap3A_1202 = arith.constant 80 : index
        %swap3A_1203 = tpu.vector_load %arg7[%swap3A_1202] {strides = array<i32>} : memref<100xi32, #tpu.memory_space<vmem>>, vector<16xi32>,
        %swap3A_1204 = vector.shape_cast %swap3A_1203 : vector<16xi32> to vector<16xi32>
        %swap3A_1205 = vector.shape_cast %shift_right_logical3A_1201 : vector<16xi32> to vector<16xi32>
        tpu.vector_store %arg7[%swap3A_1202], %swap3A_1205 {strides = array<i32>} : memref<100xi32, #tpu.memory_space<vmem>>, vector<16xi32>,
        %get3A_1206 = arith.index_cast %add3A_1139 : i32 to index
        %get3A_1207 = arith.constant 84 : index
        %get3A_1208 = tpu.vector_load %arg5[%get3A_1206, %get3A_1207] {strides = array<i32>} : memref<256x100xi32, #tpu.memory_space<vmem>>, vector<1x16xi32>,
        %get3A_1209 = vector.shape_cast %get3A_1208 : vector<1x16xi32> to vector<16xi32>
        %shift_right_logical3A_1210 = arith.constant 1 : i32
        %shift_right_logical3A_1211 = vector.broadcast %shift_right_logical3A_1210 : i32 to vector<16xi32>
        %shift_right_logical3A_1212 = arith.shrui %get3A_1209, %shift_right_logical3A_1211 : vector<16xi32>
        %swap3A_1213 = arith.constant 84 : index
        %swap3A_1214 = tpu.vector_load %arg7[%swap3A_1213] {strides = array<i32>} : memref<100xi32, #tpu.memory_space<vmem>>, vector<16xi32>,
        %swap3A_1215 = vector.shape_cast %swap3A_1214 : vector<16xi32> to vector<16xi32>
        %swap3A_1216 = vector.shape_cast %shift_right_logical3A_1212 : vector<16xi32> to vector<16xi32>
        tpu.vector_store %arg7[%swap3A_1213], %swap3A_1216 {strides = array<i32>} : memref<100xi32, #tpu.memory_space<vmem>>, vector<16xi32>,
        %dma_start3A_1217 = arith.constant 0 : i32
        %dma_start3A_1218 = arith.constant 0 : i32
        %dma_start3A_1219 = tpu.memref_slice %arg3[%dma_start3A_1217, %dma_start3A_1218] : memref<500000x128xf32, #tpu.memory_space<hbm>> -> memref<500000x128xf32, #tpu.memory_space<hbm>>
        tpu.enqueue_indirect_dma source(%dma_start3A_1219 : memref<500000x128xf32, #tpu.memory_space<hbm>>) target(%arg11 : memref<100x128xf32, #tpu.memory_space<vmem>>) offsets(%arg7 : memref<100xi32, #tpu.memory_space<vmem>>) semaphore(%arg16 : memref<!tpu.dma_semaphore, #tpu.memory_space<semaphore_mem>>)
      } else {
      }
      %mul3A_710 = arith.constant 5.000000e-03 : f32
      %mul3A_711 = vector.broadcast %mul3A_710 : f32 to vector<16xf32>
      %mul3A_712 = arith.mulf %add3A_678, %mul3A_711 : vector<16xf32>
      %swap3A_713 = arith.index_cast %add3A_547 : i32 to index
      %swap3A_714 = arith.constant 0 : index
      %swap3A_715 = tpu.vector_load %arg14[%swap3A_713, %swap3A_714] {strides = array<i32>} : memref<256x64xf32, #tpu.memory_space<vmem>>, vector<1x16xf32>,
      %swap3A_716 = vector.shape_cast %swap3A_715 : vector<1x16xf32> to vector<16xf32>
      %swap3A_717 = vector.shape_cast %mul3A_712 : vector<16xf32> to vector<1x16xf32>
      tpu.vector_store %arg14[%swap3A_713, %swap3A_714], %swap3A_717 {strides = array<i32>} : memref<256x64xf32, #tpu.memory_space<vmem>>, vector<1x16xf32>,
      %mul3A_718 = arith.constant 5.000000e-03 : f32
      %mul3A_719 = vector.broadcast %mul3A_718 : f32 to vector<16xf32>
      %mul3A_720 = arith.mulf %add3A_686, %mul3A_719 : vector<16xf32>
      %swap3A_721 = arith.index_cast %add3A_547 : i32 to index
      %swap3A_722 = arith.constant 16 : index
      %swap3A_723 = tpu.vector_load %arg14[%swap3A_721, %swap3A_722] {strides = array<i32>} : memref<256x64xf32, #tpu.memory_space<vmem>>, vector<1x16xf32>,
      %swap3A_724 = vector.shape_cast %swap3A_723 : vector<1x16xf32> to vector<16xf32>
      %swap3A_725 = vector.shape_cast %mul3A_720 : vector<16xf32> to vector<1x16xf32>
      tpu.vector_store %arg14[%swap3A_721, %swap3A_722], %swap3A_725 {strides = array<i32>} : memref<256x64xf32, #tpu.memory_space<vmem>>, vector<1x16xf32>,
      %mul3A_726 = arith.constant 5.000000e-03 : f32
      %mul3A_727 = vector.broadcast %mul3A_726 : f32 to vector<16xf32>
      %mul3A_728 = arith.mulf %add3A_694, %mul3A_727 : vector<16xf32>
      %swap3A_729 = arith.index_cast %add3A_547 : i32 to index
      %swap3A_730 = arith.constant 32 : index
      %swap3A_731 = tpu.vector_load %arg14[%swap3A_729, %swap3A_730] {strides = array<i32>} : memref<256x64xf32, #tpu.memory_space<vmem>>, vector<1x16xf32>,
      %swap3A_732 = vector.shape_cast %swap3A_731 : vector<1x16xf32> to vector<16xf32>
      %swap3A_733 = vector.shape_cast %mul3A_728 : vector<16xf32> to vector<1x16xf32>
      tpu.vector_store %arg14[%swap3A_729, %swap3A_730], %swap3A_733 {strides = array<i32>} : memref<256x64xf32, #tpu.memory_space<vmem>>, vector<1x16xf32>,
      %mul3A_734 = arith.constant 5.000000e-03 : f32
      %mul3A_735 = vector.broadcast %mul3A_734 : f32 to vector<16xf32>
      %mul3A_736 = arith.mulf %add3A_702, %mul3A_735 : vector<16xf32>
      %swap3A_737 = arith.index_cast %add3A_547 : i32 to index
      %swap3A_738 = arith.constant 48 : index
      %swap3A_739 = tpu.vector_load %arg14[%swap3A_737, %swap3A_738] {strides = array<i32>} : memref<256x64xf32, #tpu.memory_space<vmem>>, vector<1x16xf32>,
      %swap3A_740 = vector.shape_cast %swap3A_739 : vector<1x16xf32> to vector<16xf32>
      %swap3A_741 = vector.shape_cast %mul3A_736 : vector<16xf32> to vector<1x16xf32>
      tpu.vector_store %arg14[%swap3A_737, %swap3A_738], %swap3A_741 {strides = array<i32>} : memref<256x64xf32, #tpu.memory_space<vmem>>, vector<1x16xf32>,
      %mul3A_742 = arith.constant 4 : i32
      %mul3A_743 = arith.muli %mul3A_742, %scan3A_353 : i32
      %add3A_744 = arith.constant 2 : i32
      %add3A_745 = arith.addi %mul3A_743, %add3A_744 : i32
      %dma_wait3A_746 = arith.constant 0 : i32
      %dma_wait3A_747 = arith.constant 0 : i32
      %dma_wait3A_748 = tpu.memref_slice %arg3[%dma_wait3A_746, %dma_wait3A_747] : memref<500000x128xf32, #tpu.memory_space<hbm>> -> memref<500000x128xf32, #tpu.memory_space<hbm>>
      tpu.wait_indirect_dma semaphore(%arg17 : memref<!tpu.dma_semaphore, #tpu.memory_space<semaphore_mem>>) src(%dma_wait3A_748 : memref<500000x128xf32, #tpu.memory_space<hbm>>) dst(%arg12 : memref<100x128xf32, #tpu.memory_space<vmem>>)
      %scan3A_749 = arith.constant 0 : i32
      %scan3A_750 = arith.constant 6 : i32
      %scan3A_751 = arith.addi %scan3A_749, %scan3A_750 : i32
      %scan3A_752 = arith.constant 1 : i32
      %scan3A_753:4 = scf.for %scan3A_1138 = %scan3A_749 to %scan3A_751 step %scan3A_752 iter_args(%scan3A_1139 = %broadcast_in_dim3A_347, %scan3A_1140 = %broadcast_in_dim3A_347, %scan3A_1141 = %broadcast_in_dim3A_347, %scan3A_1142 = %broadcast_in_dim3A_347) -> (vector<16xf32>, vector<16xf32>, vector<16xf32>, vector<16xf32>)  : i32 {
        %mul3A_1143 = arith.constant 16 : i32
        %mul3A_1144 = arith.muli %mul3A_1143, %scan3A_1138 : i32
        %get3A_1145 = arith.index_cast %add3A_745 : i32 to index
        %get3A_1146 = arith.index_cast %mul3A_1144 : i32 to index
        %get3A_1147 = tpu.vector_load %arg5[%get3A_1145, %get3A_1146] {strides = array<i32>} : memref<256x100xi32, #tpu.memory_space<vmem>>, vector<1x16xi32>,
        %get3A_1148 = vector.shape_cast %get3A_1147 : vector<1x16xi32> to vector<16xi32>
        %and3A_1149 = arith.constant 1 : i32
        %and3A_1150 = vector.broadcast %and3A_1149 : i32 to vector<16xi32>
        %and3A_1151 = arith.andi %get3A_1148, %and3A_1150 : vector<16xi32>
        %shift_left3A_1152 = arith.constant 6 : i32
        %shift_left3A_1153 = vector.broadcast %shift_left3A_1152 : i32 to vector<16xi32>
        %shift_left3A_1154 = arith.shli %and3A_1151, %shift_left3A_1153 : vector<16xi32>
        %slice3A_1155 = vector.extract_strided_slice %shift_left3A_1154 {offsets = [0], sizes = [1], strides = [1]} : vector<16xi32> to vector<1xi32>
        %squeeze3A_1156 = vector.extract %slice3A_1155[0] : i32 from vector<1xi32>
        %add3A_1157 = arith.constant 0 : i32
        %add3A_1158 = arith.addi %mul3A_1144, %add3A_1157 : i32
        %add3A_1159 = arith.constant 0 : i32
        %add3A_1160 = arith.addi %squeeze3A_1156, %add3A_1159 : i32
        %get3A_1161 = arith.index_cast %add3A_1158 : i32 to index
        %get3A_1162 = arith.index_cast %add3A_1160 : i32 to index
        %get3A_1163 = tpu.vector_load %arg12[%get3A_1161, %get3A_1162] {strides = array<i32>} : memref<100x128xf32, #tpu.memory_space<vmem>>, vector<1x16xf32>,
        %get3A_1164 = vector.shape_cast %get3A_1163 : vector<1x16xf32> to vector<16xf32>
        %add3A_1165 = arith.addf %scan3A_1139, %get3A_1164 : vector<16xf32>
        %add3A_1166 = arith.constant 0 : i32
        %add3A_1167 = arith.addi %mul3A_1144, %add3A_1166 : i32
        %add3A_1168 = arith.constant 16 : i32
        %add3A_1169 = arith.addi %squeeze3A_1156, %add3A_1168 : i32
        %get3A_1170 = arith.index_cast %add3A_1167 : i32 to index
        %get3A_1171 = arith.index_cast %add3A_1169 : i32 to index
        %get3A_1172 = tpu.vector_load %arg12[%get3A_1170, %get3A_1171] {strides = array<i32>} : memref<100x128xf32, #tpu.memory_space<vmem>>, vector<1x16xf32>,
        %get3A_1173 = vector.shape_cast %get3A_1172 : vector<1x16xf32> to vector<16xf32>
        %add3A_1174 = arith.addf %scan3A_1140, %get3A_1173 : vector<16xf32>
        %add3A_1175 = arith.constant 0 : i32
        %add3A_1176 = arith.addi %mul3A_1144, %add3A_1175 : i32
        %add3A_1177 = arith.constant 32 : i32
        %add3A_1178 = arith.addi %squeeze3A_1156, %add3A_1177 : i32
        %get3A_1179 = arith.index_cast %add3A_1176 : i32 to index
        %get3A_1180 = arith.index_cast %add3A_1178 : i32 to index
        %get3A_1181 = tpu.vector_load %arg12[%get3A_1179, %get3A_1180] {strides = array<i32>} : memref<100x128xf32, #tpu.memory_space<vmem>>, vector<1x16xf32>,
        %get3A_1182 = vector.shape_cast %get3A_1181 : vector<1x16xf32> to vector<16xf32>
        %add3A_1183 = arith.addf %scan3A_1141, %get3A_1182 : vector<16xf32>
        %add3A_1184 = arith.constant 0 : i32
        %add3A_1185 = arith.addi %mul3A_1144, %add3A_1184 : i32
        %add3A_1186 = arith.constant 48 : i32
        %add3A_1187 = arith.addi %squeeze3A_1156, %add3A_1186 : i32
        %get3A_1188 = arith.index_cast %add3A_1185 : i32 to index
        %get3A_1189 = arith.index_cast %add3A_1187 : i32 to index
        %get3A_1190 = tpu.vector_load %arg12[%get3A_1188, %get3A_1189] {strides = array<i32>} : memref<100x128xf32, #tpu.memory_space<vmem>>, vector<1x16xf32>,
        %get3A_1191 = vector.shape_cast %get3A_1190 : vector<1x16xf32> to vector<16xf32>
        %add3A_1192 = arith.addf %scan3A_1142, %get3A_1191 : vector<16xf32>
        %slice3A_1193 = vector.extract_strided_slice %shift_left3A_1154 {offsets = [1], sizes = [1], strides = [1]} : vector<16xi32> to vector<1xi32>
        %squeeze3A_1194 = vector.extract %slice3A_1193[0] : i32 from vector<1xi32>
        %add3A_1195 = arith.constant 1 : i32
        %add3A_1196 = arith.addi %mul3A_1144, %add3A_1195 : i32
        %add3A_1197 = arith.constant 0 : i32
        %add3A_1198 = arith.addi %squeeze3A_1194, %add3A_1197 : i32
        %get3A_1199 = arith.index_cast %add3A_1196 : i32 to index
        %get3A_1200 = arith.index_cast %add3A_1198 : i32 to index
        %get3A_1201 = tpu.vector_load %arg12[%get3A_1199, %get3A_1200] {strides = array<i32>} : memref<100x128xf32, #tpu.memory_space<vmem>>, vector<1x16xf32>,
        %get3A_1202 = vector.shape_cast %get3A_1201 : vector<1x16xf32> to vector<16xf32>
        %add3A_1203 = arith.addf %add3A_1165, %get3A_1202 : vector<16xf32>
        %add3A_1204 = arith.constant 1 : i32
        %add3A_1205 = arith.addi %mul3A_1144, %add3A_1204 : i32
        %add3A_1206 = arith.constant 16 : i32
        %add3A_1207 = arith.addi %squeeze3A_1194, %add3A_1206 : i32
        %get3A_1208 = arith.index_cast %add3A_1205 : i32 to index
        %get3A_1209 = arith.index_cast %add3A_1207 : i32 to index
        %get3A_1210 = tpu.vector_load %arg12[%get3A_1208, %get3A_1209] {strides = array<i32>} : memref<100x128xf32, #tpu.memory_space<vmem>>, vector<1x16xf32>,
        %get3A_1211 = vector.shape_cast %get3A_1210 : vector<1x16xf32> to vector<16xf32>
        %add3A_1212 = arith.addf %add3A_1174, %get3A_1211 : vector<16xf32>
        %add3A_1213 = arith.constant 1 : i32
        %add3A_1214 = arith.addi %mul3A_1144, %add3A_1213 : i32
        %add3A_1215 = arith.constant 32 : i32
        %add3A_1216 = arith.addi %squeeze3A_1194, %add3A_1215 : i32
        %get3A_1217 = arith.index_cast %add3A_1214 : i32 to index
        %get3A_1218 = arith.index_cast %add3A_1216 : i32 to index
        %get3A_1219 = tpu.vector_load %arg12[%get3A_1217, %get3A_1218] {strides = array<i32>} : memref<100x128xf32, #tpu.memory_space<vmem>>, vector<1x16xf32>,
        %get3A_1220 = vector.shape_cast %get3A_1219 : vector<1x16xf32> to vector<16xf32>
        %add3A_1221 = arith.addf %add3A_1183, %get3A_1220 : vector<16xf32>
        %add3A_1222 = arith.constant 1 : i32
        %add3A_1223 = arith.addi %mul3A_1144, %add3A_1222 : i32
        %add3A_1224 = arith.constant 48 : i32
        %add3A_1225 = arith.addi %squeeze3A_1194, %add3A_1224 : i32
        %get3A_1226 = arith.index_cast %add3A_1223 : i32 to index
        %get3A_1227 = arith.index_cast %add3A_1225 : i32 to index
        %get3A_1228 = tpu.vector_load %arg12[%get3A_1226, %get3A_1227] {strides = array<i32>} : memref<100x128xf32, #tpu.memory_space<vmem>>, vector<1x16xf32>,
        %get3A_1229 = vector.shape_cast %get3A_1228 : vector<1x16xf32> to vector<16xf32>
        %add3A_1230 = arith.addf %add3A_1192, %get3A_1229 : vector<16xf32>
        %slice3A_1231 = vector.extract_strided_slice %shift_left3A_1154 {offsets = [2], sizes = [1], strides = [1]} : vector<16xi32> to vector<1xi32>
        %squeeze3A_1232 = vector.extract %slice3A_1231[0] : i32 from vector<1xi32>
        %add3A_1233 = arith.constant 2 : i32
        %add3A_1234 = arith.addi %mul3A_1144, %add3A_1233 : i32
        %add3A_1235 = arith.constant 0 : i32
        %add3A_1236 = arith.addi %squeeze3A_1232, %add3A_1235 : i32
        %get3A_1237 = arith.index_cast %add3A_1234 : i32 to index
        %get3A_1238 = arith.index_cast %add3A_1236 : i32 to index
        %get3A_1239 = tpu.vector_load %arg12[%get3A_1237, %get3A_1238] {strides = array<i32>} : memref<100x128xf32, #tpu.memory_space<vmem>>, vector<1x16xf32>,
        %get3A_1240 = vector.shape_cast %get3A_1239 : vector<1x16xf32> to vector<16xf32>
        %add3A_1241 = arith.addf %add3A_1203, %get3A_1240 : vector<16xf32>
        %add3A_1242 = arith.constant 2 : i32
        %add3A_1243 = arith.addi %mul3A_1144, %add3A_1242 : i32
        %add3A_1244 = arith.constant 16 : i32
        %add3A_1245 = arith.addi %squeeze3A_1232, %add3A_1244 : i32
        %get3A_1246 = arith.index_cast %add3A_1243 : i32 to index
        %get3A_1247 = arith.index_cast %add3A_1245 : i32 to index
        %get3A_1248 = tpu.vector_load %arg12[%get3A_1246, %get3A_1247] {strides = array<i32>} : memref<100x128xf32, #tpu.memory_space<vmem>>, vector<1x16xf32>,
        %get3A_1249 = vector.shape_cast %get3A_1248 : vector<1x16xf32> to vector<16xf32>
        %add3A_1250 = arith.addf %add3A_1212, %get3A_1249 : vector<16xf32>
        %add3A_1251 = arith.constant 2 : i32
        %add3A_1252 = arith.addi %mul3A_1144, %add3A_1251 : i32
        %add3A_1253 = arith.constant 32 : i32
        %add3A_1254 = arith.addi %squeeze3A_1232, %add3A_1253 : i32
        %get3A_1255 = arith.index_cast %add3A_1252 : i32 to index
        %get3A_1256 = arith.index_cast %add3A_1254 : i32 to index
        %get3A_1257 = tpu.vector_load %arg12[%get3A_1255, %get3A_1256] {strides = array<i32>} : memref<100x128xf32, #tpu.memory_space<vmem>>, vector<1x16xf32>,
        %get3A_1258 = vector.shape_cast %get3A_1257 : vector<1x16xf32> to vector<16xf32>
        %add3A_1259 = arith.addf %add3A_1221, %get3A_1258 : vector<16xf32>
        %add3A_1260 = arith.constant 2 : i32
        %add3A_1261 = arith.addi %mul3A_1144, %add3A_1260 : i32
        %add3A_1262 = arith.constant 48 : i32
        %add3A_1263 = arith.addi %squeeze3A_1232, %add3A_1262 : i32
        %get3A_1264 = arith.index_cast %add3A_1261 : i32 to index
        %get3A_1265 = arith.index_cast %add3A_1263 : i32 to index
        %get3A_1266 = tpu.vector_load %arg12[%get3A_1264, %get3A_1265] {strides = array<i32>} : memref<100x128xf32, #tpu.memory_space<vmem>>, vector<1x16xf32>,
        %get3A_1267 = vector.shape_cast %get3A_1266 : vector<1x16xf32> to vector<16xf32>
        %add3A_1268 = arith.addf %add3A_1230, %get3A_1267 : vector<16xf32>
        %slice3A_1269 = vector.extract_strided_slice %shift_left3A_1154 {offsets = [3], sizes = [1], strides = [1]} : vector<16xi32> to vector<1xi32>
        %squeeze3A_1270 = vector.extract %slice3A_1269[0] : i32 from vector<1xi32>
        %add3A_1271 = arith.constant 3 : i32
        %add3A_1272 = arith.addi %mul3A_1144, %add3A_1271 : i32
        %add3A_1273 = arith.constant 0 : i32
        %add3A_1274 = arith.addi %squeeze3A_1270, %add3A_1273 : i32
        %get3A_1275 = arith.index_cast %add3A_1272 : i32 to index
        %get3A_1276 = arith.index_cast %add3A_1274 : i32 to index
        %get3A_1277 = tpu.vector_load %arg12[%get3A_1275, %get3A_1276] {strides = array<i32>} : memref<100x128xf32, #tpu.memory_space<vmem>>, vector<1x16xf32>,
        %get3A_1278 = vector.shape_cast %get3A_1277 : vector<1x16xf32> to vector<16xf32>
        %add3A_1279 = arith.addf %add3A_1241, %get3A_1278 : vector<16xf32>
        %add3A_1280 = arith.constant 3 : i32
        %add3A_1281 = arith.addi %mul3A_1144, %add3A_1280 : i32
        %add3A_1282 = arith.constant 16 : i32
        %add3A_1283 = arith.addi %squeeze3A_1270, %add3A_1282 : i32
        %get3A_1284 = arith.index_cast %add3A_1281 : i32 to index
        %get3A_1285 = arith.index_cast %add3A_1283 : i32 to index
        %get3A_1286 = tpu.vector_load %arg12[%get3A_1284, %get3A_1285] {strides = array<i32>} : memref<100x128xf32, #tpu.memory_space<vmem>>, vector<1x16xf32>,
        %get3A_1287 = vector.shape_cast %get3A_1286 : vector<1x16xf32> to vector<16xf32>
        %add3A_1288 = arith.addf %add3A_1250, %get3A_1287 : vector<16xf32>
        %add3A_1289 = arith.constant 3 : i32
        %add3A_1290 = arith.addi %mul3A_1144, %add3A_1289 : i32
        %add3A_1291 = arith.constant 32 : i32
        %add3A_1292 = arith.addi %squeeze3A_1270, %add3A_1291 : i32
        %get3A_1293 = arith.index_cast %add3A_1290 : i32 to index
        %get3A_1294 = arith.index_cast %add3A_1292 : i32 to index
        %get3A_1295 = tpu.vector_load %arg12[%get3A_1293, %get3A_1294] {strides = array<i32>} : memref<100x128xf32, #tpu.memory_space<vmem>>, vector<1x16xf32>,
        %get3A_1296 = vector.shape_cast %get3A_1295 : vector<1x16xf32> to vector<16xf32>
        %add3A_1297 = arith.addf %add3A_1259, %get3A_1296 : vector<16xf32>
        %add3A_1298 = arith.constant 3 : i32
        %add3A_1299 = arith.addi %mul3A_1144, %add3A_1298 : i32
        %add3A_1300 = arith.constant 48 : i32
        %add3A_1301 = arith.addi %squeeze3A_1270, %add3A_1300 : i32
        %get3A_1302 = arith.index_cast %add3A_1299 : i32 to index
        %get3A_1303 = arith.index_cast %add3A_1301 : i32 to index
        %get3A_1304 = tpu.vector_load %arg12[%get3A_1302, %get3A_1303] {strides = array<i32>} : memref<100x128xf32, #tpu.memory_space<vmem>>, vector<1x16xf32>,
        %get3A_1305 = vector.shape_cast %get3A_1304 : vector<1x16xf32> to vector<16xf32>
        %add3A_1306 = arith.addf %add3A_1268, %get3A_1305 : vector<16xf32>
        %slice3A_1307 = vector.extract_strided_slice %shift_left3A_1154 {offsets = [4], sizes = [1], strides = [1]} : vector<16xi32> to vector<1xi32>
        %squeeze3A_1308 = vector.extract %slice3A_1307[0] : i32 from vector<1xi32>
        %add3A_1309 = arith.constant 4 : i32
        %add3A_1310 = arith.addi %mul3A_1144, %add3A_1309 : i32
        %add3A_1311 = arith.constant 0 : i32
        %add3A_1312 = arith.addi %squeeze3A_1308, %add3A_1311 : i32
        %get3A_1313 = arith.index_cast %add3A_1310 : i32 to index
        %get3A_1314 = arith.index_cast %add3A_1312 : i32 to index
        %get3A_1315 = tpu.vector_load %arg12[%get3A_1313, %get3A_1314] {strides = array<i32>} : memref<100x128xf32, #tpu.memory_space<vmem>>, vector<1x16xf32>,
        %get3A_1316 = vector.shape_cast %get3A_1315 : vector<1x16xf32> to vector<16xf32>
        %add3A_1317 = arith.addf %add3A_1279, %get3A_1316 : vector<16xf32>
        %add3A_1318 = arith.constant 4 : i32
        %add3A_1319 = arith.addi %mul3A_1144, %add3A_1318 : i32
        %add3A_1320 = arith.constant 16 : i32
        %add3A_1321 = arith.addi %squeeze3A_1308, %add3A_1320 : i32
        %get3A_1322 = arith.index_cast %add3A_1319 : i32 to index
        %get3A_1323 = arith.index_cast %add3A_1321 : i32 to index
        %get3A_1324 = tpu.vector_load %arg12[%get3A_1322, %get3A_1323] {strides = array<i32>} : memref<100x128xf32, #tpu.memory_space<vmem>>, vector<1x16xf32>,
        %get3A_1325 = vector.shape_cast %get3A_1324 : vector<1x16xf32> to vector<16xf32>
        %add3A_1326 = arith.addf %add3A_1288, %get3A_1325 : vector<16xf32>
        %add3A_1327 = arith.constant 4 : i32
        %add3A_1328 = arith.addi %mul3A_1144, %add3A_1327 : i32
        %add3A_1329 = arith.constant 32 : i32
        %add3A_1330 = arith.addi %squeeze3A_1308, %add3A_1329 : i32
        %get3A_1331 = arith.index_cast %add3A_1328 : i32 to index
        %get3A_1332 = arith.index_cast %add3A_1330 : i32 to index
        %get3A_1333 = tpu.vector_load %arg12[%get3A_1331, %get3A_1332] {strides = array<i32>} : memref<100x128xf32, #tpu.memory_space<vmem>>, vector<1x16xf32>,
        %get3A_1334 = vector.shape_cast %get3A_1333 : vector<1x16xf32> to vector<16xf32>
        %add3A_1335 = arith.addf %add3A_1297, %get3A_1334 : vector<16xf32>
        %add3A_1336 = arith.constant 4 : i32
        %add3A_1337 = arith.addi %mul3A_1144, %add3A_1336 : i32
        %add3A_1338 = arith.constant 48 : i32
        %add3A_1339 = arith.addi %squeeze3A_1308, %add3A_1338 : i32
        %get3A_1340 = arith.index_cast %add3A_1337 : i32 to index
        %get3A_1341 = arith.index_cast %add3A_1339 : i32 to index
        %get3A_1342 = tpu.vector_load %arg12[%get3A_1340, %get3A_1341] {strides = array<i32>} : memref<100x128xf32, #tpu.memory_space<vmem>>, vector<1x16xf32>,
        %get3A_1343 = vector.shape_cast %get3A_1342 : vector<1x16xf32> to vector<16xf32>
        %add3A_1344 = arith.addf %add3A_1306, %get3A_1343 : vector<16xf32>
        %slice3A_1345 = vector.extract_strided_slice %shift_left3A_1154 {offsets = [5], sizes = [1], strides = [1]} : vector<16xi32> to vector<1xi32>
        %squeeze3A_1346 = vector.extract %slice3A_1345[0] : i32 from vector<1xi32>
        %add3A_1347 = arith.constant 5 : i32
        %add3A_1348 = arith.addi %mul3A_1144, %add3A_1347 : i32
        %add3A_1349 = arith.constant 0 : i32
        %add3A_1350 = arith.addi %squeeze3A_1346, %add3A_1349 : i32
        %get3A_1351 = arith.index_cast %add3A_1348 : i32 to index
        %get3A_1352 = arith.index_cast %add3A_1350 : i32 to index
        %get3A_1353 = tpu.vector_load %arg12[%get3A_1351, %get3A_1352] {strides = array<i32>} : memref<100x128xf32, #tpu.memory_space<vmem>>, vector<1x16xf32>,
        %get3A_1354 = vector.shape_cast %get3A_1353 : vector<1x16xf32> to vector<16xf32>
        %add3A_1355 = arith.addf %add3A_1317, %get3A_1354 : vector<16xf32>
        %add3A_1356 = arith.constant 5 : i32
        %add3A_1357 = arith.addi %mul3A_1144, %add3A_1356 : i32
        %add3A_1358 = arith.constant 16 : i32
        %add3A_1359 = arith.addi %squeeze3A_1346, %add3A_1358 : i32
        %get3A_1360 = arith.index_cast %add3A_1357 : i32 to index
        %get3A_1361 = arith.index_cast %add3A_1359 : i32 to index
        %get3A_1362 = tpu.vector_load %arg12[%get3A_1360, %get3A_1361] {strides = array<i32>} : memref<100x128xf32, #tpu.memory_space<vmem>>, vector<1x16xf32>,
        %get3A_1363 = vector.shape_cast %get3A_1362 : vector<1x16xf32> to vector<16xf32>
        %add3A_1364 = arith.addf %add3A_1326, %get3A_1363 : vector<16xf32>
        %add3A_1365 = arith.constant 5 : i32
        %add3A_1366 = arith.addi %mul3A_1144, %add3A_1365 : i32
        %add3A_1367 = arith.constant 32 : i32
        %add3A_1368 = arith.addi %squeeze3A_1346, %add3A_1367 : i32
        %get3A_1369 = arith.index_cast %add3A_1366 : i32 to index
        %get3A_1370 = arith.index_cast %add3A_1368 : i32 to index
        %get3A_1371 = tpu.vector_load %arg12[%get3A_1369, %get3A_1370] {strides = array<i32>} : memref<100x128xf32, #tpu.memory_space<vmem>>, vector<1x16xf32>,
        %get3A_1372 = vector.shape_cast %get3A_1371 : vector<1x16xf32> to vector<16xf32>
        %add3A_1373 = arith.addf %add3A_1335, %get3A_1372 : vector<16xf32>
        %add3A_1374 = arith.constant 5 : i32
        %add3A_1375 = arith.addi %mul3A_1144, %add3A_1374 : i32
        %add3A_1376 = arith.constant 48 : i32
        %add3A_1377 = arith.addi %squeeze3A_1346, %add3A_1376 : i32
        %get3A_1378 = arith.index_cast %add3A_1375 : i32 to index
        %get3A_1379 = arith.index_cast %add3A_1377 : i32 to index
        %get3A_1380 = tpu.vector_load %arg12[%get3A_1378, %get3A_1379] {strides = array<i32>} : memref<100x128xf32, #tpu.memory_space<vmem>>, vector<1x16xf32>,
        %get3A_1381 = vector.shape_cast %get3A_1380 : vector<1x16xf32> to vector<16xf32>
        %add3A_1382 = arith.addf %add3A_1344, %get3A_1381 : vector<16xf32>
        %slice3A_1383 = vector.extract_strided_slice %shift_left3A_1154 {offsets = [6], sizes = [1], strides = [1]} : vector<16xi32> to vector<1xi32>
        %squeeze3A_1384 = vector.extract %slice3A_1383[0] : i32 from vector<1xi32>
        %add3A_1385 = arith.constant 6 : i32
        %add3A_1386 = arith.addi %mul3A_1144, %add3A_1385 : i32
        %add3A_1387 = arith.constant 0 : i32
        %add3A_1388 = arith.addi %squeeze3A_1384, %add3A_1387 : i32
        %get3A_1389 = arith.index_cast %add3A_1386 : i32 to index
        %get3A_1390 = arith.index_cast %add3A_1388 : i32 to index
        %get3A_1391 = tpu.vector_load %arg12[%get3A_1389, %get3A_1390] {strides = array<i32>} : memref<100x128xf32, #tpu.memory_space<vmem>>, vector<1x16xf32>,
        %get3A_1392 = vector.shape_cast %get3A_1391 : vector<1x16xf32> to vector<16xf32>
        %add3A_1393 = arith.addf %add3A_1355, %get3A_1392 : vector<16xf32>
        %add3A_1394 = arith.constant 6 : i32
        %add3A_1395 = arith.addi %mul3A_1144, %add3A_1394 : i32
        %add3A_1396 = arith.constant 16 : i32
        %add3A_1397 = arith.addi %squeeze3A_1384, %add3A_1396 : i32
        %get3A_1398 = arith.index_cast %add3A_1395 : i32 to index
        %get3A_1399 = arith.index_cast %add3A_1397 : i32 to index
        %get3A_1400 = tpu.vector_load %arg12[%get3A_1398, %get3A_1399] {strides = array<i32>} : memref<100x128xf32, #tpu.memory_space<vmem>>, vector<1x16xf32>,
        %get3A_1401 = vector.shape_cast %get3A_1400 : vector<1x16xf32> to vector<16xf32>
        %add3A_1402 = arith.addf %add3A_1364, %get3A_1401 : vector<16xf32>
        %add3A_1403 = arith.constant 6 : i32
        %add3A_1404 = arith.addi %mul3A_1144, %add3A_1403 : i32
        %add3A_1405 = arith.constant 32 : i32
        %add3A_1406 = arith.addi %squeeze3A_1384, %add3A_1405 : i32
        %get3A_1407 = arith.index_cast %add3A_1404 : i32 to index
        %get3A_1408 = arith.index_cast %add3A_1406 : i32 to index
        %get3A_1409 = tpu.vector_load %arg12[%get3A_1407, %get3A_1408] {strides = array<i32>} : memref<100x128xf32, #tpu.memory_space<vmem>>, vector<1x16xf32>,
        %get3A_1410 = vector.shape_cast %get3A_1409 : vector<1x16xf32> to vector<16xf32>
        %add3A_1411 = arith.addf %add3A_1373, %get3A_1410 : vector<16xf32>
        %add3A_1412 = arith.constant 6 : i32
        %add3A_1413 = arith.addi %mul3A_1144, %add3A_1412 : i32
        %add3A_1414 = arith.constant 48 : i32
        %add3A_1415 = arith.addi %squeeze3A_1384, %add3A_1414 : i32
        %get3A_1416 = arith.index_cast %add3A_1413 : i32 to index
        %get3A_1417 = arith.index_cast %add3A_1415 : i32 to index
        %get3A_1418 = tpu.vector_load %arg12[%get3A_1416, %get3A_1417] {strides = array<i32>} : memref<100x128xf32, #tpu.memory_space<vmem>>, vector<1x16xf32>,
        %get3A_1419 = vector.shape_cast %get3A_1418 : vector<1x16xf32> to vector<16xf32>
        %add3A_1420 = arith.addf %add3A_1382, %get3A_1419 : vector<16xf32>
        %slice3A_1421 = vector.extract_strided_slice %shift_left3A_1154 {offsets = [7], sizes = [1], strides = [1]} : vector<16xi32> to vector<1xi32>
        %squeeze3A_1422 = vector.extract %slice3A_1421[0] : i32 from vector<1xi32>
        %add3A_1423 = arith.constant 7 : i32
        %add3A_1424 = arith.addi %mul3A_1144, %add3A_1423 : i32
        %add3A_1425 = arith.constant 0 : i32
        %add3A_1426 = arith.addi %squeeze3A_1422, %add3A_1425 : i32
        %get3A_1427 = arith.index_cast %add3A_1424 : i32 to index
        %get3A_1428 = arith.index_cast %add3A_1426 : i32 to index
        %get3A_1429 = tpu.vector_load %arg12[%get3A_1427, %get3A_1428] {strides = array<i32>} : memref<100x128xf32, #tpu.memory_space<vmem>>, vector<1x16xf32>,
        %get3A_1430 = vector.shape_cast %get3A_1429 : vector<1x16xf32> to vector<16xf32>
        %add3A_1431 = arith.addf %add3A_1393, %get3A_1430 : vector<16xf32>
        %add3A_1432 = arith.constant 7 : i32
        %add3A_1433 = arith.addi %mul3A_1144, %add3A_1432 : i32
        %add3A_1434 = arith.constant 16 : i32
        %add3A_1435 = arith.addi %squeeze3A_1422, %add3A_1434 : i32
        %get3A_1436 = arith.index_cast %add3A_1433 : i32 to index
        %get3A_1437 = arith.index_cast %add3A_1435 : i32 to index
        %get3A_1438 = tpu.vector_load %arg12[%get3A_1436, %get3A_1437] {strides = array<i32>} : memref<100x128xf32, #tpu.memory_space<vmem>>, vector<1x16xf32>,
        %get3A_1439 = vector.shape_cast %get3A_1438 : vector<1x16xf32> to vector<16xf32>
        %add3A_1440 = arith.addf %add3A_1402, %get3A_1439 : vector<16xf32>
        %add3A_1441 = arith.constant 7 : i32
        %add3A_1442 = arith.addi %mul3A_1144, %add3A_1441 : i32
        %add3A_1443 = arith.constant 32 : i32
        %add3A_1444 = arith.addi %squeeze3A_1422, %add3A_1443 : i32
        %get3A_1445 = arith.index_cast %add3A_1442 : i32 to index
        %get3A_1446 = arith.index_cast %add3A_1444 : i32 to index
        %get3A_1447 = tpu.vector_load %arg12[%get3A_1445, %get3A_1446] {strides = array<i32>} : memref<100x128xf32, #tpu.memory_space<vmem>>, vector<1x16xf32>,
        %get3A_1448 = vector.shape_cast %get3A_1447 : vector<1x16xf32> to vector<16xf32>
        %add3A_1449 = arith.addf %add3A_1411, %get3A_1448 : vector<16xf32>
        %add3A_1450 = arith.constant 7 : i32
        %add3A_1451 = arith.addi %mul3A_1144, %add3A_1450 : i32
        %add3A_1452 = arith.constant 48 : i32
        %add3A_1453 = arith.addi %squeeze3A_1422, %add3A_1452 : i32
        %get3A_1454 = arith.index_cast %add3A_1451 : i32 to index
        %get3A_1455 = arith.index_cast %add3A_1453 : i32 to index
        %get3A_1456 = tpu.vector_load %arg12[%get3A_1454, %get3A_1455] {strides = array<i32>} : memref<100x128xf32, #tpu.memory_space<vmem>>, vector<1x16xf32>,
        %get3A_1457 = vector.shape_cast %get3A_1456 : vector<1x16xf32> to vector<16xf32>
        %add3A_1458 = arith.addf %add3A_1420, %get3A_1457 : vector<16xf32>
        %slice3A_1459 = vector.extract_strided_slice %shift_left3A_1154 {offsets = [8], sizes = [1], strides = [1]} : vector<16xi32> to vector<1xi32>
        %squeeze3A_1460 = vector.extract %slice3A_1459[0] : i32 from vector<1xi32>
        %add3A_1461 = arith.constant 8 : i32
        %add3A_1462 = arith.addi %mul3A_1144, %add3A_1461 : i32
        %add3A_1463 = arith.constant 0 : i32
        %add3A_1464 = arith.addi %squeeze3A_1460, %add3A_1463 : i32
        %get3A_1465 = arith.index_cast %add3A_1462 : i32 to index
        %get3A_1466 = arith.index_cast %add3A_1464 : i32 to index
        %get3A_1467 = tpu.vector_load %arg12[%get3A_1465, %get3A_1466] {strides = array<i32>} : memref<100x128xf32, #tpu.memory_space<vmem>>, vector<1x16xf32>,
        %get3A_1468 = vector.shape_cast %get3A_1467 : vector<1x16xf32> to vector<16xf32>
        %add3A_1469 = arith.addf %add3A_1431, %get3A_1468 : vector<16xf32>
        %add3A_1470 = arith.constant 8 : i32
        %add3A_1471 = arith.addi %mul3A_1144, %add3A_1470 : i32
        %add3A_1472 = arith.constant 16 : i32
        %add3A_1473 = arith.addi %squeeze3A_1460, %add3A_1472 : i32
        %get3A_1474 = arith.index_cast %add3A_1471 : i32 to index
        %get3A_1475 = arith.index_cast %add3A_1473 : i32 to index
        %get3A_1476 = tpu.vector_load %arg12[%get3A_1474, %get3A_1475] {strides = array<i32>} : memref<100x128xf32, #tpu.memory_space<vmem>>, vector<1x16xf32>,
        %get3A_1477 = vector.shape_cast %get3A_1476 : vector<1x16xf32> to vector<16xf32>
        %add3A_1478 = arith.addf %add3A_1440, %get3A_1477 : vector<16xf32>
        %add3A_1479 = arith.constant 8 : i32
        %add3A_1480 = arith.addi %mul3A_1144, %add3A_1479 : i32
        %add3A_1481 = arith.constant 32 : i32
        %add3A_1482 = arith.addi %squeeze3A_1460, %add3A_1481 : i32
        %get3A_1483 = arith.index_cast %add3A_1480 : i32 to index
        %get3A_1484 = arith.index_cast %add3A_1482 : i32 to index
        %get3A_1485 = tpu.vector_load %arg12[%get3A_1483, %get3A_1484] {strides = array<i32>} : memref<100x128xf32, #tpu.memory_space<vmem>>, vector<1x16xf32>,
        %get3A_1486 = vector.shape_cast %get3A_1485 : vector<1x16xf32> to vector<16xf32>
        %add3A_1487 = arith.addf %add3A_1449, %get3A_1486 : vector<16xf32>
        %add3A_1488 = arith.constant 8 : i32
        %add3A_1489 = arith.addi %mul3A_1144, %add3A_1488 : i32
        %add3A_1490 = arith.constant 48 : i32
        %add3A_1491 = arith.addi %squeeze3A_1460, %add3A_1490 : i32
        %get3A_1492 = arith.index_cast %add3A_1489 : i32 to index
        %get3A_1493 = arith.index_cast %add3A_1491 : i32 to index
        %get3A_1494 = tpu.vector_load %arg12[%get3A_1492, %get3A_1493] {strides = array<i32>} : memref<100x128xf32, #tpu.memory_space<vmem>>, vector<1x16xf32>,
        %get3A_1495 = vector.shape_cast %get3A_1494 : vector<1x16xf32> to vector<16xf32>
        %add3A_1496 = arith.addf %add3A_1458, %get3A_1495 : vector<16xf32>
        %slice3A_1497 = vector.extract_strided_slice %shift_left3A_1154 {offsets = [9], sizes = [1], strides = [1]} : vector<16xi32> to vector<1xi32>
        %squeeze3A_1498 = vector.extract %slice3A_1497[0] : i32 from vector<1xi32>
        %add3A_1499 = arith.constant 9 : i32
        %add3A_1500 = arith.addi %mul3A_1144, %add3A_1499 : i32
        %add3A_1501 = arith.constant 0 : i32
        %add3A_1502 = arith.addi %squeeze3A_1498, %add3A_1501 : i32
        %get3A_1503 = arith.index_cast %add3A_1500 : i32 to index
        %get3A_1504 = arith.index_cast %add3A_1502 : i32 to index
        %get3A_1505 = tpu.vector_load %arg12[%get3A_1503, %get3A_1504] {strides = array<i32>} : memref<100x128xf32, #tpu.memory_space<vmem>>, vector<1x16xf32>,
        %get3A_1506 = vector.shape_cast %get3A_1505 : vector<1x16xf32> to vector<16xf32>
        %add3A_1507 = arith.addf %add3A_1469, %get3A_1506 : vector<16xf32>
        %add3A_1508 = arith.constant 9 : i32
        %add3A_1509 = arith.addi %mul3A_1144, %add3A_1508 : i32
        %add3A_1510 = arith.constant 16 : i32
        %add3A_1511 = arith.addi %squeeze3A_1498, %add3A_1510 : i32
        %get3A_1512 = arith.index_cast %add3A_1509 : i32 to index
        %get3A_1513 = arith.index_cast %add3A_1511 : i32 to index
        %get3A_1514 = tpu.vector_load %arg12[%get3A_1512, %get3A_1513] {strides = array<i32>} : memref<100x128xf32, #tpu.memory_space<vmem>>, vector<1x16xf32>,
        %get3A_1515 = vector.shape_cast %get3A_1514 : vector<1x16xf32> to vector<16xf32>
        %add3A_1516 = arith.addf %add3A_1478, %get3A_1515 : vector<16xf32>
        %add3A_1517 = arith.constant 9 : i32
        %add3A_1518 = arith.addi %mul3A_1144, %add3A_1517 : i32
        %add3A_1519 = arith.constant 32 : i32
        %add3A_1520 = arith.addi %squeeze3A_1498, %add3A_1519 : i32
        %get3A_1521 = arith.index_cast %add3A_1518 : i32 to index
        %get3A_1522 = arith.index_cast %add3A_1520 : i32 to index
        %get3A_1523 = tpu.vector_load %arg12[%get3A_1521, %get3A_1522] {strides = array<i32>} : memref<100x128xf32, #tpu.memory_space<vmem>>, vector<1x16xf32>,
        %get3A_1524 = vector.shape_cast %get3A_1523 : vector<1x16xf32> to vector<16xf32>
        %add3A_1525 = arith.addf %add3A_1487, %get3A_1524 : vector<16xf32>
        %add3A_1526 = arith.constant 9 : i32
        %add3A_1527 = arith.addi %mul3A_1144, %add3A_1526 : i32
        %add3A_1528 = arith.constant 48 : i32
        %add3A_1529 = arith.addi %squeeze3A_1498, %add3A_1528 : i32
        %get3A_1530 = arith.index_cast %add3A_1527 : i32 to index
        %get3A_1531 = arith.index_cast %add3A_1529 : i32 to index
        %get3A_1532 = tpu.vector_load %arg12[%get3A_1530, %get3A_1531] {strides = array<i32>} : memref<100x128xf32, #tpu.memory_space<vmem>>, vector<1x16xf32>,
        %get3A_1533 = vector.shape_cast %get3A_1532 : vector<1x16xf32> to vector<16xf32>
        %add3A_1534 = arith.addf %add3A_1496, %get3A_1533 : vector<16xf32>
        %slice3A_1535 = vector.extract_strided_slice %shift_left3A_1154 {offsets = [10], sizes = [1], strides = [1]} : vector<16xi32> to vector<1xi32>
        %squeeze3A_1536 = vector.extract %slice3A_1535[0] : i32 from vector<1xi32>
        %add3A_1537 = arith.constant 10 : i32
        %add3A_1538 = arith.addi %mul3A_1144, %add3A_1537 : i32
        %add3A_1539 = arith.constant 0 : i32
        %add3A_1540 = arith.addi %squeeze3A_1536, %add3A_1539 : i32
        %get3A_1541 = arith.index_cast %add3A_1538 : i32 to index
        %get3A_1542 = arith.index_cast %add3A_1540 : i32 to index
        %get3A_1543 = tpu.vector_load %arg12[%get3A_1541, %get3A_1542] {strides = array<i32>} : memref<100x128xf32, #tpu.memory_space<vmem>>, vector<1x16xf32>,
        %get3A_1544 = vector.shape_cast %get3A_1543 : vector<1x16xf32> to vector<16xf32>
        %add3A_1545 = arith.addf %add3A_1507, %get3A_1544 : vector<16xf32>
        %add3A_1546 = arith.constant 10 : i32
        %add3A_1547 = arith.addi %mul3A_1144, %add3A_1546 : i32
        %add3A_1548 = arith.constant 16 : i32
        %add3A_1549 = arith.addi %squeeze3A_1536, %add3A_1548 : i32
        %get3A_1550 = arith.index_cast %add3A_1547 : i32 to index
        %get3A_1551 = arith.index_cast %add3A_1549 : i32 to index
        %get3A_1552 = tpu.vector_load %arg12[%get3A_1550, %get3A_1551] {strides = array<i32>} : memref<100x128xf32, #tpu.memory_space<vmem>>, vector<1x16xf32>,
        %get3A_1553 = vector.shape_cast %get3A_1552 : vector<1x16xf32> to vector<16xf32>
        %add3A_1554 = arith.addf %add3A_1516, %get3A_1553 : vector<16xf32>
        %add3A_1555 = arith.constant 10 : i32
        %add3A_1556 = arith.addi %mul3A_1144, %add3A_1555 : i32
        %add3A_1557 = arith.constant 32 : i32
        %add3A_1558 = arith.addi %squeeze3A_1536, %add3A_1557 : i32
        %get3A_1559 = arith.index_cast %add3A_1556 : i32 to index
        %get3A_1560 = arith.index_cast %add3A_1558 : i32 to index
        %get3A_1561 = tpu.vector_load %arg12[%get3A_1559, %get3A_1560] {strides = array<i32>} : memref<100x128xf32, #tpu.memory_space<vmem>>, vector<1x16xf32>,
        %get3A_1562 = vector.shape_cast %get3A_1561 : vector<1x16xf32> to vector<16xf32>
        %add3A_1563 = arith.addf %add3A_1525, %get3A_1562 : vector<16xf32>
        %add3A_1564 = arith.constant 10 : i32
        %add3A_1565 = arith.addi %mul3A_1144, %add3A_1564 : i32
        %add3A_1566 = arith.constant 48 : i32
        %add3A_1567 = arith.addi %squeeze3A_1536, %add3A_1566 : i32
        %get3A_1568 = arith.index_cast %add3A_1565 : i32 to index
        %get3A_1569 = arith.index_cast %add3A_1567 : i32 to index
        %get3A_1570 = tpu.vector_load %arg12[%get3A_1568, %get3A_1569] {strides = array<i32>} : memref<100x128xf32, #tpu.memory_space<vmem>>, vector<1x16xf32>,
        %get3A_1571 = vector.shape_cast %get3A_1570 : vector<1x16xf32> to vector<16xf32>
        %add3A_1572 = arith.addf %add3A_1534, %get3A_1571 : vector<16xf32>
        %slice3A_1573 = vector.extract_strided_slice %shift_left3A_1154 {offsets = [11], sizes = [1], strides = [1]} : vector<16xi32> to vector<1xi32>
        %squeeze3A_1574 = vector.extract %slice3A_1573[0] : i32 from vector<1xi32>
        %add3A_1575 = arith.constant 11 : i32
        %add3A_1576 = arith.addi %mul3A_1144, %add3A_1575 : i32
        %add3A_1577 = arith.constant 0 : i32
        %add3A_1578 = arith.addi %squeeze3A_1574, %add3A_1577 : i32
        %get3A_1579 = arith.index_cast %add3A_1576 : i32 to index
        %get3A_1580 = arith.index_cast %add3A_1578 : i32 to index
        %get3A_1581 = tpu.vector_load %arg12[%get3A_1579, %get3A_1580] {strides = array<i32>} : memref<100x128xf32, #tpu.memory_space<vmem>>, vector<1x16xf32>,
        %get3A_1582 = vector.shape_cast %get3A_1581 : vector<1x16xf32> to vector<16xf32>
        %add3A_1583 = arith.addf %add3A_1545, %get3A_1582 : vector<16xf32>
        %add3A_1584 = arith.constant 11 : i32
        %add3A_1585 = arith.addi %mul3A_1144, %add3A_1584 : i32
        %add3A_1586 = arith.constant 16 : i32
        %add3A_1587 = arith.addi %squeeze3A_1574, %add3A_1586 : i32
        %get3A_1588 = arith.index_cast %add3A_1585 : i32 to index
        %get3A_1589 = arith.index_cast %add3A_1587 : i32 to index
        %get3A_1590 = tpu.vector_load %arg12[%get3A_1588, %get3A_1589] {strides = array<i32>} : memref<100x128xf32, #tpu.memory_space<vmem>>, vector<1x16xf32>,
        %get3A_1591 = vector.shape_cast %get3A_1590 : vector<1x16xf32> to vector<16xf32>
        %add3A_1592 = arith.addf %add3A_1554, %get3A_1591 : vector<16xf32>
        %add3A_1593 = arith.constant 11 : i32
        %add3A_1594 = arith.addi %mul3A_1144, %add3A_1593 : i32
        %add3A_1595 = arith.constant 32 : i32
        %add3A_1596 = arith.addi %squeeze3A_1574, %add3A_1595 : i32
        %get3A_1597 = arith.index_cast %add3A_1594 : i32 to index
        %get3A_1598 = arith.index_cast %add3A_1596 : i32 to index
        %get3A_1599 = tpu.vector_load %arg12[%get3A_1597, %get3A_1598] {strides = array<i32>} : memref<100x128xf32, #tpu.memory_space<vmem>>, vector<1x16xf32>,
        %get3A_1600 = vector.shape_cast %get3A_1599 : vector<1x16xf32> to vector<16xf32>
        %add3A_1601 = arith.addf %add3A_1563, %get3A_1600 : vector<16xf32>
        %add3A_1602 = arith.constant 11 : i32
        %add3A_1603 = arith.addi %mul3A_1144, %add3A_1602 : i32
        %add3A_1604 = arith.constant 48 : i32
        %add3A_1605 = arith.addi %squeeze3A_1574, %add3A_1604 : i32
        %get3A_1606 = arith.index_cast %add3A_1603 : i32 to index
        %get3A_1607 = arith.index_cast %add3A_1605 : i32 to index
        %get3A_1608 = tpu.vector_load %arg12[%get3A_1606, %get3A_1607] {strides = array<i32>} : memref<100x128xf32, #tpu.memory_space<vmem>>, vector<1x16xf32>,
        %get3A_1609 = vector.shape_cast %get3A_1608 : vector<1x16xf32> to vector<16xf32>
        %add3A_1610 = arith.addf %add3A_1572, %get3A_1609 : vector<16xf32>
        %slice3A_1611 = vector.extract_strided_slice %shift_left3A_1154 {offsets = [12], sizes = [1], strides = [1]} : vector<16xi32> to vector<1xi32>
        %squeeze3A_1612 = vector.extract %slice3A_1611[0] : i32 from vector<1xi32>
        %add3A_1613 = arith.constant 12 : i32
        %add3A_1614 = arith.addi %mul3A_1144, %add3A_1613 : i32
        %add3A_1615 = arith.constant 0 : i32
        %add3A_1616 = arith.addi %squeeze3A_1612, %add3A_1615 : i32
        %get3A_1617 = arith.index_cast %add3A_1614 : i32 to index
        %get3A_1618 = arith.index_cast %add3A_1616 : i32 to index
        %get3A_1619 = tpu.vector_load %arg12[%get3A_1617, %get3A_1618] {strides = array<i32>} : memref<100x128xf32, #tpu.memory_space<vmem>>, vector<1x16xf32>,
        %get3A_1620 = vector.shape_cast %get3A_1619 : vector<1x16xf32> to vector<16xf32>
        %add3A_1621 = arith.addf %add3A_1583, %get3A_1620 : vector<16xf32>
        %add3A_1622 = arith.constant 12 : i32
        %add3A_1623 = arith.addi %mul3A_1144, %add3A_1622 : i32
        %add3A_1624 = arith.constant 16 : i32
        %add3A_1625 = arith.addi %squeeze3A_1612, %add3A_1624 : i32
        %get3A_1626 = arith.index_cast %add3A_1623 : i32 to index
        %get3A_1627 = arith.index_cast %add3A_1625 : i32 to index
        %get3A_1628 = tpu.vector_load %arg12[%get3A_1626, %get3A_1627] {strides = array<i32>} : memref<100x128xf32, #tpu.memory_space<vmem>>, vector<1x16xf32>,
        %get3A_1629 = vector.shape_cast %get3A_1628 : vector<1x16xf32> to vector<16xf32>
        %add3A_1630 = arith.addf %add3A_1592, %get3A_1629 : vector<16xf32>
        %add3A_1631 = arith.constant 12 : i32
        %add3A_1632 = arith.addi %mul3A_1144, %add3A_1631 : i32
        %add3A_1633 = arith.constant 32 : i32
        %add3A_1634 = arith.addi %squeeze3A_1612, %add3A_1633 : i32
        %get3A_1635 = arith.index_cast %add3A_1632 : i32 to index
        %get3A_1636 = arith.index_cast %add3A_1634 : i32 to index
        %get3A_1637 = tpu.vector_load %arg12[%get3A_1635, %get3A_1636] {strides = array<i32>} : memref<100x128xf32, #tpu.memory_space<vmem>>, vector<1x16xf32>,
        %get3A_1638 = vector.shape_cast %get3A_1637 : vector<1x16xf32> to vector<16xf32>
        %add3A_1639 = arith.addf %add3A_1601, %get3A_1638 : vector<16xf32>
        %add3A_1640 = arith.constant 12 : i32
        %add3A_1641 = arith.addi %mul3A_1144, %add3A_1640 : i32
        %add3A_1642 = arith.constant 48 : i32
        %add3A_1643 = arith.addi %squeeze3A_1612, %add3A_1642 : i32
        %get3A_1644 = arith.index_cast %add3A_1641 : i32 to index
        %get3A_1645 = arith.index_cast %add3A_1643 : i32 to index
        %get3A_1646 = tpu.vector_load %arg12[%get3A_1644, %get3A_1645] {strides = array<i32>} : memref<100x128xf32, #tpu.memory_space<vmem>>, vector<1x16xf32>,
        %get3A_1647 = vector.shape_cast %get3A_1646 : vector<1x16xf32> to vector<16xf32>
        %add3A_1648 = arith.addf %add3A_1610, %get3A_1647 : vector<16xf32>
        %slice3A_1649 = vector.extract_strided_slice %shift_left3A_1154 {offsets = [13], sizes = [1], strides = [1]} : vector<16xi32> to vector<1xi32>
        %squeeze3A_1650 = vector.extract %slice3A_1649[0] : i32 from vector<1xi32>
        %add3A_1651 = arith.constant 13 : i32
        %add3A_1652 = arith.addi %mul3A_1144, %add3A_1651 : i32
        %add3A_1653 = arith.constant 0 : i32
        %add3A_1654 = arith.addi %squeeze3A_1650, %add3A_1653 : i32
        %get3A_1655 = arith.index_cast %add3A_1652 : i32 to index
        %get3A_1656 = arith.index_cast %add3A_1654 : i32 to index
        %get3A_1657 = tpu.vector_load %arg12[%get3A_1655, %get3A_1656] {strides = array<i32>} : memref<100x128xf32, #tpu.memory_space<vmem>>, vector<1x16xf32>,
        %get3A_1658 = vector.shape_cast %get3A_1657 : vector<1x16xf32> to vector<16xf32>
        %add3A_1659 = arith.addf %add3A_1621, %get3A_1658 : vector<16xf32>
        %add3A_1660 = arith.constant 13 : i32
        %add3A_1661 = arith.addi %mul3A_1144, %add3A_1660 : i32
        %add3A_1662 = arith.constant 16 : i32
        %add3A_1663 = arith.addi %squeeze3A_1650, %add3A_1662 : i32
        %get3A_1664 = arith.index_cast %add3A_1661 : i32 to index
        %get3A_1665 = arith.index_cast %add3A_1663 : i32 to index
        %get3A_1666 = tpu.vector_load %arg12[%get3A_1664, %get3A_1665] {strides = array<i32>} : memref<100x128xf32, #tpu.memory_space<vmem>>, vector<1x16xf32>,
        %get3A_1667 = vector.shape_cast %get3A_1666 : vector<1x16xf32> to vector<16xf32>
        %add3A_1668 = arith.addf %add3A_1630, %get3A_1667 : vector<16xf32>
        %add3A_1669 = arith.constant 13 : i32
        %add3A_1670 = arith.addi %mul3A_1144, %add3A_1669 : i32
        %add3A_1671 = arith.constant 32 : i32
        %add3A_1672 = arith.addi %squeeze3A_1650, %add3A_1671 : i32
        %get3A_1673 = arith.index_cast %add3A_1670 : i32 to index
        %get3A_1674 = arith.index_cast %add3A_1672 : i32 to index
        %get3A_1675 = tpu.vector_load %arg12[%get3A_1673, %get3A_1674] {strides = array<i32>} : memref<100x128xf32, #tpu.memory_space<vmem>>, vector<1x16xf32>,
        %get3A_1676 = vector.shape_cast %get3A_1675 : vector<1x16xf32> to vector<16xf32>
        %add3A_1677 = arith.addf %add3A_1639, %get3A_1676 : vector<16xf32>
        %add3A_1678 = arith.constant 13 : i32
        %add3A_1679 = arith.addi %mul3A_1144, %add3A_1678 : i32
        %add3A_1680 = arith.constant 48 : i32
        %add3A_1681 = arith.addi %squeeze3A_1650, %add3A_1680 : i32
        %get3A_1682 = arith.index_cast %add3A_1679 : i32 to index
        %get3A_1683 = arith.index_cast %add3A_1681 : i32 to index
        %get3A_1684 = tpu.vector_load %arg12[%get3A_1682, %get3A_1683] {strides = array<i32>} : memref<100x128xf32, #tpu.memory_space<vmem>>, vector<1x16xf32>,
        %get3A_1685 = vector.shape_cast %get3A_1684 : vector<1x16xf32> to vector<16xf32>
        %add3A_1686 = arith.addf %add3A_1648, %get3A_1685 : vector<16xf32>
        %slice3A_1687 = vector.extract_strided_slice %shift_left3A_1154 {offsets = [14], sizes = [1], strides = [1]} : vector<16xi32> to vector<1xi32>
        %squeeze3A_1688 = vector.extract %slice3A_1687[0] : i32 from vector<1xi32>
        %add3A_1689 = arith.constant 14 : i32
        %add3A_1690 = arith.addi %mul3A_1144, %add3A_1689 : i32
        %add3A_1691 = arith.constant 0 : i32
        %add3A_1692 = arith.addi %squeeze3A_1688, %add3A_1691 : i32
        %get3A_1693 = arith.index_cast %add3A_1690 : i32 to index
        %get3A_1694 = arith.index_cast %add3A_1692 : i32 to index
        %get3A_1695 = tpu.vector_load %arg12[%get3A_1693, %get3A_1694] {strides = array<i32>} : memref<100x128xf32, #tpu.memory_space<vmem>>, vector<1x16xf32>,
        %get3A_1696 = vector.shape_cast %get3A_1695 : vector<1x16xf32> to vector<16xf32>
        %add3A_1697 = arith.addf %add3A_1659, %get3A_1696 : vector<16xf32>
        %add3A_1698 = arith.constant 14 : i32
        %add3A_1699 = arith.addi %mul3A_1144, %add3A_1698 : i32
        %add3A_1700 = arith.constant 16 : i32
        %add3A_1701 = arith.addi %squeeze3A_1688, %add3A_1700 : i32
        %get3A_1702 = arith.index_cast %add3A_1699 : i32 to index
        %get3A_1703 = arith.index_cast %add3A_1701 : i32 to index
        %get3A_1704 = tpu.vector_load %arg12[%get3A_1702, %get3A_1703] {strides = array<i32>} : memref<100x128xf32, #tpu.memory_space<vmem>>, vector<1x16xf32>,
        %get3A_1705 = vector.shape_cast %get3A_1704 : vector<1x16xf32> to vector<16xf32>
        %add3A_1706 = arith.addf %add3A_1668, %get3A_1705 : vector<16xf32>
        %add3A_1707 = arith.constant 14 : i32
        %add3A_1708 = arith.addi %mul3A_1144, %add3A_1707 : i32
        %add3A_1709 = arith.constant 32 : i32
        %add3A_1710 = arith.addi %squeeze3A_1688, %add3A_1709 : i32
        %get3A_1711 = arith.index_cast %add3A_1708 : i32 to index
        %get3A_1712 = arith.index_cast %add3A_1710 : i32 to index
        %get3A_1713 = tpu.vector_load %arg12[%get3A_1711, %get3A_1712] {strides = array<i32>} : memref<100x128xf32, #tpu.memory_space<vmem>>, vector<1x16xf32>,
        %get3A_1714 = vector.shape_cast %get3A_1713 : vector<1x16xf32> to vector<16xf32>
        %add3A_1715 = arith.addf %add3A_1677, %get3A_1714 : vector<16xf32>
        %add3A_1716 = arith.constant 14 : i32
        %add3A_1717 = arith.addi %mul3A_1144, %add3A_1716 : i32
        %add3A_1718 = arith.constant 48 : i32
        %add3A_1719 = arith.addi %squeeze3A_1688, %add3A_1718 : i32
        %get3A_1720 = arith.index_cast %add3A_1717 : i32 to index
        %get3A_1721 = arith.index_cast %add3A_1719 : i32 to index
        %get3A_1722 = tpu.vector_load %arg12[%get3A_1720, %get3A_1721] {strides = array<i32>} : memref<100x128xf32, #tpu.memory_space<vmem>>, vector<1x16xf32>,
        %get3A_1723 = vector.shape_cast %get3A_1722 : vector<1x16xf32> to vector<16xf32>
        %add3A_1724 = arith.addf %add3A_1686, %get3A_1723 : vector<16xf32>
        %slice3A_1725 = vector.extract_strided_slice %shift_left3A_1154 {offsets = [15], sizes = [1], strides = [1]} : vector<16xi32> to vector<1xi32>
        %squeeze3A_1726 = vector.extract %slice3A_1725[0] : i32 from vector<1xi32>
        %add3A_1727 = arith.constant 15 : i32
        %add3A_1728 = arith.addi %mul3A_1144, %add3A_1727 : i32
        %add3A_1729 = arith.constant 0 : i32
        %add3A_1730 = arith.addi %squeeze3A_1726, %add3A_1729 : i32
        %get3A_1731 = arith.index_cast %add3A_1728 : i32 to index
        %get3A_1732 = arith.index_cast %add3A_1730 : i32 to index
        %get3A_1733 = tpu.vector_load %arg12[%get3A_1731, %get3A_1732] {strides = array<i32>} : memref<100x128xf32, #tpu.memory_space<vmem>>, vector<1x16xf32>,
        %get3A_1734 = vector.shape_cast %get3A_1733 : vector<1x16xf32> to vector<16xf32>
        %add3A_1735 = arith.addf %add3A_1697, %get3A_1734 : vector<16xf32>
        %add3A_1736 = arith.constant 15 : i32
        %add3A_1737 = arith.addi %mul3A_1144, %add3A_1736 : i32
        %add3A_1738 = arith.constant 16 : i32
        %add3A_1739 = arith.addi %squeeze3A_1726, %add3A_1738 : i32
        %get3A_1740 = arith.index_cast %add3A_1737 : i32 to index
        %get3A_1741 = arith.index_cast %add3A_1739 : i32 to index
        %get3A_1742 = tpu.vector_load %arg12[%get3A_1740, %get3A_1741] {strides = array<i32>} : memref<100x128xf32, #tpu.memory_space<vmem>>, vector<1x16xf32>,
        %get3A_1743 = vector.shape_cast %get3A_1742 : vector<1x16xf32> to vector<16xf32>
        %add3A_1744 = arith.addf %add3A_1706, %get3A_1743 : vector<16xf32>
        %add3A_1745 = arith.constant 15 : i32
        %add3A_1746 = arith.addi %mul3A_1144, %add3A_1745 : i32
        %add3A_1747 = arith.constant 32 : i32
        %add3A_1748 = arith.addi %squeeze3A_1726, %add3A_1747 : i32
        %get3A_1749 = arith.index_cast %add3A_1746 : i32 to index
        %get3A_1750 = arith.index_cast %add3A_1748 : i32 to index
        %get3A_1751 = tpu.vector_load %arg12[%get3A_1749, %get3A_1750] {strides = array<i32>} : memref<100x128xf32, #tpu.memory_space<vmem>>, vector<1x16xf32>,
        %get3A_1752 = vector.shape_cast %get3A_1751 : vector<1x16xf32> to vector<16xf32>
        %add3A_1753 = arith.addf %add3A_1715, %get3A_1752 : vector<16xf32>
        %add3A_1754 = arith.constant 15 : i32
        %add3A_1755 = arith.addi %mul3A_1144, %add3A_1754 : i32
        %add3A_1756 = arith.constant 48 : i32
        %add3A_1757 = arith.addi %squeeze3A_1726, %add3A_1756 : i32
        %get3A_1758 = arith.index_cast %add3A_1755 : i32 to index
        %get3A_1759 = arith.index_cast %add3A_1757 : i32 to index
        %get3A_1760 = tpu.vector_load %arg12[%get3A_1758, %get3A_1759] {strides = array<i32>} : memref<100x128xf32, #tpu.memory_space<vmem>>, vector<1x16xf32>,
        %get3A_1761 = vector.shape_cast %get3A_1760 : vector<1x16xf32> to vector<16xf32>
        %add3A_1762 = arith.addf %add3A_1724, %get3A_1761 : vector<16xf32>
        scf.yield %add3A_1735, %add3A_1744, %add3A_1753, %add3A_1762 : vector<16xf32>, vector<16xf32>, vector<16xf32>, vector<16xf32>
      }
      %scan3A_754 = arith.constant 6 : i32
      %get3A_755 = arith.index_cast %add3A_745 : i32 to index
      %get3A_756 = arith.constant 84 : index
      %get3A_757 = tpu.vector_load %arg5[%get3A_755, %get3A_756] {strides = array<i32>} : memref<256x100xi32, #tpu.memory_space<vmem>>, vector<1x16xi32>,
      %get3A_758 = vector.shape_cast %get3A_757 : vector<1x16xi32> to vector<16xi32>
      %and3A_759 = arith.constant 1 : i32
      %and3A_760 = vector.broadcast %and3A_759 : i32 to vector<16xi32>
      %and3A_761 = arith.andi %get3A_758, %and3A_760 : vector<16xi32>
      %shift_left3A_762 = arith.constant 6 : i32
      %shift_left3A_763 = vector.broadcast %shift_left3A_762 : i32 to vector<16xi32>
      %shift_left3A_764 = arith.shli %and3A_761, %shift_left3A_763 : vector<16xi32>
      %slice3A_765 = vector.extract_strided_slice %shift_left3A_764 {offsets = [12], sizes = [1], strides = [1]} : vector<16xi32> to vector<1xi32>
      %squeeze3A_766 = vector.extract %slice3A_765[0] : i32 from vector<1xi32>
      %add3A_767 = arith.constant 0 : i32
      %add3A_768 = arith.addi %squeeze3A_766, %add3A_767 : i32
      %get3A_769 = arith.constant 96 : i32
      %get3A_770 = arith.index_cast %get3A_769 : i32 to index
      %get3A_771 = arith.index_cast %add3A_768 : i32 to index
      %get3A_772 = tpu.vector_load %arg12[%get3A_770, %get3A_771] {strides = array<i32>} : memref<100x128xf32, #tpu.memory_space<vmem>>, vector<1x16xf32>,
      %get3A_773 = vector.shape_cast %get3A_772 : vector<1x16xf32> to vector<16xf32>
      %add3A_774 = arith.addf %scan3A_753#0, %get3A_773 : vector<16xf32>
      %add3A_775 = arith.constant 16 : i32
      %add3A_776 = arith.addi %squeeze3A_766, %add3A_775 : i32
      %get3A_777 = arith.constant 96 : i32
      %get3A_778 = arith.index_cast %get3A_777 : i32 to index
      %get3A_779 = arith.index_cast %add3A_776 : i32 to index
      %get3A_780 = tpu.vector_load %arg12[%get3A_778, %get3A_779] {strides = array<i32>} : memref<100x128xf32, #tpu.memory_space<vmem>>, vector<1x16xf32>,
      %get3A_781 = vector.shape_cast %get3A_780 : vector<1x16xf32> to vector<16xf32>
      %add3A_782 = arith.addf %scan3A_753#1, %get3A_781 : vector<16xf32>
      %add3A_783 = arith.constant 32 : i32
      %add3A_784 = arith.addi %squeeze3A_766, %add3A_783 : i32
      %get3A_785 = arith.constant 96 : i32
      %get3A_786 = arith.index_cast %get3A_785 : i32 to index
      %get3A_787 = arith.index_cast %add3A_784 : i32 to index
      %get3A_788 = tpu.vector_load %arg12[%get3A_786, %get3A_787] {strides = array<i32>} : memref<100x128xf32, #tpu.memory_space<vmem>>, vector<1x16xf32>,
      %get3A_789 = vector.shape_cast %get3A_788 : vector<1x16xf32> to vector<16xf32>
      %add3A_790 = arith.addf %scan3A_753#2, %get3A_789 : vector<16xf32>
      %add3A_791 = arith.constant 48 : i32
      %add3A_792 = arith.addi %squeeze3A_766, %add3A_791 : i32
      %get3A_793 = arith.constant 96 : i32
      %get3A_794 = arith.index_cast %get3A_793 : i32 to index
      %get3A_795 = arith.index_cast %add3A_792 : i32 to index
      %get3A_796 = tpu.vector_load %arg12[%get3A_794, %get3A_795] {strides = array<i32>} : memref<100x128xf32, #tpu.memory_space<vmem>>, vector<1x16xf32>,
      %get3A_797 = vector.shape_cast %get3A_796 : vector<1x16xf32> to vector<16xf32>
      %add3A_798 = arith.addf %scan3A_753#3, %get3A_797 : vector<16xf32>
      %slice3A_799 = vector.extract_strided_slice %shift_left3A_764 {offsets = [13], sizes = [1], strides = [1]} : vector<16xi32> to vector<1xi32>
      %squeeze3A_800 = vector.extract %slice3A_799[0] : i32 from vector<1xi32>
      %add3A_801 = arith.constant 0 : i32
      %add3A_802 = arith.addi %squeeze3A_800, %add3A_801 : i32
      %get3A_803 = arith.constant 97 : i32
      %get3A_804 = arith.index_cast %get3A_803 : i32 to index
      %get3A_805 = arith.index_cast %add3A_802 : i32 to index
      %get3A_806 = tpu.vector_load %arg12[%get3A_804, %get3A_805] {strides = array<i32>} : memref<100x128xf32, #tpu.memory_space<vmem>>, vector<1x16xf32>,
      %get3A_807 = vector.shape_cast %get3A_806 : vector<1x16xf32> to vector<16xf32>
      %add3A_808 = arith.addf %add3A_774, %get3A_807 : vector<16xf32>
      %add3A_809 = arith.constant 16 : i32
      %add3A_810 = arith.addi %squeeze3A_800, %add3A_809 : i32
      %get3A_811 = arith.constant 97 : i32
      %get3A_812 = arith.index_cast %get3A_811 : i32 to index
      %get3A_813 = arith.index_cast %add3A_810 : i32 to index
      %get3A_814 = tpu.vector_load %arg12[%get3A_812, %get3A_813] {strides = array<i32>} : memref<100x128xf32, #tpu.memory_space<vmem>>, vector<1x16xf32>,
      %get3A_815 = vector.shape_cast %get3A_814 : vector<1x16xf32> to vector<16xf32>
      %add3A_816 = arith.addf %add3A_782, %get3A_815 : vector<16xf32>
      %add3A_817 = arith.constant 32 : i32
      %add3A_818 = arith.addi %squeeze3A_800, %add3A_817 : i32
      %get3A_819 = arith.constant 97 : i32
      %get3A_820 = arith.index_cast %get3A_819 : i32 to index
      %get3A_821 = arith.index_cast %add3A_818 : i32 to index
      %get3A_822 = tpu.vector_load %arg12[%get3A_820, %get3A_821] {strides = array<i32>} : memref<100x128xf32, #tpu.memory_space<vmem>>, vector<1x16xf32>,
      %get3A_823 = vector.shape_cast %get3A_822 : vector<1x16xf32> to vector<16xf32>
      %add3A_824 = arith.addf %add3A_790, %get3A_823 : vector<16xf32>
      %add3A_825 = arith.constant 48 : i32
      %add3A_826 = arith.addi %squeeze3A_800, %add3A_825 : i32
      %get3A_827 = arith.constant 97 : i32
      %get3A_828 = arith.index_cast %get3A_827 : i32 to index
      %get3A_829 = arith.index_cast %add3A_826 : i32 to index
      %get3A_830 = tpu.vector_load %arg12[%get3A_828, %get3A_829] {strides = array<i32>} : memref<100x128xf32, #tpu.memory_space<vmem>>, vector<1x16xf32>,
      %get3A_831 = vector.shape_cast %get3A_830 : vector<1x16xf32> to vector<16xf32>
      %add3A_832 = arith.addf %add3A_798, %get3A_831 : vector<16xf32>
      %slice3A_833 = vector.extract_strided_slice %shift_left3A_764 {offsets = [14], sizes = [1], strides = [1]} : vector<16xi32> to vector<1xi32>
      %squeeze3A_834 = vector.extract %slice3A_833[0] : i32 from vector<1xi32>
      %add3A_835 = arith.constant 0 : i32
      %add3A_836 = arith.addi %squeeze3A_834, %add3A_835 : i32
      %get3A_837 = arith.constant 98 : i32
      %get3A_838 = arith.index_cast %get3A_837 : i32 to index
      %get3A_839 = arith.index_cast %add3A_836 : i32 to index
      %get3A_840 = tpu.vector_load %arg12[%get3A_838, %get3A_839] {strides = array<i32>} : memref<100x128xf32, #tpu.memory_space<vmem>>, vector<1x16xf32>,
      %get3A_841 = vector.shape_cast %get3A_840 : vector<1x16xf32> to vector<16xf32>
      %add3A_842 = arith.addf %add3A_808, %get3A_841 : vector<16xf32>
      %add3A_843 = arith.constant 16 : i32
      %add3A_844 = arith.addi %squeeze3A_834, %add3A_843 : i32
      %get3A_845 = arith.constant 98 : i32
      %get3A_846 = arith.index_cast %get3A_845 : i32 to index
      %get3A_847 = arith.index_cast %add3A_844 : i32 to index
      %get3A_848 = tpu.vector_load %arg12[%get3A_846, %get3A_847] {strides = array<i32>} : memref<100x128xf32, #tpu.memory_space<vmem>>, vector<1x16xf32>,
      %get3A_849 = vector.shape_cast %get3A_848 : vector<1x16xf32> to vector<16xf32>
      %add3A_850 = arith.addf %add3A_816, %get3A_849 : vector<16xf32>
      %add3A_851 = arith.constant 32 : i32
      %add3A_852 = arith.addi %squeeze3A_834, %add3A_851 : i32
      %get3A_853 = arith.constant 98 : i32
      %get3A_854 = arith.index_cast %get3A_853 : i32 to index
      %get3A_855 = arith.index_cast %add3A_852 : i32 to index
      %get3A_856 = tpu.vector_load %arg12[%get3A_854, %get3A_855] {strides = array<i32>} : memref<100x128xf32, #tpu.memory_space<vmem>>, vector<1x16xf32>,
      %get3A_857 = vector.shape_cast %get3A_856 : vector<1x16xf32> to vector<16xf32>
      %add3A_858 = arith.addf %add3A_824, %get3A_857 : vector<16xf32>
      %add3A_859 = arith.constant 48 : i32
      %add3A_860 = arith.addi %squeeze3A_834, %add3A_859 : i32
      %get3A_861 = arith.constant 98 : i32
      %get3A_862 = arith.index_cast %get3A_861 : i32 to index
      %get3A_863 = arith.index_cast %add3A_860 : i32 to index
      %get3A_864 = tpu.vector_load %arg12[%get3A_862, %get3A_863] {strides = array<i32>} : memref<100x128xf32, #tpu.memory_space<vmem>>, vector<1x16xf32>,
      %get3A_865 = vector.shape_cast %get3A_864 : vector<1x16xf32> to vector<16xf32>
      %add3A_866 = arith.addf %add3A_832, %get3A_865 : vector<16xf32>
      %slice3A_867 = vector.extract_strided_slice %shift_left3A_764 {offsets = [15], sizes = [1], strides = [1]} : vector<16xi32> to vector<1xi32>
      %squeeze3A_868 = vector.extract %slice3A_867[0] : i32 from vector<1xi32>
      %add3A_869 = arith.constant 0 : i32
      %add3A_870 = arith.addi %squeeze3A_868, %add3A_869 : i32
      %get3A_871 = arith.constant 99 : i32
      %get3A_872 = arith.index_cast %get3A_871 : i32 to index
      %get3A_873 = arith.index_cast %add3A_870 : i32 to index
      %get3A_874 = tpu.vector_load %arg12[%get3A_872, %get3A_873] {strides = array<i32>} : memref<100x128xf32, #tpu.memory_space<vmem>>, vector<1x16xf32>,
      %get3A_875 = vector.shape_cast %get3A_874 : vector<1x16xf32> to vector<16xf32>
      %add3A_876 = arith.addf %add3A_842, %get3A_875 : vector<16xf32>
      %add3A_877 = arith.constant 16 : i32
      %add3A_878 = arith.addi %squeeze3A_868, %add3A_877 : i32
      %get3A_879 = arith.constant 99 : i32
      %get3A_880 = arith.index_cast %get3A_879 : i32 to index
      %get3A_881 = arith.index_cast %add3A_878 : i32 to index
      %get3A_882 = tpu.vector_load %arg12[%get3A_880, %get3A_881] {strides = array<i32>} : memref<100x128xf32, #tpu.memory_space<vmem>>, vector<1x16xf32>,
      %get3A_883 = vector.shape_cast %get3A_882 : vector<1x16xf32> to vector<16xf32>
      %add3A_884 = arith.addf %add3A_850, %get3A_883 : vector<16xf32>
      %add3A_885 = arith.constant 32 : i32
      %add3A_886 = arith.addi %squeeze3A_868, %add3A_885 : i32
      %get3A_887 = arith.constant 99 : i32
      %get3A_888 = arith.index_cast %get3A_887 : i32 to index
      %get3A_889 = arith.index_cast %add3A_886 : i32 to index
      %get3A_890 = tpu.vector_load %arg12[%get3A_888, %get3A_889] {strides = array<i32>} : memref<100x128xf32, #tpu.memory_space<vmem>>, vector<1x16xf32>,
      %get3A_891 = vector.shape_cast %get3A_890 : vector<1x16xf32> to vector<16xf32>
      %add3A_892 = arith.addf %add3A_858, %get3A_891 : vector<16xf32>
      %add3A_893 = arith.constant 48 : i32
      %add3A_894 = arith.addi %squeeze3A_868, %add3A_893 : i32
      %get3A_895 = arith.constant 99 : i32
      %get3A_896 = arith.index_cast %get3A_895 : i32 to index
      %get3A_897 = arith.index_cast %add3A_894 : i32 to index
      %get3A_898 = tpu.vector_load %arg12[%get3A_896, %get3A_897] {strides = array<i32>} : memref<100x128xf32, #tpu.memory_space<vmem>>, vector<1x16xf32>,
      %get3A_899 = vector.shape_cast %get3A_898 : vector<1x16xf32> to vector<16xf32>
      %add3A_900 = arith.addf %add3A_866, %get3A_899 : vector<16xf32>
      %add3A_901 = arith.constant 4 : i32
      %add3A_902 = arith.addi %add3A_745, %add3A_901 : i32
      %lt3A_903 = arith.constant 256 : i32
      %lt3A_904 = arith.cmpi slt, %add3A_902, %lt3A_903 : i32
      %convert_element_type3A_905 = arith.extui %lt3A_904 : i1 to i32
      %cond3A_906 = arith.constant 0 : i32
      %cond3A_907 = arith.cmpi ne, %convert_element_type3A_905, %cond3A_906 : i32
      scf.if %cond3A_907 {
        %add3A_1138 = arith.constant 4 : i32
        %add3A_1139 = arith.addi %add3A_745, %add3A_1138 : i32
        %get3A_1140 = arith.index_cast %add3A_1139 : i32 to index
        %get3A_1141 = arith.constant 0 : index
        %get3A_1142 = tpu.vector_load %arg5[%get3A_1140, %get3A_1141] {strides = array<i32>} : memref<256x100xi32, #tpu.memory_space<vmem>>, vector<1x16xi32>,
        %get3A_1143 = vector.shape_cast %get3A_1142 : vector<1x16xi32> to vector<16xi32>
        %shift_right_logical3A_1144 = arith.constant 1 : i32
        %shift_right_logical3A_1145 = vector.broadcast %shift_right_logical3A_1144 : i32 to vector<16xi32>
        %shift_right_logical3A_1146 = arith.shrui %get3A_1143, %shift_right_logical3A_1145 : vector<16xi32>
        %swap3A_1147 = arith.constant 0 : index
        %swap3A_1148 = tpu.vector_load %arg8[%swap3A_1147] {strides = array<i32>} : memref<100xi32, #tpu.memory_space<vmem>>, vector<16xi32>,
        %swap3A_1149 = vector.shape_cast %swap3A_1148 : vector<16xi32> to vector<16xi32>
        %swap3A_1150 = vector.shape_cast %shift_right_logical3A_1146 : vector<16xi32> to vector<16xi32>
        tpu.vector_store %arg8[%swap3A_1147], %swap3A_1150 {strides = array<i32>} : memref<100xi32, #tpu.memory_space<vmem>>, vector<16xi32>,
        %get3A_1151 = arith.index_cast %add3A_1139 : i32 to index
        %get3A_1152 = arith.constant 16 : index
        %get3A_1153 = tpu.vector_load %arg5[%get3A_1151, %get3A_1152] {strides = array<i32>} : memref<256x100xi32, #tpu.memory_space<vmem>>, vector<1x16xi32>,
        %get3A_1154 = vector.shape_cast %get3A_1153 : vector<1x16xi32> to vector<16xi32>
        %shift_right_logical3A_1155 = arith.constant 1 : i32
        %shift_right_logical3A_1156 = vector.broadcast %shift_right_logical3A_1155 : i32 to vector<16xi32>
        %shift_right_logical3A_1157 = arith.shrui %get3A_1154, %shift_right_logical3A_1156 : vector<16xi32>
        %swap3A_1158 = arith.constant 16 : index
        %swap3A_1159 = tpu.vector_load %arg8[%swap3A_1158] {strides = array<i32>} : memref<100xi32, #tpu.memory_space<vmem>>, vector<16xi32>,
        %swap3A_1160 = vector.shape_cast %swap3A_1159 : vector<16xi32> to vector<16xi32>
        %swap3A_1161 = vector.shape_cast %shift_right_logical3A_1157 : vector<16xi32> to vector<16xi32>
        tpu.vector_store %arg8[%swap3A_1158], %swap3A_1161 {strides = array<i32>} : memref<100xi32, #tpu.memory_space<vmem>>, vector<16xi32>,
        %get3A_1162 = arith.index_cast %add3A_1139 : i32 to index
        %get3A_1163 = arith.constant 32 : index
        %get3A_1164 = tpu.vector_load %arg5[%get3A_1162, %get3A_1163] {strides = array<i32>} : memref<256x100xi32, #tpu.memory_space<vmem>>, vector<1x16xi32>,
        %get3A_1165 = vector.shape_cast %get3A_1164 : vector<1x16xi32> to vector<16xi32>
        %shift_right_logical3A_1166 = arith.constant 1 : i32
        %shift_right_logical3A_1167 = vector.broadcast %shift_right_logical3A_1166 : i32 to vector<16xi32>
        %shift_right_logical3A_1168 = arith.shrui %get3A_1165, %shift_right_logical3A_1167 : vector<16xi32>
        %swap3A_1169 = arith.constant 32 : index
        %swap3A_1170 = tpu.vector_load %arg8[%swap3A_1169] {strides = array<i32>} : memref<100xi32, #tpu.memory_space<vmem>>, vector<16xi32>,
        %swap3A_1171 = vector.shape_cast %swap3A_1170 : vector<16xi32> to vector<16xi32>
        %swap3A_1172 = vector.shape_cast %shift_right_logical3A_1168 : vector<16xi32> to vector<16xi32>
        tpu.vector_store %arg8[%swap3A_1169], %swap3A_1172 {strides = array<i32>} : memref<100xi32, #tpu.memory_space<vmem>>, vector<16xi32>,
        %get3A_1173 = arith.index_cast %add3A_1139 : i32 to index
        %get3A_1174 = arith.constant 48 : index
        %get3A_1175 = tpu.vector_load %arg5[%get3A_1173, %get3A_1174] {strides = array<i32>} : memref<256x100xi32, #tpu.memory_space<vmem>>, vector<1x16xi32>,
        %get3A_1176 = vector.shape_cast %get3A_1175 : vector<1x16xi32> to vector<16xi32>
        %shift_right_logical3A_1177 = arith.constant 1 : i32
        %shift_right_logical3A_1178 = vector.broadcast %shift_right_logical3A_1177 : i32 to vector<16xi32>
        %shift_right_logical3A_1179 = arith.shrui %get3A_1176, %shift_right_logical3A_1178 : vector<16xi32>
        %swap3A_1180 = arith.constant 48 : index
        %swap3A_1181 = tpu.vector_load %arg8[%swap3A_1180] {strides = array<i32>} : memref<100xi32, #tpu.memory_space<vmem>>, vector<16xi32>,
        %swap3A_1182 = vector.shape_cast %swap3A_1181 : vector<16xi32> to vector<16xi32>
        %swap3A_1183 = vector.shape_cast %shift_right_logical3A_1179 : vector<16xi32> to vector<16xi32>
        tpu.vector_store %arg8[%swap3A_1180], %swap3A_1183 {strides = array<i32>} : memref<100xi32, #tpu.memory_space<vmem>>, vector<16xi32>,
        %get3A_1184 = arith.index_cast %add3A_1139 : i32 to index
        %get3A_1185 = arith.constant 64 : index
        %get3A_1186 = tpu.vector_load %arg5[%get3A_1184, %get3A_1185] {strides = array<i32>} : memref<256x100xi32, #tpu.memory_space<vmem>>, vector<1x16xi32>,
        %get3A_1187 = vector.shape_cast %get3A_1186 : vector<1x16xi32> to vector<16xi32>
        %shift_right_logical3A_1188 = arith.constant 1 : i32
        %shift_right_logical3A_1189 = vector.broadcast %shift_right_logical3A_1188 : i32 to vector<16xi32>
        %shift_right_logical3A_1190 = arith.shrui %get3A_1187, %shift_right_logical3A_1189 : vector<16xi32>
        %swap3A_1191 = arith.constant 64 : index
        %swap3A_1192 = tpu.vector_load %arg8[%swap3A_1191] {strides = array<i32>} : memref<100xi32, #tpu.memory_space<vmem>>, vector<16xi32>,
        %swap3A_1193 = vector.shape_cast %swap3A_1192 : vector<16xi32> to vector<16xi32>
        %swap3A_1194 = vector.shape_cast %shift_right_logical3A_1190 : vector<16xi32> to vector<16xi32>
        tpu.vector_store %arg8[%swap3A_1191], %swap3A_1194 {strides = array<i32>} : memref<100xi32, #tpu.memory_space<vmem>>, vector<16xi32>,
        %get3A_1195 = arith.index_cast %add3A_1139 : i32 to index
        %get3A_1196 = arith.constant 80 : index
        %get3A_1197 = tpu.vector_load %arg5[%get3A_1195, %get3A_1196] {strides = array<i32>} : memref<256x100xi32, #tpu.memory_space<vmem>>, vector<1x16xi32>,
        %get3A_1198 = vector.shape_cast %get3A_1197 : vector<1x16xi32> to vector<16xi32>
        %shift_right_logical3A_1199 = arith.constant 1 : i32
        %shift_right_logical3A_1200 = vector.broadcast %shift_right_logical3A_1199 : i32 to vector<16xi32>
        %shift_right_logical3A_1201 = arith.shrui %get3A_1198, %shift_right_logical3A_1200 : vector<16xi32>
        %swap3A_1202 = arith.constant 80 : index
        %swap3A_1203 = tpu.vector_load %arg8[%swap3A_1202] {strides = array<i32>} : memref<100xi32, #tpu.memory_space<vmem>>, vector<16xi32>,
        %swap3A_1204 = vector.shape_cast %swap3A_1203 : vector<16xi32> to vector<16xi32>
        %swap3A_1205 = vector.shape_cast %shift_right_logical3A_1201 : vector<16xi32> to vector<16xi32>
        tpu.vector_store %arg8[%swap3A_1202], %swap3A_1205 {strides = array<i32>} : memref<100xi32, #tpu.memory_space<vmem>>, vector<16xi32>,
        %get3A_1206 = arith.index_cast %add3A_1139 : i32 to index
        %get3A_1207 = arith.constant 84 : index
        %get3A_1208 = tpu.vector_load %arg5[%get3A_1206, %get3A_1207] {strides = array<i32>} : memref<256x100xi32, #tpu.memory_space<vmem>>, vector<1x16xi32>,
        %get3A_1209 = vector.shape_cast %get3A_1208 : vector<1x16xi32> to vector<16xi32>
        %shift_right_logical3A_1210 = arith.constant 1 : i32
        %shift_right_logical3A_1211 = vector.broadcast %shift_right_logical3A_1210 : i32 to vector<16xi32>
        %shift_right_logical3A_1212 = arith.shrui %get3A_1209, %shift_right_logical3A_1211 : vector<16xi32>
        %swap3A_1213 = arith.constant 84 : index
        %swap3A_1214 = tpu.vector_load %arg8[%swap3A_1213] {strides = array<i32>} : memref<100xi32, #tpu.memory_space<vmem>>, vector<16xi32>,
        %swap3A_1215 = vector.shape_cast %swap3A_1214 : vector<16xi32> to vector<16xi32>
        %swap3A_1216 = vector.shape_cast %shift_right_logical3A_1212 : vector<16xi32> to vector<16xi32>
        tpu.vector_store %arg8[%swap3A_1213], %swap3A_1216 {strides = array<i32>} : memref<100xi32, #tpu.memory_space<vmem>>, vector<16xi32>,
        %dma_start3A_1217 = arith.constant 0 : i32
        %dma_start3A_1218 = arith.constant 0 : i32
        %dma_start3A_1219 = tpu.memref_slice %arg3[%dma_start3A_1217, %dma_start3A_1218] : memref<500000x128xf32, #tpu.memory_space<hbm>> -> memref<500000x128xf32, #tpu.memory_space<hbm>>
        tpu.enqueue_indirect_dma source(%dma_start3A_1219 : memref<500000x128xf32, #tpu.memory_space<hbm>>) target(%arg12 : memref<100x128xf32, #tpu.memory_space<vmem>>) offsets(%arg8 : memref<100xi32, #tpu.memory_space<vmem>>) semaphore(%arg17 : memref<!tpu.dma_semaphore, #tpu.memory_space<semaphore_mem>>)
      } else {
      }
      %mul3A_908 = arith.constant 5.000000e-03 : f32
      %mul3A_909 = vector.broadcast %mul3A_908 : f32 to vector<16xf32>
      %mul3A_910 = arith.mulf %add3A_876, %mul3A_909 : vector<16xf32>
      %swap3A_911 = arith.index_cast %add3A_745 : i32 to index
      %swap3A_912 = arith.constant 0 : index
      %swap3A_913 = tpu.vector_load %arg14[%swap3A_911, %swap3A_912] {strides = array<i32>} : memref<256x64xf32, #tpu.memory_space<vmem>>, vector<1x16xf32>,
      %swap3A_914 = vector.shape_cast %swap3A_913 : vector<1x16xf32> to vector<16xf32>
      %swap3A_915 = vector.shape_cast %mul3A_910 : vector<16xf32> to vector<1x16xf32>
      tpu.vector_store %arg14[%swap3A_911, %swap3A_912], %swap3A_915 {strides = array<i32>} : memref<256x64xf32, #tpu.memory_space<vmem>>, vector<1x16xf32>,
      %mul3A_916 = arith.constant 5.000000e-03 : f32
      %mul3A_917 = vector.broadcast %mul3A_916 : f32 to vector<16xf32>
      %mul3A_918 = arith.mulf %add3A_884, %mul3A_917 : vector<16xf32>
      %swap3A_919 = arith.index_cast %add3A_745 : i32 to index
      %swap3A_920 = arith.constant 16 : index
      %swap3A_921 = tpu.vector_load %arg14[%swap3A_919, %swap3A_920] {strides = array<i32>} : memref<256x64xf32, #tpu.memory_space<vmem>>, vector<1x16xf32>,
      %swap3A_922 = vector.shape_cast %swap3A_921 : vector<1x16xf32> to vector<16xf32>
      %swap3A_923 = vector.shape_cast %mul3A_918 : vector<16xf32> to vector<1x16xf32>
      tpu.vector_store %arg14[%swap3A_919, %swap3A_920], %swap3A_923 {strides = array<i32>} : memref<256x64xf32, #tpu.memory_space<vmem>>, vector<1x16xf32>,
      %mul3A_924 = arith.constant 5.000000e-03 : f32
      %mul3A_925 = vector.broadcast %mul3A_924 : f32 to vector<16xf32>
      %mul3A_926 = arith.mulf %add3A_892, %mul3A_925 : vector<16xf32>
      %swap3A_927 = arith.index_cast %add3A_745 : i32 to index
      %swap3A_928 = arith.constant 32 : index
      %swap3A_929 = tpu.vector_load %arg14[%swap3A_927, %swap3A_928] {strides = array<i32>} : memref<256x64xf32, #tpu.memory_space<vmem>>, vector<1x16xf32>,
      %swap3A_930 = vector.shape_cast %swap3A_929 : vector<1x16xf32> to vector<16xf32>
      %swap3A_931 = vector.shape_cast %mul3A_926 : vector<16xf32> to vector<1x16xf32>
      tpu.vector_store %arg14[%swap3A_927, %swap3A_928], %swap3A_931 {strides = array<i32>} : memref<256x64xf32, #tpu.memory_space<vmem>>, vector<1x16xf32>,
      %mul3A_932 = arith.constant 5.000000e-03 : f32
      %mul3A_933 = vector.broadcast %mul3A_932 : f32 to vector<16xf32>
      %mul3A_934 = arith.mulf %add3A_900, %mul3A_933 : vector<16xf32>
      %swap3A_935 = arith.index_cast %add3A_745 : i32 to index
      %swap3A_936 = arith.constant 48 : index
      %swap3A_937 = tpu.vector_load %arg14[%swap3A_935, %swap3A_936] {strides = array<i32>} : memref<256x64xf32, #tpu.memory_space<vmem>>, vector<1x16xf32>,
      %swap3A_938 = vector.shape_cast %swap3A_937 : vector<1x16xf32> to vector<16xf32>
      %swap3A_939 = vector.shape_cast %mul3A_934 : vector<16xf32> to vector<1x16xf32>
      tpu.vector_store %arg14[%swap3A_935, %swap3A_936], %swap3A_939 {strides = array<i32>} : memref<256x64xf32, #tpu.memory_space<vmem>>, vector<1x16xf32>,
      %mul3A_940 = arith.constant 4 : i32
      %mul3A_941 = arith.muli %mul3A_940, %scan3A_353 : i32
      %add3A_942 = arith.constant 3 : i32
      %add3A_943 = arith.addi %mul3A_941, %add3A_942 : i32
      %dma_wait3A_944 = arith.constant 0 : i32
      %dma_wait3A_945 = arith.constant 0 : i32
      %dma_wait3A_946 = tpu.memref_slice %arg3[%dma_wait3A_944, %dma_wait3A_945] : memref<500000x128xf32, #tpu.memory_space<hbm>> -> memref<500000x128xf32, #tpu.memory_space<hbm>>
      tpu.wait_indirect_dma semaphore(%arg18 : memref<!tpu.dma_semaphore, #tpu.memory_space<semaphore_mem>>) src(%dma_wait3A_946 : memref<500000x128xf32, #tpu.memory_space<hbm>>) dst(%arg13 : memref<100x128xf32, #tpu.memory_space<vmem>>)
      %scan3A_947 = arith.constant 0 : i32
      %scan3A_948 = arith.constant 6 : i32
      %scan3A_949 = arith.addi %scan3A_947, %scan3A_948 : i32
      %scan3A_950 = arith.constant 1 : i32
      %scan3A_951:4 = scf.for %scan3A_1138 = %scan3A_947 to %scan3A_949 step %scan3A_950 iter_args(%scan3A_1139 = %broadcast_in_dim3A_347, %scan3A_1140 = %broadcast_in_dim3A_347, %scan3A_1141 = %broadcast_in_dim3A_347, %scan3A_1142 = %broadcast_in_dim3A_347) -> (vector<16xf32>, vector<16xf32>, vector<16xf32>, vector<16xf32>)  : i32 {
        %mul3A_1143 = arith.constant 16 : i32
        %mul3A_1144 = arith.muli %mul3A_1143, %scan3A_1138 : i32
        %get3A_1145 = arith.index_cast %add3A_943 : i32 to index
        %get3A_1146 = arith.index_cast %mul3A_1144 : i32 to index
        %get3A_1147 = tpu.vector_load %arg5[%get3A_1145, %get3A_1146] {strides = array<i32>} : memref<256x100xi32, #tpu.memory_space<vmem>>, vector<1x16xi32>,
        %get3A_1148 = vector.shape_cast %get3A_1147 : vector<1x16xi32> to vector<16xi32>
        %and3A_1149 = arith.constant 1 : i32
        %and3A_1150 = vector.broadcast %and3A_1149 : i32 to vector<16xi32>
        %and3A_1151 = arith.andi %get3A_1148, %and3A_1150 : vector<16xi32>
        %shift_left3A_1152 = arith.constant 6 : i32
        %shift_left3A_1153 = vector.broadcast %shift_left3A_1152 : i32 to vector<16xi32>
        %shift_left3A_1154 = arith.shli %and3A_1151, %shift_left3A_1153 : vector<16xi32>
        %slice3A_1155 = vector.extract_strided_slice %shift_left3A_1154 {offsets = [0], sizes = [1], strides = [1]} : vector<16xi32> to vector<1xi32>
        %squeeze3A_1156 = vector.extract %slice3A_1155[0] : i32 from vector<1xi32>
        %add3A_1157 = arith.constant 0 : i32
        %add3A_1158 = arith.addi %mul3A_1144, %add3A_1157 : i32
        %add3A_1159 = arith.constant 0 : i32
        %add3A_1160 = arith.addi %squeeze3A_1156, %add3A_1159 : i32
        %get3A_1161 = arith.index_cast %add3A_1158 : i32 to index
        %get3A_1162 = arith.index_cast %add3A_1160 : i32 to index
        %get3A_1163 = tpu.vector_load %arg13[%get3A_1161, %get3A_1162] {strides = array<i32>} : memref<100x128xf32, #tpu.memory_space<vmem>>, vector<1x16xf32>,
        %get3A_1164 = vector.shape_cast %get3A_1163 : vector<1x16xf32> to vector<16xf32>
        %add3A_1165 = arith.addf %scan3A_1139, %get3A_1164 : vector<16xf32>
        %add3A_1166 = arith.constant 0 : i32
        %add3A_1167 = arith.addi %mul3A_1144, %add3A_1166 : i32
        %add3A_1168 = arith.constant 16 : i32
        %add3A_1169 = arith.addi %squeeze3A_1156, %add3A_1168 : i32
        %get3A_1170 = arith.index_cast %add3A_1167 : i32 to index
        %get3A_1171 = arith.index_cast %add3A_1169 : i32 to index
        %get3A_1172 = tpu.vector_load %arg13[%get3A_1170, %get3A_1171] {strides = array<i32>} : memref<100x128xf32, #tpu.memory_space<vmem>>, vector<1x16xf32>,
        %get3A_1173 = vector.shape_cast %get3A_1172 : vector<1x16xf32> to vector<16xf32>
        %add3A_1174 = arith.addf %scan3A_1140, %get3A_1173 : vector<16xf32>
        %add3A_1175 = arith.constant 0 : i32
        %add3A_1176 = arith.addi %mul3A_1144, %add3A_1175 : i32
        %add3A_1177 = arith.constant 32 : i32
        %add3A_1178 = arith.addi %squeeze3A_1156, %add3A_1177 : i32
        %get3A_1179 = arith.index_cast %add3A_1176 : i32 to index
        %get3A_1180 = arith.index_cast %add3A_1178 : i32 to index
        %get3A_1181 = tpu.vector_load %arg13[%get3A_1179, %get3A_1180] {strides = array<i32>} : memref<100x128xf32, #tpu.memory_space<vmem>>, vector<1x16xf32>,
        %get3A_1182 = vector.shape_cast %get3A_1181 : vector<1x16xf32> to vector<16xf32>
        %add3A_1183 = arith.addf %scan3A_1141, %get3A_1182 : vector<16xf32>
        %add3A_1184 = arith.constant 0 : i32
        %add3A_1185 = arith.addi %mul3A_1144, %add3A_1184 : i32
        %add3A_1186 = arith.constant 48 : i32
        %add3A_1187 = arith.addi %squeeze3A_1156, %add3A_1186 : i32
        %get3A_1188 = arith.index_cast %add3A_1185 : i32 to index
        %get3A_1189 = arith.index_cast %add3A_1187 : i32 to index
        %get3A_1190 = tpu.vector_load %arg13[%get3A_1188, %get3A_1189] {strides = array<i32>} : memref<100x128xf32, #tpu.memory_space<vmem>>, vector<1x16xf32>,
        %get3A_1191 = vector.shape_cast %get3A_1190 : vector<1x16xf32> to vector<16xf32>
        %add3A_1192 = arith.addf %scan3A_1142, %get3A_1191 : vector<16xf32>
        %slice3A_1193 = vector.extract_strided_slice %shift_left3A_1154 {offsets = [1], sizes = [1], strides = [1]} : vector<16xi32> to vector<1xi32>
        %squeeze3A_1194 = vector.extract %slice3A_1193[0] : i32 from vector<1xi32>
        %add3A_1195 = arith.constant 1 : i32
        %add3A_1196 = arith.addi %mul3A_1144, %add3A_1195 : i32
        %add3A_1197 = arith.constant 0 : i32
        %add3A_1198 = arith.addi %squeeze3A_1194, %add3A_1197 : i32
        %get3A_1199 = arith.index_cast %add3A_1196 : i32 to index
        %get3A_1200 = arith.index_cast %add3A_1198 : i32 to index
        %get3A_1201 = tpu.vector_load %arg13[%get3A_1199, %get3A_1200] {strides = array<i32>} : memref<100x128xf32, #tpu.memory_space<vmem>>, vector<1x16xf32>,
        %get3A_1202 = vector.shape_cast %get3A_1201 : vector<1x16xf32> to vector<16xf32>
        %add3A_1203 = arith.addf %add3A_1165, %get3A_1202 : vector<16xf32>
        %add3A_1204 = arith.constant 1 : i32
        %add3A_1205 = arith.addi %mul3A_1144, %add3A_1204 : i32
        %add3A_1206 = arith.constant 16 : i32
        %add3A_1207 = arith.addi %squeeze3A_1194, %add3A_1206 : i32
        %get3A_1208 = arith.index_cast %add3A_1205 : i32 to index
        %get3A_1209 = arith.index_cast %add3A_1207 : i32 to index
        %get3A_1210 = tpu.vector_load %arg13[%get3A_1208, %get3A_1209] {strides = array<i32>} : memref<100x128xf32, #tpu.memory_space<vmem>>, vector<1x16xf32>,
        %get3A_1211 = vector.shape_cast %get3A_1210 : vector<1x16xf32> to vector<16xf32>
        %add3A_1212 = arith.addf %add3A_1174, %get3A_1211 : vector<16xf32>
        %add3A_1213 = arith.constant 1 : i32
        %add3A_1214 = arith.addi %mul3A_1144, %add3A_1213 : i32
        %add3A_1215 = arith.constant 32 : i32
        %add3A_1216 = arith.addi %squeeze3A_1194, %add3A_1215 : i32
        %get3A_1217 = arith.index_cast %add3A_1214 : i32 to index
        %get3A_1218 = arith.index_cast %add3A_1216 : i32 to index
        %get3A_1219 = tpu.vector_load %arg13[%get3A_1217, %get3A_1218] {strides = array<i32>} : memref<100x128xf32, #tpu.memory_space<vmem>>, vector<1x16xf32>,
        %get3A_1220 = vector.shape_cast %get3A_1219 : vector<1x16xf32> to vector<16xf32>
        %add3A_1221 = arith.addf %add3A_1183, %get3A_1220 : vector<16xf32>
        %add3A_1222 = arith.constant 1 : i32
        %add3A_1223 = arith.addi %mul3A_1144, %add3A_1222 : i32
        %add3A_1224 = arith.constant 48 : i32
        %add3A_1225 = arith.addi %squeeze3A_1194, %add3A_1224 : i32
        %get3A_1226 = arith.index_cast %add3A_1223 : i32 to index
        %get3A_1227 = arith.index_cast %add3A_1225 : i32 to index
        %get3A_1228 = tpu.vector_load %arg13[%get3A_1226, %get3A_1227] {strides = array<i32>} : memref<100x128xf32, #tpu.memory_space<vmem>>, vector<1x16xf32>,
        %get3A_1229 = vector.shape_cast %get3A_1228 : vector<1x16xf32> to vector<16xf32>
        %add3A_1230 = arith.addf %add3A_1192, %get3A_1229 : vector<16xf32>
        %slice3A_1231 = vector.extract_strided_slice %shift_left3A_1154 {offsets = [2], sizes = [1], strides = [1]} : vector<16xi32> to vector<1xi32>
        %squeeze3A_1232 = vector.extract %slice3A_1231[0] : i32 from vector<1xi32>
        %add3A_1233 = arith.constant 2 : i32
        %add3A_1234 = arith.addi %mul3A_1144, %add3A_1233 : i32
        %add3A_1235 = arith.constant 0 : i32
        %add3A_1236 = arith.addi %squeeze3A_1232, %add3A_1235 : i32
        %get3A_1237 = arith.index_cast %add3A_1234 : i32 to index
        %get3A_1238 = arith.index_cast %add3A_1236 : i32 to index
        %get3A_1239 = tpu.vector_load %arg13[%get3A_1237, %get3A_1238] {strides = array<i32>} : memref<100x128xf32, #tpu.memory_space<vmem>>, vector<1x16xf32>,
        %get3A_1240 = vector.shape_cast %get3A_1239 : vector<1x16xf32> to vector<16xf32>
        %add3A_1241 = arith.addf %add3A_1203, %get3A_1240 : vector<16xf32>
        %add3A_1242 = arith.constant 2 : i32
        %add3A_1243 = arith.addi %mul3A_1144, %add3A_1242 : i32
        %add3A_1244 = arith.constant 16 : i32
        %add3A_1245 = arith.addi %squeeze3A_1232, %add3A_1244 : i32
        %get3A_1246 = arith.index_cast %add3A_1243 : i32 to index
        %get3A_1247 = arith.index_cast %add3A_1245 : i32 to index
        %get3A_1248 = tpu.vector_load %arg13[%get3A_1246, %get3A_1247] {strides = array<i32>} : memref<100x128xf32, #tpu.memory_space<vmem>>, vector<1x16xf32>,
        %get3A_1249 = vector.shape_cast %get3A_1248 : vector<1x16xf32> to vector<16xf32>
        %add3A_1250 = arith.addf %add3A_1212, %get3A_1249 : vector<16xf32>
        %add3A_1251 = arith.constant 2 : i32
        %add3A_1252 = arith.addi %mul3A_1144, %add3A_1251 : i32
        %add3A_1253 = arith.constant 32 : i32
        %add3A_1254 = arith.addi %squeeze3A_1232, %add3A_1253 : i32
        %get3A_1255 = arith.index_cast %add3A_1252 : i32 to index
        %get3A_1256 = arith.index_cast %add3A_1254 : i32 to index
        %get3A_1257 = tpu.vector_load %arg13[%get3A_1255, %get3A_1256] {strides = array<i32>} : memref<100x128xf32, #tpu.memory_space<vmem>>, vector<1x16xf32>,
        %get3A_1258 = vector.shape_cast %get3A_1257 : vector<1x16xf32> to vector<16xf32>
        %add3A_1259 = arith.addf %add3A_1221, %get3A_1258 : vector<16xf32>
        %add3A_1260 = arith.constant 2 : i32
        %add3A_1261 = arith.addi %mul3A_1144, %add3A_1260 : i32
        %add3A_1262 = arith.constant 48 : i32
        %add3A_1263 = arith.addi %squeeze3A_1232, %add3A_1262 : i32
        %get3A_1264 = arith.index_cast %add3A_1261 : i32 to index
        %get3A_1265 = arith.index_cast %add3A_1263 : i32 to index
        %get3A_1266 = tpu.vector_load %arg13[%get3A_1264, %get3A_1265] {strides = array<i32>} : memref<100x128xf32, #tpu.memory_space<vmem>>, vector<1x16xf32>,
        %get3A_1267 = vector.shape_cast %get3A_1266 : vector<1x16xf32> to vector<16xf32>
        %add3A_1268 = arith.addf %add3A_1230, %get3A_1267 : vector<16xf32>
        %slice3A_1269 = vector.extract_strided_slice %shift_left3A_1154 {offsets = [3], sizes = [1], strides = [1]} : vector<16xi32> to vector<1xi32>
        %squeeze3A_1270 = vector.extract %slice3A_1269[0] : i32 from vector<1xi32>
        %add3A_1271 = arith.constant 3 : i32
        %add3A_1272 = arith.addi %mul3A_1144, %add3A_1271 : i32
        %add3A_1273 = arith.constant 0 : i32
        %add3A_1274 = arith.addi %squeeze3A_1270, %add3A_1273 : i32
        %get3A_1275 = arith.index_cast %add3A_1272 : i32 to index
        %get3A_1276 = arith.index_cast %add3A_1274 : i32 to index
        %get3A_1277 = tpu.vector_load %arg13[%get3A_1275, %get3A_1276] {strides = array<i32>} : memref<100x128xf32, #tpu.memory_space<vmem>>, vector<1x16xf32>,
        %get3A_1278 = vector.shape_cast %get3A_1277 : vector<1x16xf32> to vector<16xf32>
        %add3A_1279 = arith.addf %add3A_1241, %get3A_1278 : vector<16xf32>
        %add3A_1280 = arith.constant 3 : i32
        %add3A_1281 = arith.addi %mul3A_1144, %add3A_1280 : i32
        %add3A_1282 = arith.constant 16 : i32
        %add3A_1283 = arith.addi %squeeze3A_1270, %add3A_1282 : i32
        %get3A_1284 = arith.index_cast %add3A_1281 : i32 to index
        %get3A_1285 = arith.index_cast %add3A_1283 : i32 to index
        %get3A_1286 = tpu.vector_load %arg13[%get3A_1284, %get3A_1285] {strides = array<i32>} : memref<100x128xf32, #tpu.memory_space<vmem>>, vector<1x16xf32>,
        %get3A_1287 = vector.shape_cast %get3A_1286 : vector<1x16xf32> to vector<16xf32>
        %add3A_1288 = arith.addf %add3A_1250, %get3A_1287 : vector<16xf32>
        %add3A_1289 = arith.constant 3 : i32
        %add3A_1290 = arith.addi %mul3A_1144, %add3A_1289 : i32
        %add3A_1291 = arith.constant 32 : i32
        %add3A_1292 = arith.addi %squeeze3A_1270, %add3A_1291 : i32
        %get3A_1293 = arith.index_cast %add3A_1290 : i32 to index
        %get3A_1294 = arith.index_cast %add3A_1292 : i32 to index
        %get3A_1295 = tpu.vector_load %arg13[%get3A_1293, %get3A_1294] {strides = array<i32>} : memref<100x128xf32, #tpu.memory_space<vmem>>, vector<1x16xf32>,
        %get3A_1296 = vector.shape_cast %get3A_1295 : vector<1x16xf32> to vector<16xf32>
        %add3A_1297 = arith.addf %add3A_1259, %get3A_1296 : vector<16xf32>
        %add3A_1298 = arith.constant 3 : i32
        %add3A_1299 = arith.addi %mul3A_1144, %add3A_1298 : i32
        %add3A_1300 = arith.constant 48 : i32
        %add3A_1301 = arith.addi %squeeze3A_1270, %add3A_1300 : i32
        %get3A_1302 = arith.index_cast %add3A_1299 : i32 to index
        %get3A_1303 = arith.index_cast %add3A_1301 : i32 to index
        %get3A_1304 = tpu.vector_load %arg13[%get3A_1302, %get3A_1303] {strides = array<i32>} : memref<100x128xf32, #tpu.memory_space<vmem>>, vector<1x16xf32>,
        %get3A_1305 = vector.shape_cast %get3A_1304 : vector<1x16xf32> to vector<16xf32>
        %add3A_1306 = arith.addf %add3A_1268, %get3A_1305 : vector<16xf32>
        %slice3A_1307 = vector.extract_strided_slice %shift_left3A_1154 {offsets = [4], sizes = [1], strides = [1]} : vector<16xi32> to vector<1xi32>
        %squeeze3A_1308 = vector.extract %slice3A_1307[0] : i32 from vector<1xi32>
        %add3A_1309 = arith.constant 4 : i32
        %add3A_1310 = arith.addi %mul3A_1144, %add3A_1309 : i32
        %add3A_1311 = arith.constant 0 : i32
        %add3A_1312 = arith.addi %squeeze3A_1308, %add3A_1311 : i32
        %get3A_1313 = arith.index_cast %add3A_1310 : i32 to index
        %get3A_1314 = arith.index_cast %add3A_1312 : i32 to index
        %get3A_1315 = tpu.vector_load %arg13[%get3A_1313, %get3A_1314] {strides = array<i32>} : memref<100x128xf32, #tpu.memory_space<vmem>>, vector<1x16xf32>,
        %get3A_1316 = vector.shape_cast %get3A_1315 : vector<1x16xf32> to vector<16xf32>
        %add3A_1317 = arith.addf %add3A_1279, %get3A_1316 : vector<16xf32>
        %add3A_1318 = arith.constant 4 : i32
        %add3A_1319 = arith.addi %mul3A_1144, %add3A_1318 : i32
        %add3A_1320 = arith.constant 16 : i32
        %add3A_1321 = arith.addi %squeeze3A_1308, %add3A_1320 : i32
        %get3A_1322 = arith.index_cast %add3A_1319 : i32 to index
        %get3A_1323 = arith.index_cast %add3A_1321 : i32 to index
        %get3A_1324 = tpu.vector_load %arg13[%get3A_1322, %get3A_1323] {strides = array<i32>} : memref<100x128xf32, #tpu.memory_space<vmem>>, vector<1x16xf32>,
        %get3A_1325 = vector.shape_cast %get3A_1324 : vector<1x16xf32> to vector<16xf32>
        %add3A_1326 = arith.addf %add3A_1288, %get3A_1325 : vector<16xf32>
        %add3A_1327 = arith.constant 4 : i32
        %add3A_1328 = arith.addi %mul3A_1144, %add3A_1327 : i32
        %add3A_1329 = arith.constant 32 : i32
        %add3A_1330 = arith.addi %squeeze3A_1308, %add3A_1329 : i32
        %get3A_1331 = arith.index_cast %add3A_1328 : i32 to index
        %get3A_1332 = arith.index_cast %add3A_1330 : i32 to index
        %get3A_1333 = tpu.vector_load %arg13[%get3A_1331, %get3A_1332] {strides = array<i32>} : memref<100x128xf32, #tpu.memory_space<vmem>>, vector<1x16xf32>,
        %get3A_1334 = vector.shape_cast %get3A_1333 : vector<1x16xf32> to vector<16xf32>
        %add3A_1335 = arith.addf %add3A_1297, %get3A_1334 : vector<16xf32>
        %add3A_1336 = arith.constant 4 : i32
        %add3A_1337 = arith.addi %mul3A_1144, %add3A_1336 : i32
        %add3A_1338 = arith.constant 48 : i32
        %add3A_1339 = arith.addi %squeeze3A_1308, %add3A_1338 : i32
        %get3A_1340 = arith.index_cast %add3A_1337 : i32 to index
        %get3A_1341 = arith.index_cast %add3A_1339 : i32 to index
        %get3A_1342 = tpu.vector_load %arg13[%get3A_1340, %get3A_1341] {strides = array<i32>} : memref<100x128xf32, #tpu.memory_space<vmem>>, vector<1x16xf32>,
        %get3A_1343 = vector.shape_cast %get3A_1342 : vector<1x16xf32> to vector<16xf32>
        %add3A_1344 = arith.addf %add3A_1306, %get3A_1343 : vector<16xf32>
        %slice3A_1345 = vector.extract_strided_slice %shift_left3A_1154 {offsets = [5], sizes = [1], strides = [1]} : vector<16xi32> to vector<1xi32>
        %squeeze3A_1346 = vector.extract %slice3A_1345[0] : i32 from vector<1xi32>
        %add3A_1347 = arith.constant 5 : i32
        %add3A_1348 = arith.addi %mul3A_1144, %add3A_1347 : i32
        %add3A_1349 = arith.constant 0 : i32
        %add3A_1350 = arith.addi %squeeze3A_1346, %add3A_1349 : i32
        %get3A_1351 = arith.index_cast %add3A_1348 : i32 to index
        %get3A_1352 = arith.index_cast %add3A_1350 : i32 to index
        %get3A_1353 = tpu.vector_load %arg13[%get3A_1351, %get3A_1352] {strides = array<i32>} : memref<100x128xf32, #tpu.memory_space<vmem>>, vector<1x16xf32>,
        %get3A_1354 = vector.shape_cast %get3A_1353 : vector<1x16xf32> to vector<16xf32>
        %add3A_1355 = arith.addf %add3A_1317, %get3A_1354 : vector<16xf32>
        %add3A_1356 = arith.constant 5 : i32
        %add3A_1357 = arith.addi %mul3A_1144, %add3A_1356 : i32
        %add3A_1358 = arith.constant 16 : i32
        %add3A_1359 = arith.addi %squeeze3A_1346, %add3A_1358 : i32
        %get3A_1360 = arith.index_cast %add3A_1357 : i32 to index
        %get3A_1361 = arith.index_cast %add3A_1359 : i32 to index
        %get3A_1362 = tpu.vector_load %arg13[%get3A_1360, %get3A_1361] {strides = array<i32>} : memref<100x128xf32, #tpu.memory_space<vmem>>, vector<1x16xf32>,
        %get3A_1363 = vector.shape_cast %get3A_1362 : vector<1x16xf32> to vector<16xf32>
        %add3A_1364 = arith.addf %add3A_1326, %get3A_1363 : vector<16xf32>
        %add3A_1365 = arith.constant 5 : i32
        %add3A_1366 = arith.addi %mul3A_1144, %add3A_1365 : i32
        %add3A_1367 = arith.constant 32 : i32
        %add3A_1368 = arith.addi %squeeze3A_1346, %add3A_1367 : i32
        %get3A_1369 = arith.index_cast %add3A_1366 : i32 to index
        %get3A_1370 = arith.index_cast %add3A_1368 : i32 to index
        %get3A_1371 = tpu.vector_load %arg13[%get3A_1369, %get3A_1370] {strides = array<i32>} : memref<100x128xf32, #tpu.memory_space<vmem>>, vector<1x16xf32>,
        %get3A_1372 = vector.shape_cast %get3A_1371 : vector<1x16xf32> to vector<16xf32>
        %add3A_1373 = arith.addf %add3A_1335, %get3A_1372 : vector<16xf32>
        %add3A_1374 = arith.constant 5 : i32
        %add3A_1375 = arith.addi %mul3A_1144, %add3A_1374 : i32
        %add3A_1376 = arith.constant 48 : i32
        %add3A_1377 = arith.addi %squeeze3A_1346, %add3A_1376 : i32
        %get3A_1378 = arith.index_cast %add3A_1375 : i32 to index
        %get3A_1379 = arith.index_cast %add3A_1377 : i32 to index
        %get3A_1380 = tpu.vector_load %arg13[%get3A_1378, %get3A_1379] {strides = array<i32>} : memref<100x128xf32, #tpu.memory_space<vmem>>, vector<1x16xf32>,
        %get3A_1381 = vector.shape_cast %get3A_1380 : vector<1x16xf32> to vector<16xf32>
        %add3A_1382 = arith.addf %add3A_1344, %get3A_1381 : vector<16xf32>
        %slice3A_1383 = vector.extract_strided_slice %shift_left3A_1154 {offsets = [6], sizes = [1], strides = [1]} : vector<16xi32> to vector<1xi32>
        %squeeze3A_1384 = vector.extract %slice3A_1383[0] : i32 from vector<1xi32>
        %add3A_1385 = arith.constant 6 : i32
        %add3A_1386 = arith.addi %mul3A_1144, %add3A_1385 : i32
        %add3A_1387 = arith.constant 0 : i32
        %add3A_1388 = arith.addi %squeeze3A_1384, %add3A_1387 : i32
        %get3A_1389 = arith.index_cast %add3A_1386 : i32 to index
        %get3A_1390 = arith.index_cast %add3A_1388 : i32 to index
        %get3A_1391 = tpu.vector_load %arg13[%get3A_1389, %get3A_1390] {strides = array<i32>} : memref<100x128xf32, #tpu.memory_space<vmem>>, vector<1x16xf32>,
        %get3A_1392 = vector.shape_cast %get3A_1391 : vector<1x16xf32> to vector<16xf32>
        %add3A_1393 = arith.addf %add3A_1355, %get3A_1392 : vector<16xf32>
        %add3A_1394 = arith.constant 6 : i32
        %add3A_1395 = arith.addi %mul3A_1144, %add3A_1394 : i32
        %add3A_1396 = arith.constant 16 : i32
        %add3A_1397 = arith.addi %squeeze3A_1384, %add3A_1396 : i32
        %get3A_1398 = arith.index_cast %add3A_1395 : i32 to index
        %get3A_1399 = arith.index_cast %add3A_1397 : i32 to index
        %get3A_1400 = tpu.vector_load %arg13[%get3A_1398, %get3A_1399] {strides = array<i32>} : memref<100x128xf32, #tpu.memory_space<vmem>>, vector<1x16xf32>,
        %get3A_1401 = vector.shape_cast %get3A_1400 : vector<1x16xf32> to vector<16xf32>
        %add3A_1402 = arith.addf %add3A_1364, %get3A_1401 : vector<16xf32>
        %add3A_1403 = arith.constant 6 : i32
        %add3A_1404 = arith.addi %mul3A_1144, %add3A_1403 : i32
        %add3A_1405 = arith.constant 32 : i32
        %add3A_1406 = arith.addi %squeeze3A_1384, %add3A_1405 : i32
        %get3A_1407 = arith.index_cast %add3A_1404 : i32 to index
        %get3A_1408 = arith.index_cast %add3A_1406 : i32 to index
        %get3A_1409 = tpu.vector_load %arg13[%get3A_1407, %get3A_1408] {strides = array<i32>} : memref<100x128xf32, #tpu.memory_space<vmem>>, vector<1x16xf32>,
        %get3A_1410 = vector.shape_cast %get3A_1409 : vector<1x16xf32> to vector<16xf32>
        %add3A_1411 = arith.addf %add3A_1373, %get3A_1410 : vector<16xf32>
        %add3A_1412 = arith.constant 6 : i32
        %add3A_1413 = arith.addi %mul3A_1144, %add3A_1412 : i32
        %add3A_1414 = arith.constant 48 : i32
        %add3A_1415 = arith.addi %squeeze3A_1384, %add3A_1414 : i32
        %get3A_1416 = arith.index_cast %add3A_1413 : i32 to index
        %get3A_1417 = arith.index_cast %add3A_1415 : i32 to index
        %get3A_1418 = tpu.vector_load %arg13[%get3A_1416, %get3A_1417] {strides = array<i32>} : memref<100x128xf32, #tpu.memory_space<vmem>>, vector<1x16xf32>,
        %get3A_1419 = vector.shape_cast %get3A_1418 : vector<1x16xf32> to vector<16xf32>
        %add3A_1420 = arith.addf %add3A_1382, %get3A_1419 : vector<16xf32>
        %slice3A_1421 = vector.extract_strided_slice %shift_left3A_1154 {offsets = [7], sizes = [1], strides = [1]} : vector<16xi32> to vector<1xi32>
        %squeeze3A_1422 = vector.extract %slice3A_1421[0] : i32 from vector<1xi32>
        %add3A_1423 = arith.constant 7 : i32
        %add3A_1424 = arith.addi %mul3A_1144, %add3A_1423 : i32
        %add3A_1425 = arith.constant 0 : i32
        %add3A_1426 = arith.addi %squeeze3A_1422, %add3A_1425 : i32
        %get3A_1427 = arith.index_cast %add3A_1424 : i32 to index
        %get3A_1428 = arith.index_cast %add3A_1426 : i32 to index
        %get3A_1429 = tpu.vector_load %arg13[%get3A_1427, %get3A_1428] {strides = array<i32>} : memref<100x128xf32, #tpu.memory_space<vmem>>, vector<1x16xf32>,
        %get3A_1430 = vector.shape_cast %get3A_1429 : vector<1x16xf32> to vector<16xf32>
        %add3A_1431 = arith.addf %add3A_1393, %get3A_1430 : vector<16xf32>
        %add3A_1432 = arith.constant 7 : i32
        %add3A_1433 = arith.addi %mul3A_1144, %add3A_1432 : i32
        %add3A_1434 = arith.constant 16 : i32
        %add3A_1435 = arith.addi %squeeze3A_1422, %add3A_1434 : i32
        %get3A_1436 = arith.index_cast %add3A_1433 : i32 to index
        %get3A_1437 = arith.index_cast %add3A_1435 : i32 to index
        %get3A_1438 = tpu.vector_load %arg13[%get3A_1436, %get3A_1437] {strides = array<i32>} : memref<100x128xf32, #tpu.memory_space<vmem>>, vector<1x16xf32>,
        %get3A_1439 = vector.shape_cast %get3A_1438 : vector<1x16xf32> to vector<16xf32>
        %add3A_1440 = arith.addf %add3A_1402, %get3A_1439 : vector<16xf32>
        %add3A_1441 = arith.constant 7 : i32
        %add3A_1442 = arith.addi %mul3A_1144, %add3A_1441 : i32
        %add3A_1443 = arith.constant 32 : i32
        %add3A_1444 = arith.addi %squeeze3A_1422, %add3A_1443 : i32
        %get3A_1445 = arith.index_cast %add3A_1442 : i32 to index
        %get3A_1446 = arith.index_cast %add3A_1444 : i32 to index
        %get3A_1447 = tpu.vector_load %arg13[%get3A_1445, %get3A_1446] {strides = array<i32>} : memref<100x128xf32, #tpu.memory_space<vmem>>, vector<1x16xf32>,
        %get3A_1448 = vector.shape_cast %get3A_1447 : vector<1x16xf32> to vector<16xf32>
        %add3A_1449 = arith.addf %add3A_1411, %get3A_1448 : vector<16xf32>
        %add3A_1450 = arith.constant 7 : i32
        %add3A_1451 = arith.addi %mul3A_1144, %add3A_1450 : i32
        %add3A_1452 = arith.constant 48 : i32
        %add3A_1453 = arith.addi %squeeze3A_1422, %add3A_1452 : i32
        %get3A_1454 = arith.index_cast %add3A_1451 : i32 to index
        %get3A_1455 = arith.index_cast %add3A_1453 : i32 to index
        %get3A_1456 = tpu.vector_load %arg13[%get3A_1454, %get3A_1455] {strides = array<i32>} : memref<100x128xf32, #tpu.memory_space<vmem>>, vector<1x16xf32>,
        %get3A_1457 = vector.shape_cast %get3A_1456 : vector<1x16xf32> to vector<16xf32>
        %add3A_1458 = arith.addf %add3A_1420, %get3A_1457 : vector<16xf32>
        %slice3A_1459 = vector.extract_strided_slice %shift_left3A_1154 {offsets = [8], sizes = [1], strides = [1]} : vector<16xi32> to vector<1xi32>
        %squeeze3A_1460 = vector.extract %slice3A_1459[0] : i32 from vector<1xi32>
        %add3A_1461 = arith.constant 8 : i32
        %add3A_1462 = arith.addi %mul3A_1144, %add3A_1461 : i32
        %add3A_1463 = arith.constant 0 : i32
        %add3A_1464 = arith.addi %squeeze3A_1460, %add3A_1463 : i32
        %get3A_1465 = arith.index_cast %add3A_1462 : i32 to index
        %get3A_1466 = arith.index_cast %add3A_1464 : i32 to index
        %get3A_1467 = tpu.vector_load %arg13[%get3A_1465, %get3A_1466] {strides = array<i32>} : memref<100x128xf32, #tpu.memory_space<vmem>>, vector<1x16xf32>,
        %get3A_1468 = vector.shape_cast %get3A_1467 : vector<1x16xf32> to vector<16xf32>
        %add3A_1469 = arith.addf %add3A_1431, %get3A_1468 : vector<16xf32>
        %add3A_1470 = arith.constant 8 : i32
        %add3A_1471 = arith.addi %mul3A_1144, %add3A_1470 : i32
        %add3A_1472 = arith.constant 16 : i32
        %add3A_1473 = arith.addi %squeeze3A_1460, %add3A_1472 : i32
        %get3A_1474 = arith.index_cast %add3A_1471 : i32 to index
        %get3A_1475 = arith.index_cast %add3A_1473 : i32 to index
        %get3A_1476 = tpu.vector_load %arg13[%get3A_1474, %get3A_1475] {strides = array<i32>} : memref<100x128xf32, #tpu.memory_space<vmem>>, vector<1x16xf32>,
        %get3A_1477 = vector.shape_cast %get3A_1476 : vector<1x16xf32> to vector<16xf32>
        %add3A_1478 = arith.addf %add3A_1440, %get3A_1477 : vector<16xf32>
        %add3A_1479 = arith.constant 8 : i32
        %add3A_1480 = arith.addi %mul3A_1144, %add3A_1479 : i32
        %add3A_1481 = arith.constant 32 : i32
        %add3A_1482 = arith.addi %squeeze3A_1460, %add3A_1481 : i32
        %get3A_1483 = arith.index_cast %add3A_1480 : i32 to index
        %get3A_1484 = arith.index_cast %add3A_1482 : i32 to index
        %get3A_1485 = tpu.vector_load %arg13[%get3A_1483, %get3A_1484] {strides = array<i32>} : memref<100x128xf32, #tpu.memory_space<vmem>>, vector<1x16xf32>,
        %get3A_1486 = vector.shape_cast %get3A_1485 : vector<1x16xf32> to vector<16xf32>
        %add3A_1487 = arith.addf %add3A_1449, %get3A_1486 : vector<16xf32>
        %add3A_1488 = arith.constant 8 : i32
        %add3A_1489 = arith.addi %mul3A_1144, %add3A_1488 : i32
        %add3A_1490 = arith.constant 48 : i32
        %add3A_1491 = arith.addi %squeeze3A_1460, %add3A_1490 : i32
        %get3A_1492 = arith.index_cast %add3A_1489 : i32 to index
        %get3A_1493 = arith.index_cast %add3A_1491 : i32 to index
        %get3A_1494 = tpu.vector_load %arg13[%get3A_1492, %get3A_1493] {strides = array<i32>} : memref<100x128xf32, #tpu.memory_space<vmem>>, vector<1x16xf32>,
        %get3A_1495 = vector.shape_cast %get3A_1494 : vector<1x16xf32> to vector<16xf32>
        %add3A_1496 = arith.addf %add3A_1458, %get3A_1495 : vector<16xf32>
        %slice3A_1497 = vector.extract_strided_slice %shift_left3A_1154 {offsets = [9], sizes = [1], strides = [1]} : vector<16xi32> to vector<1xi32>
        %squeeze3A_1498 = vector.extract %slice3A_1497[0] : i32 from vector<1xi32>
        %add3A_1499 = arith.constant 9 : i32
        %add3A_1500 = arith.addi %mul3A_1144, %add3A_1499 : i32
        %add3A_1501 = arith.constant 0 : i32
        %add3A_1502 = arith.addi %squeeze3A_1498, %add3A_1501 : i32
        %get3A_1503 = arith.index_cast %add3A_1500 : i32 to index
        %get3A_1504 = arith.index_cast %add3A_1502 : i32 to index
        %get3A_1505 = tpu.vector_load %arg13[%get3A_1503, %get3A_1504] {strides = array<i32>} : memref<100x128xf32, #tpu.memory_space<vmem>>, vector<1x16xf32>,
        %get3A_1506 = vector.shape_cast %get3A_1505 : vector<1x16xf32> to vector<16xf32>
        %add3A_1507 = arith.addf %add3A_1469, %get3A_1506 : vector<16xf32>
        %add3A_1508 = arith.constant 9 : i32
        %add3A_1509 = arith.addi %mul3A_1144, %add3A_1508 : i32
        %add3A_1510 = arith.constant 16 : i32
        %add3A_1511 = arith.addi %squeeze3A_1498, %add3A_1510 : i32
        %get3A_1512 = arith.index_cast %add3A_1509 : i32 to index
        %get3A_1513 = arith.index_cast %add3A_1511 : i32 to index
        %get3A_1514 = tpu.vector_load %arg13[%get3A_1512, %get3A_1513] {strides = array<i32>} : memref<100x128xf32, #tpu.memory_space<vmem>>, vector<1x16xf32>,
        %get3A_1515 = vector.shape_cast %get3A_1514 : vector<1x16xf32> to vector<16xf32>
        %add3A_1516 = arith.addf %add3A_1478, %get3A_1515 : vector<16xf32>
        %add3A_1517 = arith.constant 9 : i32
        %add3A_1518 = arith.addi %mul3A_1144, %add3A_1517 : i32
        %add3A_1519 = arith.constant 32 : i32
        %add3A_1520 = arith.addi %squeeze3A_1498, %add3A_1519 : i32
        %get3A_1521 = arith.index_cast %add3A_1518 : i32 to index
        %get3A_1522 = arith.index_cast %add3A_1520 : i32 to index
        %get3A_1523 = tpu.vector_load %arg13[%get3A_1521, %get3A_1522] {strides = array<i32>} : memref<100x128xf32, #tpu.memory_space<vmem>>, vector<1x16xf32>,
        %get3A_1524 = vector.shape_cast %get3A_1523 : vector<1x16xf32> to vector<16xf32>
        %add3A_1525 = arith.addf %add3A_1487, %get3A_1524 : vector<16xf32>
        %add3A_1526 = arith.constant 9 : i32
        %add3A_1527 = arith.addi %mul3A_1144, %add3A_1526 : i32
        %add3A_1528 = arith.constant 48 : i32
        %add3A_1529 = arith.addi %squeeze3A_1498, %add3A_1528 : i32
        %get3A_1530 = arith.index_cast %add3A_1527 : i32 to index
        %get3A_1531 = arith.index_cast %add3A_1529 : i32 to index
        %get3A_1532 = tpu.vector_load %arg13[%get3A_1530, %get3A_1531] {strides = array<i32>} : memref<100x128xf32, #tpu.memory_space<vmem>>, vector<1x16xf32>,
        %get3A_1533 = vector.shape_cast %get3A_1532 : vector<1x16xf32> to vector<16xf32>
        %add3A_1534 = arith.addf %add3A_1496, %get3A_1533 : vector<16xf32>
        %slice3A_1535 = vector.extract_strided_slice %shift_left3A_1154 {offsets = [10], sizes = [1], strides = [1]} : vector<16xi32> to vector<1xi32>
        %squeeze3A_1536 = vector.extract %slice3A_1535[0] : i32 from vector<1xi32>
        %add3A_1537 = arith.constant 10 : i32
        %add3A_1538 = arith.addi %mul3A_1144, %add3A_1537 : i32
        %add3A_1539 = arith.constant 0 : i32
        %add3A_1540 = arith.addi %squeeze3A_1536, %add3A_1539 : i32
        %get3A_1541 = arith.index_cast %add3A_1538 : i32 to index
        %get3A_1542 = arith.index_cast %add3A_1540 : i32 to index
        %get3A_1543 = tpu.vector_load %arg13[%get3A_1541, %get3A_1542] {strides = array<i32>} : memref<100x128xf32, #tpu.memory_space<vmem>>, vector<1x16xf32>,
        %get3A_1544 = vector.shape_cast %get3A_1543 : vector<1x16xf32> to vector<16xf32>
        %add3A_1545 = arith.addf %add3A_1507, %get3A_1544 : vector<16xf32>
        %add3A_1546 = arith.constant 10 : i32
        %add3A_1547 = arith.addi %mul3A_1144, %add3A_1546 : i32
        %add3A_1548 = arith.constant 16 : i32
        %add3A_1549 = arith.addi %squeeze3A_1536, %add3A_1548 : i32
        %get3A_1550 = arith.index_cast %add3A_1547 : i32 to index
        %get3A_1551 = arith.index_cast %add3A_1549 : i32 to index
        %get3A_1552 = tpu.vector_load %arg13[%get3A_1550, %get3A_1551] {strides = array<i32>} : memref<100x128xf32, #tpu.memory_space<vmem>>, vector<1x16xf32>,
        %get3A_1553 = vector.shape_cast %get3A_1552 : vector<1x16xf32> to vector<16xf32>
        %add3A_1554 = arith.addf %add3A_1516, %get3A_1553 : vector<16xf32>
        %add3A_1555 = arith.constant 10 : i32
        %add3A_1556 = arith.addi %mul3A_1144, %add3A_1555 : i32
        %add3A_1557 = arith.constant 32 : i32
        %add3A_1558 = arith.addi %squeeze3A_1536, %add3A_1557 : i32
        %get3A_1559 = arith.index_cast %add3A_1556 : i32 to index
        %get3A_1560 = arith.index_cast %add3A_1558 : i32 to index
        %get3A_1561 = tpu.vector_load %arg13[%get3A_1559, %get3A_1560] {strides = array<i32>} : memref<100x128xf32, #tpu.memory_space<vmem>>, vector<1x16xf32>,
        %get3A_1562 = vector.shape_cast %get3A_1561 : vector<1x16xf32> to vector<16xf32>
        %add3A_1563 = arith.addf %add3A_1525, %get3A_1562 : vector<16xf32>
        %add3A_1564 = arith.constant 10 : i32
        %add3A_1565 = arith.addi %mul3A_1144, %add3A_1564 : i32
        %add3A_1566 = arith.constant 48 : i32
        %add3A_1567 = arith.addi %squeeze3A_1536, %add3A_1566 : i32
        %get3A_1568 = arith.index_cast %add3A_1565 : i32 to index
        %get3A_1569 = arith.index_cast %add3A_1567 : i32 to index
        %get3A_1570 = tpu.vector_load %arg13[%get3A_1568, %get3A_1569] {strides = array<i32>} : memref<100x128xf32, #tpu.memory_space<vmem>>, vector<1x16xf32>,
        %get3A_1571 = vector.shape_cast %get3A_1570 : vector<1x16xf32> to vector<16xf32>
        %add3A_1572 = arith.addf %add3A_1534, %get3A_1571 : vector<16xf32>
        %slice3A_1573 = vector.extract_strided_slice %shift_left3A_1154 {offsets = [11], sizes = [1], strides = [1]} : vector<16xi32> to vector<1xi32>
        %squeeze3A_1574 = vector.extract %slice3A_1573[0] : i32 from vector<1xi32>
        %add3A_1575 = arith.constant 11 : i32
        %add3A_1576 = arith.addi %mul3A_1144, %add3A_1575 : i32
        %add3A_1577 = arith.constant 0 : i32
        %add3A_1578 = arith.addi %squeeze3A_1574, %add3A_1577 : i32
        %get3A_1579 = arith.index_cast %add3A_1576 : i32 to index
        %get3A_1580 = arith.index_cast %add3A_1578 : i32 to index
        %get3A_1581 = tpu.vector_load %arg13[%get3A_1579, %get3A_1580] {strides = array<i32>} : memref<100x128xf32, #tpu.memory_space<vmem>>, vector<1x16xf32>,
        %get3A_1582 = vector.shape_cast %get3A_1581 : vector<1x16xf32> to vector<16xf32>
        %add3A_1583 = arith.addf %add3A_1545, %get3A_1582 : vector<16xf32>
        %add3A_1584 = arith.constant 11 : i32
        %add3A_1585 = arith.addi %mul3A_1144, %add3A_1584 : i32
        %add3A_1586 = arith.constant 16 : i32
        %add3A_1587 = arith.addi %squeeze3A_1574, %add3A_1586 : i32
        %get3A_1588 = arith.index_cast %add3A_1585 : i32 to index
        %get3A_1589 = arith.index_cast %add3A_1587 : i32 to index
        %get3A_1590 = tpu.vector_load %arg13[%get3A_1588, %get3A_1589] {strides = array<i32>} : memref<100x128xf32, #tpu.memory_space<vmem>>, vector<1x16xf32>,
        %get3A_1591 = vector.shape_cast %get3A_1590 : vector<1x16xf32> to vector<16xf32>
        %add3A_1592 = arith.addf %add3A_1554, %get3A_1591 : vector<16xf32>
        %add3A_1593 = arith.constant 11 : i32
        %add3A_1594 = arith.addi %mul3A_1144, %add3A_1593 : i32
        %add3A_1595 = arith.constant 32 : i32
        %add3A_1596 = arith.addi %squeeze3A_1574, %add3A_1595 : i32
        %get3A_1597 = arith.index_cast %add3A_1594 : i32 to index
        %get3A_1598 = arith.index_cast %add3A_1596 : i32 to index
        %get3A_1599 = tpu.vector_load %arg13[%get3A_1597, %get3A_1598] {strides = array<i32>} : memref<100x128xf32, #tpu.memory_space<vmem>>, vector<1x16xf32>,
        %get3A_1600 = vector.shape_cast %get3A_1599 : vector<1x16xf32> to vector<16xf32>
        %add3A_1601 = arith.addf %add3A_1563, %get3A_1600 : vector<16xf32>
        %add3A_1602 = arith.constant 11 : i32
        %add3A_1603 = arith.addi %mul3A_1144, %add3A_1602 : i32
        %add3A_1604 = arith.constant 48 : i32
        %add3A_1605 = arith.addi %squeeze3A_1574, %add3A_1604 : i32
        %get3A_1606 = arith.index_cast %add3A_1603 : i32 to index
        %get3A_1607 = arith.index_cast %add3A_1605 : i32 to index
        %get3A_1608 = tpu.vector_load %arg13[%get3A_1606, %get3A_1607] {strides = array<i32>} : memref<100x128xf32, #tpu.memory_space<vmem>>, vector<1x16xf32>,
        %get3A_1609 = vector.shape_cast %get3A_1608 : vector<1x16xf32> to vector<16xf32>
        %add3A_1610 = arith.addf %add3A_1572, %get3A_1609 : vector<16xf32>
        %slice3A_1611 = vector.extract_strided_slice %shift_left3A_1154 {offsets = [12], sizes = [1], strides = [1]} : vector<16xi32> to vector<1xi32>
        %squeeze3A_1612 = vector.extract %slice3A_1611[0] : i32 from vector<1xi32>
        %add3A_1613 = arith.constant 12 : i32
        %add3A_1614 = arith.addi %mul3A_1144, %add3A_1613 : i32
        %add3A_1615 = arith.constant 0 : i32
        %add3A_1616 = arith.addi %squeeze3A_1612, %add3A_1615 : i32
        %get3A_1617 = arith.index_cast %add3A_1614 : i32 to index
        %get3A_1618 = arith.index_cast %add3A_1616 : i32 to index
        %get3A_1619 = tpu.vector_load %arg13[%get3A_1617, %get3A_1618] {strides = array<i32>} : memref<100x128xf32, #tpu.memory_space<vmem>>, vector<1x16xf32>,
        %get3A_1620 = vector.shape_cast %get3A_1619 : vector<1x16xf32> to vector<16xf32>
        %add3A_1621 = arith.addf %add3A_1583, %get3A_1620 : vector<16xf32>
        %add3A_1622 = arith.constant 12 : i32
        %add3A_1623 = arith.addi %mul3A_1144, %add3A_1622 : i32
        %add3A_1624 = arith.constant 16 : i32
        %add3A_1625 = arith.addi %squeeze3A_1612, %add3A_1624 : i32
        %get3A_1626 = arith.index_cast %add3A_1623 : i32 to index
        %get3A_1627 = arith.index_cast %add3A_1625 : i32 to index
        %get3A_1628 = tpu.vector_load %arg13[%get3A_1626, %get3A_1627] {strides = array<i32>} : memref<100x128xf32, #tpu.memory_space<vmem>>, vector<1x16xf32>,
        %get3A_1629 = vector.shape_cast %get3A_1628 : vector<1x16xf32> to vector<16xf32>
        %add3A_1630 = arith.addf %add3A_1592, %get3A_1629 : vector<16xf32>
        %add3A_1631 = arith.constant 12 : i32
        %add3A_1632 = arith.addi %mul3A_1144, %add3A_1631 : i32
        %add3A_1633 = arith.constant 32 : i32
        %add3A_1634 = arith.addi %squeeze3A_1612, %add3A_1633 : i32
        %get3A_1635 = arith.index_cast %add3A_1632 : i32 to index
        %get3A_1636 = arith.index_cast %add3A_1634 : i32 to index
        %get3A_1637 = tpu.vector_load %arg13[%get3A_1635, %get3A_1636] {strides = array<i32>} : memref<100x128xf32, #tpu.memory_space<vmem>>, vector<1x16xf32>,
        %get3A_1638 = vector.shape_cast %get3A_1637 : vector<1x16xf32> to vector<16xf32>
        %add3A_1639 = arith.addf %add3A_1601, %get3A_1638 : vector<16xf32>
        %add3A_1640 = arith.constant 12 : i32
        %add3A_1641 = arith.addi %mul3A_1144, %add3A_1640 : i32
        %add3A_1642 = arith.constant 48 : i32
        %add3A_1643 = arith.addi %squeeze3A_1612, %add3A_1642 : i32
        %get3A_1644 = arith.index_cast %add3A_1641 : i32 to index
        %get3A_1645 = arith.index_cast %add3A_1643 : i32 to index
        %get3A_1646 = tpu.vector_load %arg13[%get3A_1644, %get3A_1645] {strides = array<i32>} : memref<100x128xf32, #tpu.memory_space<vmem>>, vector<1x16xf32>,
        %get3A_1647 = vector.shape_cast %get3A_1646 : vector<1x16xf32> to vector<16xf32>
        %add3A_1648 = arith.addf %add3A_1610, %get3A_1647 : vector<16xf32>
        %slice3A_1649 = vector.extract_strided_slice %shift_left3A_1154 {offsets = [13], sizes = [1], strides = [1]} : vector<16xi32> to vector<1xi32>
        %squeeze3A_1650 = vector.extract %slice3A_1649[0] : i32 from vector<1xi32>
        %add3A_1651 = arith.constant 13 : i32
        %add3A_1652 = arith.addi %mul3A_1144, %add3A_1651 : i32
        %add3A_1653 = arith.constant 0 : i32
        %add3A_1654 = arith.addi %squeeze3A_1650, %add3A_1653 : i32
        %get3A_1655 = arith.index_cast %add3A_1652 : i32 to index
        %get3A_1656 = arith.index_cast %add3A_1654 : i32 to index
        %get3A_1657 = tpu.vector_load %arg13[%get3A_1655, %get3A_1656] {strides = array<i32>} : memref<100x128xf32, #tpu.memory_space<vmem>>, vector<1x16xf32>,
        %get3A_1658 = vector.shape_cast %get3A_1657 : vector<1x16xf32> to vector<16xf32>
        %add3A_1659 = arith.addf %add3A_1621, %get3A_1658 : vector<16xf32>
        %add3A_1660 = arith.constant 13 : i32
        %add3A_1661 = arith.addi %mul3A_1144, %add3A_1660 : i32
        %add3A_1662 = arith.constant 16 : i32
        %add3A_1663 = arith.addi %squeeze3A_1650, %add3A_1662 : i32
        %get3A_1664 = arith.index_cast %add3A_1661 : i32 to index
        %get3A_1665 = arith.index_cast %add3A_1663 : i32 to index
        %get3A_1666 = tpu.vector_load %arg13[%get3A_1664, %get3A_1665] {strides = array<i32>} : memref<100x128xf32, #tpu.memory_space<vmem>>, vector<1x16xf32>,
        %get3A_1667 = vector.shape_cast %get3A_1666 : vector<1x16xf32> to vector<16xf32>
        %add3A_1668 = arith.addf %add3A_1630, %get3A_1667 : vector<16xf32>
        %add3A_1669 = arith.constant 13 : i32
        %add3A_1670 = arith.addi %mul3A_1144, %add3A_1669 : i32
        %add3A_1671 = arith.constant 32 : i32
        %add3A_1672 = arith.addi %squeeze3A_1650, %add3A_1671 : i32
        %get3A_1673 = arith.index_cast %add3A_1670 : i32 to index
        %get3A_1674 = arith.index_cast %add3A_1672 : i32 to index
        %get3A_1675 = tpu.vector_load %arg13[%get3A_1673, %get3A_1674] {strides = array<i32>} : memref<100x128xf32, #tpu.memory_space<vmem>>, vector<1x16xf32>,
        %get3A_1676 = vector.shape_cast %get3A_1675 : vector<1x16xf32> to vector<16xf32>
        %add3A_1677 = arith.addf %add3A_1639, %get3A_1676 : vector<16xf32>
        %add3A_1678 = arith.constant 13 : i32
        %add3A_1679 = arith.addi %mul3A_1144, %add3A_1678 : i32
        %add3A_1680 = arith.constant 48 : i32
        %add3A_1681 = arith.addi %squeeze3A_1650, %add3A_1680 : i32
        %get3A_1682 = arith.index_cast %add3A_1679 : i32 to index
        %get3A_1683 = arith.index_cast %add3A_1681 : i32 to index
        %get3A_1684 = tpu.vector_load %arg13[%get3A_1682, %get3A_1683] {strides = array<i32>} : memref<100x128xf32, #tpu.memory_space<vmem>>, vector<1x16xf32>,
        %get3A_1685 = vector.shape_cast %get3A_1684 : vector<1x16xf32> to vector<16xf32>
        %add3A_1686 = arith.addf %add3A_1648, %get3A_1685 : vector<16xf32>
        %slice3A_1687 = vector.extract_strided_slice %shift_left3A_1154 {offsets = [14], sizes = [1], strides = [1]} : vector<16xi32> to vector<1xi32>
        %squeeze3A_1688 = vector.extract %slice3A_1687[0] : i32 from vector<1xi32>
        %add3A_1689 = arith.constant 14 : i32
        %add3A_1690 = arith.addi %mul3A_1144, %add3A_1689 : i32
        %add3A_1691 = arith.constant 0 : i32
        %add3A_1692 = arith.addi %squeeze3A_1688, %add3A_1691 : i32
        %get3A_1693 = arith.index_cast %add3A_1690 : i32 to index
        %get3A_1694 = arith.index_cast %add3A_1692 : i32 to index
        %get3A_1695 = tpu.vector_load %arg13[%get3A_1693, %get3A_1694] {strides = array<i32>} : memref<100x128xf32, #tpu.memory_space<vmem>>, vector<1x16xf32>,
        %get3A_1696 = vector.shape_cast %get3A_1695 : vector<1x16xf32> to vector<16xf32>
        %add3A_1697 = arith.addf %add3A_1659, %get3A_1696 : vector<16xf32>
        %add3A_1698 = arith.constant 14 : i32
        %add3A_1699 = arith.addi %mul3A_1144, %add3A_1698 : i32
        %add3A_1700 = arith.constant 16 : i32
        %add3A_1701 = arith.addi %squeeze3A_1688, %add3A_1700 : i32
        %get3A_1702 = arith.index_cast %add3A_1699 : i32 to index
        %get3A_1703 = arith.index_cast %add3A_1701 : i32 to index
        %get3A_1704 = tpu.vector_load %arg13[%get3A_1702, %get3A_1703] {strides = array<i32>} : memref<100x128xf32, #tpu.memory_space<vmem>>, vector<1x16xf32>,
        %get3A_1705 = vector.shape_cast %get3A_1704 : vector<1x16xf32> to vector<16xf32>
        %add3A_1706 = arith.addf %add3A_1668, %get3A_1705 : vector<16xf32>
        %add3A_1707 = arith.constant 14 : i32
        %add3A_1708 = arith.addi %mul3A_1144, %add3A_1707 : i32
        %add3A_1709 = arith.constant 32 : i32
        %add3A_1710 = arith.addi %squeeze3A_1688, %add3A_1709 : i32
        %get3A_1711 = arith.index_cast %add3A_1708 : i32 to index
        %get3A_1712 = arith.index_cast %add3A_1710 : i32 to index
        %get3A_1713 = tpu.vector_load %arg13[%get3A_1711, %get3A_1712] {strides = array<i32>} : memref<100x128xf32, #tpu.memory_space<vmem>>, vector<1x16xf32>,
        %get3A_1714 = vector.shape_cast %get3A_1713 : vector<1x16xf32> to vector<16xf32>
        %add3A_1715 = arith.addf %add3A_1677, %get3A_1714 : vector<16xf32>
        %add3A_1716 = arith.constant 14 : i32
        %add3A_1717 = arith.addi %mul3A_1144, %add3A_1716 : i32
        %add3A_1718 = arith.constant 48 : i32
        %add3A_1719 = arith.addi %squeeze3A_1688, %add3A_1718 : i32
        %get3A_1720 = arith.index_cast %add3A_1717 : i32 to index
        %get3A_1721 = arith.index_cast %add3A_1719 : i32 to index
        %get3A_1722 = tpu.vector_load %arg13[%get3A_1720, %get3A_1721] {strides = array<i32>} : memref<100x128xf32, #tpu.memory_space<vmem>>, vector<1x16xf32>,
        %get3A_1723 = vector.shape_cast %get3A_1722 : vector<1x16xf32> to vector<16xf32>
        %add3A_1724 = arith.addf %add3A_1686, %get3A_1723 : vector<16xf32>
        %slice3A_1725 = vector.extract_strided_slice %shift_left3A_1154 {offsets = [15], sizes = [1], strides = [1]} : vector<16xi32> to vector<1xi32>
        %squeeze3A_1726 = vector.extract %slice3A_1725[0] : i32 from vector<1xi32>
        %add3A_1727 = arith.constant 15 : i32
        %add3A_1728 = arith.addi %mul3A_1144, %add3A_1727 : i32
        %add3A_1729 = arith.constant 0 : i32
        %add3A_1730 = arith.addi %squeeze3A_1726, %add3A_1729 : i32
        %get3A_1731 = arith.index_cast %add3A_1728 : i32 to index
        %get3A_1732 = arith.index_cast %add3A_1730 : i32 to index
        %get3A_1733 = tpu.vector_load %arg13[%get3A_1731, %get3A_1732] {strides = array<i32>} : memref<100x128xf32, #tpu.memory_space<vmem>>, vector<1x16xf32>,
        %get3A_1734 = vector.shape_cast %get3A_1733 : vector<1x16xf32> to vector<16xf32>
        %add3A_1735 = arith.addf %add3A_1697, %get3A_1734 : vector<16xf32>
        %add3A_1736 = arith.constant 15 : i32
        %add3A_1737 = arith.addi %mul3A_1144, %add3A_1736 : i32
        %add3A_1738 = arith.constant 16 : i32
        %add3A_1739 = arith.addi %squeeze3A_1726, %add3A_1738 : i32
        %get3A_1740 = arith.index_cast %add3A_1737 : i32 to index
        %get3A_1741 = arith.index_cast %add3A_1739 : i32 to index
        %get3A_1742 = tpu.vector_load %arg13[%get3A_1740, %get3A_1741] {strides = array<i32>} : memref<100x128xf32, #tpu.memory_space<vmem>>, vector<1x16xf32>,
        %get3A_1743 = vector.shape_cast %get3A_1742 : vector<1x16xf32> to vector<16xf32>
        %add3A_1744 = arith.addf %add3A_1706, %get3A_1743 : vector<16xf32>
        %add3A_1745 = arith.constant 15 : i32
        %add3A_1746 = arith.addi %mul3A_1144, %add3A_1745 : i32
        %add3A_1747 = arith.constant 32 : i32
        %add3A_1748 = arith.addi %squeeze3A_1726, %add3A_1747 : i32
        %get3A_1749 = arith.index_cast %add3A_1746 : i32 to index
        %get3A_1750 = arith.index_cast %add3A_1748 : i32 to index
        %get3A_1751 = tpu.vector_load %arg13[%get3A_1749, %get3A_1750] {strides = array<i32>} : memref<100x128xf32, #tpu.memory_space<vmem>>, vector<1x16xf32>,
        %get3A_1752 = vector.shape_cast %get3A_1751 : vector<1x16xf32> to vector<16xf32>
        %add3A_1753 = arith.addf %add3A_1715, %get3A_1752 : vector<16xf32>
        %add3A_1754 = arith.constant 15 : i32
        %add3A_1755 = arith.addi %mul3A_1144, %add3A_1754 : i32
        %add3A_1756 = arith.constant 48 : i32
        %add3A_1757 = arith.addi %squeeze3A_1726, %add3A_1756 : i32
        %get3A_1758 = arith.index_cast %add3A_1755 : i32 to index
        %get3A_1759 = arith.index_cast %add3A_1757 : i32 to index
        %get3A_1760 = tpu.vector_load %arg13[%get3A_1758, %get3A_1759] {strides = array<i32>} : memref<100x128xf32, #tpu.memory_space<vmem>>, vector<1x16xf32>,
        %get3A_1761 = vector.shape_cast %get3A_1760 : vector<1x16xf32> to vector<16xf32>
        %add3A_1762 = arith.addf %add3A_1724, %get3A_1761 : vector<16xf32>
        scf.yield %add3A_1735, %add3A_1744, %add3A_1753, %add3A_1762 : vector<16xf32>, vector<16xf32>, vector<16xf32>, vector<16xf32>
      }
      %scan3A_952 = arith.constant 6 : i32
      %get3A_953 = arith.index_cast %add3A_943 : i32 to index
      %get3A_954 = arith.constant 84 : index
      %get3A_955 = tpu.vector_load %arg5[%get3A_953, %get3A_954] {strides = array<i32>} : memref<256x100xi32, #tpu.memory_space<vmem>>, vector<1x16xi32>,
      %get3A_956 = vector.shape_cast %get3A_955 : vector<1x16xi32> to vector<16xi32>
      %and3A_957 = arith.constant 1 : i32
      %and3A_958 = vector.broadcast %and3A_957 : i32 to vector<16xi32>
      %and3A_959 = arith.andi %get3A_956, %and3A_958 : vector<16xi32>
      %shift_left3A_960 = arith.constant 6 : i32
      %shift_left3A_961 = vector.broadcast %shift_left3A_960 : i32 to vector<16xi32>
      %shift_left3A_962 = arith.shli %and3A_959, %shift_left3A_961 : vector<16xi32>
      %slice3A_963 = vector.extract_strided_slice %shift_left3A_962 {offsets = [12], sizes = [1], strides = [1]} : vector<16xi32> to vector<1xi32>
      %squeeze3A_964 = vector.extract %slice3A_963[0] : i32 from vector<1xi32>
      %add3A_965 = arith.constant 0 : i32
      %add3A_966 = arith.addi %squeeze3A_964, %add3A_965 : i32
      %get3A_967 = arith.constant 96 : i32
      %get3A_968 = arith.index_cast %get3A_967 : i32 to index
      %get3A_969 = arith.index_cast %add3A_966 : i32 to index
      %get3A_970 = tpu.vector_load %arg13[%get3A_968, %get3A_969] {strides = array<i32>} : memref<100x128xf32, #tpu.memory_space<vmem>>, vector<1x16xf32>,
      %get3A_971 = vector.shape_cast %get3A_970 : vector<1x16xf32> to vector<16xf32>
      %add3A_972 = arith.addf %scan3A_951#0, %get3A_971 : vector<16xf32>
      %add3A_973 = arith.constant 16 : i32
      %add3A_974 = arith.addi %squeeze3A_964, %add3A_973 : i32
      %get3A_975 = arith.constant 96 : i32
      %get3A_976 = arith.index_cast %get3A_975 : i32 to index
      %get3A_977 = arith.index_cast %add3A_974 : i32 to index
      %get3A_978 = tpu.vector_load %arg13[%get3A_976, %get3A_977] {strides = array<i32>} : memref<100x128xf32, #tpu.memory_space<vmem>>, vector<1x16xf32>,
      %get3A_979 = vector.shape_cast %get3A_978 : vector<1x16xf32> to vector<16xf32>
      %add3A_980 = arith.addf %scan3A_951#1, %get3A_979 : vector<16xf32>
      %add3A_981 = arith.constant 32 : i32
      %add3A_982 = arith.addi %squeeze3A_964, %add3A_981 : i32
      %get3A_983 = arith.constant 96 : i32
      %get3A_984 = arith.index_cast %get3A_983 : i32 to index
      %get3A_985 = arith.index_cast %add3A_982 : i32 to index
      %get3A_986 = tpu.vector_load %arg13[%get3A_984, %get3A_985] {strides = array<i32>} : memref<100x128xf32, #tpu.memory_space<vmem>>, vector<1x16xf32>,
      %get3A_987 = vector.shape_cast %get3A_986 : vector<1x16xf32> to vector<16xf32>
      %add3A_988 = arith.addf %scan3A_951#2, %get3A_987 : vector<16xf32>
      %add3A_989 = arith.constant 48 : i32
      %add3A_990 = arith.addi %squeeze3A_964, %add3A_989 : i32
      %get3A_991 = arith.constant 96 : i32
      %get3A_992 = arith.index_cast %get3A_991 : i32 to index
      %get3A_993 = arith.index_cast %add3A_990 : i32 to index
      %get3A_994 = tpu.vector_load %arg13[%get3A_992, %get3A_993] {strides = array<i32>} : memref<100x128xf32, #tpu.memory_space<vmem>>, vector<1x16xf32>,
      %get3A_995 = vector.shape_cast %get3A_994 : vector<1x16xf32> to vector<16xf32>
      %add3A_996 = arith.addf %scan3A_951#3, %get3A_995 : vector<16xf32>
      %slice3A_997 = vector.extract_strided_slice %shift_left3A_962 {offsets = [13], sizes = [1], strides = [1]} : vector<16xi32> to vector<1xi32>
      %squeeze3A_998 = vector.extract %slice3A_997[0] : i32 from vector<1xi32>
      %add3A_999 = arith.constant 0 : i32
      %add3A_1000 = arith.addi %squeeze3A_998, %add3A_999 : i32
      %get3A_1001 = arith.constant 97 : i32
      %get3A_1002 = arith.index_cast %get3A_1001 : i32 to index
      %get3A_1003 = arith.index_cast %add3A_1000 : i32 to index
      %get3A_1004 = tpu.vector_load %arg13[%get3A_1002, %get3A_1003] {strides = array<i32>} : memref<100x128xf32, #tpu.memory_space<vmem>>, vector<1x16xf32>,
      %get3A_1005 = vector.shape_cast %get3A_1004 : vector<1x16xf32> to vector<16xf32>
      %add3A_1006 = arith.addf %add3A_972, %get3A_1005 : vector<16xf32>
      %add3A_1007 = arith.constant 16 : i32
      %add3A_1008 = arith.addi %squeeze3A_998, %add3A_1007 : i32
      %get3A_1009 = arith.constant 97 : i32
      %get3A_1010 = arith.index_cast %get3A_1009 : i32 to index
      %get3A_1011 = arith.index_cast %add3A_1008 : i32 to index
      %get3A_1012 = tpu.vector_load %arg13[%get3A_1010, %get3A_1011] {strides = array<i32>} : memref<100x128xf32, #tpu.memory_space<vmem>>, vector<1x16xf32>,
      %get3A_1013 = vector.shape_cast %get3A_1012 : vector<1x16xf32> to vector<16xf32>
      %add3A_1014 = arith.addf %add3A_980, %get3A_1013 : vector<16xf32>
      %add3A_1015 = arith.constant 32 : i32
      %add3A_1016 = arith.addi %squeeze3A_998, %add3A_1015 : i32
      %get3A_1017 = arith.constant 97 : i32
      %get3A_1018 = arith.index_cast %get3A_1017 : i32 to index
      %get3A_1019 = arith.index_cast %add3A_1016 : i32 to index
      %get3A_1020 = tpu.vector_load %arg13[%get3A_1018, %get3A_1019] {strides = array<i32>} : memref<100x128xf32, #tpu.memory_space<vmem>>, vector<1x16xf32>,
      %get3A_1021 = vector.shape_cast %get3A_1020 : vector<1x16xf32> to vector<16xf32>
      %add3A_1022 = arith.addf %add3A_988, %get3A_1021 : vector<16xf32>
      %add3A_1023 = arith.constant 48 : i32
      %add3A_1024 = arith.addi %squeeze3A_998, %add3A_1023 : i32
      %get3A_1025 = arith.constant 97 : i32
      %get3A_1026 = arith.index_cast %get3A_1025 : i32 to index
      %get3A_1027 = arith.index_cast %add3A_1024 : i32 to index
      %get3A_1028 = tpu.vector_load %arg13[%get3A_1026, %get3A_1027] {strides = array<i32>} : memref<100x128xf32, #tpu.memory_space<vmem>>, vector<1x16xf32>,
      %get3A_1029 = vector.shape_cast %get3A_1028 : vector<1x16xf32> to vector<16xf32>
      %add3A_1030 = arith.addf %add3A_996, %get3A_1029 : vector<16xf32>
      %slice3A_1031 = vector.extract_strided_slice %shift_left3A_962 {offsets = [14], sizes = [1], strides = [1]} : vector<16xi32> to vector<1xi32>
      %squeeze3A_1032 = vector.extract %slice3A_1031[0] : i32 from vector<1xi32>
      %add3A_1033 = arith.constant 0 : i32
      %add3A_1034 = arith.addi %squeeze3A_1032, %add3A_1033 : i32
      %get3A_1035 = arith.constant 98 : i32
      %get3A_1036 = arith.index_cast %get3A_1035 : i32 to index
      %get3A_1037 = arith.index_cast %add3A_1034 : i32 to index
      %get3A_1038 = tpu.vector_load %arg13[%get3A_1036, %get3A_1037] {strides = array<i32>} : memref<100x128xf32, #tpu.memory_space<vmem>>, vector<1x16xf32>,
      %get3A_1039 = vector.shape_cast %get3A_1038 : vector<1x16xf32> to vector<16xf32>
      %add3A_1040 = arith.addf %add3A_1006, %get3A_1039 : vector<16xf32>
      %add3A_1041 = arith.constant 16 : i32
      %add3A_1042 = arith.addi %squeeze3A_1032, %add3A_1041 : i32
      %get3A_1043 = arith.constant 98 : i32
      %get3A_1044 = arith.index_cast %get3A_1043 : i32 to index
      %get3A_1045 = arith.index_cast %add3A_1042 : i32 to index
      %get3A_1046 = tpu.vector_load %arg13[%get3A_1044, %get3A_1045] {strides = array<i32>} : memref<100x128xf32, #tpu.memory_space<vmem>>, vector<1x16xf32>,
      %get3A_1047 = vector.shape_cast %get3A_1046 : vector<1x16xf32> to vector<16xf32>
      %add3A_1048 = arith.addf %add3A_1014, %get3A_1047 : vector<16xf32>
      %add3A_1049 = arith.constant 32 : i32
      %add3A_1050 = arith.addi %squeeze3A_1032, %add3A_1049 : i32
      %get3A_1051 = arith.constant 98 : i32
      %get3A_1052 = arith.index_cast %get3A_1051 : i32 to index
      %get3A_1053 = arith.index_cast %add3A_1050 : i32 to index
      %get3A_1054 = tpu.vector_load %arg13[%get3A_1052, %get3A_1053] {strides = array<i32>} : memref<100x128xf32, #tpu.memory_space<vmem>>, vector<1x16xf32>,
      %get3A_1055 = vector.shape_cast %get3A_1054 : vector<1x16xf32> to vector<16xf32>
      %add3A_1056 = arith.addf %add3A_1022, %get3A_1055 : vector<16xf32>
      %add3A_1057 = arith.constant 48 : i32
      %add3A_1058 = arith.addi %squeeze3A_1032, %add3A_1057 : i32
      %get3A_1059 = arith.constant 98 : i32
      %get3A_1060 = arith.index_cast %get3A_1059 : i32 to index
      %get3A_1061 = arith.index_cast %add3A_1058 : i32 to index
      %get3A_1062 = tpu.vector_load %arg13[%get3A_1060, %get3A_1061] {strides = array<i32>} : memref<100x128xf32, #tpu.memory_space<vmem>>, vector<1x16xf32>,
      %get3A_1063 = vector.shape_cast %get3A_1062 : vector<1x16xf32> to vector<16xf32>
      %add3A_1064 = arith.addf %add3A_1030, %get3A_1063 : vector<16xf32>
      %slice3A_1065 = vector.extract_strided_slice %shift_left3A_962 {offsets = [15], sizes = [1], strides = [1]} : vector<16xi32> to vector<1xi32>
      %squeeze3A_1066 = vector.extract %slice3A_1065[0] : i32 from vector<1xi32>
      %add3A_1067 = arith.constant 0 : i32
      %add3A_1068 = arith.addi %squeeze3A_1066, %add3A_1067 : i32
      %get3A_1069 = arith.constant 99 : i32
      %get3A_1070 = arith.index_cast %get3A_1069 : i32 to index
      %get3A_1071 = arith.index_cast %add3A_1068 : i32 to index
      %get3A_1072 = tpu.vector_load %arg13[%get3A_1070, %get3A_1071] {strides = array<i32>} : memref<100x128xf32, #tpu.memory_space<vmem>>, vector<1x16xf32>,
      %get3A_1073 = vector.shape_cast %get3A_1072 : vector<1x16xf32> to vector<16xf32>
      %add3A_1074 = arith.addf %add3A_1040, %get3A_1073 : vector<16xf32>
      %add3A_1075 = arith.constant 16 : i32
      %add3A_1076 = arith.addi %squeeze3A_1066, %add3A_1075 : i32
      %get3A_1077 = arith.constant 99 : i32
      %get3A_1078 = arith.index_cast %get3A_1077 : i32 to index
      %get3A_1079 = arith.index_cast %add3A_1076 : i32 to index
      %get3A_1080 = tpu.vector_load %arg13[%get3A_1078, %get3A_1079] {strides = array<i32>} : memref<100x128xf32, #tpu.memory_space<vmem>>, vector<1x16xf32>,
      %get3A_1081 = vector.shape_cast %get3A_1080 : vector<1x16xf32> to vector<16xf32>
      %add3A_1082 = arith.addf %add3A_1048, %get3A_1081 : vector<16xf32>
      %add3A_1083 = arith.constant 32 : i32
      %add3A_1084 = arith.addi %squeeze3A_1066, %add3A_1083 : i32
      %get3A_1085 = arith.constant 99 : i32
      %get3A_1086 = arith.index_cast %get3A_1085 : i32 to index
      %get3A_1087 = arith.index_cast %add3A_1084 : i32 to index
      %get3A_1088 = tpu.vector_load %arg13[%get3A_1086, %get3A_1087] {strides = array<i32>} : memref<100x128xf32, #tpu.memory_space<vmem>>, vector<1x16xf32>,
      %get3A_1089 = vector.shape_cast %get3A_1088 : vector<1x16xf32> to vector<16xf32>
      %add3A_1090 = arith.addf %add3A_1056, %get3A_1089 : vector<16xf32>
      %add3A_1091 = arith.constant 48 : i32
      %add3A_1092 = arith.addi %squeeze3A_1066, %add3A_1091 : i32
      %get3A_1093 = arith.constant 99 : i32
      %get3A_1094 = arith.index_cast %get3A_1093 : i32 to index
      %get3A_1095 = arith.index_cast %add3A_1092 : i32 to index
      %get3A_1096 = tpu.vector_load %arg13[%get3A_1094, %get3A_1095] {strides = array<i32>} : memref<100x128xf32, #tpu.memory_space<vmem>>, vector<1x16xf32>,
      %get3A_1097 = vector.shape_cast %get3A_1096 : vector<1x16xf32> to vector<16xf32>
      %add3A_1098 = arith.addf %add3A_1064, %get3A_1097 : vector<16xf32>
      %add3A_1099 = arith.constant 4 : i32
      %add3A_1100 = arith.addi %add3A_943, %add3A_1099 : i32
      %lt3A_1101 = arith.constant 256 : i32
      %lt3A_1102 = arith.cmpi slt, %add3A_1100, %lt3A_1101 : i32
      %convert_element_type3A_1103 = arith.extui %lt3A_1102 : i1 to i32
      %cond3A_1104 = arith.constant 0 : i32
      %cond3A_1105 = arith.cmpi ne, %convert_element_type3A_1103, %cond3A_1104 : i32
      scf.if %cond3A_1105 {
        %add3A_1138 = arith.constant 4 : i32
        %add3A_1139 = arith.addi %add3A_943, %add3A_1138 : i32
        %get3A_1140 = arith.index_cast %add3A_1139 : i32 to index
        %get3A_1141 = arith.constant 0 : index
        %get3A_1142 = tpu.vector_load %arg5[%get3A_1140, %get3A_1141] {strides = array<i32>} : memref<256x100xi32, #tpu.memory_space<vmem>>, vector<1x16xi32>,
        %get3A_1143 = vector.shape_cast %get3A_1142 : vector<1x16xi32> to vector<16xi32>
        %shift_right_logical3A_1144 = arith.constant 1 : i32
        %shift_right_logical3A_1145 = vector.broadcast %shift_right_logical3A_1144 : i32 to vector<16xi32>
        %shift_right_logical3A_1146 = arith.shrui %get3A_1143, %shift_right_logical3A_1145 : vector<16xi32>
        %swap3A_1147 = arith.constant 0 : index
        %swap3A_1148 = tpu.vector_load %arg9[%swap3A_1147] {strides = array<i32>} : memref<100xi32, #tpu.memory_space<vmem>>, vector<16xi32>,
        %swap3A_1149 = vector.shape_cast %swap3A_1148 : vector<16xi32> to vector<16xi32>
        %swap3A_1150 = vector.shape_cast %shift_right_logical3A_1146 : vector<16xi32> to vector<16xi32>
        tpu.vector_store %arg9[%swap3A_1147], %swap3A_1150 {strides = array<i32>} : memref<100xi32, #tpu.memory_space<vmem>>, vector<16xi32>,
        %get3A_1151 = arith.index_cast %add3A_1139 : i32 to index
        %get3A_1152 = arith.constant 16 : index
        %get3A_1153 = tpu.vector_load %arg5[%get3A_1151, %get3A_1152] {strides = array<i32>} : memref<256x100xi32, #tpu.memory_space<vmem>>, vector<1x16xi32>,
        %get3A_1154 = vector.shape_cast %get3A_1153 : vector<1x16xi32> to vector<16xi32>
        %shift_right_logical3A_1155 = arith.constant 1 : i32
        %shift_right_logical3A_1156 = vector.broadcast %shift_right_logical3A_1155 : i32 to vector<16xi32>
        %shift_right_logical3A_1157 = arith.shrui %get3A_1154, %shift_right_logical3A_1156 : vector<16xi32>
        %swap3A_1158 = arith.constant 16 : index
        %swap3A_1159 = tpu.vector_load %arg9[%swap3A_1158] {strides = array<i32>} : memref<100xi32, #tpu.memory_space<vmem>>, vector<16xi32>,
        %swap3A_1160 = vector.shape_cast %swap3A_1159 : vector<16xi32> to vector<16xi32>
        %swap3A_1161 = vector.shape_cast %shift_right_logical3A_1157 : vector<16xi32> to vector<16xi32>
        tpu.vector_store %arg9[%swap3A_1158], %swap3A_1161 {strides = array<i32>} : memref<100xi32, #tpu.memory_space<vmem>>, vector<16xi32>,
        %get3A_1162 = arith.index_cast %add3A_1139 : i32 to index
        %get3A_1163 = arith.constant 32 : index
        %get3A_1164 = tpu.vector_load %arg5[%get3A_1162, %get3A_1163] {strides = array<i32>} : memref<256x100xi32, #tpu.memory_space<vmem>>, vector<1x16xi32>,
        %get3A_1165 = vector.shape_cast %get3A_1164 : vector<1x16xi32> to vector<16xi32>
        %shift_right_logical3A_1166 = arith.constant 1 : i32
        %shift_right_logical3A_1167 = vector.broadcast %shift_right_logical3A_1166 : i32 to vector<16xi32>
        %shift_right_logical3A_1168 = arith.shrui %get3A_1165, %shift_right_logical3A_1167 : vector<16xi32>
        %swap3A_1169 = arith.constant 32 : index
        %swap3A_1170 = tpu.vector_load %arg9[%swap3A_1169] {strides = array<i32>} : memref<100xi32, #tpu.memory_space<vmem>>, vector<16xi32>,
        %swap3A_1171 = vector.shape_cast %swap3A_1170 : vector<16xi32> to vector<16xi32>
        %swap3A_1172 = vector.shape_cast %shift_right_logical3A_1168 : vector<16xi32> to vector<16xi32>
        tpu.vector_store %arg9[%swap3A_1169], %swap3A_1172 {strides = array<i32>} : memref<100xi32, #tpu.memory_space<vmem>>, vector<16xi32>,
        %get3A_1173 = arith.index_cast %add3A_1139 : i32 to index
        %get3A_1174 = arith.constant 48 : index
        %get3A_1175 = tpu.vector_load %arg5[%get3A_1173, %get3A_1174] {strides = array<i32>} : memref<256x100xi32, #tpu.memory_space<vmem>>, vector<1x16xi32>,
        %get3A_1176 = vector.shape_cast %get3A_1175 : vector<1x16xi32> to vector<16xi32>
        %shift_right_logical3A_1177 = arith.constant 1 : i32
        %shift_right_logical3A_1178 = vector.broadcast %shift_right_logical3A_1177 : i32 to vector<16xi32>
        %shift_right_logical3A_1179 = arith.shrui %get3A_1176, %shift_right_logical3A_1178 : vector<16xi32>
        %swap3A_1180 = arith.constant 48 : index
        %swap3A_1181 = tpu.vector_load %arg9[%swap3A_1180] {strides = array<i32>} : memref<100xi32, #tpu.memory_space<vmem>>, vector<16xi32>,
        %swap3A_1182 = vector.shape_cast %swap3A_1181 : vector<16xi32> to vector<16xi32>
        %swap3A_1183 = vector.shape_cast %shift_right_logical3A_1179 : vector<16xi32> to vector<16xi32>
        tpu.vector_store %arg9[%swap3A_1180], %swap3A_1183 {strides = array<i32>} : memref<100xi32, #tpu.memory_space<vmem>>, vector<16xi32>,
        %get3A_1184 = arith.index_cast %add3A_1139 : i32 to index
        %get3A_1185 = arith.constant 64 : index
        %get3A_1186 = tpu.vector_load %arg5[%get3A_1184, %get3A_1185] {strides = array<i32>} : memref<256x100xi32, #tpu.memory_space<vmem>>, vector<1x16xi32>,
        %get3A_1187 = vector.shape_cast %get3A_1186 : vector<1x16xi32> to vector<16xi32>
        %shift_right_logical3A_1188 = arith.constant 1 : i32
        %shift_right_logical3A_1189 = vector.broadcast %shift_right_logical3A_1188 : i32 to vector<16xi32>
        %shift_right_logical3A_1190 = arith.shrui %get3A_1187, %shift_right_logical3A_1189 : vector<16xi32>
        %swap3A_1191 = arith.constant 64 : index
        %swap3A_1192 = tpu.vector_load %arg9[%swap3A_1191] {strides = array<i32>} : memref<100xi32, #tpu.memory_space<vmem>>, vector<16xi32>,
        %swap3A_1193 = vector.shape_cast %swap3A_1192 : vector<16xi32> to vector<16xi32>
        %swap3A_1194 = vector.shape_cast %shift_right_logical3A_1190 : vector<16xi32> to vector<16xi32>
        tpu.vector_store %arg9[%swap3A_1191], %swap3A_1194 {strides = array<i32>} : memref<100xi32, #tpu.memory_space<vmem>>, vector<16xi32>,
        %get3A_1195 = arith.index_cast %add3A_1139 : i32 to index
        %get3A_1196 = arith.constant 80 : index
        %get3A_1197 = tpu.vector_load %arg5[%get3A_1195, %get3A_1196] {strides = array<i32>} : memref<256x100xi32, #tpu.memory_space<vmem>>, vector<1x16xi32>,
        %get3A_1198 = vector.shape_cast %get3A_1197 : vector<1x16xi32> to vector<16xi32>
        %shift_right_logical3A_1199 = arith.constant 1 : i32
        %shift_right_logical3A_1200 = vector.broadcast %shift_right_logical3A_1199 : i32 to vector<16xi32>
        %shift_right_logical3A_1201 = arith.shrui %get3A_1198, %shift_right_logical3A_1200 : vector<16xi32>
        %swap3A_1202 = arith.constant 80 : index
        %swap3A_1203 = tpu.vector_load %arg9[%swap3A_1202] {strides = array<i32>} : memref<100xi32, #tpu.memory_space<vmem>>, vector<16xi32>,
        %swap3A_1204 = vector.shape_cast %swap3A_1203 : vector<16xi32> to vector<16xi32>
        %swap3A_1205 = vector.shape_cast %shift_right_logical3A_1201 : vector<16xi32> to vector<16xi32>
        tpu.vector_store %arg9[%swap3A_1202], %swap3A_1205 {strides = array<i32>} : memref<100xi32, #tpu.memory_space<vmem>>, vector<16xi32>,
        %get3A_1206 = arith.index_cast %add3A_1139 : i32 to index
        %get3A_1207 = arith.constant 84 : index
        %get3A_1208 = tpu.vector_load %arg5[%get3A_1206, %get3A_1207] {strides = array<i32>} : memref<256x100xi32, #tpu.memory_space<vmem>>, vector<1x16xi32>,
        %get3A_1209 = vector.shape_cast %get3A_1208 : vector<1x16xi32> to vector<16xi32>
        %shift_right_logical3A_1210 = arith.constant 1 : i32
        %shift_right_logical3A_1211 = vector.broadcast %shift_right_logical3A_1210 : i32 to vector<16xi32>
        %shift_right_logical3A_1212 = arith.shrui %get3A_1209, %shift_right_logical3A_1211 : vector<16xi32>
        %swap3A_1213 = arith.constant 84 : index
        %swap3A_1214 = tpu.vector_load %arg9[%swap3A_1213] {strides = array<i32>} : memref<100xi32, #tpu.memory_space<vmem>>, vector<16xi32>,
        %swap3A_1215 = vector.shape_cast %swap3A_1214 : vector<16xi32> to vector<16xi32>
        %swap3A_1216 = vector.shape_cast %shift_right_logical3A_1212 : vector<16xi32> to vector<16xi32>
        tpu.vector_store %arg9[%swap3A_1213], %swap3A_1216 {strides = array<i32>} : memref<100xi32, #tpu.memory_space<vmem>>, vector<16xi32>,
        %dma_start3A_1217 = arith.constant 0 : i32
        %dma_start3A_1218 = arith.constant 0 : i32
        %dma_start3A_1219 = tpu.memref_slice %arg3[%dma_start3A_1217, %dma_start3A_1218] : memref<500000x128xf32, #tpu.memory_space<hbm>> -> memref<500000x128xf32, #tpu.memory_space<hbm>>
        tpu.enqueue_indirect_dma source(%dma_start3A_1219 : memref<500000x128xf32, #tpu.memory_space<hbm>>) target(%arg13 : memref<100x128xf32, #tpu.memory_space<vmem>>) offsets(%arg9 : memref<100xi32, #tpu.memory_space<vmem>>) semaphore(%arg18 : memref<!tpu.dma_semaphore, #tpu.memory_space<semaphore_mem>>)
      } else {
      }
      %mul3A_1106 = arith.constant 5.000000e-03 : f32
      %mul3A_1107 = vector.broadcast %mul3A_1106 : f32 to vector<16xf32>
      %mul3A_1108 = arith.mulf %add3A_1074, %mul3A_1107 : vector<16xf32>
      %swap3A_1109 = arith.index_cast %add3A_943 : i32 to index
      %swap3A_1110 = arith.constant 0 : index
      %swap3A_1111 = tpu.vector_load %arg14[%swap3A_1109, %swap3A_1110] {strides = array<i32>} : memref<256x64xf32, #tpu.memory_space<vmem>>, vector<1x16xf32>,
      %swap3A_1112 = vector.shape_cast %swap3A_1111 : vector<1x16xf32> to vector<16xf32>
      %swap3A_1113 = vector.shape_cast %mul3A_1108 : vector<16xf32> to vector<1x16xf32>
      tpu.vector_store %arg14[%swap3A_1109, %swap3A_1110], %swap3A_1113 {strides = array<i32>} : memref<256x64xf32, #tpu.memory_space<vmem>>, vector<1x16xf32>,
      %mul3A_1114 = arith.constant 5.000000e-03 : f32
      %mul3A_1115 = vector.broadcast %mul3A_1114 : f32 to vector<16xf32>
      %mul3A_1116 = arith.mulf %add3A_1082, %mul3A_1115 : vector<16xf32>
      %swap3A_1117 = arith.index_cast %add3A_943 : i32 to index
      %swap3A_1118 = arith.constant 16 : index
      %swap3A_1119 = tpu.vector_load %arg14[%swap3A_1117, %swap3A_1118] {strides = array<i32>} : memref<256x64xf32, #tpu.memory_space<vmem>>, vector<1x16xf32>,
      %swap3A_1120 = vector.shape_cast %swap3A_1119 : vector<1x16xf32> to vector<16xf32>
      %swap3A_1121 = vector.shape_cast %mul3A_1116 : vector<16xf32> to vector<1x16xf32>
      tpu.vector_store %arg14[%swap3A_1117, %swap3A_1118], %swap3A_1121 {strides = array<i32>} : memref<256x64xf32, #tpu.memory_space<vmem>>, vector<1x16xf32>,
      %mul3A_1122 = arith.constant 5.000000e-03 : f32
      %mul3A_1123 = vector.broadcast %mul3A_1122 : f32 to vector<16xf32>
      %mul3A_1124 = arith.mulf %add3A_1090, %mul3A_1123 : vector<16xf32>
      %swap3A_1125 = arith.index_cast %add3A_943 : i32 to index
      %swap3A_1126 = arith.constant 32 : index
      %swap3A_1127 = tpu.vector_load %arg14[%swap3A_1125, %swap3A_1126] {strides = array<i32>} : memref<256x64xf32, #tpu.memory_space<vmem>>, vector<1x16xf32>,
      %swap3A_1128 = vector.shape_cast %swap3A_1127 : vector<1x16xf32> to vector<16xf32>
      %swap3A_1129 = vector.shape_cast %mul3A_1124 : vector<16xf32> to vector<1x16xf32>
      tpu.vector_store %arg14[%swap3A_1125, %swap3A_1126], %swap3A_1129 {strides = array<i32>} : memref<256x64xf32, #tpu.memory_space<vmem>>, vector<1x16xf32>,
      %mul3A_1130 = arith.constant 5.000000e-03 : f32
      %mul3A_1131 = vector.broadcast %mul3A_1130 : f32 to vector<16xf32>
      %mul3A_1132 = arith.mulf %add3A_1098, %mul3A_1131 : vector<16xf32>
      %swap3A_1133 = arith.index_cast %add3A_943 : i32 to index
      %swap3A_1134 = arith.constant 48 : index
      %swap3A_1135 = tpu.vector_load %arg14[%swap3A_1133, %swap3A_1134] {strides = array<i32>} : memref<256x64xf32, #tpu.memory_space<vmem>>, vector<1x16xf32>,
      %swap3A_1136 = vector.shape_cast %swap3A_1135 : vector<1x16xf32> to vector<16xf32>
      %swap3A_1137 = vector.shape_cast %mul3A_1132 : vector<16xf32> to vector<1x16xf32>
      tpu.vector_store %arg14[%swap3A_1133, %swap3A_1134], %swap3A_1137 {strides = array<i32>} : memref<256x64xf32, #tpu.memory_space<vmem>>, vector<1x16xf32>,
    }
    %scan3A_352 = arith.constant 64 : i32
    "tpu.region"() ({
      %run_scoped3A = tpu.sem_alloc : memref<!tpu.dma_semaphore, #tpu.memory_space<semaphore_mem>>
      %dma_start3A_353 = arith.constant 0 : i32
      %dma_start3A_354 = tpu.memref_slice %arg4[%mul3A_2, %dma_start3A_353] : memref<8192x64xf32, #tpu.memory_space<hbm>> -> memref<256x64xf32, #tpu.memory_space<hbm>>
      %dma_start3A_355 = arith.constant 0 : i32
      %dma_start3A_356 = tpu.memref_slice %arg4[%mul3A_2, %dma_start3A_355] : memref<8192x64xf32, #tpu.memory_space<hbm>> -> memref<256x64xf32, #tpu.memory_space<hbm>>
      tpu.enqueue_dma source(%arg14 : memref<256x64xf32, #tpu.memory_space<vmem>>) target(%dma_start3A_356 : memref<256x64xf32, #tpu.memory_space<hbm>>) target_semaphore(%run_scoped3A : memref<!tpu.dma_semaphore, #tpu.memory_space<semaphore_mem>>)
      %dma_wait3A = arith.constant 0 : i32
      %dma_wait3A_357 = tpu.memref_slice %arg4[%mul3A_2, %dma_wait3A] : memref<8192x64xf32, #tpu.memory_space<hbm>> -> memref<256x64xf32, #tpu.memory_space<hbm>>
      %dma_wait3A_358 = arith.constant 0 : i32
      %dma_wait3A_359 = tpu.memref_slice %arg4[%mul3A_2, %dma_wait3A_358] : memref<8192x64xf32, #tpu.memory_space<hbm>> -> memref<256x64xf32, #tpu.memory_space<hbm>>
      tpu.wait_dma2 semaphore(%run_scoped3A : memref<!tpu.dma_semaphore, #tpu.memory_space<semaphore_mem>>) src(%arg14 : memref<256x64xf32, #tpu.memory_space<vmem>>) dst(%dma_wait3A_359 : memref<256x64xf32, #tpu.memory_space<hbm>>)
      tpu.yield
    }) : () -> ()
    return
  }
}

module attributes {stable_mosaic.version = 14 : i64} {
  func.func @body(%arg0: i32, %arg1: memref<8192x64xf32, #tpu.memory_space<vmem>>, %arg2: memref<64x100xf32, #tpu.memory_space<vmem>>, %arg3: memref<1x100xf32, #tpu.memory_space<vmem>>, %arg4: memref<4096x100xf32, #tpu.memory_space<vmem>>) attributes {dimension_semantics = [#tpu.dimension_semantics<arbitrary>], iteration_bounds = array<i64: 1>, scalar_prefetch = 0 : i64, scratch_operands = 0 : i64, tpu.core_type = #tpu.core_type<tc>, window_params = [{pipeline_mode = #tpu.pipeline_mode<synchronous>, transform_indices = @transform_0, window_bounds = array<i64: 8192, 64>}, {pipeline_mode = #tpu.pipeline_mode<synchronous>, transform_indices = @transform_1, window_bounds = array<i64: 64, 100>}, {pipeline_mode = #tpu.pipeline_mode<synchronous>, transform_indices = @transform_2, window_bounds = array<i64: 1, 100>}, {pipeline_mode = #tpu.pipeline_mode<synchronous>, transform_indices = @transform_3, window_bounds = array<i64: 4096, 100>}]} {
    %get3A = arith.constant 0 : index
    %get3A_0 = arith.constant 0 : index
    %get3A_1 = vector.load %arg1[%get3A, %get3A_0] : memref<8192x64xf32, #tpu.memory_space<vmem>>, vector<8192x64xf32>
    %reshape3A = vector.shape_cast %get3A_1 : vector<8192x64xf32> to vector<4096x2x64xf32>
    %reduce_sum3A = arith.constant dense<0.000000e+00> : vector<4096x64xf32>
    %reduce_sum3A_2 = vector.multi_reduction <add>, %reshape3A, %reduce_sum3A [1] : vector<4096x2x64xf32> to vector<4096x64xf32>
    %get3A_3 = arith.constant 0 : index
    %get3A_4 = arith.constant 0 : index
    %get3A_5 = vector.load %arg2[%get3A_3, %get3A_4] : memref<64x100xf32, #tpu.memory_space<vmem>>, vector<64x100xf32>
    %dot_general3A = arith.constant dense<0.000000e+00> : vector<4096x100xf32>
    %dot_general3A_6 = tpu.matmul %reduce_sum3A_2, %get3A_5, %dot_general3A {dimension_numbers = #tpu.dot_dimension_numbers<[1], [0], [0], [1], [0, 0, 1, 1], [], []>, transpose_lhs_hint = false} : vector<4096x64xf32>, vector<64x100xf32>, vector<4096x100xf32> -> vector<4096x100xf32>
    %get3A_7 = arith.constant 0 : index
    %get3A_8 = arith.constant 0 : index
    %get3A_9 = vector.load %arg3[%get3A_7, %get3A_8] : memref<1x100xf32, #tpu.memory_space<vmem>>, vector<1x100xf32>
    %add3A = vector.broadcast %get3A_9 : vector<1x100xf32> to vector<4096x100xf32>
    %add3A_10 = arith.addf %dot_general3A_6, %add3A : vector<4096x100xf32>
    %reduce_max3A = arith.constant dense<0xFF800000> : vector<4096xf32>
    %reduce_max3A_11 = vector.multi_reduction <maximumf>, %add3A_10, %reduce_max3A [1] : vector<4096x100xf32> to vector<4096xf32>
    %broadcast_in_dim3A = vector.shape_cast %reduce_max3A_11 : vector<4096xf32> to vector<4096x1xf32>
    %sub3A = vector.broadcast %broadcast_in_dim3A : vector<4096x1xf32> to vector<4096x100xf32>
    %sub3A_12 = arith.subf %add3A_10, %sub3A : vector<4096x100xf32>
    %exp3A = math.exp %sub3A_12 : vector<4096x100xf32>
    %reduce_sum3A_13 = arith.constant dense<0.000000e+00> : vector<4096xf32>
    %reduce_sum3A_14 = vector.multi_reduction <add>, %exp3A, %reduce_sum3A_13 [1] : vector<4096x100xf32> to vector<4096xf32>
    %broadcast_in_dim3A_15 = vector.shape_cast %reduce_sum3A_14 : vector<4096xf32> to vector<4096x1xf32>
    %div3A = vector.broadcast %broadcast_in_dim3A_15 : vector<4096x1xf32> to vector<4096x100xf32>
    %div3A_16 = arith.divf %exp3A, %div3A : vector<4096x100xf32>
    %swap3A = arith.constant 0 : index
    %swap3A_17 = arith.constant 0 : index
    %swap3A_18 = vector.load %arg4[%swap3A, %swap3A_17] : memref<4096x100xf32, #tpu.memory_space<vmem>>, vector<4096x100xf32>
    tpu.vector_store %arg4[%swap3A, %swap3A_17], %div3A_16 {strides = array<i32>} : memref<4096x100xf32, #tpu.memory_space<vmem>>, vector<4096x100xf32>,
    return
  }
  func.func @transform_0(%arg0: i32) -> (i32, i32) {
    %c0_i32 = arith.constant 0 : i32
    %c0_i32_0 = arith.constant 0 : i32
    %c0_i32_1 = arith.constant 0 : i32
    return %c0_i32, %c0_i32_0 : i32, i32
  }
  func.func @transform_1(%arg0: i32) -> (i32, i32) {
    %c0_i32 = arith.constant 0 : i32
    %c0_i32_0 = arith.constant 0 : i32
    %c0_i32_1 = arith.constant 0 : i32
    return %c0_i32, %c0_i32_0 : i32, i32
  }
  func.func @transform_2(%arg0: i32) -> (i32, i32) {
    %c0_i32 = arith.constant 0 : i32
    %c0_i32_0 = arith.constant 0 : i32
    %c0_i32_1 = arith.constant 0 : i32
    return %c0_i32, %c0_i32_0 : i32, i32
  }
  func.func @transform_3(%arg0: i32) -> (i32, i32) {
    %c0_i32 = arith.constant 0 : i32
    %c0_i32_0 = arith.constant 0 : i32
    %c0_i32_1 = arith.constant 0 : i32
    return %c0_i32, %c0_i32_0 : i32, i32
  }
}

</mosaic_0001>

<sc_bundles>
// kernel: kernel.4.cloned.1.call-start
scs
__scs_entry_jumppad:
0x0: {  	(pc) =	sbr.rel $0x88, $3  }
0x1: {  	(tag) =	ssettag $0x0;
	lr =	simm.s32 $0x1  }
0x2: {  	[smem:$0x3F9D] =	sst lr;
	_ =	strace $0xD0000000  }
0x3: {  	_ = 	snop  }
0x4: {  	_ = 	snop  }
0x5: {  	_ = 	snop  }
0x6: {  	_ = 	snop  }
0x7: {  	_ = 	snop  }
__scs_overlays_trampoline_lowered:
0x8: {  	[smem:$0x3FAC] =	sst s0  }
0x9: {  	[smem:$0x3FAD] =	sst s1  }
0xa: {  	[smem:$0x3FAE] =	sst s2  }
0xb: {  	[smem:$0x3FAF] =	sst s3  }
0xc: {  	[smem:$0x3FB0] =	sst s4  }
0xd: {  	[smem:$0x3FB1] =	sst s5  }
0xe: {  	[smem:$0x3FB2] =	sst s6  }
0xf: {  	[smem:$0x3FB3] =	sst s7  }
0x10: {  	[smem:$0x3FB4] =	sst s8  }
0x11: {  	[smem:$0x3FB5] =	sst s9;
	s0 =	simm.s32 @!p0 $0x0  }
0x12: {  	s1 =	sld [smem:$0x3F9B];
	s0 =	simm.s32 @p0 $0x1  }
0x13: {  	[smem:$0x3FB6] =	sst s0;
	s0 =	simm.s32 @!p1 $0x0  }
0x14: {  	s2 =	sld [smem:$0x3F9A];
	s0 =	simm.s32 @p1 $0x1  }
0x15: {  	[smem:$0x3FB7] =	sst s0;
	s0 =	simm.s32 @!p2 $0x0  }
0x16: {  	s3 =	sld [smem:$0x3FDB];
	s0 =	simm.s32 @p2 $0x1  }
0x17: {  	s4 =	simm.s32 $0x1BF5;
	[smem:$0x3FB9] =	sst s0  }
0x18: {  	s0 =	sld [smem:$0x3F9C];
	_ =	swait.ge [sflag:s4], $0x0  }
0x19: {  	s7 =	sld [smem:$0x3F9D]  }
0x1a: {  	s8 =	sadd.s32 $0xFFFFE003, lr  }
0x1b: {  	s9 =	sadd.s32 $0xFFFFFEF7, lr;
	s5 =	simm.s32 $0xFFFFFFFF;
	p2 =	slt.u32 s8, $0xFFFFF086  }
0x1c: {  	p1 =	slt.u32 s9, $0xF7A;
	s5 =	simm.s32 @!p2 $0x0  }
0x1d: {  	s5 =	simm.s32 @p1 $0x1;
	p0 =	seq.s32 s7, s2  }
0x1e: {  	s7 =	smul.u32 @!p0 $0xF7A, s2;
	p2 =	seq.s32 @!p0 s5, $0x0  }
0x1f: {  	s9 =	smul.u32 $0xF7A, s1;
	s8 =	simm.s32 @!p0 $0x1BF5;
	p2 =	por !p2, p0  }
0x20: {  	[sflag:s8] =	ssyncset.s32 @!p0 $0xFFFFF086;
	s6 =	sadd.s32 @!p0 s3, s7;
	s7 =	simm.s32 @!p0 $0x108  }
0x21: {  	s3 =	sadd.s32 s3, s9;
	s6 =	sadd.s32 @!p0 $0x88, s6;
	s7 =	simm.s32 @p2 $0x1082  }
0x22: {  	[simem:s7], [sflag:s8] =	dma.local @!p0 [hbm:s6], $0xF7A  }
0x23: {  	s9 =	sor.u32 $0xD0000000, s2;
	s6 =	simm.s32 $0x108;
	_ =	swait.ge @!p0 [sflag:s8], $0x0  }
0x24: {  	s3 =	sadd.s32 $0x88, s3;
	s6 =	simm.s32 @!p1 $0x1082;
	[sflag:s4] =	ssyncset.s32 $0xFFFFF086  }
0x25: {  	[simem:s6], [sflag:s4] =	dma.local [hbm:s3], $0xF7A  }
0x26: {  	[smem:$0x3F9D] =	sst s1;
	(tag) =	ssettag s2;
	_ =	strace s9  }
0x27: {  	s1 =	sld [smem:$0x3FAD]  }
0x28: {  	s2 =	sld [smem:$0x3FAE]  }
0x29: {  	s4 =	sld [smem:$0x3FB0]  }
0x2a: {  	p0 =	seq.s32 s5, $0x0;
	s5 =	sld [smem:$0x3FB1]  }
0x2b: {  	s6 =	sld [smem:$0x3FB2]  }
0x2c: {  	s7 =	sld [smem:$0x3FB3]  }
0x2d: {  	s3 =	simm.s32 $0x108;
	s8 =	sld [smem:$0x3FB4]  }
0x2e: {  	s3 =	simm.s32 @!p0 $0x1082;
	s9 =	sld [smem:$0x3FB5]  }
0x2f: {  	lr =	sadd.s32 s0, s3;
	s0 =	sld [smem:$0x3FAC]  }
0x30: {  	s3 =	sld [smem:$0x3FAF]  }
0x31: {  	[smem:$0x3FB8] =	sst s10  }
0x32: {  	s10 =	sld [smem:$0x3FB6];
	_ =	sdelay $0x3  }
0x33: {  	p0 =	seq.s32 s10, $0x1;
	s10 =	sld [smem:$0x3FB8];
	_ =	sdelay $0x3  }
0x34: {  	[smem:$0x3FB8] =	sst s10  }
0x35: {  	s10 =	sld [smem:$0x3FB7];
	_ =	sdelay $0x3  }
0x36: {  	p1 =	seq.s32 s10, $0x1;
	s10 =	sld [smem:$0x3FB8];
	_ =	sdelay $0x3  }
0x37: {  	[smem:$0x3FB8] =	sst s10  }
0x38: {  	s10 =	sld [smem:$0x3FB9]  }
0x39: {  	_ = 	snop;
	(pc) =	sbr.ind lr, $3  }
0x3a: {  	_ = 	snop  }
0x3b: {  	_ = 	snop  }
0x3c: {  	p2 =	seq.s32 s10, $0x1;
	s10 =	sld [smem:$0x3FB8]  }
0x3d: {  	_ =	shalt  }
0x3e: {  	_ =	shalt  }
0x3f: {  	_ =	shalt  }
0x40: {  	_ =	shalt  }
0x41: {  	_ =	shalt  }
0x42: {  	_ =	shalt  }
0x43: {  	_ =	shalt  }
0x44: {  	_ =	shalt  }
0x45: {  	_ =	shalt  }
0x46: {  	_ =	shalt  }
0x47: {  	_ =	shalt  }
0x48: {  	_ =	shalt  }
0x49: {  	_ =	shalt  }
0x4a: {  	_ =	shalt  }
0x4b: {  	_ =	shalt  }
0x4c: {  	_ =	shalt  }
0x4d: {  	_ =	shalt  }
0x4e: {  	_ =	shalt  }
0x4f: {  	_ =	shalt  }
0x50: {  	_ =	shalt  }
0x51: {  	_ =	shalt  }
0x52: {  	_ =	shalt  }
0x53: {  	_ =	shalt  }
0x54: {  	_ =	shalt  }
0x55: {  	_ =	shalt  }
0x56: {  	_ =	shalt  }
0x57: {  	_ =	shalt  }
0x58: {  	_ =	shalt  }
0x59: {  	_ =	shalt  }
0x5a: {  	_ =	shalt  }
0x5b: {  	_ =	shalt  }
0x5c: {  	_ =	shalt  }
0x5d: {  	_ =	shalt  }
0x5e: {  	_ =	shalt  }
0x5f: {  	_ =	shalt  }
0x60: {  	_ =	shalt  }
0x61: {  	_ =	shalt  }
0x62: {  	_ =	shalt  }
0x63: {  	_ =	shalt  }
0x64: {  	_ =	shalt  }
0x65: {  	_ =	shalt  }
0x66: {  	_ =	shalt  }
0x67: {  	_ =	shalt  }
0x68: {  	_ =	shalt  }
0x69: {  	_ =	shalt  }
0x6a: {  	_ =	shalt  }
0x6b: {  	_ =	shalt  }
0x6c: {  	_ =	shalt  }
0x6d: {  	_ =	shalt  }
0x6e: {  	_ =	shalt  }
0x6f: {  	_ =	shalt  }
0x70: {  	_ =	shalt  }
0x71: {  	_ =	shalt  }
0x72: {  	_ =	shalt  }
0x73: {  	_ =	shalt  }
0x74: {  	_ =	shalt  }
0x75: {  	_ =	shalt  }
0x76: {  	_ =	shalt  }
0x77: {  	_ =	shalt  }
0x78: {  	_ =	shalt  }
0x79: {  	_ =	shalt  }
0x7a: {  	_ =	shalt  }
0x7b: {  	_ =	shalt  }
0x7c: {  	_ =	shalt  }
0x7d: {  	_ =	shalt  }
0x7e: {  	_ =	shalt  }
0x7f: {  	_ =	shalt  }
0x80: {  	_ =	shalt  }
0x81: {  	_ =	shalt  }
0x82: {  	_ =	shalt  }
0x83: {  	_ =	shalt  }
0x84: {  	_ =	shalt  }
0x85: {  	_ =	shalt  }
0x86: {  	_ =	shalt  }
0x87: {  	_ =	shalt  }
.Lfunc_end0:
.L_simem_size_0:
called_computation_lowered:
.L_overlay_start_0:
0x88: {  	s2 =	sld [smem:$0x3FD9]  }
0x89: {  	s3 =	sld [smem:$0x3FFE];
	_ =	sdelay $0x1  }
0x8a: {  	s1 =	srdreg.scid  }
0x8b: {  	s0 =	sand.u32 $0x1, s1  }
0x8c: {  	s16 =	sshll.u32 s0, $0xA;
	s2 =	sadd.s32 s3, s2  }
0x8d: {  	s2 =	sadd.s32 s2, s16  }
0x8e: {  	[smem:$0x3FC4] =	sst s2  }
0x8f: {  	_ = 	snop  }
0x90: {  	(tm) =	ssettm $0x1  }
0x91: {  	s17 =	sld [smem:$0x3FFB];
	_ =	sdelay $0x3  }
0x92: {  	_ =	strace s17  }
0x93: {  	s2 =	sld [smem:$0x3FFC];
	_ =	sdelay $0x3  }
0x94: {  	_ =	strace s2  }
0x95: {  	s2 =	sld [smem:$0x3FFD];
	_ =	sdelay $0x3  }
0x96: {  	_ =	strace s2  }
0x97: {  	_ =	strace $0x8FFFFFFF  }
0x98: {  	s18 =	sld [smem:$0x3FDB];
	_ =	sdelay $0x1  }
0x99: {  	s19 =	simm.s32 $_scs_section_size  }
0x9a: {  	s4 =	simm.s32 $_size__tile_overlayer_lowered;
	s5 =	simm.s32 $_tile_overlayer_lowered  }
0x9b: {  	s22 =	simm.s32 $0x1BFF;
	s21 =	sshll.u32 s5, $0x1;
	s2 =	sadd.s32 s19, s18  }
0x9c: {  	s6 =	simm.s32 $0x0;
	s20 =	sshll.u32 s4, $0x1;
	s4 =	sadd.s32 s21, s2  }
0x9d: {  	[timem:s6], [sflag:s22] =	dma.local [hbm:s4], s20  }
0x9e: {  	_ =	swait.ge [sflag:s22], s20  }
0x9f: {  	s3 =	ssub.s32 $0x0, s20;
	[sflag:s22] =	ssyncset.done $0x0  }
0xa0: {  	[sflag:s22] =	ssyncadd.s32 s3;
	_ =	sdelay $0x1  }
0xa1: {  	s23 =	simm.s32 $0x1B8B  }
0xa2: {  	_ =	swait.ge [sflag:s23], $0x1  }
0xa3: {  	[sflag:s23] =	ssyncset.done $0x0  }
0xa4: {  	s25 =	simm.s32 $0x1B8E;
	s24 =	sld [smem:$0x3FFE];
	[sflag:s23] =	ssyncadd.s32 $0xFFFFFFFF  }
0xa5: {  	s26 =	simm.s32 $execute0_lowered;
	[smem:$0x3FD2] =	sst s25  }
0xa6: {  	s4 =	sshll.u32 s26, $0x1;
	_ =	strace $0x80000046;
	[dreg:$0x1] =	wrdreg $0xFFFFFFFF  }
0xa7: {  	s28 =	simm.s32 $_size_execute0_lowered;
	s2 =	sadd.s32 s2, s4;
	[dreg:$0x0] =	wrdreg $0x0  }
0xa8: {  	s4 =	sshll.u32 s28, $0x1;
	[dreg:$0x2] =	wrdreg s2  }
0xa9: {  	[dreg:$0x3] =	wrdreg s4  }
0xaa: {  	[dreg:$0x4] =	wrdreg $0xC0  }
0xab: {  	_ =	task [dreg:s6], $0x5FFFF  }
0xac: {  	[dreg:$0x1] =	wrdreg $0xFFFFFFFF  }
0xad: {  	[dreg:$0x0] =	wrdreg $0x60  }
0xae: {  	[dreg:$0x2] =	wrdreg s24  }
0xaf: {  	[dreg:$0x3] =	wrdreg $0x9  }
0xb0: {  	_ =	task.clear_ibuf [dreg:s6], $0x4FFFF;
	_ =	strace $0x90000046  }
0xb1: {  	s29 =	simm.s32 $0x9;
	_ =	strace $0x80000048  }
0xb2: {  	_ =	swait.ge [sflag:s29], $0x1  }
0xb3: {  	[sflag:s29] =	ssyncadd.s32 $0xFFFFFFFF  }
0xb4: {  	_ =	strace $0x90000048  }
0xb5: {  	_ =	sfence  }
0xb6: {  	s30 =	sld [smem:$0x0];
	_ =	sdelay $0x2  }
0xb7: {  	s31 =	sshll.u32 s1, $0xD;
	s1 =	sshrl.u32 s1, $0x2  }
0xb8: {  	s3 =	sand.u32 $0x4000, s31;
	s1 =	sadd.s32 s1, s30  }
0xb9: {  	s0 =	sor.u32 s3, s0;
	s1 =	sshll.u32 s1, $0x11  }
0xba: {  	s0 =	sor.u32 s1, s0  }
0xbb: {  	s0 =	sadd.s32 $0x8F2B, s0  }
0xbc: {  	[sflag:s0] =	ssyncadd.remote.s32 $0x1  }
0xbd: {  	_ =	sfence.sel $0xFFFF  }
0xbe: {  	[dreg:$0x0] =	wrdreg $0xFFFFFFFF;
	(pc) =	sbr.abs _section_cstart, $3  }
0xbf: {  	[dreg:$0x1] =	wrdreg $0xFFFFFFFF  }
0xc0: {  	_ =	task.clear_ibuf [dreg:s6], $0x2FFFF;
	_ =	strace $0x9FFFFFFF  }
0xc1: {  	(tm) =	ssettm $0x7FFFFFFF  }
tec
execute0_lowered:
.L_overlay_start_1:
0x0: {  	(tag) =	ssettag $0x1  }
0x1: {  	s0 =	rddreg [dreg:$0x0]  }
0x2: {  	s1 =	srdreg.scid;
	s2 =	stileid.u32;
	s9 =	simm.s32 $0x0  }
0x3: {  	s7 =	simm.s32 $0x5;
	s8 =	simm.s32 $0x64;
	s17 =	simm.s32 $0x1  }
0x4: {  	s18 =	simm.s32 $0x2;
	s19 =	simm.s32 $0x3;
	s20 =	simm.s32 $0x4  }
0x5: {  	s22 =	simm.s32 $0x0;
	s1 =	sand.u32 $0x1, s1;
	s3 =	sshll.u32 s2, $0xD  }
0x6: {  	[smem:$0x7FF] =	sst s9;
	s4 =	sshll.u32 s1, $0xC;
	s1 =	ssub.s32 $0x2, s1  }
0x7: {  	_ =	strace $0x80000047;
	s3 =	sor.u32 s4, s3;
	s30 =	sshrl.u32 s1, $0x1  }
0x8: {  	s5 =	sadd.s32 s3, s0;
	s3 =	sadd.s32 $0xF43000, s0;
	s31 =	ssub.s32 s1, s30  }
0x9: {  	s4 =	sadd.s32 $0xC00, s5;
	s5 =	sadd.s32 $0x20C00, s5;
	s6 =	smax.u32 s31, $0x1  }
.LBB2_1:
0xa: {  	[tilespmem:s9], [sflag:$0x5] =	stream.linear.gather [hbm4b:s4+s9], $0x8000, $0x38;
	[tilespmem:$0x1D200] =	vst v63  }
0xb: {  	_ =	swait.ge [sflag:s7], $0x8000  }
0xc: {  	[sflag:s7] =	ssyncset.done $0x0  }
0xd: {  	[sflag:s7] =	ssyncadd.s32 $0xFFFF8000  }
0xe: {  	v0 =	vld [tilespmem:$0x0]  }
0xf: {  	v1 =	vld [tilespmem:$0x10]  }
0x10: {  	v2 =	vld [tilespmem:$0x20]  }
0x11: {  	v3 =	vld [tilespmem:$0x30]  }
0x12: {  	v4 =	vld [tilespmem:$0x40]  }
0x13: {  	v5 =	vld [tilespmem:$0x50];
	v0 =	vshrl.u32 v0, $0x1  }
0x14: {  	v19 =	vld [tilespmem:$0x54];
	v18 =	vshrl.u32 v1, $0x1;
	[tilespmem:$0x8000] =	vst v0  }
0x15: {  	v20 =	vshrl.u32 v2, $0x1;
	[tilespmem:$0x8010] =	vst v18  }
0x16: {  	v21 =	vshrl.u32 v3, $0x1;
	[tilespmem:$0x8020] =	vst v20  }
0x17: {  	v22 =	vshrl.u32 v4, $0x1;
	[tilespmem:$0x8030] =	vst v21  }
0x18: {  	v23 =	vshrl.u32 v5, $0x1;
	[tilespmem:$0x8040] =	vst v22  }
0x19: {  	v24 =	vshrl.u32 v19, $0x1;
	[tilespmem:$0x8050] =	vst v23  }
0x1a: {  	s0 =	simm.s32 $0x8000;
	s1 =	simm.s32 $0x8200;
	[tilespmem:$0x8054] =	vst v24  }
0x1b: {  	[tilespmem:s1], [sflag:$0x1] =	stream.indirect.gather [hbm4b:s3+s8], $0x80, s0, s8, $0xb8;
	[tilespmem:$0x1D200] =	vst v63  }
0x1c: {  	v25 =	vld [tilespmem:$0x80]  }
0x1d: {  	v26 =	vld [tilespmem:$0x90]  }
0x1e: {  	v27 =	vld [tilespmem:$0xA0]  }
0x1f: {  	v28 =	vld [tilespmem:$0xB0]  }
0x20: {  	v29 =	vld [tilespmem:$0xC0]  }
0x21: {  	v30 =	vld [tilespmem:$0xD0];
	v0 =	vshrl.u32 v25, $0x1  }
0x22: {  	v32 =	vld [tilespmem:$0xD4];
	v31 =	vshrl.u32 v26, $0x1;
	[tilespmem:$0x8080] =	vst v0  }
0x23: {  	v33 =	vshrl.u32 v27, $0x1;
	[tilespmem:$0x8090] =	vst v31  }
0x24: {  	v34 =	vshrl.u32 v28, $0x1;
	[tilespmem:$0x80A0] =	vst v33  }
0x25: {  	v35 =	vshrl.u32 v29, $0x1;
	[tilespmem:$0x80B0] =	vst v34  }
0x26: {  	v36 =	vshrl.u32 v30, $0x1;
	[tilespmem:$0x80C0] =	vst v35  }
0x27: {  	v37 =	vshrl.u32 v32, $0x1;
	[tilespmem:$0x80D0] =	vst v36  }
0x28: {  	s24 =	simm.s32 $0x8080;
	s25 =	simm.s32 $0xB600;
	[tilespmem:$0x80D4] =	vst v37  }
0x29: {  	[tilespmem:s25], [sflag:$0x2] =	stream.indirect.gather [hbm4b:s3+s8], $0x80, s24, s8, $0xb8;
	[tilespmem:$0x1D200] =	vst v63  }
0x2a: {  	v38 =	vld [tilespmem:$0x100]  }
0x2b: {  	v39 =	vld [tilespmem:$0x110]  }
0x2c: {  	v40 =	vld [tilespmem:$0x120]  }
0x2d: {  	v41 =	vld [tilespmem:$0x130]  }
0x2e: {  	v42 =	vld [tilespmem:$0x140]  }
0x2f: {  	v43 =	vld [tilespmem:$0x150];
	v0 =	vshrl.u32 v38, $0x1  }
0x30: {  	v45 =	vld [tilespmem:$0x154];
	v44 =	vshrl.u32 v39, $0x1;
	[tilespmem:$0x8100] =	vst v0  }
0x31: {  	v46 =	vshrl.u32 v40, $0x1;
	[tilespmem:$0x8110] =	vst v44  }
0x32: {  	v47 =	vshrl.u32 v41, $0x1;
	[tilespmem:$0x8120] =	vst v46  }
0x33: {  	v48 =	vshrl.u32 v42, $0x1;
	[tilespmem:$0x8130] =	vst v47  }
0x34: {  	v49 =	vshrl.u32 v43, $0x1;
	[tilespmem:$0x8140] =	vst v48  }
0x35: {  	v50 =	vshrl.u32 v45, $0x1;
	[tilespmem:$0x8150] =	vst v49  }
0x36: {  	s26 =	simm.s32 $0x8100;
	s29 =	simm.s32 $0xEA00;
	[tilespmem:$0x8154] =	vst v50  }
0x37: {  	[tilespmem:s29], [sflag:$0x3] =	stream.indirect.gather [hbm4b:s3+s8], $0x80, s26, s8, $0xb8;
	[tilespmem:$0x1D200] =	vst v63  }
0x38: {  	v51 =	vld [tilespmem:$0x180]  }
0x39: {  	v52 =	vld [tilespmem:$0x190]  }
0x3a: {  	v53 =	vld [tilespmem:$0x1A0]  }
0x3b: {  	v54 =	vld [tilespmem:$0x1B0]  }
0x3c: {  	v55 =	vld [tilespmem:$0x1C0]  }
0x3d: {  	v56 =	vld [tilespmem:$0x1D0];
	v0 =	vshrl.u32 v51, $0x1  }
0x3e: {  	v58 =	vld [tilespmem:$0x1D4];
	v57 =	vshrl.u32 v52, $0x1;
	[tilespmem:$0x8180] =	vst v0  }
0x3f: {  	v59 =	vshrl.u32 v53, $0x1;
	[tilespmem:$0x8190] =	vst v57  }
0x40: {  	v60 =	vshrl.u32 v54, $0x1;
	[tilespmem:$0x81A0] =	vst v59  }
0x41: {  	v61 =	vshrl.u32 v55, $0x1;
	[tilespmem:$0x81B0] =	vst v60  }
0x42: {  	s30 =	simm.s32 $0x8180;
	v62 =	vshrl.u32 v56, $0x1;
	[tilespmem:$0x81C0] =	vst v61  }
0x43: {  	s31 =	simm.s32 $0x11E00;
	s9 =	simm.s32 $0x80;
	s28 =	simm.s32 $0x0;
	v63 =	vshrl.u32 v58, $0x1;
	[tilespmem:$0x81D0] =	vst v62  }
0x44: {  	s24 =	simm.s32 $0x100;
	s25 =	simm.s32 $0x180;
	s26 =	simm.s32 $0x0;
	[tilespmem:$0x81D4] =	vst v63  }
0x45: {  	[tilespmem:s31], [sflag:$0x4] =	stream.indirect.gather [hbm4b:s3+s8], $0x80, s30, s8, $0xb8;
	[tilespmem:$0x1D200] =	vst v63  }
.LBB2_2:
0x46: {  	_ =	swait.ge [sflag:s17], $0x3200  }
0x47: {  	[sflag:s17] =	ssyncset.done $0x0  }
0x48: {  	[sflag:s17] =	ssyncadd.s32 $0xFFFFCE00  }
0x49: {  	v0 =	vld [tilespmem:s26+$0x0];
	_ =	sdelay $0x4  }
0x4a: {  	v0 =	vshll.u32 v0, $0x6  }
0x4b: {  	s0 =	simm.s32 $0x0;
	v0 =	vand.u32 $0x40, v0  }
0x4c: {  	v15 =	vadd.s32 s0, v0  }
0x4d: {  	(v2sf) =	vpush v15, $0xF  }
0x4e: {  	(v2sf) =	vpush v15, $0x9;
	_ =	sdelay $0x2  }
0x4f: {  	(v2sf) =	vpush v15, $0x6;
	_ =	sdelay $0x3  }
0x50: {  	(v2sf) =	vpush v15, $0x8;
	_ =	sdelay $0x1  }
0x51: {  	(v2sf) =	vpush v15, $0x4;
	_ =	sdelay $0x3  }
0x52: {  	(v2sf) =	vpush v15, $0x1  }
0x53: {  	s30 =	spop (v2sf)  }
0x54: {  	s11 =	spop (v2sf)  }
0x55: {  	v1 =	vld [tilespmem:s11+$0x86B0]  }
0x56: {  	(v2sf) =	vpush v15, $0x3;
	v0 =	vld [tilespmem:s11+$0x8690]  }
0x57: {  	s29 =	spop (v2sf);
	v6 =	vld [tilespmem:s11+$0x86A0]  }
0x58: {  	v4 =	vld [tilespmem:s29+$0x8510]  }
0x59: {  	(v2sf) =	vpush v15, $0x2;
	v5 =	vld [tilespmem:s29+$0x8530]  }
0x5a: {  	(v2sf) =	vpush v15, $0x5;
	v8 =	vld [tilespmem:s29+$0x8500]  }
0x5b: {  	(v2sf) =	vpush v15, $0x0;
	s10 =	spop (v2sf);
	v7 =	vld [tilespmem:s29+$0x8520]  }
0x5c: {  	(v2sf) =	vpush v15, $0x7;
	v2 =	vld [tilespmem:s10+$0x8630]  }
0x5d: {  	v3 =	vld [tilespmem:s10+$0x8610];
	s1 =	spop (v2sf)  }
0x5e: {  	v11 =	vld [tilespmem:s1+$0x8410]  }
0x5f: {  	v13 =	vld [tilespmem:s1+$0x8420]  }
0x60: {  	v16 =	vld [tilespmem:s1+$0x8400]  }
0x61: {  	s31 =	spop (v2sf);
	v10 =	vld [tilespmem:s1+$0x8430]  }
0x62: {  	v31 =	vld [tilespmem:s31+$0x8290]  }
0x63: {  	v26 =	vld [tilespmem:s31+$0x82B0]  }
0x64: {  	v34 =	vld [tilespmem:s31+$0x82A0]  }
0x65: {  	s13 =	spop (v2sf);
	v35 =	vld [tilespmem:s31+$0x8280]  }
0x66: {  	v19 =	vld [tilespmem:s13+$0x8390]  }
0x67: {  	(v2sf) =	vpush v15, $0xA;
	v23 =	vld [tilespmem:s13+$0x83A0]  }
0x68: {  	s14 =	spop (v2sf);
	v24 =	vld [tilespmem:s13+$0x8380]  }
0x69: {  	v21 =	vld [tilespmem:s13+$0x83B0];
	s12 =	spop (v2sf)  }
0x6a: {  	v22 =	vld [tilespmem:s14+$0x8310];
	s13 =	spop (v2sf)  }
0x6b: {  	v20 =	vld [tilespmem:s14+$0x8330];
	s15 =	spop (v2sf);
	(v2sf) =	vpush v15, $0xB  }
0x6c: {  	v27 =	vld [tilespmem:s14+$0x8320]  }
0x6d: {  	v30 =	vld [tilespmem:s14+$0x8300];
	(v2sf) =	vpush v15, $0xC  }
0x6e: {  	v9 =	vld [tilespmem:s12+$0x84B0]  }
0x6f: {  	v17 =	vld [tilespmem:s12+$0x8480]  }
0x70: {  	v18 =	vld [tilespmem:s12+$0x84A0]  }
0x71: {  	v25 =	vld [tilespmem:s13+$0x8230];
	(v2sf) =	vpush v15, $0xE  }
0x72: {  	v36 =	vld [tilespmem:s13+$0x8220]  }
0x73: {  	v37 =	vld [tilespmem:s13+$0x8200];
	(v2sf) =	vpush v15, $0xD  }
0x74: {  	v14 =	vld [tilespmem:s15+$0x85A0]  }
0x75: {  	v28 =	vimm.f32 $0.0e+00;
	v12 =	vld [tilespmem:s15+$0x8590]  }
0x76: {  	v29 =	vimm.f32 $0.0e+00;
	v32 =	vimm.f32 $0.0e+00;
	s0 =	simm.s32 $0x2000;
	s1 =	smov.u32 s26;
	s23 =	spop (v2sf);
	v15 =	vld [tilespmem:s15+$0x85B0];
	v25 =	vadd.f32 v25, v28  }
.LBB2_3:
0x77: {  	p0 =	sne.s32 s0, $0xA000  }
0x78: {  	v38 =	vld [tilespmem:s23+$0x8720];
	s1 =	sadd.s32 $0x10, s1;
	s16 =	smov.u32 s0;
	s0 =	sadd.s32 $0x2000, s0  }
0x79: {  	v39 =	vld [tilespmem:s13+$0x8210]  }
0x7a: {  	v33 =	vadd.f32 v36, v28;
	v36 =	vld [tilespmem:s15+$0x8580];
	s14 =	spop (v2sf)  }
0x7b: {  	v29 =	vadd.f32 v37, v29;
	v28 =	vld [tilespmem:s14+$0x87B0]  }
0x7c: {  	v34 =	vadd.f32 v34, v33;
	v37 =	vld [tilespmem:s11+$0x8680];
	s13 =	spop (v2sf)  }
0x7d: {  	v29 =	vadd.f32 v35, v29;
	v33 =	vld [tilespmem:s13+$0x8830]  }
0x7e: {  	v35 =	vld [tilespmem:s1+$0x0];
	v32 =	vadd.f32 v39, v32;
	v27 =	vadd.f32 v27, v34  }
0x7f: {  	v29 =	vadd.f32 v30, v29;
	v30 =	vld [tilespmem:s12+$0x8490]  }
0x80: {  	v31 =	vadd.f32 v31, v32;
	v32 =	vld [tilespmem:s23+$0x8700];
	s11 =	spop (v2sf)  }
0x81: {  	v23 =	vadd.f32 v23, v27;
	v24 =	vadd.f32 v24, v29;
	v27 =	vld [tilespmem:s11+$0x8900]  }
0x82: {  	v29 =	vadd.f32 v22, v31;
	v22 =	vld [tilespmem:s30+$0x89B0];
	s12 =	spop (v2sf)  }
0x83: {  	v13 =	vadd.f32 v13, v23;
	v31 =	vshll.u32 v35, $0x6;
	v16 =	vadd.f32 v16, v24;
	v23 =	vld [tilespmem:s12+$0x8880]  }
0x84: {  	v26 =	vadd.f32 v26, v25;
	s15 =	sshra.s32 s16, $0x2;
	v24 =	vand.u32 $0x40, v31;
	v29 =	vadd.f32 v19, v29;
	v19 =	vld [tilespmem:s11+$0x8930]  }
0x85: {  	v13 =	vadd.f32 v18, v13;
	v25 =	vadd.s32 s15, v24;
	v16 =	vadd.f32 v17, v16;
	v17 =	vld [tilespmem:s10+$0x8600]  }
0x86: {  	v18 =	vadd.f32 v20, v26;
	(v2sf) =	vpush v25, $0xF;
	v20 =	vld [tilespmem:s10+$0x8620]  }
0x87: {  	v11 =	vadd.f32 v11, v29;
	(v2sf) =	vpush v25, $0x9;
	v24 =	vld [tilespmem:s13+$0x8800]  }
0x88: {  	v18 =	vadd.f32 v21, v18;
	(v2sf) =	vpush v25, $0x6;
	v21 =	vld [tilespmem:s14+$0x8780]  }
0x89: {  	v8 =	vadd.f32 v8, v16;
	(v2sf) =	vpush v25, $0x8;
	v16 =	vld [tilespmem:s23+$0x8710]  }
0x8a: {  	v7 =	vadd.f32 v7, v13;
	(v2sf) =	vpush v25, $0x4;
	v13 =	vld [tilespmem:s12+$0x88B0]  }
0x8b: {  	v8 =	vadd.f32 v36, v8;
	(v2sf) =	vpush v25, $0x1;
	v26 =	vld [tilespmem:s14+$0x8790]  }
0x8c: {  	v11 =	vadd.f32 v30, v11;
	(v2sf) =	vpush v25, $0x3;
	v29 =	vld [tilespmem:s14+$0x87A0]  }
0x8d: {  	v7 =	vadd.f32 v14, v7;
	(v2sf) =	vpush v25, $0x2;
	v14 =	vld [tilespmem:s13+$0x8810]  }
0x8e: {  	v10 =	vadd.f32 v10, v18;
	v8 =	vadd.f32 v17, v8;
	v17 =	vld [tilespmem:s13+$0x8820]  }
0x8f: {  	v7 =	vadd.f32 v20, v7;
	(v2sf) =	vpush v25, $0x5;
	v18 =	vld [tilespmem:s12+$0x8890]  }
0x90: {  	v9 =	vadd.f32 v9, v10;
	(v2sf) =	vpush v25, $0x0;
	v10 =	vld [tilespmem:s12+$0x88A0]  }
0x91: {  	v8 =	vadd.f32 v37, v8;
	v6 =	vadd.f32 v6, v7;
	v20 =	vld [tilespmem:s11+$0x8910]  }
0x92: {  	v4 =	vadd.f32 v4, v11;
	v5 =	vadd.f32 v5, v9;
	v7 =	vld [tilespmem:s11+$0x8920]  }
0x93: {  	v8 =	vadd.f32 v32, v8;
	v6 =	vadd.f32 v38, v6;
	v30 =	vld [tilespmem:s30+$0x8990]  }
0x94: {  	v4 =	vadd.f32 v12, v4;
	v5 =	vadd.f32 v15, v5;
	v9 =	vld [tilespmem:s30+$0x89A0]  }
0x95: {  	v8 =	vadd.f32 v21, v8;
	v6 =	vadd.f32 v29, v6;
	s10 =	spop (v2sf);
	v11 =	vld [tilespmem:s23+$0x8730]  }
0x96: {  	v3 =	vadd.f32 v3, v4;
	v2 =	vadd.f32 v2, v5;
	s11 =	spop (v2sf);
	v12 =	vld [tilespmem:s30+$0x8980];
	s30 =	smov.u32 s10  }
0x97: {  	v5 =	vadd.f32 v24, v8;
	v6 =	vadd.f32 v17, v6;
	v15 =	vld [tilespmem:s11+$0x86B0];
	s12 =	spop (v2sf)  }
0x98: {  	v3 =	vadd.f32 v0, v3;
	v1 =	vadd.f32 v1, v2;
	s10 =	spop (v2sf);
	v0 =	vld [tilespmem:s11+$0x8690]  }
0x99: {  	v8 =	vadd.f32 v23, v5;
	v6 =	vadd.f32 v10, v6;
	v4 =	vld [tilespmem:s12+$0x8510];
	s15 =	spop (v2sf)  }
0x9a: {  	v10 =	vadd.f32 v16, v3;
	v5 =	vld [tilespmem:s12+$0x8530];
	s14 =	spop (v2sf);
	v17 =	vadd.f32 v11, v1  }
0x9b: {  	v6 =	vadd.f32 v7, v6;
	v11 =	vadd.f32 v27, v8;
	v2 =	vld [tilespmem:s10+$0x8630];
	s16 =	spop (v2sf)  }
0x9c: {  	v10 =	vadd.f32 v26, v10;
	v3 =	vld [tilespmem:s10+$0x8610];
	s23 =	spop (v2sf);
	v16 =	vadd.f32 v28, v17;
	v1 =	vmov v15  }
0x9d: {  	v29 =	vadd.f32 v12, v11;
	v28 =	vadd.f32 v9, v6;
	v8 =	vld [tilespmem:s12+$0x8500]  }
0x9e: {  	v9 =	vadd.f32 v14, v10;
	v7 =	vld [tilespmem:s12+$0x8520];
	s12 =	spop (v2sf);
	v10 =	vadd.f32 v33, v16  }
0x9f: {  	v11 =	vld [tilespmem:s15+$0x8410];
	s13 =	spop (v2sf);
	(v2sf) =	vpush v25, $0x7  }
0xa0: {  	v9 =	vadd.f32 v18, v9;
	v6 =	vld [tilespmem:s11+$0x86A0];
	v10 =	vadd.f32 v13, v10  }
0xa1: {  	v13 =	vld [tilespmem:s15+$0x8420]  }
0xa2: {  	v12 =	vadd.f32 v20, v9;
	v16 =	vld [tilespmem:s15+$0x8400];
	v14 =	vadd.f32 v19, v10  }
0xa3: {  	v9 =	vld [tilespmem:s12+$0x84B0]  }
0xa4: {  	v32 =	vadd.f32 v30, v12;
	v10 =	vld [tilespmem:s15+$0x8430];
	v15 =	vadd.f32 v22, v14  }
0xa5: {  	v19 =	vld [tilespmem:s16+$0x8390];
	(v2sf) =	vpush v25, $0xA  }
0xa6: {  	v17 =	vld [tilespmem:s12+$0x8480]  }
0xa7: {  	v22 =	vld [tilespmem:s23+$0x8310]  }
0xa8: {  	v18 =	vld [tilespmem:s12+$0x84A0]  }
0xa9: {  	v23 =	vld [tilespmem:s16+$0x83A0]  }
0xaa: {  	v20 =	vld [tilespmem:s23+$0x8330]  }
0xab: {  	v27 =	vld [tilespmem:s23+$0x8320]  }
0xac: {  	v24 =	vld [tilespmem:s16+$0x8380];
	(v2sf) =	vpush v25, $0xB  }
0xad: {  	v30 =	vld [tilespmem:s23+$0x8300]  }
0xae: {  	v21 =	vld [tilespmem:s16+$0x83B0];
	s15 =	spop (v2sf);
	(v2sf) =	vpush v25, $0xC  }
0xaf: {  	v31 =	vld [tilespmem:s14+$0x8290]  }
0xb0: {  	v26 =	vld [tilespmem:s14+$0x82B0]  }
0xb1: {  	v14 =	vld [tilespmem:s15+$0x85A0]  }
0xb2: {  	v33 =	vld [tilespmem:s13+$0x8230];
	(v2sf) =	vpush v25, $0xE  }
0xb3: {  	v34 =	vld [tilespmem:s14+$0x82A0]  }
.Ltmp0:
0xb4: {  	v12 =	vld [tilespmem:s15+$0x8590];
	s23 =	spop (v2sf);
	(v2sf) =	vpush v25, $0xD;
	(pc) =	sbr.rel @p0 .LBB2_3-.Ltmp0, $4  }
0xb5: {  	v35 =	vld [tilespmem:s14+$0x8280]  }
0xb6: {  	v36 =	vld [tilespmem:s13+$0x8220]  }
0xb7: {  	v37 =	vld [tilespmem:s13+$0x8200];
	v25 =	vadd.f32 v33, v15  }
0xb8: {  	v15 =	vld [tilespmem:s15+$0x85B0]  }
0xb9: {  	v33 =	vld [tilespmem:s23+$0x8720]  }
0xba: {  	v39 =	vld [tilespmem:s13+$0x8210]  }
0xbb: {  	v42 =	vld [tilespmem:s15+$0x8580]  }
0xbc: {  	v55 =	vld [tilespmem:s11+$0x8680]  }
0xbd: {  	v44 =	vld [tilespmem:s12+$0x8490]  }
0xbe: {  	v57 =	vld [tilespmem:s23+$0x8700]  }
0xbf: {  	v59 =	vld [tilespmem:s30+$0x89B0]  }
0xc0: {  	v50 =	vld [tilespmem:s10+$0x8600]  }
0xc1: {  	s29 =	sshll.u32 s28, $0x9;
	v51 =	vld [tilespmem:s10+$0x8620]  }
0xc2: {  	v46 =	vld [tilespmem:s29+$0x54]  }
0xc3: {  	v38 =	vld [tilespmem:s30+$0x8990]  }
0xc4: {  	v40 =	vld [tilespmem:s30+$0x89A0];
	s0 =	spop (v2sf)  }
0xc5: {  	v54 =	vld [tilespmem:s0+$0x87B0]  }
0xc6: {  	v53 =	vld [tilespmem:s0+$0x8780];
	s1 =	spop (v2sf)  }
0xc7: {  	v56 =	vld [tilespmem:s1+$0x8830];
	v46 =	vshll.u32 v46, $0x6  }
0xc8: {  	v62 =	vld [tilespmem:s1+$0x8800];
	v46 =	vand.u32 $0x40, v46  }
0xc9: {  	[tilespmem:$0x1FEC0] =	vst v57;
	v57 =	vld [tilespmem:s0+$0x87A0];
	(v2sf) =	vpush v46, $0xC  }
0xca: {  	[tilespmem:$0x1FF70] =	vst v59;
	v59 =	vld [tilespmem:s1+$0x8820]  }
0xcb: {  	[tilespmem:$0x1FF50] =	vst v38;
	v38 =	vld [tilespmem:s23+$0x8730]  }
0xcc: {  	p0 =	seq.s32 s28, $0x3F;
	[tilespmem:$0x1FF60] =	vst v40;
	v40 =	vld [tilespmem:s30+$0x8980]  }
0xcd: {  	[tilespmem:$0x1FED0] =	vst v33;
	v33 =	vld @!p0 [tilespmem:s29+$0x200];
	(v2sf) =	vpush v46, $0xD  }
0xce: {  	[tilespmem:$0x1FEF0] =	vst v54;
	s21 =	spop (v2sf);
	v54 =	vld [tilespmem:s23+$0x8710]  }
0xcf: {  	v58 =	vld [tilespmem:s21+$0x8900]  }
0xd0: {  	v61 =	vld [tilespmem:s21+$0x8930]  }
0xd1: {  	[tilespmem:$0x1FF10] =	vst v56;
	s2 =	spop (v2sf);
	v56 =	vld [tilespmem:s0+$0x8790];
	(v2sf) =	vpush v46, $0xE  }
0xd2: {  	v60 =	vld [tilespmem:s2+$0x8880]  }
0xd3: {  	v63 =	vld [tilespmem:s2+$0x88B0];
	(v2sf) =	vpush v46, $0xF  }
0xd4: {  	[tilespmem:$0x1FEE0] =	vst v62;
	v62 =	vld [tilespmem:s21+$0x8910]  }
0xd5: {  	[tilespmem:$0x1FF20] =	vst v58;
	v58 =	vld [tilespmem:s1+$0x8810]  }
0xd6: {  	[tilespmem:$0x1FF40] =	vst v61;
	v61 =	vld [tilespmem:s2+$0x88A0]  }
0xd7: {  	[tilespmem:$0x1FF00] =	vst v60;
	v60 =	vld [tilespmem:s2+$0x8890]  }
0xd8: {  	[tilespmem:$0x1FF30] =	vst v63;
	v63 =	vld [tilespmem:s21+$0x8920];
	s10 =	spop (v2sf)  }
0xd9: {  	v45 =	vld [tilespmem:s10+$0xB200]  }
0xda: {  	v41 =	vld [tilespmem:s10+$0xB210]  }
0xdb: {  	v43 =	vld [tilespmem:s10+$0xB220]  }
0xdc: {  	s11 =	spop (v2sf);
	v46 =	vld [tilespmem:s10+$0xB230]  }
0xdd: {  	v49 =	vld [tilespmem:s11+$0xB280]  }
0xde: {  	v32 =	vadd.f32 v39, v32;
	v47 =	vld [tilespmem:s11+$0xB290]  }
0xdf: {  	v28 =	vadd.f32 v36, v28;
	v48 =	vld [tilespmem:s11+$0xB2A0]  }
0xe0: {  	[tilespmem:$0x1FEB0] =	vst v55;
	v31 =	vadd.f32 v31, v32;
	s12 =	spop (v2sf);
	v52 =	vld [tilespmem:s11+$0xB2B0]  }
0xe1: {  	v29 =	vadd.f32 v37, v29;
	v28 =	vadd.f32 v34, v28;
	v55 =	vld [tilespmem:s12+$0xB310];
	[tilespmem:$0x1FF80] =	vst v41  }
0xe2: {  	v25 =	vadd.f32 v26, v25;
	v22 =	vadd.f32 v22, v31;
	s13 =	spop (v2sf);
	[tilespmem:$0x1FFA0] =	vst v46;
	v46 =	vld [tilespmem:s12+$0xB330]  }
0xe3: {  	v29 =	vadd.f32 v35, v29;
	v26 =	vadd.f32 v27, v28;
	[tilespmem:$0x1FF90] =	vst v43;
	v41 =	vld [tilespmem:s13+$0xB380]  }
0xe4: {  	v20 =	vadd.f32 v20, v25;
	v19 =	vadd.f32 v19, v22;
	v43 =	vld [tilespmem:s13+$0xB390];
	[tilespmem:$0x1FFB0] =	vst v47  }
0xe5: {  	v29 =	vadd.f32 v30, v29;
	v22 =	vadd.f32 v23, v26;
	[tilespmem:$0x1FFD0] =	vst v52;
	v52 =	vld [tilespmem:s12+$0xB300]  }
0xe6: {  	v11 =	vadd.f32 v11, v19;
	v19 =	vadd.f32 v21, v20;
	[tilespmem:$0x1FFC0] =	vst v48;
	v48 =	vld [tilespmem:s12+$0xB320]  }
0xe7: {  	v33 =	vshrl.u32 @!p0 v33, $0x1;
	v13 =	vadd.f32 v13, v22;
	v47 =	vld [tilespmem:s13+$0xB3A0];
	[tilespmem:$0x1FFE0] =	vst v55  }
0xe8: {  	v24 =	vadd.f32 v24, v29;
	v10 =	vadd.f32 v10, v19;
	v55 =	vld [tilespmem:s13+$0xB3B0];
	[tilespmem:$0x8000] =	vst @!p0 v33  }
0xe9: {  	v11 =	vadd.f32 v44, v11;
	v13 =	vadd.f32 v18, v13;
	v33 =	vld @!p0 [tilespmem:s29+$0x210]  }
0xea: {  	v16 =	vadd.f32 v16, v24;
	v9 =	vadd.f32 v9, v10  }
0xeb: {  	v4 =	vadd.f32 v4, v11;
	v7 =	vadd.f32 v7, v13  }
0xec: {  	v16 =	vadd.f32 v17, v16;
	v5 =	vadd.f32 v5, v9  }
0xed: {  	v4 =	vadd.f32 v12, v4;
	v7 =	vadd.f32 v14, v7  }
0xee: {  	v8 =	vadd.f32 v8, v16;
	v5 =	vadd.f32 v15, v5;
	v30 =	vshrl.u32 @!p0 v33, $0x1  }
0xef: {  	v3 =	vadd.f32 v3, v4;
	v4 =	vadd.f32 v51, v7;
	v7 =	vld [tilespmem:$0x1FEB0];
	[tilespmem:$0x8010] =	vst @!p0 v30  }
0xf0: {  	v8 =	vadd.f32 v42, v8;
	v2 =	vadd.f32 v2, v5;
	v27 =	vld @!p0 [tilespmem:s29+$0x220]  }
0xf1: {  	v0 =	vadd.f32 v0, v3;
	v3 =	vadd.f32 v6, v4;
	v4 =	vld [tilespmem:$0x1FEC0]  }
0xf2: {  	v8 =	vadd.f32 v50, v8  }
0xf3: {  	v1 =	vadd.f32 v1, v2;
	v2 =	vld [tilespmem:$0x1FED0]  }
0xf4: {  	v7 =	vadd.f32 v7, v8  }
0xf5: {  	v17 =	vshrl.u32 @!p0 v27, $0x1  }
0xf6: {  	v4 =	vadd.f32 v4, v7;
	[tilespmem:$0x8020] =	vst @!p0 v17  }
0xf7: {  	v10 =	vld @!p0 [tilespmem:s29+$0x230]  }
0xf8: {  	v2 =	vadd.f32 v2, v3;
	v3 =	vadd.f32 v53, v4;
	v4 =	vld [tilespmem:$0x1FEE0];
	_ =	sdelay $0x3  }
0xf9: {  	v8 =	vshrl.u32 @!p0 v10, $0x1  }
0xfa: {  	v3 =	vadd.f32 v4, v3;
	v4 =	vld [tilespmem:$0x1FEF0];
	[tilespmem:$0x8030] =	vst @!p0 v8  }
0xfb: {  	v5 =	vld @!p0 [tilespmem:s29+$0x240];
	_ =	sdelay $0x2  }
0xfc: {  	v1 =	vadd.f32 v38, v1;
	_ =	sdelay $0x1  }
0xfd: {  	v1 =	vadd.f32 v4, v1;
	v4 =	vshrl.u32 @!p0 v5, $0x1;
	v5 =	vld [tilespmem:$0x1FF00];
	_ =	sdelay $0x4  }
0xfe: {  	v3 =	vadd.f32 v5, v3;
	v5 =	vld [tilespmem:$0x1FF20];
	_ =	sdelay $0x2  }
0xff: {  	[tilespmem:$0x8040] =	vst @!p0 v4;
	v4 =	vld [tilespmem:$0x1FF10];
	_ =	sdelay $0x1  }
0x100: {  	v3 =	vadd.f32 v5, v3;
	v5 =	vld [tilespmem:$0x1FF30];
	_ =	sdelay $0x2  }
0x101: {  	v1 =	vadd.f32 v4, v1;
	_ =	sdelay $0x1  }
0x102: {  	v0 =	vadd.f32 v54, v0;
	v1 =	vadd.f32 v5, v1;
	v5 =	vld [tilespmem:$0x1FF40];
	_ =	sdelay $0x1  }
0x103: {  	v0 =	vadd.f32 v56, v0;
	_ =	sdelay $0x1  }
0x104: {  	v0 =	vadd.f32 v58, v0  }
0x105: {  	v1 =	vadd.f32 v5, v1;
	v5 =	vld [tilespmem:$0x1FF50]  }
0x106: {  	v0 =	vadd.f32 v60, v0  }
0x107: {  	v2 =	vadd.f32 v57, v2  }
0x108: {  	v0 =	vadd.f32 v62, v0  }
0x109: {  	v2 =	vadd.f32 v59, v2  }
0x10a: {  	v0 =	vadd.f32 v5, v0;
	v5 =	vld [tilespmem:$0x1FF60]  }
0x10b: {  	v2 =	vadd.f32 v61, v2;
	_ =	sdelay $0x1  }
0x10c: {  	v2 =	vadd.f32 v63, v2;
	_ =	sdelay $0x1  }
0x10d: {  	v2 =	vadd.f32 v5, v2;
	v5 =	vld [tilespmem:$0x1FF70];
	_ =	sdelay $0x4  }
0x10e: {  	v1 =	vadd.f32 v5, v1;
	v5 =	vld [tilespmem:$0x1FF80];
	_ =	sdelay $0x4  }
0x10f: {  	v0 =	vadd.f32 v5, v0;
	v5 =	vld [tilespmem:$0x1FFA0];
	_ =	sdelay $0x1  }
0x110: {  	v4 =	vld @!p0 [tilespmem:s29+$0x250];
	_ =	sdelay $0x2  }
0x111: {  	v1 =	vadd.f32 v5, v1;
	v5 =	vld [tilespmem:$0x1FFB0];
	_ =	sdelay $0x1  }
0x112: {  	v4 =	vshrl.u32 @!p0 v4, $0x1  }
0x113: {  	[tilespmem:$0x8050] =	vst @!p0 v4;
	v4 =	vld [tilespmem:$0x1FF90];
	_ =	sdelay $0x1  }
0x114: {  	v0 =	vadd.f32 v5, v0;
	v5 =	vld [tilespmem:$0x1FFC0];
	_ =	sdelay $0x2  }
0x115: {  	v2 =	vadd.f32 v4, v2;
	_ =	sdelay $0x1  }
0x116: {  	v2 =	vadd.f32 v5, v2;
	v5 =	vld [tilespmem:$0x1FFD0];
	_ =	sdelay $0x2  }
0x117: {  	v3 =	vadd.f32 v40, v3;
	v4 =	vld @!p0 [tilespmem:s29+$0x254];
	_ =	sdelay $0x1  }
0x118: {  	v3 =	vadd.f32 v45, v3;
	v1 =	vadd.f32 v5, v1;
	v5 =	vld [tilespmem:$0x1FFE0];
	_ =	sdelay $0x1  }
0x119: {  	v3 =	vadd.f32 v49, v3  }
0x11a: {  	[tilespmem:$0x1FFF0] =	vst v55;
	v4 =	vshrl.u32 @!p0 v4, $0x1  }
0x11b: {  	v3 =	vadd.f32 v52, v3;
	[tilespmem:$0x8054] =	vst @!p0 v4;
	v4 =	vld [tilespmem:$0x1FFF0]  }
0x11c: {  	v0 =	vadd.f32 v5, v0  }
0x11d: {  	v3 =	vadd.f32 v41, v3;
	v2 =	vadd.f32 v48, v2  }
0x11e: {  	v1 =	vadd.f32 v46, v1;
	v0 =	vadd.f32 v43, v0  }
0x11f: {  	s0 =	simm.s32 @!p0 $0x64;
	s1 =	simm.s32 @!p0 $0x8000;
	s10 =	simm.s32 @!p0 $0x8200;
	v3 =	vmul.f32 $4.999999890e-03, v3;
	v2 =	vadd.f32 v47, v2  }
0x120: {  	[tilespmem:s10], [sflag:$0x1] =	stream.indirect.gather @!p0 [hbm4b:s3+s0], $0x80, s1, s0, $0xb8;
	v1 =	vadd.f32 v4, v1;
	v0 =	vmul.f32 $4.999999890e-03, v0;
	[tilespmem:$0x1D200] =	vst v63  }
0x121: {  	[tilespmem:s29+$0x15200] =	vst v3;
	v2 =	vmul.f32 $4.999999890e-03, v2  }
0x122: {  	[tilespmem:s29+$0x15210] =	vst v0;
	v0 =	vmul.f32 $4.999999890e-03, v1  }
0x123: {  	[tilespmem:s29+$0x15220] =	vst v2  }
0x124: {  	[tilespmem:s29+$0x15230] =	vst v0  }
0x125: {  	_ =	swait.ge [sflag:s18], $0x3200  }
0x126: {  	[sflag:s18] =	ssyncset.done $0x0  }
0x127: {  	[sflag:s18] =	ssyncadd.s32 $0xFFFFCE00  }
0x128: {  	v0 =	vld [tilespmem:s9+$0x0];
	_ =	sdelay $0x4  }
0x129: {  	v0 =	vshll.u32 v0, $0x6  }
0x12a: {  	s14 =	simm.s32 $0x0;
	v0 =	vand.u32 $0x40, v0  }
0x12b: {  	v15 =	vadd.s32 s14, v0  }
0x12c: {  	(v2sf) =	vpush v15, $0xF  }
0x12d: {  	(v2sf) =	vpush v15, $0x9;
	_ =	sdelay $0x2  }
0x12e: {  	(v2sf) =	vpush v15, $0x6;
	_ =	sdelay $0x3  }
0x12f: {  	(v2sf) =	vpush v15, $0x8;
	_ =	sdelay $0x1  }
0x130: {  	(v2sf) =	vpush v15, $0x4;
	_ =	sdelay $0x3  }
0x131: {  	(v2sf) =	vpush v15, $0x1  }
0x132: {  	s31 =	spop (v2sf)  }
0x133: {  	s11 =	spop (v2sf)  }
0x134: {  	v1 =	vld [tilespmem:s11+$0xBAB0]  }
0x135: {  	(v2sf) =	vpush v15, $0x3;
	v0 =	vld [tilespmem:s11+$0xBA90]  }
0x136: {  	(v2sf) =	vpush v15, $0x2;
	s15 =	spop (v2sf);
	v6 =	vld [tilespmem:s11+$0xBAA0]  }
0x137: {  	v4 =	vld [tilespmem:s15+$0xB910]  }
0x138: {  	v5 =	vld [tilespmem:s15+$0xB930]  }
0x139: {  	(v2sf) =	vpush v15, $0x5;
	v8 =	vld [tilespmem:s15+$0xB900]  }
0x13a: {  	(v2sf) =	vpush v15, $0x0;
	s10 =	spop (v2sf);
	v7 =	vld [tilespmem:s15+$0xB920]  }
0x13b: {  	(v2sf) =	vpush v15, $0x7;
	v2 =	vld [tilespmem:s10+$0xBA30]  }
0x13c: {  	v3 =	vld [tilespmem:s10+$0xBA10];
	s16 =	spop (v2sf)  }
0x13d: {  	v11 =	vld [tilespmem:s16+$0xB810]  }
0x13e: {  	v13 =	vld [tilespmem:s16+$0xB820]  }
0x13f: {  	v16 =	vld [tilespmem:s16+$0xB800]  }
0x140: {  	s21 =	spop (v2sf);
	v10 =	vld [tilespmem:s16+$0xB830]  }
0x141: {  	v31 =	vld [tilespmem:s21+$0xB690]  }
0x142: {  	v26 =	vld [tilespmem:s21+$0xB6B0]  }
0x143: {  	v32 =	vld [tilespmem:s21+$0xB6A0]  }
0x144: {  	s23 =	spop (v2sf);
	v34 =	vld [tilespmem:s21+$0xB680]  }
0x145: {  	s14 =	spop (v2sf);
	v19 =	vld [tilespmem:s23+$0xB790]  }
0x146: {  	(v2sf) =	vpush v15, $0xA;
	v22 =	vld [tilespmem:s14+$0xB710]  }
0x147: {  	v20 =	vld [tilespmem:s14+$0xB730]  }
0x148: {  	s13 =	spop (v2sf);
	v27 =	vld [tilespmem:s14+$0xB720]  }
0x149: {  	v30 =	vld [tilespmem:s14+$0xB700];
	s14 =	spop (v2sf)  }
0x14a: {  	v23 =	vld [tilespmem:s23+$0xB7A0];
	s16 =	spop (v2sf);
	(v2sf) =	vpush v15, $0xB  }
0x14b: {  	v24 =	vld [tilespmem:s23+$0xB780]  }
0x14c: {  	v21 =	vld [tilespmem:s23+$0xB7B0];
	(v2sf) =	vpush v15, $0xC  }
0x14d: {  	v9 =	vld [tilespmem:s13+$0xB8B0]  }
0x14e: {  	v17 =	vld [tilespmem:s13+$0xB880]  }
0x14f: {  	v18 =	vld [tilespmem:s13+$0xB8A0]  }
0x150: {  	v25 =	vld [tilespmem:s14+$0xB630];
	(v2sf) =	vpush v15, $0xE  }
0x151: {  	v35 =	vld [tilespmem:s14+$0xB620]  }
0x152: {  	v36 =	vld [tilespmem:s14+$0xB600];
	(v2sf) =	vpush v15, $0xD  }
0x153: {  	s30 =	sshll.u32 s28, $0x2;
	v14 =	vld [tilespmem:s16+$0xB9A0]  }
0x154: {  	v28 =	vimm.f32 $0.0e+00;
	s0 =	sor.u32 $0x1, s30;
	v12 =	vld [tilespmem:s16+$0xB990]  }
0x155: {  	v29 =	vimm.f32 $0.0e+00;
	v33 =	vimm.f32 $0.0e+00;
	s1 =	simm.s32 $0x2000;
	s23 =	smov.u32 s9;
	s12 =	spop (v2sf);
	v15 =	vld [tilespmem:s16+$0xB9B0];
	v25 =	vadd.f32 v25, v28  }
.LBB2_5:
0x156: {  	p1 =	sne.s32 s1, $0xA000  }
0x157: {  	v37 =	vld [tilespmem:s12+$0xBB20];
	s23 =	sadd.s32 $0x10, s23;
	s21 =	smov.u32 s1;
	s1 =	sadd.s32 $0x2000, s1  }
0x158: {  	v38 =	vld [tilespmem:s14+$0xB610]  }
0x159: {  	v35 =	vadd.f32 v35, v28;
	v39 =	vld [tilespmem:s16+$0xB980];
	s15 =	spop (v2sf)  }
0x15a: {  	v29 =	vadd.f32 v36, v29;
	v28 =	vld [tilespmem:s15+$0xBBB0]  }
0x15b: {  	v35 =	vadd.f32 v32, v35;
	v36 =	vld [tilespmem:s11+$0xBA80];
	s14 =	spop (v2sf)  }
0x15c: {  	v29 =	vadd.f32 v34, v29;
	v32 =	vld [tilespmem:s14+$0xBC30]  }
0x15d: {  	v34 =	vld [tilespmem:s23+$0x0];
	v33 =	vadd.f32 v38, v33;
	v27 =	vadd.f32 v27, v35  }
0x15e: {  	v29 =	vadd.f32 v30, v29;
	v30 =	vld [tilespmem:s13+$0xB890]  }
0x15f: {  	v31 =	vadd.f32 v31, v33;
	v33 =	vld [tilespmem:s12+$0xBB00];
	s11 =	spop (v2sf)  }
0x160: {  	v23 =	vadd.f32 v23, v27;
	v24 =	vadd.f32 v24, v29;
	v27 =	vld [tilespmem:s11+$0xBD00]  }
0x161: {  	v29 =	vadd.f32 v22, v31;
	v22 =	vld [tilespmem:s31+$0xBDB0];
	s13 =	spop (v2sf)  }
0x162: {  	v13 =	vadd.f32 v13, v23;
	v31 =	vshll.u32 v34, $0x6;
	v16 =	vadd.f32 v16, v24;
	v23 =	vld [tilespmem:s13+$0xBC80]  }
0x163: {  	v26 =	vadd.f32 v26, v25;
	s16 =	sshra.s32 s21, $0x2;
	v24 =	vand.u32 $0x40, v31;
	v29 =	vadd.f32 v19, v29;
	v19 =	vld [tilespmem:s11+$0xBD30]  }
0x164: {  	v13 =	vadd.f32 v18, v13;
	v25 =	vadd.s32 s16, v24;
	v16 =	vadd.f32 v17, v16;
	v17 =	vld [tilespmem:s10+$0xBA00]  }
0x165: {  	v18 =	vadd.f32 v20, v26;
	(v2sf) =	vpush v25, $0xF;
	v20 =	vld [tilespmem:s10+$0xBA20]  }
0x166: {  	v11 =	vadd.f32 v11, v29;
	(v2sf) =	vpush v25, $0x9;
	v24 =	vld [tilespmem:s14+$0xBC00]  }
0x167: {  	v18 =	vadd.f32 v21, v18;
	(v2sf) =	vpush v25, $0x6;
	v21 =	vld [tilespmem:s15+$0xBB80]  }
0x168: {  	v8 =	vadd.f32 v8, v16;
	(v2sf) =	vpush v25, $0x8;
	v16 =	vld [tilespmem:s12+$0xBB10]  }
0x169: {  	v7 =	vadd.f32 v7, v13;
	(v2sf) =	vpush v25, $0x4;
	v13 =	vld [tilespmem:s13+$0xBCB0]  }
0x16a: {  	v8 =	vadd.f32 v39, v8;
	(v2sf) =	vpush v25, $0x1;
	v26 =	vld [tilespmem:s15+$0xBB90]  }
0x16b: {  	v11 =	vadd.f32 v30, v11;
	(v2sf) =	vpush v25, $0x3;
	v29 =	vld [tilespmem:s15+$0xBBA0]  }
0x16c: {  	v7 =	vadd.f32 v14, v7;
	(v2sf) =	vpush v25, $0x2;
	v14 =	vld [tilespmem:s14+$0xBC10]  }
0x16d: {  	v10 =	vadd.f32 v10, v18;
	v8 =	vadd.f32 v17, v8;
	v17 =	vld [tilespmem:s14+$0xBC20]  }
0x16e: {  	v7 =	vadd.f32 v20, v7;
	(v2sf) =	vpush v25, $0x5;
	v18 =	vld [tilespmem:s13+$0xBC90]  }
0x16f: {  	v9 =	vadd.f32 v9, v10;
	(v2sf) =	vpush v25, $0x0;
	v10 =	vld [tilespmem:s13+$0xBCA0]  }
0x170: {  	v8 =	vadd.f32 v36, v8;
	v6 =	vadd.f32 v6, v7;
	v20 =	vld [tilespmem:s11+$0xBD10]  }
0x171: {  	v4 =	vadd.f32 v4, v11;
	v5 =	vadd.f32 v5, v9;
	v7 =	vld [tilespmem:s11+$0xBD20]  }
0x172: {  	v8 =	vadd.f32 v33, v8;
	v6 =	vadd.f32 v37, v6;
	v30 =	vld [tilespmem:s31+$0xBD90]  }
0x173: {  	v4 =	vadd.f32 v12, v4;
	v5 =	vadd.f32 v15, v5;
	v9 =	vld [tilespmem:s31+$0xBDA0]  }
0x174: {  	v8 =	vadd.f32 v21, v8;
	v6 =	vadd.f32 v29, v6;
	s10 =	spop (v2sf);
	v11 =	vld [tilespmem:s12+$0xBB30]  }
0x175: {  	v3 =	vadd.f32 v3, v4;
	v2 =	vadd.f32 v2, v5;
	s11 =	spop (v2sf);
	v12 =	vld [tilespmem:s31+$0xBD80];
	s31 =	smov.u32 s10  }
0x176: {  	v5 =	vadd.f32 v24, v8;
	v6 =	vadd.f32 v17, v6;
	v15 =	vld [tilespmem:s11+$0xBAB0];
	s12 =	spop (v2sf)  }
0x177: {  	v3 =	vadd.f32 v0, v3;
	v1 =	vadd.f32 v1, v2;
	s10 =	spop (v2sf);
	v0 =	vld [tilespmem:s11+$0xBA90]  }
0x178: {  	v8 =	vadd.f32 v23, v5;
	v6 =	vadd.f32 v10, v6;
	v4 =	vld [tilespmem:s12+$0xB910];
	s16 =	spop (v2sf)  }
0x179: {  	v10 =	vadd.f32 v16, v3;
	v5 =	vld [tilespmem:s12+$0xB930];
	s15 =	spop (v2sf);
	v17 =	vadd.f32 v11, v1  }
0x17a: {  	v6 =	vadd.f32 v7, v6;
	v11 =	vadd.f32 v27, v8;
	v2 =	vld [tilespmem:s10+$0xBA30];
	s21 =	spop (v2sf)  }
0x17b: {  	v10 =	vadd.f32 v26, v10;
	v3 =	vld [tilespmem:s10+$0xBA10];
	s2 =	spop (v2sf);
	v16 =	vadd.f32 v28, v17;
	v1 =	vmov v15  }
0x17c: {  	v29 =	vadd.f32 v12, v11;
	v28 =	vadd.f32 v9, v6;
	v8 =	vld [tilespmem:s12+$0xB900]  }
0x17d: {  	v9 =	vadd.f32 v14, v10;
	v7 =	vld [tilespmem:s12+$0xB920];
	s13 =	spop (v2sf);
	v10 =	vadd.f32 v32, v16  }
0x17e: {  	v11 =	vld [tilespmem:s16+$0xB810];
	s14 =	spop (v2sf);
	(v2sf) =	vpush v25, $0x7  }
0x17f: {  	v9 =	vadd.f32 v18, v9;
	v6 =	vld [tilespmem:s11+$0xBAA0];
	v10 =	vadd.f32 v13, v10  }
0x180: {  	v13 =	vld [tilespmem:s16+$0xB820]  }
0x181: {  	v12 =	vadd.f32 v20, v9;
	v16 =	vld [tilespmem:s16+$0xB800];
	v14 =	vadd.f32 v19, v10  }
0x182: {  	v9 =	vld [tilespmem:s13+$0xB8B0]  }
0x183: {  	v33 =	vadd.f32 v30, v12;
	v10 =	vld [tilespmem:s16+$0xB830];
	v15 =	vadd.f32 v22, v14  }
0x184: {  	v19 =	vld [tilespmem:s21+$0xB790];
	(v2sf) =	vpush v25, $0xA  }
0x185: {  	v17 =	vld [tilespmem:s13+$0xB880]  }
0x186: {  	v22 =	vld [tilespmem:s2+$0xB710]  }
0x187: {  	v18 =	vld [tilespmem:s13+$0xB8A0]  }
0x188: {  	v23 =	vld [tilespmem:s21+$0xB7A0]  }
0x189: {  	v20 =	vld [tilespmem:s2+$0xB730]  }
0x18a: {  	v27 =	vld [tilespmem:s2+$0xB720]  }
0x18b: {  	v24 =	vld [tilespmem:s21+$0xB780];
	(v2sf) =	vpush v25, $0xB  }
0x18c: {  	v30 =	vld [tilespmem:s2+$0xB700]  }
0x18d: {  	v21 =	vld [tilespmem:s21+$0xB7B0];
	s16 =	spop (v2sf);
	(v2sf) =	vpush v25, $0xC  }
0x18e: {  	v31 =	vld [tilespmem:s15+$0xB690]  }
0x18f: {  	v26 =	vld [tilespmem:s15+$0xB6B0]  }
0x190: {  	v14 =	vld [tilespmem:s16+$0xB9A0]  }
0x191: {  	v37 =	vld [tilespmem:s14+$0xB630];
	(v2sf) =	vpush v25, $0xE  }
0x192: {  	v32 =	vld [tilespmem:s15+$0xB6A0]  }
.Ltmp1:
0x193: {  	v12 =	vld [tilespmem:s16+$0xB990];
	s12 =	spop (v2sf);
	(v2sf) =	vpush v25, $0xD;
	(pc) =	sbr.rel @p1 .LBB2_5-.Ltmp1, $4  }
0x194: {  	v34 =	vld [tilespmem:s15+$0xB680]  }
0x195: {  	v35 =	vld [tilespmem:s14+$0xB620]  }
0x196: {  	v36 =	vld [tilespmem:s14+$0xB600];
	v25 =	vadd.f32 v37, v15  }
0x197: {  	v15 =	vld [tilespmem:s16+$0xB9B0]  }
0x198: {  	v37 =	vld [tilespmem:s12+$0xBB20]  }
0x199: {  	v38 =	vld [tilespmem:s14+$0xB610]  }
0x19a: {  	v41 =	vld [tilespmem:s16+$0xB980]  }
0x19b: {  	v63 =	vld [tilespmem:s11+$0xBA80]  }
0x19c: {  	v43 =	vld [tilespmem:s13+$0xB890]  }
0x19d: {  	v42 =	vld [tilespmem:s12+$0xBB00]  }
0x19e: {  	v46 =	vld [tilespmem:s31+$0xBDB0]  }
0x19f: {  	v50 =	vld [tilespmem:s10+$0xBA00]  }
0x1a0: {  	s0 =	sshll.u32 s0, $0x7;
	v51 =	vld [tilespmem:s10+$0xBA20]  }
0x1a1: {  	v45 =	vld [tilespmem:s0+$0x54]  }
0x1a2: {  	v54 =	vld [tilespmem:s12+$0xBB10]  }
0x1a3: {  	v55 =	vld [tilespmem:s31+$0xBD90]  }
0x1a4: {  	v39 =	vld [tilespmem:s12+$0xBB30];
	s1 =	spop (v2sf)  }
0x1a5: {  	v62 =	vld [tilespmem:s1+$0xBBB0]  }
0x1a6: {  	v53 =	vld [tilespmem:s1+$0xBB80];
	v45 =	vshll.u32 v45, $0x6  }
0x1a7: {  	v56 =	vld [tilespmem:s1+$0xBB90];
	v45 =	vand.u32 $0x40, v45  }
0x1a8: {  	v57 =	vld [tilespmem:s1+$0xBBA0];
	s2 =	spop (v2sf);
	(v2sf) =	vpush v45, $0xC  }
0x1a9: {  	v40 =	vld [tilespmem:s2+$0xBC30]  }
0x1aa: {  	v49 =	vld [tilespmem:s2+$0xBC00]  }
0x1ab: {  	v58 =	vld [tilespmem:s2+$0xBC10]  }
0x1ac: {  	v59 =	vld [tilespmem:s2+$0xBC20];
	(v2sf) =	vpush v45, $0xD  }
0x1ad: {  	[tilespmem:$0x1FD80] =	vst v37;
	v37 =	vld @!p0 [tilespmem:s29+$0x280];
	s15 =	spop (v2sf)  }
0x1ae: {  	v44 =	vld [tilespmem:s15+$0xBD00]  }
0x1af: {  	v48 =	vld [tilespmem:s15+$0xBD30]  }
0x1b0: {  	[tilespmem:$0x1FDA0] =	vst v62;
	v62 =	vld [tilespmem:s15+$0xBD10];
	(v2sf) =	vpush v45, $0xE  }
0x1b1: {  	[tilespmem:$0x1FD60] =	vst v63;
	v63 =	vld [tilespmem:s15+$0xBD20]  }
0x1b2: {  	[tilespmem:$0x1FDC0] =	vst v40;
	s16 =	spop (v2sf);
	v40 =	vld [tilespmem:s31+$0xBDA0];
	(v2sf) =	vpush v45, $0xF  }
0x1b3: {  	v47 =	vld [tilespmem:s16+$0xBC80]  }
0x1b4: {  	v52 =	vld [tilespmem:s16+$0xBCB0]  }
0x1b5: {  	v60 =	vld [tilespmem:s16+$0xBC90]  }
0x1b6: {  	v61 =	vld [tilespmem:s16+$0xBCA0]  }
0x1b7: {  	[tilespmem:$0x1FE10] =	vst v40;
	v40 =	vld [tilespmem:s31+$0xBD80];
	s21 =	spop (v2sf)  }
0x1b8: {  	[tilespmem:$0x1FDD0] =	vst v44;
	v44 =	vld [tilespmem:s21+$0xE600]  }
0x1b9: {  	[tilespmem:$0x1FD70] =	vst v42;
	v42 =	vld [tilespmem:s21+$0xE610]  }
0x1ba: {  	[tilespmem:$0x1FE20] =	vst v46;
	v45 =	vld [tilespmem:s21+$0xE620]  }
0x1bb: {  	[tilespmem:$0x1FE00] =	vst v55;
	s23 =	spop (v2sf);
	v46 =	vld [tilespmem:s21+$0xE630]  }
0x1bc: {  	[tilespmem:$0x1FDF0] =	vst v48;
	v48 =	vld [tilespmem:s23+$0xE680]  }
0x1bd: {  	v33 =	vadd.f32 v38, v33;
	[tilespmem:$0x1FDB0] =	vst v47;
	v47 =	vld [tilespmem:s23+$0xE690]  }
0x1be: {  	v28 =	vadd.f32 v35, v28;
	[tilespmem:$0x1FD90] =	vst v49;
	v49 =	vld [tilespmem:s23+$0xE6A0]  }
0x1bf: {  	v31 =	vadd.f32 v31, v33;
	[tilespmem:$0x1FDE0] =	vst v52;
	s10 =	spop (v2sf);
	v52 =	vld [tilespmem:s23+$0xE6B0]  }
0x1c0: {  	v29 =	vadd.f32 v36, v29;
	v28 =	vadd.f32 v32, v28;
	v55 =	vld [tilespmem:s10+$0xE710];
	[tilespmem:$0x1FE30] =	vst v42  }
0x1c1: {  	v25 =	vadd.f32 v26, v25;
	v22 =	vadd.f32 v22, v31;
	s11 =	spop (v2sf);
	[tilespmem:$0x1FE50] =	vst v46;
	v46 =	vld [tilespmem:s10+$0xE730]  }
0x1c2: {  	v29 =	vadd.f32 v34, v29;
	v26 =	vadd.f32 v27, v28;
	[tilespmem:$0x1FE40] =	vst v45;
	v42 =	vld [tilespmem:s11+$0xE780]  }
0x1c3: {  	v20 =	vadd.f32 v20, v25;
	v19 =	vadd.f32 v19, v22;
	v45 =	vld [tilespmem:s11+$0xE790];
	[tilespmem:$0x1FE60] =	vst v47  }
0x1c4: {  	v29 =	vadd.f32 v30, v29;
	v22 =	vadd.f32 v23, v26;
	[tilespmem:$0x1FE70] =	vst v49;
	v47 =	vld [tilespmem:s10+$0xE700]  }
0x1c5: {  	v11 =	vadd.f32 v11, v19;
	v19 =	vadd.f32 v21, v20;
	[tilespmem:$0x1FE80] =	vst v52;
	v49 =	vld [tilespmem:s11+$0xE7A0]  }
0x1c6: {  	v37 =	vshrl.u32 @!p0 v37, $0x1;
	v13 =	vadd.f32 v13, v22;
	v52 =	vld [tilespmem:s11+$0xE7B0];
	[tilespmem:$0x1FE90] =	vst v55  }
0x1c7: {  	v24 =	vadd.f32 v24, v29;
	v10 =	vadd.f32 v10, v19;
	v55 =	vld [tilespmem:s10+$0xE720];
	[tilespmem:$0x8080] =	vst @!p0 v37  }
0x1c8: {  	v11 =	vadd.f32 v43, v11;
	v13 =	vadd.f32 v18, v13;
	v37 =	vld @!p0 [tilespmem:s29+$0x290]  }
0x1c9: {  	v16 =	vadd.f32 v16, v24;
	v9 =	vadd.f32 v9, v10  }
0x1ca: {  	v4 =	vadd.f32 v4, v11;
	v7 =	vadd.f32 v7, v13  }
0x1cb: {  	v16 =	vadd.f32 v17, v16;
	v5 =	vadd.f32 v5, v9  }
0x1cc: {  	v4 =	vadd.f32 v12, v4;
	v7 =	vadd.f32 v14, v7  }
0x1cd: {  	v8 =	vadd.f32 v8, v16;
	v5 =	vadd.f32 v15, v5;
	v30 =	vshrl.u32 @!p0 v37, $0x1  }
0x1ce: {  	v3 =	vadd.f32 v3, v4;
	v4 =	vadd.f32 v51, v7;
	v7 =	vld [tilespmem:$0x1FD60];
	[tilespmem:$0x8090] =	vst @!p0 v30  }
0x1cf: {  	v8 =	vadd.f32 v41, v8;
	v2 =	vadd.f32 v2, v5;
	v27 =	vld @!p0 [tilespmem:s29+$0x2A0]  }
0x1d0: {  	v0 =	vadd.f32 v0, v3;
	v3 =	vadd.f32 v6, v4;
	v4 =	vld [tilespmem:$0x1FD70]  }
0x1d1: {  	v8 =	vadd.f32 v50, v8  }
0x1d2: {  	v1 =	vadd.f32 v1, v2;
	v2 =	vld [tilespmem:$0x1FD80]  }
0x1d3: {  	v7 =	vadd.f32 v7, v8  }
0x1d4: {  	v17 =	vshrl.u32 @!p0 v27, $0x1  }
0x1d5: {  	v4 =	vadd.f32 v4, v7;
	[tilespmem:$0x80A0] =	vst @!p0 v17  }
0x1d6: {  	v10 =	vld @!p0 [tilespmem:s29+$0x2B0]  }
0x1d7: {  	v2 =	vadd.f32 v2, v3;
	v3 =	vadd.f32 v53, v4;
	v4 =	vld [tilespmem:$0x1FD90];
	_ =	sdelay $0x3  }
0x1d8: {  	v8 =	vshrl.u32 @!p0 v10, $0x1  }
0x1d9: {  	v3 =	vadd.f32 v4, v3;
	v4 =	vld [tilespmem:$0x1FDA0];
	[tilespmem:$0x80B0] =	vst @!p0 v8  }
0x1da: {  	v5 =	vld @!p0 [tilespmem:s29+$0x2C0];
	_ =	sdelay $0x2  }
0x1db: {  	v1 =	vadd.f32 v39, v1;
	_ =	sdelay $0x1  }
0x1dc: {  	v1 =	vadd.f32 v4, v1;
	v4 =	vshrl.u32 @!p0 v5, $0x1;
	v5 =	vld [tilespmem:$0x1FDB0];
	_ =	sdelay $0x4  }
0x1dd: {  	v3 =	vadd.f32 v5, v3;
	v5 =	vld [tilespmem:$0x1FDD0];
	_ =	sdelay $0x2  }
0x1de: {  	[tilespmem:$0x80C0] =	vst @!p0 v4;
	v4 =	vld [tilespmem:$0x1FDC0];
	_ =	sdelay $0x1  }
0x1df: {  	v3 =	vadd.f32 v5, v3;
	v5 =	vld [tilespmem:$0x1FDE0];
	_ =	sdelay $0x2  }
0x1e0: {  	v1 =	vadd.f32 v4, v1;
	_ =	sdelay $0x1  }
0x1e1: {  	v0 =	vadd.f32 v54, v0;
	v1 =	vadd.f32 v5, v1;
	v5 =	vld [tilespmem:$0x1FDF0];
	_ =	sdelay $0x1  }
0x1e2: {  	v0 =	vadd.f32 v56, v0;
	_ =	sdelay $0x1  }
0x1e3: {  	v0 =	vadd.f32 v58, v0  }
0x1e4: {  	v1 =	vadd.f32 v5, v1;
	v5 =	vld [tilespmem:$0x1FE00]  }
0x1e5: {  	v0 =	vadd.f32 v60, v0  }
0x1e6: {  	v2 =	vadd.f32 v57, v2  }
0x1e7: {  	v0 =	vadd.f32 v62, v0  }
0x1e8: {  	v2 =	vadd.f32 v59, v2  }
0x1e9: {  	v0 =	vadd.f32 v5, v0;
	v5 =	vld [tilespmem:$0x1FE10]  }
0x1ea: {  	v2 =	vadd.f32 v61, v2;
	_ =	sdelay $0x1  }
0x1eb: {  	v2 =	vadd.f32 v63, v2;
	_ =	sdelay $0x1  }
0x1ec: {  	v2 =	vadd.f32 v5, v2;
	v5 =	vld [tilespmem:$0x1FE20];
	_ =	sdelay $0x4  }
0x1ed: {  	v1 =	vadd.f32 v5, v1;
	v5 =	vld [tilespmem:$0x1FE30];
	_ =	sdelay $0x4  }
0x1ee: {  	v0 =	vadd.f32 v5, v0;
	v5 =	vld [tilespmem:$0x1FE50];
	_ =	sdelay $0x1  }
0x1ef: {  	v4 =	vld @!p0 [tilespmem:s29+$0x2D0];
	_ =	sdelay $0x2  }
0x1f0: {  	v1 =	vadd.f32 v5, v1;
	v5 =	vld [tilespmem:$0x1FE60];
	_ =	sdelay $0x1  }
0x1f1: {  	v4 =	vshrl.u32 @!p0 v4, $0x1  }
0x1f2: {  	[tilespmem:$0x80D0] =	vst @!p0 v4;
	v4 =	vld [tilespmem:$0x1FE40];
	_ =	sdelay $0x1  }
0x1f3: {  	v0 =	vadd.f32 v5, v0;
	v5 =	vld [tilespmem:$0x1FE70];
	_ =	sdelay $0x2  }
0x1f4: {  	v2 =	vadd.f32 v4, v2;
	_ =	sdelay $0x1  }
0x1f5: {  	v2 =	vadd.f32 v5, v2;
	v5 =	vld [tilespmem:$0x1FE80];
	_ =	sdelay $0x2  }
0x1f6: {  	v3 =	vadd.f32 v40, v3;
	v4 =	vld @!p0 [tilespmem:s29+$0x2D4];
	_ =	sdelay $0x1  }
0x1f7: {  	v3 =	vadd.f32 v44, v3;
	v1 =	vadd.f32 v5, v1;
	v5 =	vld [tilespmem:$0x1FE90];
	_ =	sdelay $0x1  }
0x1f8: {  	v3 =	vadd.f32 v48, v3  }
0x1f9: {  	[tilespmem:$0x1FEA0] =	vst v52;
	v4 =	vshrl.u32 @!p0 v4, $0x1  }
0x1fa: {  	v3 =	vadd.f32 v47, v3;
	[tilespmem:$0x80D4] =	vst @!p0 v4;
	v4 =	vld [tilespmem:$0x1FEA0]  }
0x1fb: {  	v0 =	vadd.f32 v5, v0  }
0x1fc: {  	v3 =	vadd.f32 v42, v3;
	v2 =	vadd.f32 v55, v2  }
0x1fd: {  	v1 =	vadd.f32 v46, v1;
	v0 =	vadd.f32 v45, v0  }
0x1fe: {  	s1 =	simm.s32 @!p0 $0x64;
	s2 =	simm.s32 @!p0 $0x8080;
	s10 =	simm.s32 @!p0 $0xB600;
	v3 =	vmul.f32 $4.999999890e-03, v3;
	v2 =	vadd.f32 v49, v2  }
0x1ff: {  	[tilespmem:s10], [sflag:$0x2] =	stream.indirect.gather @!p0 [hbm4b:s3+s1], $0x80, s2, s1, $0xb8;
	v1 =	vadd.f32 v4, v1;
	v0 =	vmul.f32 $4.999999890e-03, v0;
	[tilespmem:$0x1D200] =	vst v63  }
0x200: {  	[tilespmem:s0+$0x15200] =	vst v3;
	v2 =	vmul.f32 $4.999999890e-03, v2  }
0x201: {  	[tilespmem:s0+$0x15210] =	vst v0;
	v0 =	vmul.f32 $4.999999890e-03, v1  }
0x202: {  	[tilespmem:s0+$0x15220] =	vst v2  }
0x203: {  	[tilespmem:s0+$0x15230] =	vst v0  }
0x204: {  	_ =	swait.ge [sflag:s19], $0x3200  }
0x205: {  	[sflag:s19] =	ssyncset.done $0x0  }
0x206: {  	[sflag:s19] =	ssyncadd.s32 $0xFFFFCE00  }
0x207: {  	v0 =	vld [tilespmem:s24+$0x0];
	_ =	sdelay $0x4  }
0x208: {  	v0 =	vshll.u32 v0, $0x6  }
0x209: {  	s12 =	simm.s32 $0x0;
	v0 =	vand.u32 $0x40, v0  }
0x20a: {  	v15 =	vadd.s32 s12, v0  }
0x20b: {  	(v2sf) =	vpush v15, $0xF  }
0x20c: {  	(v2sf) =	vpush v15, $0x9;
	_ =	sdelay $0x2  }
0x20d: {  	(v2sf) =	vpush v15, $0x6;
	_ =	sdelay $0x3  }
0x20e: {  	(v2sf) =	vpush v15, $0x8;
	_ =	sdelay $0x1  }
0x20f: {  	(v2sf) =	vpush v15, $0x4;
	_ =	sdelay $0x3  }
0x210: {  	(v2sf) =	vpush v15, $0x1  }
0x211: {  	s31 =	spop (v2sf)  }
0x212: {  	s11 =	spop (v2sf)  }
0x213: {  	v1 =	vld [tilespmem:s11+$0xEEB0]  }
0x214: {  	(v2sf) =	vpush v15, $0x3;
	v0 =	vld [tilespmem:s11+$0xEE90]  }
0x215: {  	s13 =	spop (v2sf);
	v6 =	vld [tilespmem:s11+$0xEEA0]  }
0x216: {  	v4 =	vld [tilespmem:s13+$0xED10]  }
0x217: {  	(v2sf) =	vpush v15, $0x2;
	v5 =	vld [tilespmem:s13+$0xED30]  }
0x218: {  	(v2sf) =	vpush v15, $0x5;
	v8 =	vld [tilespmem:s13+$0xED00]  }
0x219: {  	(v2sf) =	vpush v15, $0x0;
	s10 =	spop (v2sf);
	v7 =	vld [tilespmem:s13+$0xED20]  }
0x21a: {  	(v2sf) =	vpush v15, $0x7;
	v2 =	vld [tilespmem:s10+$0xEE30]  }
0x21b: {  	v3 =	vld [tilespmem:s10+$0xEE10];
	s14 =	spop (v2sf)  }
0x21c: {  	v11 =	vld [tilespmem:s14+$0xEC10]  }
0x21d: {  	v13 =	vld [tilespmem:s14+$0xEC20]  }
0x21e: {  	v16 =	vld [tilespmem:s14+$0xEC00]  }
0x21f: {  	s15 =	spop (v2sf);
	v10 =	vld [tilespmem:s14+$0xEC30]  }
0x220: {  	v31 =	vld [tilespmem:s15+$0xEA90]  }
0x221: {  	v26 =	vld [tilespmem:s15+$0xEAB0]  }
0x222: {  	v32 =	vld [tilespmem:s15+$0xEAA0]  }
0x223: {  	s21 =	spop (v2sf);
	v34 =	vld [tilespmem:s15+$0xEA80]  }
0x224: {  	v19 =	vld [tilespmem:s21+$0xEB90]  }
0x225: {  	(v2sf) =	vpush v15, $0xA;
	v23 =	vld [tilespmem:s21+$0xEBA0]  }
0x226: {  	s23 =	spop (v2sf);
	v24 =	vld [tilespmem:s21+$0xEB80]  }
0x227: {  	v21 =	vld [tilespmem:s21+$0xEBB0];
	s13 =	spop (v2sf)  }
0x228: {  	v22 =	vld [tilespmem:s23+$0xEB10];
	s14 =	spop (v2sf)  }
0x229: {  	v20 =	vld [tilespmem:s23+$0xEB30];
	s16 =	spop (v2sf);
	(v2sf) =	vpush v15, $0xB  }
0x22a: {  	v27 =	vld [tilespmem:s23+$0xEB20]  }
0x22b: {  	v30 =	vld [tilespmem:s23+$0xEB00];
	(v2sf) =	vpush v15, $0xC  }
0x22c: {  	v9 =	vld [tilespmem:s13+$0xECB0]  }
0x22d: {  	v17 =	vld [tilespmem:s13+$0xEC80]  }
0x22e: {  	v18 =	vld [tilespmem:s13+$0xECA0]  }
0x22f: {  	v25 =	vld [tilespmem:s14+$0xEA30];
	(v2sf) =	vpush v15, $0xE  }
0x230: {  	v35 =	vld [tilespmem:s14+$0xEA20]  }
0x231: {  	v36 =	vld [tilespmem:s14+$0xEA00];
	(v2sf) =	vpush v15, $0xD  }
0x232: {  	v14 =	vld [tilespmem:s16+$0xEDA0]  }
0x233: {  	v28 =	vimm.f32 $0.0e+00;
	s1 =	simm.s32 $0x2000;
	v12 =	vld [tilespmem:s16+$0xED90]  }
0x234: {  	v33 =	vimm.f32 $0.0e+00;
	v29 =	vimm.f32 $0.0e+00;
	s0 =	sor.u32 $0x2, s30;
	s23 =	smov.u32 s24;
	s12 =	spop (v2sf);
	v15 =	vld [tilespmem:s16+$0xEDB0];
	v25 =	vadd.f32 v25, v28  }
.LBB2_7:
0x235: {  	p1 =	sne.s32 s1, $0xA000  }
0x236: {  	v37 =	vld [tilespmem:s12+$0xEF20];
	s23 =	sadd.s32 $0x10, s23;
	s2 =	smov.u32 s1;
	s1 =	sadd.s32 $0x2000, s1  }
0x237: {  	v38 =	vld [tilespmem:s14+$0xEA10]  }
0x238: {  	v35 =	vadd.f32 v35, v28;
	v39 =	vld [tilespmem:s16+$0xED80];
	s15 =	spop (v2sf)  }
0x239: {  	v29 =	vadd.f32 v36, v29;
	v28 =	vld [tilespmem:s15+$0xEFB0]  }
0x23a: {  	v35 =	vadd.f32 v32, v35;
	v36 =	vld [tilespmem:s11+$0xEE80];
	s14 =	spop (v2sf)  }
0x23b: {  	v29 =	vadd.f32 v34, v29;
	v32 =	vld [tilespmem:s14+$0xF030]  }
0x23c: {  	v34 =	vld [tilespmem:s23+$0x0];
	v33 =	vadd.f32 v38, v33;
	v27 =	vadd.f32 v27, v35  }
0x23d: {  	v29 =	vadd.f32 v30, v29;
	v30 =	vld [tilespmem:s13+$0xEC90]  }
0x23e: {  	v31 =	vadd.f32 v31, v33;
	v33 =	vld [tilespmem:s12+$0xEF00];
	s11 =	spop (v2sf)  }
0x23f: {  	v23 =	vadd.f32 v23, v27;
	v24 =	vadd.f32 v24, v29;
	v27 =	vld [tilespmem:s11+$0xF100]  }
0x240: {  	v29 =	vadd.f32 v22, v31;
	v22 =	vld [tilespmem:s31+$0xF1B0];
	s13 =	spop (v2sf)  }
0x241: {  	v13 =	vadd.f32 v13, v23;
	v31 =	vshll.u32 v34, $0x6;
	v16 =	vadd.f32 v16, v24;
	v23 =	vld [tilespmem:s13+$0xF080]  }
0x242: {  	v26 =	vadd.f32 v26, v25;
	s2 =	sshra.s32 s2, $0x2;
	v24 =	vand.u32 $0x40, v31;
	v29 =	vadd.f32 v19, v29;
	v19 =	vld [tilespmem:s11+$0xF130]  }
0x243: {  	v13 =	vadd.f32 v18, v13;
	v25 =	vadd.s32 s2, v24;
	v16 =	vadd.f32 v17, v16;
	v17 =	vld [tilespmem:s10+$0xEE00]  }
0x244: {  	v18 =	vadd.f32 v20, v26;
	(v2sf) =	vpush v25, $0xF;
	v20 =	vld [tilespmem:s10+$0xEE20]  }
0x245: {  	v11 =	vadd.f32 v11, v29;
	(v2sf) =	vpush v25, $0x9;
	v24 =	vld [tilespmem:s14+$0xF000]  }
0x246: {  	v18 =	vadd.f32 v21, v18;
	(v2sf) =	vpush v25, $0x6;
	v21 =	vld [tilespmem:s15+$0xEF80]  }
0x247: {  	v8 =	vadd.f32 v8, v16;
	(v2sf) =	vpush v25, $0x8;
	v16 =	vld [tilespmem:s12+$0xEF10]  }
0x248: {  	v7 =	vadd.f32 v7, v13;
	(v2sf) =	vpush v25, $0x4;
	v13 =	vld [tilespmem:s13+$0xF0B0]  }
0x249: {  	v8 =	vadd.f32 v39, v8;
	(v2sf) =	vpush v25, $0x1;
	v26 =	vld [tilespmem:s15+$0xEF90]  }
0x24a: {  	v11 =	vadd.f32 v30, v11;
	(v2sf) =	vpush v25, $0x3;
	v29 =	vld [tilespmem:s15+$0xEFA0]  }
0x24b: {  	v7 =	vadd.f32 v14, v7;
	(v2sf) =	vpush v25, $0x2;
	v14 =	vld [tilespmem:s14+$0xF010]  }
0x24c: {  	v10 =	vadd.f32 v10, v18;
	v8 =	vadd.f32 v17, v8;
	v17 =	vld [tilespmem:s14+$0xF020]  }
0x24d: {  	v7 =	vadd.f32 v20, v7;
	(v2sf) =	vpush v25, $0x5;
	v18 =	vld [tilespmem:s13+$0xF090]  }
0x24e: {  	v9 =	vadd.f32 v9, v10;
	(v2sf) =	vpush v25, $0x0;
	v10 =	vld [tilespmem:s13+$0xF0A0]  }
0x24f: {  	v8 =	vadd.f32 v36, v8;
	v6 =	vadd.f32 v6, v7;
	v20 =	vld [tilespmem:s11+$0xF110]  }
0x250: {  	v4 =	vadd.f32 v4, v11;
	v5 =	vadd.f32 v5, v9;
	v7 =	vld [tilespmem:s11+$0xF120]  }
0x251: {  	v8 =	vadd.f32 v33, v8;
	v6 =	vadd.f32 v37, v6;
	v30 =	vld [tilespmem:s31+$0xF190]  }
0x252: {  	v4 =	vadd.f32 v12, v4;
	v5 =	vadd.f32 v15, v5;
	v9 =	vld [tilespmem:s31+$0xF1A0]  }
0x253: {  	v8 =	vadd.f32 v21, v8;
	v6 =	vadd.f32 v29, v6;
	s2 =	spop (v2sf);
	v11 =	vld [tilespmem:s12+$0xEF30]  }
0x254: {  	v3 =	vadd.f32 v3, v4;
	v2 =	vadd.f32 v2, v5;
	s11 =	spop (v2sf);
	v12 =	vld [tilespmem:s31+$0xF180];
	s31 =	smov.u32 s2  }
0x255: {  	v5 =	vadd.f32 v24, v8;
	v6 =	vadd.f32 v17, v6;
	v15 =	vld [tilespmem:s11+$0xEEB0];
	s2 =	spop (v2sf)  }
0x256: {  	v3 =	vadd.f32 v0, v3;
	v1 =	vadd.f32 v1, v2;
	s10 =	spop (v2sf);
	v0 =	vld [tilespmem:s11+$0xEE90]  }
0x257: {  	v8 =	vadd.f32 v23, v5;
	v6 =	vadd.f32 v10, v6;
	v4 =	vld [tilespmem:s2+$0xED10];
	s12 =	spop (v2sf)  }
0x258: {  	v10 =	vadd.f32 v16, v3;
	v5 =	vld [tilespmem:s2+$0xED30];
	s15 =	spop (v2sf);
	v17 =	vadd.f32 v11, v1  }
0x259: {  	v6 =	vadd.f32 v7, v6;
	v11 =	vadd.f32 v27, v8;
	v2 =	vld [tilespmem:s10+$0xEE30];
	s16 =	spop (v2sf)  }
0x25a: {  	v10 =	vadd.f32 v26, v10;
	v3 =	vld [tilespmem:s10+$0xEE10];
	s21 =	spop (v2sf);
	v16 =	vadd.f32 v28, v17;
	v1 =	vmov v15  }
0x25b: {  	v29 =	vadd.f32 v12, v11;
	v28 =	vadd.f32 v9, v6;
	v8 =	vld [tilespmem:s2+$0xED00]  }
0x25c: {  	v9 =	vadd.f32 v14, v10;
	v7 =	vld [tilespmem:s2+$0xED20];
	s13 =	spop (v2sf);
	v10 =	vadd.f32 v32, v16  }
0x25d: {  	v11 =	vld [tilespmem:s12+$0xEC10];
	s14 =	spop (v2sf);
	(v2sf) =	vpush v25, $0x7  }
0x25e: {  	v9 =	vadd.f32 v18, v9;
	v6 =	vld [tilespmem:s11+$0xEEA0];
	v10 =	vadd.f32 v13, v10  }
0x25f: {  	v13 =	vld [tilespmem:s12+$0xEC20]  }
0x260: {  	v12 =	vadd.f32 v20, v9;
	v16 =	vld [tilespmem:s12+$0xEC00];
	v14 =	vadd.f32 v19, v10  }
0x261: {  	v9 =	vld [tilespmem:s13+$0xECB0]  }
0x262: {  	v33 =	vadd.f32 v30, v12;
	v10 =	vld [tilespmem:s12+$0xEC30];
	v15 =	vadd.f32 v22, v14  }
0x263: {  	v19 =	vld [tilespmem:s16+$0xEB90];
	(v2sf) =	vpush v25, $0xA  }
0x264: {  	v17 =	vld [tilespmem:s13+$0xEC80]  }
0x265: {  	v22 =	vld [tilespmem:s21+$0xEB10]  }
0x266: {  	v18 =	vld [tilespmem:s13+$0xECA0]  }
0x267: {  	v23 =	vld [tilespmem:s16+$0xEBA0]  }
0x268: {  	v20 =	vld [tilespmem:s21+$0xEB30]  }
0x269: {  	v27 =	vld [tilespmem:s21+$0xEB20]  }
0x26a: {  	v24 =	vld [tilespmem:s16+$0xEB80];
	(v2sf) =	vpush v25, $0xB  }
0x26b: {  	v30 =	vld [tilespmem:s21+$0xEB00]  }
0x26c: {  	v21 =	vld [tilespmem:s16+$0xEBB0];
	s16 =	spop (v2sf);
	(v2sf) =	vpush v25, $0xC  }
0x26d: {  	v31 =	vld [tilespmem:s15+$0xEA90]  }
0x26e: {  	v26 =	vld [tilespmem:s15+$0xEAB0]  }
0x26f: {  	v14 =	vld [tilespmem:s16+$0xEDA0]  }
0x270: {  	v37 =	vld [tilespmem:s14+$0xEA30];
	(v2sf) =	vpush v25, $0xE  }
0x271: {  	v32 =	vld [tilespmem:s15+$0xEAA0]  }
.Ltmp2:
0x272: {  	v12 =	vld [tilespmem:s16+$0xED90];
	s12 =	spop (v2sf);
	(v2sf) =	vpush v25, $0xD;
	(pc) =	sbr.rel @p1 .LBB2_7-.Ltmp2, $4  }
0x273: {  	v34 =	vld [tilespmem:s15+$0xEA80]  }
0x274: {  	v35 =	vld [tilespmem:s14+$0xEA20]  }
0x275: {  	v36 =	vld [tilespmem:s14+$0xEA00];
	v25 =	vadd.f32 v37, v15  }
0x276: {  	v15 =	vld [tilespmem:s16+$0xEDB0]  }
0x277: {  	v37 =	vld [tilespmem:s12+$0xEF20]  }
0x278: {  	v38 =	vld [tilespmem:s14+$0xEA10]  }
0x279: {  	v41 =	vld [tilespmem:s16+$0xED80]  }
0x27a: {  	v63 =	vld [tilespmem:s11+$0xEE80]  }
0x27b: {  	v43 =	vld [tilespmem:s13+$0xEC90]  }
0x27c: {  	v42 =	vld [tilespmem:s12+$0xEF00]  }
0x27d: {  	v46 =	vld [tilespmem:s31+$0xF1B0]  }
0x27e: {  	v50 =	vld [tilespmem:s10+$0xEE00]  }
0x27f: {  	s0 =	sshll.u32 s0, $0x7;
	v51 =	vld [tilespmem:s10+$0xEE20]  }
0x280: {  	v45 =	vld [tilespmem:s0+$0x54]  }
0x281: {  	v54 =	vld [tilespmem:s12+$0xEF10]  }
0x282: {  	v55 =	vld [tilespmem:s31+$0xF190]  }
0x283: {  	v39 =	vld [tilespmem:s12+$0xEF30];
	s1 =	spop (v2sf)  }
0x284: {  	v62 =	vld [tilespmem:s1+$0xEFB0]  }
0x285: {  	v53 =	vld [tilespmem:s1+$0xEF80];
	v45 =	vshll.u32 v45, $0x6  }
0x286: {  	v56 =	vld [tilespmem:s1+$0xEF90];
	v45 =	vand.u32 $0x40, v45  }
0x287: {  	v57 =	vld [tilespmem:s1+$0xEFA0];
	s2 =	spop (v2sf);
	(v2sf) =	vpush v45, $0xC  }
0x288: {  	v40 =	vld [tilespmem:s2+$0xF030]  }
0x289: {  	v49 =	vld [tilespmem:s2+$0xF000]  }
0x28a: {  	v58 =	vld [tilespmem:s2+$0xF010]  }
0x28b: {  	v59 =	vld [tilespmem:s2+$0xF020];
	(v2sf) =	vpush v45, $0xD  }
0x28c: {  	[tilespmem:$0x1FC30] =	vst v37;
	v37 =	vld @!p0 [tilespmem:s29+$0x300];
	s21 =	spop (v2sf)  }
0x28d: {  	v44 =	vld [tilespmem:s21+$0xF100]  }
0x28e: {  	v48 =	vld [tilespmem:s21+$0xF130]  }
0x28f: {  	[tilespmem:$0x1FC50] =	vst v62;
	v62 =	vld [tilespmem:s21+$0xF110];
	(v2sf) =	vpush v45, $0xE  }
0x290: {  	[tilespmem:$0x1FC10] =	vst v63;
	v63 =	vld [tilespmem:s21+$0xF120]  }
0x291: {  	[tilespmem:$0x1FC70] =	vst v40;
	s23 =	spop (v2sf);
	v40 =	vld [tilespmem:s31+$0xF1A0];
	(v2sf) =	vpush v45, $0xF  }
0x292: {  	v47 =	vld [tilespmem:s23+$0xF080]  }
0x293: {  	v52 =	vld [tilespmem:s23+$0xF0B0]  }
0x294: {  	v60 =	vld [tilespmem:s23+$0xF090]  }
0x295: {  	v61 =	vld [tilespmem:s23+$0xF0A0]  }
0x296: {  	[tilespmem:$0x1FCC0] =	vst v40;
	v40 =	vld [tilespmem:s31+$0xF180];
	s2 =	spop (v2sf)  }
0x297: {  	[tilespmem:$0x1FC80] =	vst v44;
	v44 =	vld [tilespmem:s2+$0x11A00]  }
0x298: {  	[tilespmem:$0x1FC20] =	vst v42;
	v42 =	vld [tilespmem:s2+$0x11A10]  }
0x299: {  	[tilespmem:$0x1FCD0] =	vst v46;
	v45 =	vld [tilespmem:s2+$0x11A20]  }
0x29a: {  	[tilespmem:$0x1FCB0] =	vst v55;
	s10 =	spop (v2sf);
	v46 =	vld [tilespmem:s2+$0x11A30]  }
0x29b: {  	[tilespmem:$0x1FCA0] =	vst v48;
	v48 =	vld [tilespmem:s10+$0x11A80]  }
0x29c: {  	v33 =	vadd.f32 v38, v33;
	[tilespmem:$0x1FC60] =	vst v47;
	v47 =	vld [tilespmem:s10+$0x11A90]  }
0x29d: {  	v28 =	vadd.f32 v35, v28;
	[tilespmem:$0x1FC40] =	vst v49;
	v49 =	vld [tilespmem:s10+$0x11AA0]  }
0x29e: {  	v31 =	vadd.f32 v31, v33;
	[tilespmem:$0x1FC90] =	vst v52;
	s11 =	spop (v2sf);
	v52 =	vld [tilespmem:s10+$0x11AB0]  }
0x29f: {  	v29 =	vadd.f32 v36, v29;
	v28 =	vadd.f32 v32, v28;
	v55 =	vld [tilespmem:s11+$0x11B10];
	[tilespmem:$0x1FCE0] =	vst v42  }
0x2a0: {  	v25 =	vadd.f32 v26, v25;
	v22 =	vadd.f32 v22, v31;
	s12 =	spop (v2sf);
	[tilespmem:$0x1FD00] =	vst v46;
	v46 =	vld [tilespmem:s11+$0x11B30]  }
0x2a1: {  	v29 =	vadd.f32 v34, v29;
	v26 =	vadd.f32 v27, v28;
	[tilespmem:$0x1FCF0] =	vst v45;
	v42 =	vld [tilespmem:s12+$0x11B80]  }
0x2a2: {  	v20 =	vadd.f32 v20, v25;
	v19 =	vadd.f32 v19, v22;
	v45 =	vld [tilespmem:s12+$0x11B90];
	[tilespmem:$0x1FD10] =	vst v47  }
0x2a3: {  	v29 =	vadd.f32 v30, v29;
	v22 =	vadd.f32 v23, v26;
	[tilespmem:$0x1FD20] =	vst v49;
	v47 =	vld [tilespmem:s11+$0x11B00]  }
0x2a4: {  	v11 =	vadd.f32 v11, v19;
	v19 =	vadd.f32 v21, v20;
	[tilespmem:$0x1FD30] =	vst v52;
	v49 =	vld [tilespmem:s12+$0x11BA0]  }
0x2a5: {  	v37 =	vshrl.u32 @!p0 v37, $0x1;
	v13 =	vadd.f32 v13, v22;
	v52 =	vld [tilespmem:s12+$0x11BB0];
	[tilespmem:$0x1FD40] =	vst v55  }
0x2a6: {  	v24 =	vadd.f32 v24, v29;
	v10 =	vadd.f32 v10, v19;
	v55 =	vld [tilespmem:s11+$0x11B20];
	[tilespmem:$0x8100] =	vst @!p0 v37  }
0x2a7: {  	v11 =	vadd.f32 v43, v11;
	v13 =	vadd.f32 v18, v13;
	v37 =	vld @!p0 [tilespmem:s29+$0x310]  }
0x2a8: {  	v16 =	vadd.f32 v16, v24;
	v9 =	vadd.f32 v9, v10  }
0x2a9: {  	v4 =	vadd.f32 v4, v11;
	v7 =	vadd.f32 v7, v13  }
0x2aa: {  	v16 =	vadd.f32 v17, v16;
	v5 =	vadd.f32 v5, v9  }
0x2ab: {  	v4 =	vadd.f32 v12, v4;
	v7 =	vadd.f32 v14, v7  }
0x2ac: {  	v8 =	vadd.f32 v8, v16;
	v5 =	vadd.f32 v15, v5;
	v30 =	vshrl.u32 @!p0 v37, $0x1  }
0x2ad: {  	v3 =	vadd.f32 v3, v4;
	v4 =	vadd.f32 v51, v7;
	v7 =	vld [tilespmem:$0x1FC10];
	[tilespmem:$0x8110] =	vst @!p0 v30  }
0x2ae: {  	v8 =	vadd.f32 v41, v8;
	v2 =	vadd.f32 v2, v5;
	v27 =	vld @!p0 [tilespmem:s29+$0x320]  }
0x2af: {  	v0 =	vadd.f32 v0, v3;
	v3 =	vadd.f32 v6, v4;
	v4 =	vld [tilespmem:$0x1FC20]  }
0x2b0: {  	v8 =	vadd.f32 v50, v8  }
0x2b1: {  	v1 =	vadd.f32 v1, v2;
	v2 =	vld [tilespmem:$0x1FC30]  }
0x2b2: {  	v7 =	vadd.f32 v7, v8  }
0x2b3: {  	v17 =	vshrl.u32 @!p0 v27, $0x1  }
0x2b4: {  	v4 =	vadd.f32 v4, v7;
	[tilespmem:$0x8120] =	vst @!p0 v17  }
0x2b5: {  	v10 =	vld @!p0 [tilespmem:s29+$0x330]  }
0x2b6: {  	v2 =	vadd.f32 v2, v3;
	v3 =	vadd.f32 v53, v4;
	v4 =	vld [tilespmem:$0x1FC40];
	_ =	sdelay $0x3  }
0x2b7: {  	v8 =	vshrl.u32 @!p0 v10, $0x1  }
0x2b8: {  	v3 =	vadd.f32 v4, v3;
	v4 =	vld [tilespmem:$0x1FC50];
	[tilespmem:$0x8130] =	vst @!p0 v8  }
0x2b9: {  	v5 =	vld @!p0 [tilespmem:s29+$0x340];
	_ =	sdelay $0x2  }
0x2ba: {  	v1 =	vadd.f32 v39, v1;
	_ =	sdelay $0x1  }
0x2bb: {  	v1 =	vadd.f32 v4, v1;
	v4 =	vshrl.u32 @!p0 v5, $0x1;
	v5 =	vld [tilespmem:$0x1FC60];
	_ =	sdelay $0x4  }
0x2bc: {  	v3 =	vadd.f32 v5, v3;
	v5 =	vld [tilespmem:$0x1FC80];
	_ =	sdelay $0x2  }
0x2bd: {  	[tilespmem:$0x8140] =	vst @!p0 v4;
	v4 =	vld [tilespmem:$0x1FC70];
	_ =	sdelay $0x1  }
0x2be: {  	v3 =	vadd.f32 v5, v3;
	v5 =	vld [tilespmem:$0x1FC90];
	_ =	sdelay $0x2  }
0x2bf: {  	v1 =	vadd.f32 v4, v1;
	_ =	sdelay $0x1  }
0x2c0: {  	v0 =	vadd.f32 v54, v0;
	v1 =	vadd.f32 v5, v1;
	v5 =	vld [tilespmem:$0x1FCA0];
	_ =	sdelay $0x1  }
0x2c1: {  	v0 =	vadd.f32 v56, v0;
	_ =	sdelay $0x1  }
0x2c2: {  	v0 =	vadd.f32 v58, v0  }
0x2c3: {  	v1 =	vadd.f32 v5, v1;
	v5 =	vld [tilespmem:$0x1FCB0]  }
0x2c4: {  	v0 =	vadd.f32 v60, v0  }
0x2c5: {  	v2 =	vadd.f32 v57, v2  }
0x2c6: {  	v0 =	vadd.f32 v62, v0  }
0x2c7: {  	v2 =	vadd.f32 v59, v2  }
0x2c8: {  	v0 =	vadd.f32 v5, v0;
	v5 =	vld [tilespmem:$0x1FCC0]  }
0x2c9: {  	v2 =	vadd.f32 v61, v2;
	_ =	sdelay $0x1  }
0x2ca: {  	v2 =	vadd.f32 v63, v2;
	_ =	sdelay $0x1  }
0x2cb: {  	v2 =	vadd.f32 v5, v2;
	v5 =	vld [tilespmem:$0x1FCD0];
	_ =	sdelay $0x4  }
0x2cc: {  	v1 =	vadd.f32 v5, v1;
	v5 =	vld [tilespmem:$0x1FCE0];
	_ =	sdelay $0x4  }
0x2cd: {  	v0 =	vadd.f32 v5, v0;
	v5 =	vld [tilespmem:$0x1FD00];
	_ =	sdelay $0x1  }
0x2ce: {  	v4 =	vld @!p0 [tilespmem:s29+$0x350];
	_ =	sdelay $0x2  }
0x2cf: {  	v1 =	vadd.f32 v5, v1;
	v5 =	vld [tilespmem:$0x1FD10];
	_ =	sdelay $0x1  }
0x2d0: {  	v4 =	vshrl.u32 @!p0 v4, $0x1  }
0x2d1: {  	[tilespmem:$0x8150] =	vst @!p0 v4;
	v4 =	vld [tilespmem:$0x1FCF0];
	_ =	sdelay $0x1  }
0x2d2: {  	v0 =	vadd.f32 v5, v0;
	v5 =	vld [tilespmem:$0x1FD20];
	_ =	sdelay $0x2  }
0x2d3: {  	v2 =	vadd.f32 v4, v2;
	_ =	sdelay $0x1  }
0x2d4: {  	v2 =	vadd.f32 v5, v2;
	v5 =	vld [tilespmem:$0x1FD30];
	_ =	sdelay $0x2  }
0x2d5: {  	v3 =	vadd.f32 v40, v3;
	v4 =	vld @!p0 [tilespmem:s29+$0x354];
	_ =	sdelay $0x1  }
0x2d6: {  	v3 =	vadd.f32 v44, v3;
	v1 =	vadd.f32 v5, v1;
	v5 =	vld [tilespmem:$0x1FD40];
	_ =	sdelay $0x1  }
0x2d7: {  	v3 =	vadd.f32 v48, v3  }
0x2d8: {  	[tilespmem:$0x1FD50] =	vst v52;
	v4 =	vshrl.u32 @!p0 v4, $0x1  }
0x2d9: {  	v3 =	vadd.f32 v47, v3;
	[tilespmem:$0x8154] =	vst @!p0 v4;
	v4 =	vld [tilespmem:$0x1FD50]  }
0x2da: {  	v0 =	vadd.f32 v5, v0  }
0x2db: {  	v3 =	vadd.f32 v42, v3;
	v2 =	vadd.f32 v55, v2  }
0x2dc: {  	v1 =	vadd.f32 v46, v1;
	v0 =	vadd.f32 v45, v0  }
0x2dd: {  	s1 =	simm.s32 @!p0 $0x64;
	s2 =	simm.s32 @!p0 $0x8100;
	s10 =	simm.s32 @!p0 $0xEA00;
	v3 =	vmul.f32 $4.999999890e-03, v3;
	v2 =	vadd.f32 v49, v2  }
0x2de: {  	[tilespmem:s10], [sflag:$0x3] =	stream.indirect.gather @!p0 [hbm4b:s3+s1], $0x80, s2, s1, $0xb8;
	v1 =	vadd.f32 v4, v1;
	v0 =	vmul.f32 $4.999999890e-03, v0;
	[tilespmem:$0x1D200] =	vst v63  }
0x2df: {  	[tilespmem:s0+$0x15200] =	vst v3;
	v2 =	vmul.f32 $4.999999890e-03, v2  }
0x2e0: {  	[tilespmem:s0+$0x15210] =	vst v0;
	v0 =	vmul.f32 $4.999999890e-03, v1  }
0x2e1: {  	[tilespmem:s0+$0x15220] =	vst v2  }
0x2e2: {  	[tilespmem:s0+$0x15230] =	vst v0  }
0x2e3: {  	_ =	swait.ge [sflag:s20], $0x3200  }
0x2e4: {  	[sflag:s20] =	ssyncset.done $0x0  }
0x2e5: {  	[sflag:s20] =	ssyncadd.s32 $0xFFFFCE00  }
0x2e6: {  	v0 =	vld [tilespmem:s25+$0x0];
	_ =	sdelay $0x4  }
0x2e7: {  	v0 =	vshll.u32 v0, $0x6  }
0x2e8: {  	s13 =	simm.s32 $0x0;
	v0 =	vand.u32 $0x40, v0  }
0x2e9: {  	v0 =	vadd.s32 s13, v0  }
0x2ea: {  	v17 =	vadd.s32 $0x11E00, v0  }
0x2eb: {  	(v2sf) =	vpush v17, $0xA  }
0x2ec: {  	(v2sf) =	vpush v17, $0xF  }
0x2ed: {  	(v2sf) =	vpush v17, $0x6;
	_ =	sdelay $0x2  }
0x2ee: {  	(v2sf) =	vpush v17, $0x1;
	_ =	sdelay $0x3  }
0x2ef: {  	(v2sf) =	vpush v17, $0x3;
	_ =	sdelay $0x3  }
0x2f0: {  	(v2sf) =	vpush v17, $0x2;
	_ =	sdelay $0x1  }
0x2f1: {  	s0 =	spop (v2sf)  }
0x2f2: {  	v1 =	vld [tilespmem:s0+$0x520];
	s31 =	spop (v2sf)  }
0x2f3: {  	(v2sf) =	vpush v17, $0x8;
	v0 =	vld [tilespmem:s31+$0x780];
	s11 =	spop (v2sf)  }
0x2f4: {  	v3 =	vld [tilespmem:s11+$0x310]  }
0x2f5: {  	(v2sf) =	vpush v17, $0x4;
	v4 =	vld [tilespmem:s11+$0x300]  }
0x2f6: {  	s1 =	spop (v2sf);
	v6 =	vld [tilespmem:s11+$0x330]  }
0x2f7: {  	v26 =	vld [tilespmem:s1+$0x90]  }
0x2f8: {  	(v2sf) =	vpush v17, $0x5;
	v25 =	vld [tilespmem:s1+$0xB0]  }
0x2f9: {  	(v2sf) =	vpush v17, $0x0;
	v29 =	vld [tilespmem:s1+$0xA0]  }
0x2fa: {  	(v2sf) =	vpush v17, $0x7;
	s14 =	spop (v2sf);
	v31 =	vld [tilespmem:s1+$0x80]  }
0x2fb: {  	v7 =	vld [tilespmem:s14+$0x190]  }
0x2fc: {  	v15 =	vld [tilespmem:s14+$0x1A0]  }
0x2fd: {  	v20 =	vld [tilespmem:s14+$0x180]  }
0x2fe: {  	s15 =	spop (v2sf);
	v28 =	vld [tilespmem:s14+$0x1B0]  }
0x2ff: {  	v19 =	vld [tilespmem:s15+$0x110]  }
0x300: {  	v21 =	vld [tilespmem:s15+$0x130]  }
0x301: {  	v18 =	vld [tilespmem:s15+$0x120]  }
0x302: {  	s10 =	spop (v2sf);
	v23 =	vld [tilespmem:s15+$0x100]  }
0x303: {  	v2 =	vld [tilespmem:s10+$0x420]  }
0x304: {  	(v2sf) =	vpush v17, $0x9;
	s16 =	spop (v2sf);
	v5 =	vld [tilespmem:s10+$0x430]  }
0x305: {  	v9 =	vld [tilespmem:s16+$0x200]  }
0x306: {  	v16 =	vld [tilespmem:s16+$0x230]  }
0x307: {  	s21 =	spop (v2sf);
	v13 =	vld [tilespmem:s16+$0x210]  }
0x308: {  	v12 =	vld [tilespmem:s16+$0x220];
	s23 =	spop (v2sf)  }
0x309: {  	v14 =	vld [tilespmem:s21+$0x2B0];
	s13 =	spop (v2sf);
	(v2sf) =	vpush v17, $0xB  }
0x30a: {  	v8 =	vld [tilespmem:s21+$0x290]  }
0x30b: {  	v22 =	vld [tilespmem:s23+$0x30]  }
0x30c: {  	v10 =	vld [tilespmem:s21+$0x2A0]  }
0x30d: {  	v32 =	vld [tilespmem:s23+$0x20];
	(v2sf) =	vpush v17, $0xC  }
0x30e: {  	v33 =	vld [tilespmem:s23+$0x0]  }
0x30f: {  	v24 =	vimm.f32 $0.0e+00;
	v34 =	vld [tilespmem:s23+$0x10]  }
0x310: {  	v11 =	vld [tilespmem:s13+$0x390];
	(v2sf) =	vpush v17, $0xD;
	v27 =	vadd.f32 v22, v24  }
0x311: {  	(v2sf) =	vpush v17, $0xE;
	v17 =	vld [tilespmem:s13+$0x3A0]  }
0x312: {  	v22 =	vld [tilespmem:s13+$0x3B0];
	v27 =	vadd.f32 v25, v27  }
0x313: {  	s14 =	spop (v2sf);
	v25 =	vld [tilespmem:s21+$0x280]  }
0x314: {  	s30 =	sor.u32 $0x3, s30;
	v30 =	vimm.f32 $0.0e+00;
	s1 =	simm.s32 $0x2000;
	s23 =	smov.u32 s25;
	v35 =	vadd.f32 v21, v27;
	v21 =	vld [tilespmem:s14+$0x4B0];
	v27 =	vimm.f32 $0.0e+00  }
.LBB2_9:
0x315: {  	p1 =	sne.s32 s1, $0xA000  }
0x316: {  	v28 =	vadd.f32 v28, v35;
	v35 =	vld [tilespmem:s14+$0x4A0];
	s23 =	sadd.s32 $0x10, s23;
	s2 =	smov.u32 s1;
	s1 =	sadd.s32 $0x2000, s1  }
0x317: {  	v24 =	vadd.f32 v33, v24;
	v33 =	vld [tilespmem:s0+$0x530]  }
0x318: {  	v30 =	vadd.f32 v34, v30;
	v16 =	vadd.f32 v16, v28;
	v28 =	vld [tilespmem:s13+$0x380];
	s12 =	spop (v2sf)  }
0x319: {  	v27 =	vadd.f32 v32, v27;
	v24 =	vadd.f32 v31, v24;
	v31 =	vld [tilespmem:s12+$0x5B0]  }
0x31a: {  	v26 =	vadd.f32 v26, v30;
	v14 =	vadd.f32 v14, v16;
	v16 =	vld [tilespmem:s14+$0x490]  }
0x31b: {  	v27 =	vadd.f32 v29, v27;
	v23 =	vadd.f32 v23, v24;
	v30 =	vld [tilespmem:s23+$0x0]  }
0x31c: {  	v19 =	vadd.f32 v19, v26;
	v6 =	vadd.f32 v6, v14;
	v14 =	vld [tilespmem:s14+$0x480];
	s13 =	spop (v2sf)  }
0x31d: {  	v18 =	vadd.f32 v18, v27;
	v20 =	vadd.f32 v20, v23;
	v23 =	vld [tilespmem:s13+$0x630]  }
0x31e: {  	v7 =	vadd.f32 v7, v19;
	v6 =	vadd.f32 v22, v6;
	v19 =	vld [tilespmem:s0+$0x500]  }
0x31f: {  	v15 =	vadd.f32 v15, v18;
	v9 =	vadd.f32 v9, v20;
	v18 =	vld [tilespmem:s31+$0x7B0]  }
0x320: {  	v7 =	vadd.f32 v13, v7;
	v20 =	vshll.u32 v30, $0x6;
	v13 =	vld [tilespmem:s11+$0x320];
	v5 =	vadd.f32 v5, v6;
	s14 =	spop (v2sf)  }
0x321: {  	s2 =	sshra.s32 s2, $0x2;
	v12 =	vadd.f32 v12, v15;
	v6 =	vand.u32 $0x40, v20;
	v15 =	vld [tilespmem:s14+$0x680];
	s11 =	spop (v2sf)  }
0x322: {  	v9 =	vadd.f32 v25, v9;
	v6 =	vadd.s32 s2, v6;
	v5 =	vadd.f32 v21, v5;
	v20 =	vld [tilespmem:s11+$0x730]  }
0x323: {  	v21 =	vadd.s32 $0x11E00, v6;
	v6 =	vadd.f32 v8, v7;
	v7 =	vadd.f32 v10, v12;
	v8 =	vld [tilespmem:s10+$0x400]  }
0x324: {  	v4 =	vadd.f32 v4, v9;
	(v2sf) =	vpush v21, $0xA;
	v9 =	vld [tilespmem:s10+$0x410]  }
0x325: {  	(v2sf) =	vpush v21, $0xF;
	v7 =	vadd.f32 v13, v7;
	v10 =	vld [tilespmem:s13+$0x600]  }
0x326: {  	v3 =	vadd.f32 v3, v6;
	(v2sf) =	vpush v21, $0x6;
	v6 =	vld [tilespmem:s12+$0x580]  }
0x327: {  	(v2sf) =	vpush v21, $0x1;
	v7 =	vadd.f32 v17, v7;
	v12 =	vld [tilespmem:s0+$0x510]  }
0x328: {  	v3 =	vadd.f32 v11, v3;
	(v2sf) =	vpush v21, $0x3;
	v11 =	vld [tilespmem:s14+$0x6B0]  }
0x329: {  	v5 =	vadd.f32 v33, v5;
	(v2sf) =	vpush v21, $0x2;
	v13 =	vld [tilespmem:s12+$0x590]  }
0x32a: {  	v4 =	vadd.f32 v28, v4;
	(v2sf) =	vpush v21, $0x8;
	v17 =	vld [tilespmem:s12+$0x5A0]  }
0x32b: {  	v5 =	vadd.f32 v31, v5;
	(v2sf) =	vpush v21, $0x4;
	v22 =	vld [tilespmem:s13+$0x610]  }
0x32c: {  	v2 =	vadd.f32 v2, v7;
	(v2sf) =	vpush v21, $0x5;
	v7 =	vld [tilespmem:s13+$0x620]  }
0x32d: {  	v5 =	vadd.f32 v23, v5;
	v23 =	vld [tilespmem:s14+$0x690]  }
0x32e: {  	v4 =	vadd.f32 v8, v4;
	(v2sf) =	vpush v21, $0x0;
	v8 =	vld [tilespmem:s14+$0x6A0]  }
0x32f: {  	v2 =	vadd.f32 v35, v2;
	v5 =	vadd.f32 v11, v5;
	v11 =	vld [tilespmem:s11+$0x710]  }
0x330: {  	v4 =	vadd.f32 v14, v4;
	v14 =	vld [tilespmem:s11+$0x720]  }
0x331: {  	v3 =	vadd.f32 v9, v3;
	v1 =	vadd.f32 v1, v2;
	v25 =	vld [tilespmem:s31+$0x790]  }
0x332: {  	v2 =	vadd.f32 v19, v4;
	v4 =	vadd.f32 v20, v5;
	v5 =	vld [tilespmem:s31+$0x7A0]  }
0x333: {  	v3 =	vadd.f32 v16, v3;
	v9 =	vadd.f32 v17, v1;
	s0 =	spop (v2sf);
	v16 =	vld [tilespmem:s11+$0x700]  }
0x334: {  	v2 =	vadd.f32 v6, v2;
	v17 =	vadd.f32 v18, v4;
	v1 =	vld [tilespmem:s0+$0x520];
	s31 =	spop (v2sf)  }
0x335: {  	v6 =	vadd.f32 v12, v3;
	v7 =	vadd.f32 v7, v9;
	v18 =	vld [tilespmem:s31+$0x780];
	s11 =	spop (v2sf)  }
0x336: {  	v2 =	vadd.f32 v10, v2;
	v3 =	vld [tilespmem:s11+$0x310];
	s12 =	spop (v2sf)  }
0x337: {  	v9 =	vadd.f32 v13, v6;
	v8 =	vadd.f32 v8, v7;
	v4 =	vld [tilespmem:s11+$0x300];
	s2 =	spop (v2sf)  }
0x338: {  	v10 =	vadd.f32 v15, v2;
	v6 =	vld [tilespmem:s11+$0x330];
	s13 =	spop (v2sf)  }
0x339: {  	v12 =	vadd.f32 v22, v9;
	v8 =	vadd.f32 v14, v8;
	v7 =	vld [tilespmem:s2+$0x190];
	s10 =	spop (v2sf)  }
0x33a: {  	v10 =	vadd.f32 v16, v10;
	v2 =	vld [tilespmem:s10+$0x420];
	s15 =	spop (v2sf)  }
0x33b: {  	v12 =	vadd.f32 v23, v12;
	v27 =	vadd.f32 v5, v8;
	v9 =	vld [tilespmem:s15+$0x200];
	s14 =	spop (v2sf)  }
0x33c: {  	v24 =	vadd.f32 v0, v10;
	v0 =	vmov v18;
	v5 =	vld [tilespmem:s10+$0x430]  }
0x33d: {  	v10 =	vadd.f32 v11, v12;
	v16 =	vld [tilespmem:s15+$0x230];
	s16 =	spop (v2sf);
	(v2sf) =	vpush v21, $0x7  }
0x33e: {  	v14 =	vld [tilespmem:s14+$0x2B0]  }
0x33f: {  	v30 =	vadd.f32 v25, v10;
	v8 =	vld [tilespmem:s14+$0x290]  }
0x340: {  	v13 =	vld [tilespmem:s15+$0x210]  }
0x341: {  	v15 =	vld [tilespmem:s2+$0x1A0]  }
0x342: {  	v12 =	vld [tilespmem:s15+$0x220]  }
0x343: {  	v10 =	vld [tilespmem:s14+$0x2A0]  }
0x344: {  	v19 =	vld [tilespmem:s13+$0x110]  }
0x345: {  	v35 =	vld [tilespmem:s13+$0x130]  }
0x346: {  	v18 =	vld [tilespmem:s13+$0x120];
	(v2sf) =	vpush v21, $0x9  }
0x347: {  	v20 =	vld [tilespmem:s2+$0x180]  }
0x348: {  	v26 =	vld [tilespmem:s12+$0x90]  }
0x349: {  	v23 =	vld [tilespmem:s13+$0x100]  }
0x34a: {  	v28 =	vld [tilespmem:s2+$0x1B0];
	(v2sf) =	vpush v21, $0xB  }
0x34b: {  	v25 =	vld [tilespmem:s12+$0xB0]  }
0x34c: {  	v22 =	vld [tilespmem:s16+$0x30];
	s13 =	spop (v2sf)  }
0x34d: {  	v29 =	vld [tilespmem:s12+$0xA0]  }
0x34e: {  	v11 =	vld [tilespmem:s13+$0x390];
	(v2sf) =	vpush v21, $0xC  }
0x34f: {  	v31 =	vld [tilespmem:s12+$0x80]  }
0x350: {  	v32 =	vld [tilespmem:s16+$0x20]  }
0x351: {  	v33 =	vld [tilespmem:s16+$0x0];
	v17 =	vadd.f32 v22, v17  }
.Ltmp3:
0x352: {  	v22 =	vld [tilespmem:s13+$0x3B0];
	(v2sf) =	vpush v21, $0xD;
	(pc) =	sbr.rel @p1 .LBB2_9-.Ltmp3, $4  }
0x353: {  	v34 =	vld [tilespmem:s16+$0x10];
	v17 =	vadd.f32 v25, v17;
	(v2sf) =	vpush v21, $0xE  }
0x354: {  	v25 =	vld [tilespmem:s14+$0x280]  }
0x355: {  	v35 =	vadd.f32 v35, v17;
	v17 =	vld [tilespmem:s13+$0x3A0];
	s14 =	spop (v2sf)  }
0x356: {  	v21 =	vld [tilespmem:s14+$0x4B0]  }
0x357: {  	v36 =	vld [tilespmem:s14+$0x4A0]  }
0x358: {  	v61 =	vld [tilespmem:s0+$0x530]  }
0x359: {  	v38 =	vld [tilespmem:s13+$0x380]  }
0x35a: {  	v63 =	vld [tilespmem:s14+$0x490]  }
0x35b: {  	v40 =	vld [tilespmem:s14+$0x480]  }
0x35c: {  	v42 =	vld [tilespmem:s0+$0x500]  }
0x35d: {  	v44 =	vld [tilespmem:s31+$0x7B0]  }
0x35e: {  	s1 =	sshll.u32 s30, $0x7;
	v46 =	vld [tilespmem:s11+$0x320]  }
0x35f: {  	v43 =	vld [tilespmem:s1+$0x54]  }
0x360: {  	v49 =	vld [tilespmem:s10+$0x400]  }
0x361: {  	v50 =	vld [tilespmem:s10+$0x410]  }
0x362: {  	v53 =	vld [tilespmem:s0+$0x510]  }
0x363: {  	v54 =	vld [tilespmem:s31+$0x790];
	s2 =	spop (v2sf)  }
0x364: {  	v62 =	vld [tilespmem:s2+$0x5B0];
	s12 =	spop (v2sf);
	v43 =	vshll.u32 v43, $0x6  }
0x365: {  	v52 =	vld [tilespmem:s2+$0x580];
	v43 =	vand.u32 $0x40, v43;
	s15 =	spop (v2sf)  }
0x366: {  	v55 =	vld [tilespmem:s2+$0x590];
	s16 =	spop (v2sf);
	(v2sf) =	vpush v43, $0xC  }
0x367: {  	v56 =	vld [tilespmem:s2+$0x5A0]  }
0x368: {  	[tilespmem:$0x1FB80] =	vst v54;
	v54 =	vld [tilespmem:s31+$0x7A0]  }
0x369: {  	[tilespmem:$0x1FB00] =	vst v36;
	v36 =	vld @!p0 [tilespmem:s29+$0x380]  }
0x36a: {  	v41 =	vld [tilespmem:s12+$0x630];
	(v2sf) =	vpush v43, $0xD  }
0x36b: {  	v51 =	vld [tilespmem:s12+$0x600]  }
0x36c: {  	v57 =	vld [tilespmem:s12+$0x610]  }
0x36d: {  	v58 =	vld [tilespmem:s12+$0x620]  }
0x36e: {  	v45 =	vld [tilespmem:s15+$0x680];
	(v2sf) =	vpush v43, $0xE  }
0x36f: {  	v48 =	vld [tilespmem:s15+$0x6B0];
	(v2sf) =	vpush v43, $0xF  }
0x370: {  	v59 =	vld [tilespmem:s15+$0x690]  }
0x371: {  	v60 =	vld [tilespmem:s15+$0x6A0]  }
0x372: {  	v47 =	vld [tilespmem:s16+$0x730]  }
0x373: {  	[tilespmem:$0x1FB20] =	vst v61;
	v61 =	vld [tilespmem:s16+$0x710]  }
0x374: {  	[tilespmem:$0x1FB30] =	vst v62;
	v62 =	vld [tilespmem:s16+$0x720]  }
0x375: {  	v37 =	vld [tilespmem:s16+$0x700];
	s21 =	spop (v2sf)  }
0x376: {  	[tilespmem:$0x1FAE0] =	vst v40;
	v40 =	vld [tilespmem:s21+$0x14E00]  }
0x377: {  	[tilespmem:$0x1FB60] =	vst v48;
	v48 =	vld [tilespmem:s21+$0x14E10]  }
0x378: {  	[tilespmem:$0x1FAF0] =	vst v63;
	v63 =	vld [tilespmem:s21+$0x14E20]  }
0x379: {  	[tilespmem:$0x1FB50] =	vst v41;
	s23 =	spop (v2sf);
	v41 =	vld [tilespmem:s21+$0x14E30]  }
0x37a: {  	[tilespmem:$0x1FB90] =	vst v44;
	v44 =	vld [tilespmem:s23+$0x14E80]  }
0x37b: {  	[tilespmem:$0x1FB10] =	vst v42;
	v42 =	vld [tilespmem:s23+$0x14E90]  }
0x37c: {  	v43 =	vld [tilespmem:s23+$0x14EA0]  }
0x37d: {  	[tilespmem:$0x1FB40] =	vst v45;
	s30 =	spop (v2sf);
	v45 =	vld [tilespmem:s23+$0x14EB0]  }
0x37e: {  	[tilespmem:$0x1FB70] =	vst v47;
	v47 =	vld [tilespmem:s30+$0x14F20];
	s31 =	spop (v2sf)  }
0x37f: {  	v39 =	vld [tilespmem:s31+$0x14F80];
	[tilespmem:$0x1FBA0] =	vst v63  }
0x380: {  	[tilespmem:$0x1FBB0] =	vst v41;
	v63 =	vld [tilespmem:s30+$0x14F10]  }
0x381: {  	v41 =	vld [tilespmem:s31+$0x14F90];
	[tilespmem:$0x1FBC0] =	vst v42  }
0x382: {  	[tilespmem:$0x1FBD0] =	vst v43;
	v43 =	vld [tilespmem:s30+$0x14F00]  }
0x383: {  	[tilespmem:$0x1FBE0] =	vst v45;
	v42 =	vld [tilespmem:s30+$0x14F30]  }
0x384: {  	v27 =	vadd.f32 v32, v27;
	v36 =	vshrl.u32 @!p0 v36, $0x1;
	v45 =	vld [tilespmem:s31+$0x14FA0];
	[tilespmem:$0x1FBF0] =	vst v47  }
0x385: {  	v47 =	vld [tilespmem:s31+$0x14FB0];
	[tilespmem:$0x8180] =	vst @!p0 v36  }
0x386: {  	v27 =	vadd.f32 v29, v27;
	v36 =	vld @!p0 [tilespmem:s29+$0x390]  }
0x387: {  	v24 =	vadd.f32 v33, v24  }
0x388: {  	v30 =	vadd.f32 v34, v30;
	v18 =	vadd.f32 v18, v27  }
0x389: {  	v24 =	vadd.f32 v31, v24  }
0x38a: {  	v26 =	vadd.f32 v26, v30;
	v15 =	vadd.f32 v15, v18  }
0x38b: {  	v23 =	vadd.f32 v23, v24;
	v24 =	vshrl.u32 @!p0 v36, $0x1  }
0x38c: {  	v19 =	vadd.f32 v19, v26;
	v12 =	vadd.f32 v12, v15;
	[tilespmem:$0x8190] =	vst @!p0 v24  }
0x38d: {  	v20 =	vadd.f32 v20, v23;
	v23 =	vld @!p0 [tilespmem:s29+$0x3A0]  }
0x38e: {  	v7 =	vadd.f32 v7, v19;
	v10 =	vadd.f32 v10, v12  }
0x38f: {  	v9 =	vadd.f32 v9, v20  }
0x390: {  	v7 =	vadd.f32 v13, v7;
	v31 =	vadd.f32 v46, v10  }
0x391: {  	v28 =	vadd.f32 v28, v35;
	v35 =	vld [tilespmem:$0x1FB00];
	v9 =	vadd.f32 v25, v9  }
0x392: {  	v7 =	vadd.f32 v8, v7;
	v32 =	vadd.f32 v17, v31;
	v8 =	vshrl.u32 @!p0 v23, $0x1  }
0x393: {  	v29 =	vadd.f32 v16, v28;
	v4 =	vadd.f32 v4, v9;
	[tilespmem:$0x81A0] =	vst @!p0 v8  }
0x394: {  	v3 =	vadd.f32 v3, v7;
	v2 =	vadd.f32 v2, v32;
	v7 =	vld @!p0 [tilespmem:s29+$0x3B0]  }
0x395: {  	v30 =	vadd.f32 v14, v29;
	v33 =	vld [tilespmem:$0x1FAE0]  }
0x396: {  	v34 =	vld [tilespmem:$0x1FAF0];
	v4 =	vadd.f32 v38, v4;
	v2 =	vadd.f32 v35, v2  }
0x397: {  	v6 =	vadd.f32 v6, v30;
	v3 =	vadd.f32 v11, v3;
	v36 =	vld [tilespmem:$0x1FB10]  }
0x398: {  	v4 =	vadd.f32 v49, v4;
	v1 =	vadd.f32 v1, v2  }
0x399: {  	v6 =	vadd.f32 v22, v6;
	v3 =	vadd.f32 v50, v3;
	v7 =	vshrl.u32 @!p0 v7, $0x1  }
0x39a: {  	v46 =	vld [tilespmem:$0x1FB20];
	v4 =	vadd.f32 v33, v4;
	v1 =	vadd.f32 v56, v1;
	[tilespmem:$0x81B0] =	vst @!p0 v7  }
0x39b: {  	v5 =	vadd.f32 v5, v6;
	v3 =	vadd.f32 v34, v3;
	v6 =	vld @!p0 [tilespmem:s29+$0x3C0]  }
0x39c: {  	v1 =	vadd.f32 v58, v1;
	[tilespmem:$0x1FC00] =	vst v47;
	v47 =	vld [tilespmem:$0x1FB30];
	v4 =	vadd.f32 v36, v4  }
0x39d: {  	v5 =	vadd.f32 v21, v5;
	v49 =	vld [tilespmem:$0x1FB40];
	v3 =	vadd.f32 v53, v3  }
0x39e: {  	v50 =	vld [tilespmem:$0x1FB50];
	v1 =	vadd.f32 v60, v1;
	v38 =	vadd.f32 v52, v4  }
0x39f: {  	v53 =	vld [tilespmem:$0x1FB80];
	v3 =	vadd.f32 v55, v3;
	v4 =	vadd.f32 v46, v5  }
0x3a0: {  	v1 =	vadd.f32 v62, v1;
	v2 =	vadd.f32 v51, v38;
	v51 =	vld [tilespmem:$0x1FB60];
	v5 =	vshrl.u32 @!p0 v6, $0x1  }
0x3a1: {  	v52 =	vld [tilespmem:$0x1FB70];
	v4 =	vadd.f32 v47, v4;
	[tilespmem:$0x81C0] =	vst @!p0 v5  }
0x3a2: {  	v3 =	vadd.f32 v57, v3;
	v1 =	vadd.f32 v54, v1;
	v5 =	vld @!p0 [tilespmem:s29+$0x3D0]  }
0x3a3: {  	v54 =	vld [tilespmem:$0x1FB90];
	v2 =	vadd.f32 v49, v2;
	v4 =	vadd.f32 v50, v4  }
0x3a4: {  	v3 =	vadd.f32 v59, v3;
	v55 =	vld [tilespmem:$0x1FBA0]  }
0x3a5: {  	v56 =	vld [tilespmem:$0x1FBB0];
	v2 =	vadd.f32 v37, v2;
	v4 =	vadd.f32 v51, v4  }
0x3a6: {  	v3 =	vadd.f32 v61, v3;
	v57 =	vld [tilespmem:$0x1FBC0]  }
0x3a7: {  	v58 =	vld [tilespmem:$0x1FBD0];
	v0 =	vadd.f32 v0, v2;
	v2 =	vadd.f32 v52, v4;
	v4 =	vshrl.u32 @!p0 v5, $0x1  }
0x3a8: {  	v3 =	vadd.f32 v53, v3;
	v59 =	vld [tilespmem:$0x1FBE0];
	[tilespmem:$0x81D0] =	vst @!p0 v4  }
0x3a9: {  	v0 =	vadd.f32 v40, v0;
	v4 =	vld @!p0 [tilespmem:s29+$0x3D4]  }
0x3aa: {  	v3 =	vadd.f32 v48, v3;
	v60 =	vld [tilespmem:$0x1FBF0];
	v2 =	vadd.f32 v54, v2  }
0x3ab: {  	v1 =	vadd.f32 v55, v1;
	v0 =	vadd.f32 v44, v0  }
0x3ac: {  	v3 =	vadd.f32 v57, v3;
	v2 =	vadd.f32 v56, v2  }
0x3ad: {  	v1 =	vadd.f32 v58, v1;
	v61 =	vld [tilespmem:$0x1FC00];
	v0 =	vadd.f32 v43, v0  }
0x3ae: {  	s0 =	simm.s32 @!p0 $0x64;
	v3 =	vadd.f32 v63, v3;
	v2 =	vadd.f32 v59, v2;
	v4 =	vshrl.u32 @!p0 v4, $0x1  }
0x3af: {  	s10 =	simm.s32 @!p0 $0x11E00;
	s28 =	sadd.s32 $0x1, s28;
	s2 =	simm.s32 @!p0 $0x8180;
	v1 =	vadd.f32 v60, v1;
	v0 =	vadd.f32 v39, v0;
	[tilespmem:$0x81D4] =	vst @!p0 v4  }
0x3b0: {  	v3 =	vadd.f32 v41, v3;
	v2 =	vadd.f32 v42, v2;
	[tilespmem:s10], [sflag:$0x4] =	stream.indirect.gather @!p0 [hbm4b:s3+s0], $0x80, s2, s0, $0xb8;
	[tilespmem:$0x1D200] =	vst v63  }
0x3b1: {  	v1 =	vadd.f32 v45, v1;
	v0 =	vmul.f32 $4.999999890e-03, v0;
	p0 =	sne.s32 s28, $0x40  }
.Ltmp4:
0x3b2: {  	v3 =	vmul.f32 $4.999999890e-03, v3;
	v2 =	vadd.f32 v61, v2;
	(pc) =	sbr.rel @p0 .LBB2_2-.Ltmp4, $4  }
0x3b3: {  	v62 =	vmul.f32 $4.999999890e-03, v1;
	[tilespmem:s1+$0x15200] =	vst v0  }
0x3b4: {  	v63 =	vmul.f32 $4.999999890e-03, v2;
	[tilespmem:s1+$0x15210] =	vst v3  }
0x3b5: {  	s26 =	sadd.s32 $0x200, s26;
	[tilespmem:s1+$0x15220] =	vst v62  }
0x3b6: {  	s9 =	sadd.s32 $0x200, s9;
	s24 =	sadd.s32 $0x200, s24;
	s25 =	sadd.s32 $0x200, s25;
	[tilespmem:s1+$0x15230] =	vst v63  }
0x3b7: {  	s22 =	sadd.s32 $0x1, s22  }
0x3b8: {  	p0 =	sne.s32 s22, s6  }
.Ltmp5:
0x3b9: {  	s9 =	simm.s32 $0x0;
	s0 =	simm.s32 $0x15200;
	(pc) =	sbr.rel @p0 .LBB2_1-.Ltmp5, $4  }
0x3ba: {  	[hbm4b:s5+s9] =	stream.linear.scatter [tilespmem:s0], [sflag:$0x5], $0x8000, $0x38;
	[tilespmem:$0x1D200] =	vst v63  }
0x3bb: {  	_ =	swait.ge [sflag:s7], $0x8000  }
0x3bc: {  	[sflag:s7] =	ssyncset.done $0x0  }
0x3bd: {  	[sflag:s7] =	ssyncadd.s32 $0xFFFF8000  }
0x3be: {  	_ =	sfence.sel $0x180000  }
0x3bf: {  	[bflag:$0x0] =	sbarrier.arrive $0xFFFF  }
0x3c0: {  	_ =	strace $0x90000047  }
0x3c1: {  	s0 =	stileid.u32;
	[bflag:$0x2] =	sbarrier.arrive $0xFFFF  }
0x3c2: {  	p0 =	sne.s32 s0, $0x0;
	s0 =	rddreg [dreg:$0x1]  }
0x3c3: {  	s0 =	sadd.s32 @!p0 $0x100000, s0  }
0x3c4: {  	[sflag:s0] =	ssyncadd.tile.s32 @!p0 $0x1;
	_ =	shalt  }
.Lfunc_end2:
_tile_overlayer_lowered:
.L_overlay_start_2:
0x3c5: {  	(tag) =	ssettag $0x2  }
0x3c6: {  	s0 =	rddreg [dreg:$0x0];
	s2 =	stileid.u32  }
0x3c7: {  	s1 =	rddreg [dreg:$0x1];
	p0 =	sne.s32 s2, $0x0  }
0x3c8: {  	s3 =	rddreg [dreg:$0x2];
	[bflag:$0x3] =	sbarrier.arrive $0xFFFF;
	s2 =	simm.s32 @!p0 $0x1C05  }
0x3c9: {  	[timem:s3], [sflag:s2] =	dma.local @!p0 [hbm:s0], s1  }
0x3ca: {  	s0 =	simm.s32 @!p0 $0x5  }
0x3cb: {  	_ =	swait.ge @!p0 [sflag:s0], s1  }
0x3cc: {  	s1 =	ssub.s32 @!p0 $0x0, s1;
	[sflag:s0] =	ssyncset.done @!p0 $0x0  }
0x3cd: {  	[sflag:s0] =	ssyncadd.s32 @!p0 s1  }
0x3ce: {  	[bflag:$0x3] =	sbarrier.arrive $0xFFFF  }
0x3cf: {  	_ =	shalt  }

</sc_bundles>
